<compile_context>
chip_gen: v7x
topology: tpu7x:2x2x1
jax: 0.10.2.dev20260603
libtpu: 0.0.44.dev20260713+nightly
codegen_flags: <defaults>
</compile_context>

<pallas_src>
import functools

import jax
import jax.numpy as jnp
from jax import lax
from jax.experimental import pallas as pl
from jax.experimental.pallas import tpu as pltpu
from jax.experimental.pallas import tpu_sc as plsc

_NC = 2
_NS = 16
_NW = _NC * _NS
_L = 16

_N = 100000
_F = 200000
_C = 1600000

_FA_CHUNK = 640
_FA_K0 = 10
_FA_K1 = 10
_F_PAD = _NS * (_FA_K0 + _FA_K1) * _FA_CHUNK

_CB_CHUNK = 1280
_CB_K0 = 40
_CB_K1 = 40
_C_PAD = _NS * (_CB_K0 + _CB_K1) * _CB_CHUNK

_HANDLE = 3.0
_PINNED_W = 10.0
_CORR_EPS = 1.0
_PEN_EPS = 0.1


def _rsqrt_nr(x):
    i = lax.bitcast_convert_type(x, jnp.int32)
    i = 0x5F3759DF - (i >> 1)
    y = lax.bitcast_convert_type(i, jnp.float32)
    for _ in range(3):
        y = y * (1.5 - 0.5 * x * y * y)
    return y


def _wid():
    return lax.axis_index("s") * _NC + lax.axis_index("c")


def _face_stage_body(ntab_hbm, f0_hbm, f1_hbm, f2_hbm, ftab_hbm,
                     i0a, i1a, i2a, i0b, i1b, i2b,
                     b0a, b1a, b2a, b0b, b1b, b2b, obuf,
                     semIa, semIb, semGa, semGb):
    cid = lax.axis_index("c")
    sid = lax.axis_index("s")
    my_chunks = jnp.where(cid == 0, _FA_K0, _FA_K1)
    chunk0 = jnp.where(cid == 0, sid * _FA_K0, _NS * _FA_K0 + sid * _FA_K1)
    base0 = chunk0 * _FA_CHUNK
    lanes = lax.iota(jnp.int32, _L)
    idx = ((i0a, i1a, i2a), (i0b, i1b, i2b))
    gb = ((b0a, b1a, b2a), (b0b, b1b, b2b))
    semI = (semIa, semIb)
    semG = (semGa, semGb)

    def idx_copies(c, b):
        cbase = base0 + c * _FA_CHUNK
        sl = pl.ds(cbase, _FA_CHUNK)
        return [pltpu.make_async_copy(f0_hbm.at[sl], idx[b][0], semI[b]),
                pltpu.make_async_copy(f1_hbm.at[sl], idx[b][1], semI[b]),
                pltpu.make_async_copy(f2_hbm.at[sl], idx[b][2], semI[b])]

    def gath_copies(b):
        cs = []
        for k in range(_FA_CHUNK // 320):
            sl = pl.ds(k * 320, 320)
            for v in range(3):
                cs.append(pltpu.make_async_copy(
                    ntab_hbm.at[idx[b][v].at[sl]], gb[b][v].at[sl], semG[b]))
        return cs

    def clamp(c):
        return jnp.minimum(c, my_chunks - 1)

    def compute(b, cbase):
        b0, b1, b2 = gb[b]

        def group(m, carry2):
            rows = m * _L + lanes

            def ld(buf, field):
                return plsc.load_gather(buf, [rows, jnp.full((_L,), field, jnp.int32)])

            x0, y0, z0 = ld(b0, 0), ld(b0, 1), ld(b0, 2)
            t0 = ld(b0, 3)
            u0, v0, w0 = ld(b0, 4), ld(b0, 5), ld(b0, 6)
            x1, y1, z1 = ld(b1, 0), ld(b1, 1), ld(b1, 2)
            t1 = ld(b1, 3)
            u1, v1, w1 = ld(b1, 4), ld(b1, 5), ld(b1, 6)
            x2, y2, z2 = ld(b2, 0), ld(b2, 1), ld(b2, 2)
            t2 = ld(b2, 3)
            u2, v2, w2 = ld(b2, 4), ld(b2, 5), ld(b2, 6)

            def plane(ax, ay, az, bx, by, bz, cx, cy, cz):
                e1x, e1y, e1z = bx - ax, by - ay, bz - az
                e2x, e2y, e2z = cx - ax, cy - ay, cz - az
                nx = e1y * e2z - e1z * e2y
                ny = e1z * e2x - e1x * e2z
                nz = e1x * e2y - e1y * e2x
                nn = nx * nx + ny * ny + nz * nz
                r = _rsqrt_nr(jnp.maximum(nn, 1e-30))
                inv = 1.0 / (nn * r + 1e-12)
                nx, ny, nz = nx * inv, ny * inv, nz * inv
                ch = ax * nx + ay * ny + az * nz
                return nx, ny, nz, ch

            pnx, pny, pnz, pch = plane(x0, y0, z0, x1, y1, z1, x2, y2, z2)
            cnx, cny, cnz, cch = plane(u0, v0, w0, u1, v1, w1, u2, v2, w2)
            pinned = (t0 == _HANDLE) | (t1 == _HANDLE) | (t2 == _HANDLE)
            wf = jnp.where(pinned, _PINNED_W, 1.0)

            for field, val in enumerate((pnx, pny, pnz, pch, cnx, cny, cnz, cch, wf)):
                plsc.store_scatter(
                    obuf, [rows, jnp.full((_L,), field, jnp.int32)], val)
            return carry2

        lax.fori_loop(0, _FA_CHUNK // _L, group, 0)
        pltpu.sync_copy(obuf, ftab_hbm.at[pl.ds(cbase, _FA_CHUNK)])

    for d in idx_copies(0, 0):
        d.start()
    for d in idx_copies(1, 1):
        d.start()
    for d in idx_copies(0, 0):
        d.wait()
    for d in gath_copies(0):
        d.start()

    def pair(t, carry):
        j0 = t * 2
        for b in (0, 1):
            j = j0 + b
            nb = 1 - b
            for d in gath_copies(b):
                d.wait()
            for d in idx_copies(clamp(j + 1), nb):
                d.wait()
            for d in gath_copies(nb):
                d.start()
            for d in idx_copies(clamp(j + 2), b):
                d.start()
            compute(b, base0 + j * _FA_CHUNK)
        return carry

    lax.fori_loop(0, my_chunks // 2, pair, 0)

    for d in gath_copies(0):
        d.wait()
    for d in idx_copies(0, 1):
        d.wait()


def _corr_stage_body(nf_hbm, ft_hbm, ftab_hbm, ntab_hbm, out_hbm,
                     nfa, fta, nfb, ftb, fba, nba, fbb, nbb, acc_v,
                     semIa, semIb, semGa, semGb):
    w = _wid()
    cid = lax.axis_index("c")
    sid = lax.axis_index("s")
    my_chunks = jnp.where(cid == 0, _CB_K0, _CB_K1)
    chunk0 = jnp.where(cid == 0, sid * _CB_K0, _NS * _CB_K0 + sid * _CB_K1)
    base0 = chunk0 * _CB_CHUNK
    lanes = lax.iota(jnp.int32, _L)
    idx = ((nfa, fta), (nfb, ftb))
    gb = ((fba, nba), (fbb, nbb))
    semI = (semIa, semIb)
    semG = (semGa, semGb)
    acc_v[...] = jnp.zeros((_L,), jnp.float32)

    def idx_copies(c, b):
        cbase = base0 + c * _CB_CHUNK
        sl = pl.ds(cbase, _CB_CHUNK)
        return [pltpu.make_async_copy(nf_hbm.at[sl], idx[b][0], semI[b]),
                pltpu.make_async_copy(ft_hbm.at[sl], idx[b][1], semI[b])]

    def gath_copies(b):
        cs = []
        for k in range(_CB_CHUNK // 256):
            sl = pl.ds(k * 256, 256)
            cs.append(pltpu.make_async_copy(
                ftab_hbm.at[idx[b][1].at[sl]], gb[b][0].at[sl], semG[b]))
            cs.append(pltpu.make_async_copy(
                ntab_hbm.at[idx[b][0].at[sl]], gb[b][1].at[sl], semG[b]))
        return cs

    def clamp(c):
        return jnp.minimum(c, my_chunks - 1)

    def compute(b, cbase):
        fbuf, nbuf = gb[b]

        def group(m, carry2):
            rows = m * _L + lanes

            def ldf(field):
                return plsc.load_gather(
                    fbuf, [rows, jnp.full((_L,), field, jnp.int32)])

            def ldn(field):
                return plsc.load_gather(
                    nbuf, [rows, jnp.full((_L,), field, jnp.int32)])

            pnx, pny, pnz, pch = ldf(0), ldf(1), ldf(2), ldf(3)
            cnx, cny, cnz, cch = ldf(4), ldf(5), ldf(6), ldf(7)
            wf = ldf(8)
            px, py, pz = ldn(0), ldn(1), ldn(2)
            vt = ldn(3)
            cx, cy, cz = ldn(4), ldn(5), ldn(6)

            d_prev = px * pnx + py * pny + pz * pnz - pch
            d_curr = cx * cnx + cy * cny + cz * cnz - cch
            stashed = jnp.abs(d_prev) < _CORR_EPS
            dc = d_curr * jnp.sign(d_prev)
            interp = jnp.maximum(_PEN_EPS - dc, 0.0)
            wn = jnp.where(vt == _HANDLE, _PINNED_W, 1.0)
            t = interp * jnp.maximum(wf, wn)
            valid = (cbase + rows) < _C
            acc_v[...] = acc_v[...] + jnp.where(stashed & valid, t * t * t, 0.0)
            return carry2

        lax.fori_loop(0, _CB_CHUNK // _L, group, 0)

    for d in idx_copies(0, 0):
        d.start()
    for d in idx_copies(1, 1):
        d.start()
    for d in idx_copies(0, 0):
        d.wait()
    for d in gath_copies(0):
        d.start()

    def pair(t, carry):
        j0 = t * 2
        for b in (0, 1):
            j = j0 + b
            nb = 1 - b
            for d in gath_copies(b):
                d.wait()
            for d in idx_copies(clamp(j + 1), nb):
                d.wait()
            for d in gath_copies(nb):
                d.start()
            for d in idx_copies(clamp(j + 2), b):
                d.start()
            compute(b, base0 + j * _CB_CHUNK)
        return carry

    lax.fori_loop(0, my_chunks // 2, pair, 0)

    for d in gath_copies(0):
        d.wait()
    for d in idx_copies(0, 1):
        d.wait()

    pltpu.sync_copy(acc_v, out_hbm.at[w])


def _mesh():
    return plsc.VectorSubcoreMesh(core_axis_name="c", subcore_axis_name="s",
                                  num_cores=_NC, num_subcores=_NS)


_face_stage = functools.partial(
    pl.kernel,
    out_type=jax.ShapeDtypeStruct((_F_PAD, 16), jnp.float32),
    mesh=_mesh(),
    compiler_params=pltpu.CompilerParams(
        needs_layout_passes=False, use_tc_tiling_on_sc=False),
    scratch_types=[
        pltpu.VMEM((_FA_CHUNK,), jnp.int32),
        pltpu.VMEM((_FA_CHUNK,), jnp.int32),
        pltpu.VMEM((_FA_CHUNK,), jnp.int32),
        pltpu.VMEM((_FA_CHUNK,), jnp.int32),
        pltpu.VMEM((_FA_CHUNK,), jnp.int32),
        pltpu.VMEM((_FA_CHUNK,), jnp.int32),
        pltpu.VMEM((_FA_CHUNK, 8), jnp.float32),
        pltpu.VMEM((_FA_CHUNK, 8), jnp.float32),
        pltpu.VMEM((_FA_CHUNK, 8), jnp.float32),
        pltpu.VMEM((_FA_CHUNK, 8), jnp.float32),
        pltpu.VMEM((_FA_CHUNK, 8), jnp.float32),
        pltpu.VMEM((_FA_CHUNK, 8), jnp.float32),
        pltpu.VMEM((_FA_CHUNK, 16), jnp.float32),
        pltpu.SemaphoreType.DMA,
        pltpu.SemaphoreType.DMA,
        pltpu.SemaphoreType.DMA,
        pltpu.SemaphoreType.DMA,
    ],
)(_face_stage_body)

_corr_stage = functools.partial(
    pl.kernel,
    out_type=jax.ShapeDtypeStruct((_NW, _L), jnp.float32),
    mesh=_mesh(),
    compiler_params=pltpu.CompilerParams(
        needs_layout_passes=False, use_tc_tiling_on_sc=False),
    scratch_types=[
        pltpu.VMEM((_CB_CHUNK,), jnp.int32),
        pltpu.VMEM((_CB_CHUNK,), jnp.int32),
        pltpu.VMEM((_CB_CHUNK,), jnp.int32),
        pltpu.VMEM((_CB_CHUNK,), jnp.int32),
        pltpu.VMEM((_CB_CHUNK, 16), jnp.float32),
        pltpu.VMEM((_CB_CHUNK, 8), jnp.float32),
        pltpu.VMEM((_CB_CHUNK, 16), jnp.float32),
        pltpu.VMEM((_CB_CHUNK, 8), jnp.float32),
        pltpu.VMEM((_L,), jnp.float32),
        pltpu.SemaphoreType.DMA,
        pltpu.SemaphoreType.DMA,
        pltpu.SemaphoreType.DMA,
        pltpu.SemaphoreType.DMA,
    ],
)(_corr_stage_body)


def kernel(prev_pos, pred_pos, cloth_faces, vertex_type, nodes_from, faces_to, iter_num):
    it = jnp.maximum(iter_num - 0, 0)
    progress = jnp.minimum(it / 1000, 1.0)
    weight = 0.0 + (1.0 - 0.0) * progress

    vt_f = vertex_type.astype(jnp.float32)
    ntab = jnp.concatenate(
        [prev_pos, vt_f, pred_pos, jnp.zeros((_N, 1), jnp.float32)], axis=1)

    f0 = jnp.pad(cloth_faces[:, 0], (0, _F_PAD - _F))
    f1 = jnp.pad(cloth_faces[:, 1], (0, _F_PAD - _F))
    f2 = jnp.pad(cloth_faces[:, 2], (0, _F_PAD - _F))
    nf = jnp.pad(nodes_from[:, 0], (0, _C_PAD - _C))
    ft = jnp.pad(faces_to[:, 0], (0, _C_PAD - _C))

    ftab = _face_stage(ntab, f0, f1, f2)
    partials = _corr_stage(nf, ft, ftab, ntab)

    loss = jnp.sum(partials) * weight
    return (loss, jnp.float32(weight))

# --- scband reference (transcript-rebuilt; emitter-appended) ---
"""Pipeline reference for scband-criterion-48773648613659 (READ-ONLY COPY).

The authoritative reference and input builder live on the scoring server;
editing this copy changes nothing except your own understanding.
"""

import jax, jax.numpy as jnp
import numpy as np

PINNED_W = 10.0
CORR_EPS = 1.0
PEN_EPS = 0.1
DETACH_FACES = True
STEP_START = 0
STEP_MAX = 1000
W_START = 0.0
W_MAX = 1.0
HANDLE = 3

N = 100000
F = 200000
C = 1600000


def _node2face_signed_distance(pos, faces, nodes_from, faces_to, detach_faces):
    fv = faces[faces_to]  # [C, 3]
    v0 = pos[fv[:, 0]]
    v1 = pos[fv[:, 1]]
    v2 = pos[fv[:, 2]]
    if detach_faces:
        v0 = jax.lax.stop_gradient(v0)
        v1 = jax.lax.stop_gradient(v1)
        v2 = jax.lax.stop_gradient(v2)
    n = jnp.cross(v1 - v0, v2 - v0)
    n = n / (jnp.linalg.norm(n, axis=-1, keepdims=True) + 1e-12)
    p = pos[nodes_from]
    return jnp.sum((p - v0) * n, axis=-1)


def setup_inputs(seed: int = 0) -> dict:
    key = jax.random.key(seed)
    k1, k2, k3, k4, k5, k6 = jax.random.split(key, 6)
    return {
        "prev_pos": jax.random.normal(k1, (N, 3), dtype=jnp.float32),
        "pred_pos": jax.random.normal(k2, (N, 3), dtype=jnp.float32),
        "cloth_faces": jax.random.randint(k3, (F, 3), 0, N, dtype=jnp.int32),
        "vertex_type": jax.random.randint(k4, (N, 1), 0, 4, dtype=jnp.int32),
        "nodes_from": jax.random.randint(k5, (C, 1), 0, N, dtype=jnp.int32),
        "faces_to": jax.random.randint(k6, (C, 1), 0, F, dtype=jnp.int32),
        "iter_num": 500,
    }


def reference(prev_pos, pred_pos, cloth_faces, vertex_type, nodes_from, faces_to, iter_num):
    # weight ramp-up schedule (get_weight)
    it = jnp.maximum(iter_num - STEP_START, 0)
    progress = jnp.minimum(it / (STEP_MAX - STEP_START), 1.0)
    weight = W_START + (W_MAX - W_START) * progress

    nf = nodes_from[:, 0]
    ft = faces_to[:, 0]

    pinned_mask = (vertex_type == HANDLE)            # [N, 1]
    triangles_pinned = jnp.any(pinned_mask[cloth_faces], axis=1)  # [F, 1]

    d_prev = _node2face_signed_distance(prev_pos, cloth_faces, nf, ft, DETACH_FACES)
    stashed = jnp.abs(d_prev) < CORR_EPS

    points_pinned = pinned_mask[nf][:, 0]
    faces_pinned = triangles_pinned[ft][:, 0]
    full_pinned = jnp.logical_or(points_pinned, faces_pinned)

    d_curr = _node2face_signed_distance(pred_pos, cloth_faces, nf, ft, DETACH_FACES)
    prev_sign = jnp.sign(d_prev)
    d_curr = d_curr * prev_sign * 1.0  # sign = 1 for repulsion_edge

    interp = jnp.maximum(PEN_EPS - d_curr, 0.0)
    interp = jnp.where(full_pinned, interp * PINNED_W, interp)
    # masked sum is equivalent to boolean-filtering before the sum
    loss = jnp.sum(jnp.where(stashed, interp ** 3, 0.0))
    loss = loss / 1.0 * weight  # B = 1 graph in batch
    return (loss, jnp.float32(weight))

if __name__ == "__main__":
    import jax
    _d = setup_inputs()
    print(jax.jit(kernel)(*tuple(_d.values())))

</pallas_src>

<mosaic_0001>
#map = affine_map<(d0, d1) -> (0)>
#map1 = affine_map<(d0, d1) -> (0, 0)>
module attributes {stable_mosaic.version = 14 : i64} {
  func.func @_corr_stage_body(%arg0: i32, %arg1: i32, %arg2: memref<1638400xi32, #tpu.memory_space<hbm>>, %arg3: memref<1638400xi32, #tpu.memory_space<hbm>>, %arg4: memref<204800x16xf32, #tpu.memory_space<hbm>>, %arg5: memref<100000x8xf32, #tpu.memory_space<hbm>>, %arg6: memref<32x16xf32, #tpu.memory_space<hbm>>, %arg7: memref<1280xi32, #tpu.memory_space<vmem>>, %arg8: memref<1280xi32, #tpu.memory_space<vmem>>, %arg9: memref<1280xi32, #tpu.memory_space<vmem>>, %arg10: memref<1280xi32, #tpu.memory_space<vmem>>, %arg11: memref<1280x16xf32, #tpu.memory_space<vmem>>, %arg12: memref<1280x8xf32, #tpu.memory_space<vmem>>, %arg13: memref<1280x16xf32, #tpu.memory_space<vmem>>, %arg14: memref<1280x8xf32, #tpu.memory_space<vmem>>, %arg15: memref<16xf32, #tpu.memory_space<vmem>>, %arg16: memref<!tpu.dma_semaphore, #tpu.memory_space<semaphore_mem>>, %arg17: memref<!tpu.dma_semaphore, #tpu.memory_space<semaphore_mem>>, %arg18: memref<!tpu.dma_semaphore, #tpu.memory_space<semaphore_mem>>, %arg19: memref<!tpu.dma_semaphore, #tpu.memory_space<semaphore_mem>>) attributes {dimension_semantics = [#tpu.dimension_semantics<core_parallel>, #tpu.dimension_semantics<subcore_parallel>], iteration_bounds = array<i64: 2, 16>, scalar_prefetch = 0 : i64, scratch_operands = 13 : i64, tpu.core_type = #tpu.core_type<sc_vector_subcore>, window_params = [{transform_indices = #map}, {transform_indices = #map}, {transform_indices = #map1}, {transform_indices = #map1}, {transform_indices = #map1}]} {
    %mul3A = arith.constant 2 : i32
    %mul3A_0 = arith.muli %arg1, %mul3A : i32
    %add3A = arith.addi %mul3A_0, %arg0 : i32
    %eq3A = arith.constant 0 : i32
    %eq3A_1 = arith.cmpi eq, %arg0, %eq3A : i32
    %jit3A = arith.constant 40 : i32
    %jit3A_2 = arith.constant 40 : i32
    %select_n3A = arith.select %eq3A_1, %jit3A, %jit3A_2 : i32
    %eq3A_3 = arith.constant 0 : i32
    %eq3A_4 = arith.cmpi eq, %arg0, %eq3A_3 : i32
    %mul3A_5 = arith.constant 40 : i32
    %mul3A_6 = arith.muli %arg1, %mul3A_5 : i32
    %mul3A_7 = arith.constant 40 : i32
    %mul3A_8 = arith.muli %arg1, %mul3A_7 : i32
    %add3A_9 = arith.constant 640 : i32
    %add3A_10 = arith.addi %add3A_9, %mul3A_8 : i32
    %select_n3A_11 = arith.select %eq3A_4, %mul3A_6, %add3A_10 : i32
    %mul3A_12 = arith.constant 1280 : i32
    %mul3A_13 = arith.muli %select_n3A_11, %mul3A_12 : i32
    %iota3A = tpu.iota {dimensions = array<i32: 0>} : vector<16xi32>
    %broadcast_in_dim3A = arith.constant 0.000000e+00 : f32
    %broadcast_in_dim3A_14 = vector.broadcast %broadcast_in_dim3A : f32 to vector<16xf32>
    %swap3A = arith.constant 0 : index
    %swap3A_15 = tpu.vector_load %arg15[%swap3A] {strides = array<i32>} : memref<16xf32, #tpu.memory_space<vmem>>, vector<16xf32>,
    tpu.vector_store %arg15[%swap3A], %broadcast_in_dim3A_14 {strides = array<i32>} : memref<16xf32, #tpu.memory_space<vmem>>, vector<16xf32>,
    %add3A_16 = arith.constant 0 : i32
    %add3A_17 = arith.addi %mul3A_13, %add3A_16 : i32
    %dma_start3A = tpu.memref_slice %arg2[%add3A_17] : memref<1638400xi32, #tpu.memory_space<hbm>> -> memref<1280xi32, #tpu.memory_space<hbm>>
    %dma_start3A_18 = tpu.memref_slice %arg2[%add3A_17] : memref<1638400xi32, #tpu.memory_space<hbm>> -> memref<1280xi32, #tpu.memory_space<hbm>>
    tpu.enqueue_dma source(%dma_start3A_18 : memref<1280xi32, #tpu.memory_space<hbm>>) target(%arg7 : memref<1280xi32, #tpu.memory_space<vmem>>) target_semaphore(%arg16 : memref<!tpu.dma_semaphore, #tpu.memory_space<semaphore_mem>>)
    %dma_start3A_19 = tpu.memref_slice %arg3[%add3A_17] : memref<1638400xi32, #tpu.memory_space<hbm>> -> memref<1280xi32, #tpu.memory_space<hbm>>
    %dma_start3A_20 = tpu.memref_slice %arg3[%add3A_17] : memref<1638400xi32, #tpu.memory_space<hbm>> -> memref<1280xi32, #tpu.memory_space<hbm>>
    tpu.enqueue_dma source(%dma_start3A_20 : memref<1280xi32, #tpu.memory_space<hbm>>) target(%arg8 : memref<1280xi32, #tpu.memory_space<vmem>>) target_semaphore(%arg16 : memref<!tpu.dma_semaphore, #tpu.memory_space<semaphore_mem>>)
    %add3A_21 = arith.constant 1280 : i32
    %add3A_22 = arith.addi %mul3A_13, %add3A_21 : i32
    %dma_start3A_23 = tpu.memref_slice %arg2[%add3A_22] : memref<1638400xi32, #tpu.memory_space<hbm>> -> memref<1280xi32, #tpu.memory_space<hbm>>
    %dma_start3A_24 = tpu.memref_slice %arg2[%add3A_22] : memref<1638400xi32, #tpu.memory_space<hbm>> -> memref<1280xi32, #tpu.memory_space<hbm>>
    tpu.enqueue_dma source(%dma_start3A_24 : memref<1280xi32, #tpu.memory_space<hbm>>) target(%arg9 : memref<1280xi32, #tpu.memory_space<vmem>>) target_semaphore(%arg17 : memref<!tpu.dma_semaphore, #tpu.memory_space<semaphore_mem>>)
    %dma_start3A_25 = tpu.memref_slice %arg3[%add3A_22] : memref<1638400xi32, #tpu.memory_space<hbm>> -> memref<1280xi32, #tpu.memory_space<hbm>>
    %dma_start3A_26 = tpu.memref_slice %arg3[%add3A_22] : memref<1638400xi32, #tpu.memory_space<hbm>> -> memref<1280xi32, #tpu.memory_space<hbm>>
    tpu.enqueue_dma source(%dma_start3A_26 : memref<1280xi32, #tpu.memory_space<hbm>>) target(%arg10 : memref<1280xi32, #tpu.memory_space<vmem>>) target_semaphore(%arg17 : memref<!tpu.dma_semaphore, #tpu.memory_space<semaphore_mem>>)
    %add3A_27 = arith.constant 0 : i32
    %add3A_28 = arith.addi %mul3A_13, %add3A_27 : i32
    %dma_wait3A = tpu.memref_slice %arg2[%add3A_28] : memref<1638400xi32, #tpu.memory_space<hbm>> -> memref<1280xi32, #tpu.memory_space<hbm>>
    %dma_wait3A_29 = tpu.memref_slice %arg2[%add3A_28] : memref<1638400xi32, #tpu.memory_space<hbm>> -> memref<1280xi32, #tpu.memory_space<hbm>>
    tpu.wait_dma2 semaphore(%arg16 : memref<!tpu.dma_semaphore, #tpu.memory_space<semaphore_mem>>) src(%dma_wait3A_29 : memref<1280xi32, #tpu.memory_space<hbm>>) dst(%arg7 : memref<1280xi32, #tpu.memory_space<vmem>>)
    %dma_wait3A_30 = tpu.memref_slice %arg3[%add3A_28] : memref<1638400xi32, #tpu.memory_space<hbm>> -> memref<1280xi32, #tpu.memory_space<hbm>>
    %dma_wait3A_31 = tpu.memref_slice %arg3[%add3A_28] : memref<1638400xi32, #tpu.memory_space<hbm>> -> memref<1280xi32, #tpu.memory_space<hbm>>
    tpu.wait_dma2 semaphore(%arg16 : memref<!tpu.dma_semaphore, #tpu.memory_space<semaphore_mem>>) src(%dma_wait3A_31 : memref<1280xi32, #tpu.memory_space<hbm>>) dst(%arg8 : memref<1280xi32, #tpu.memory_space<vmem>>)
    %dma_start3A_32 = arith.constant 0 : i32
    %dma_start3A_33 = arith.constant 0 : i32
    %dma_start3A_34 = tpu.memref_slice %arg11[%dma_start3A_32, %dma_start3A_33] : memref<1280x16xf32, #tpu.memory_space<vmem>> -> memref<256x16xf32, #tpu.memory_space<vmem>>
    %dma_start3A_35 = arith.constant 0 : i32
    %dma_start3A_36 = tpu.memref_slice %arg8[%dma_start3A_35] : memref<1280xi32, #tpu.memory_space<vmem>> -> memref<256xi32, #tpu.memory_space<vmem>>
    %dma_start3A_37 = arith.constant 0 : i32
    %dma_start3A_38 = arith.constant 0 : i32
    %dma_start3A_39 = tpu.memref_slice %arg4[%dma_start3A_37, %dma_start3A_38] : memref<204800x16xf32, #tpu.memory_space<hbm>> -> memref<204800x16xf32, #tpu.memory_space<hbm>>
    tpu.enqueue_indirect_dma source(%dma_start3A_39 : memref<204800x16xf32, #tpu.memory_space<hbm>>) target(%dma_start3A_34 : memref<256x16xf32, #tpu.memory_space<vmem>>) offsets(%dma_start3A_36 : memref<256xi32, #tpu.memory_space<vmem>>) semaphore(%arg18 : memref<!tpu.dma_semaphore, #tpu.memory_space<semaphore_mem>>)
    %dma_start3A_40 = arith.constant 0 : i32
    %dma_start3A_41 = arith.constant 0 : i32
    %dma_start3A_42 = tpu.memref_slice %arg12[%dma_start3A_40, %dma_start3A_41] : memref<1280x8xf32, #tpu.memory_space<vmem>> -> memref<256x8xf32, #tpu.memory_space<vmem>>
    %dma_start3A_43 = arith.constant 0 : i32
    %dma_start3A_44 = tpu.memref_slice %arg7[%dma_start3A_43] : memref<1280xi32, #tpu.memory_space<vmem>> -> memref<256xi32, #tpu.memory_space<vmem>>
    %dma_start3A_45 = arith.constant 0 : i32
    %dma_start3A_46 = arith.constant 0 : i32
    %dma_start3A_47 = tpu.memref_slice %arg5[%dma_start3A_45, %dma_start3A_46] : memref<100000x8xf32, #tpu.memory_space<hbm>> -> memref<100000x8xf32, #tpu.memory_space<hbm>>
    tpu.enqueue_indirect_dma source(%dma_start3A_47 : memref<100000x8xf32, #tpu.memory_space<hbm>>) target(%dma_start3A_42 : memref<256x8xf32, #tpu.memory_space<vmem>>) offsets(%dma_start3A_44 : memref<256xi32, #tpu.memory_space<vmem>>) semaphore(%arg18 : memref<!tpu.dma_semaphore, #tpu.memory_space<semaphore_mem>>)
    %dma_start3A_48 = arith.constant 256 : i32
    %dma_start3A_49 = arith.constant 0 : i32
    %dma_start3A_50 = tpu.memref_slice %arg11[%dma_start3A_48, %dma_start3A_49] : memref<1280x16xf32, #tpu.memory_space<vmem>> -> memref<256x16xf32, #tpu.memory_space<vmem>>
    %dma_start3A_51 = arith.constant 256 : i32
    %dma_start3A_52 = tpu.memref_slice %arg8[%dma_start3A_51] : memref<1280xi32, #tpu.memory_space<vmem>> -> memref<256xi32, #tpu.memory_space<vmem>>
    %dma_start3A_53 = arith.constant 0 : i32
    %dma_start3A_54 = arith.constant 0 : i32
    %dma_start3A_55 = tpu.memref_slice %arg4[%dma_start3A_53, %dma_start3A_54] : memref<204800x16xf32, #tpu.memory_space<hbm>> -> memref<204800x16xf32, #tpu.memory_space<hbm>>
    tpu.enqueue_indirect_dma source(%dma_start3A_55 : memref<204800x16xf32, #tpu.memory_space<hbm>>) target(%dma_start3A_50 : memref<256x16xf32, #tpu.memory_space<vmem>>) offsets(%dma_start3A_52 : memref<256xi32, #tpu.memory_space<vmem>>) semaphore(%arg18 : memref<!tpu.dma_semaphore, #tpu.memory_space<semaphore_mem>>)
    %dma_start3A_56 = arith.constant 256 : i32
    %dma_start3A_57 = arith.constant 0 : i32
    %dma_start3A_58 = tpu.memref_slice %arg12[%dma_start3A_56, %dma_start3A_57] : memref<1280x8xf32, #tpu.memory_space<vmem>> -> memref<256x8xf32, #tpu.memory_space<vmem>>
    %dma_start3A_59 = arith.constant 256 : i32
    %dma_start3A_60 = tpu.memref_slice %arg7[%dma_start3A_59] : memref<1280xi32, #tpu.memory_space<vmem>> -> memref<256xi32, #tpu.memory_space<vmem>>
    %dma_start3A_61 = arith.constant 0 : i32
    %dma_start3A_62 = arith.constant 0 : i32
    %dma_start3A_63 = tpu.memref_slice %arg5[%dma_start3A_61, %dma_start3A_62] : memref<100000x8xf32, #tpu.memory_space<hbm>> -> memref<100000x8xf32, #tpu.memory_space<hbm>>
    tpu.enqueue_indirect_dma source(%dma_start3A_63 : memref<100000x8xf32, #tpu.memory_space<hbm>>) target(%dma_start3A_58 : memref<256x8xf32, #tpu.memory_space<vmem>>) offsets(%dma_start3A_60 : memref<256xi32, #tpu.memory_space<vmem>>) semaphore(%arg18 : memref<!tpu.dma_semaphore, #tpu.memory_space<semaphore_mem>>)
    %dma_start3A_64 = arith.constant 512 : i32
    %dma_start3A_65 = arith.constant 0 : i32
    %dma_start3A_66 = tpu.memref_slice %arg11[%dma_start3A_64, %dma_start3A_65] : memref<1280x16xf32, #tpu.memory_space<vmem>> -> memref<256x16xf32, #tpu.memory_space<vmem>>
    %dma_start3A_67 = arith.constant 512 : i32
    %dma_start3A_68 = tpu.memref_slice %arg8[%dma_start3A_67] : memref<1280xi32, #tpu.memory_space<vmem>> -> memref<256xi32, #tpu.memory_space<vmem>>
    %dma_start3A_69 = arith.constant 0 : i32
    %dma_start3A_70 = arith.constant 0 : i32
    %dma_start3A_71 = tpu.memref_slice %arg4[%dma_start3A_69, %dma_start3A_70] : memref<204800x16xf32, #tpu.memory_space<hbm>> -> memref<204800x16xf32, #tpu.memory_space<hbm>>
    tpu.enqueue_indirect_dma source(%dma_start3A_71 : memref<204800x16xf32, #tpu.memory_space<hbm>>) target(%dma_start3A_66 : memref<256x16xf32, #tpu.memory_space<vmem>>) offsets(%dma_start3A_68 : memref<256xi32, #tpu.memory_space<vmem>>) semaphore(%arg18 : memref<!tpu.dma_semaphore, #tpu.memory_space<semaphore_mem>>)
    %dma_start3A_72 = arith.constant 512 : i32
    %dma_start3A_73 = arith.constant 0 : i32
    %dma_start3A_74 = tpu.memref_slice %arg12[%dma_start3A_72, %dma_start3A_73] : memref<1280x8xf32, #tpu.memory_space<vmem>> -> memref<256x8xf32, #tpu.memory_space<vmem>>
    %dma_start3A_75 = arith.constant 512 : i32
    %dma_start3A_76 = tpu.memref_slice %arg7[%dma_start3A_75] : memref<1280xi32, #tpu.memory_space<vmem>> -> memref<256xi32, #tpu.memory_space<vmem>>
    %dma_start3A_77 = arith.constant 0 : i32
    %dma_start3A_78 = arith.constant 0 : i32
    %dma_start3A_79 = tpu.memref_slice %arg5[%dma_start3A_77, %dma_start3A_78] : memref<100000x8xf32, #tpu.memory_space<hbm>> -> memref<100000x8xf32, #tpu.memory_space<hbm>>
    tpu.enqueue_indirect_dma source(%dma_start3A_79 : memref<100000x8xf32, #tpu.memory_space<hbm>>) target(%dma_start3A_74 : memref<256x8xf32, #tpu.memory_space<vmem>>) offsets(%dma_start3A_76 : memref<256xi32, #tpu.memory_space<vmem>>) semaphore(%arg18 : memref<!tpu.dma_semaphore, #tpu.memory_space<semaphore_mem>>)
    %dma_start3A_80 = arith.constant 768 : i32
    %dma_start3A_81 = arith.constant 0 : i32
    %dma_start3A_82 = tpu.memref_slice %arg11[%dma_start3A_80, %dma_start3A_81] : memref<1280x16xf32, #tpu.memory_space<vmem>> -> memref<256x16xf32, #tpu.memory_space<vmem>>
    %dma_start3A_83 = arith.constant 768 : i32
    %dma_start3A_84 = tpu.memref_slice %arg8[%dma_start3A_83] : memref<1280xi32, #tpu.memory_space<vmem>> -> memref<256xi32, #tpu.memory_space<vmem>>
    %dma_start3A_85 = arith.constant 0 : i32
    %dma_start3A_86 = arith.constant 0 : i32
    %dma_start3A_87 = tpu.memref_slice %arg4[%dma_start3A_85, %dma_start3A_86] : memref<204800x16xf32, #tpu.memory_space<hbm>> -> memref<204800x16xf32, #tpu.memory_space<hbm>>
    tpu.enqueue_indirect_dma source(%dma_start3A_87 : memref<204800x16xf32, #tpu.memory_space<hbm>>) target(%dma_start3A_82 : memref<256x16xf32, #tpu.memory_space<vmem>>) offsets(%dma_start3A_84 : memref<256xi32, #tpu.memory_space<vmem>>) semaphore(%arg18 : memref<!tpu.dma_semaphore, #tpu.memory_space<semaphore_mem>>)
    %dma_start3A_88 = arith.constant 768 : i32
    %dma_start3A_89 = arith.constant 0 : i32
    %dma_start3A_90 = tpu.memref_slice %arg12[%dma_start3A_88, %dma_start3A_89] : memref<1280x8xf32, #tpu.memory_space<vmem>> -> memref<256x8xf32, #tpu.memory_space<vmem>>
    %dma_start3A_91 = arith.constant 768 : i32
    %dma_start3A_92 = tpu.memref_slice %arg7[%dma_start3A_91] : memref<1280xi32, #tpu.memory_space<vmem>> -> memref<256xi32, #tpu.memory_space<vmem>>
    %dma_start3A_93 = arith.constant 0 : i32
    %dma_start3A_94 = arith.constant 0 : i32
    %dma_start3A_95 = tpu.memref_slice %arg5[%dma_start3A_93, %dma_start3A_94] : memref<100000x8xf32, #tpu.memory_space<hbm>> -> memref<100000x8xf32, #tpu.memory_space<hbm>>
    tpu.enqueue_indirect_dma source(%dma_start3A_95 : memref<100000x8xf32, #tpu.memory_space<hbm>>) target(%dma_start3A_90 : memref<256x8xf32, #tpu.memory_space<vmem>>) offsets(%dma_start3A_92 : memref<256xi32, #tpu.memory_space<vmem>>) semaphore(%arg18 : memref<!tpu.dma_semaphore, #tpu.memory_space<semaphore_mem>>)
    %dma_start3A_96 = arith.constant 1024 : i32
    %dma_start3A_97 = arith.constant 0 : i32
    %dma_start3A_98 = tpu.memref_slice %arg11[%dma_start3A_96, %dma_start3A_97] : memref<1280x16xf32, #tpu.memory_space<vmem>> -> memref<256x16xf32, #tpu.memory_space<vmem>>
    %dma_start3A_99 = arith.constant 1024 : i32
    %dma_start3A_100 = tpu.memref_slice %arg8[%dma_start3A_99] : memref<1280xi32, #tpu.memory_space<vmem>> -> memref<256xi32, #tpu.memory_space<vmem>>
    %dma_start3A_101 = arith.constant 0 : i32
    %dma_start3A_102 = arith.constant 0 : i32
    %dma_start3A_103 = tpu.memref_slice %arg4[%dma_start3A_101, %dma_start3A_102] : memref<204800x16xf32, #tpu.memory_space<hbm>> -> memref<204800x16xf32, #tpu.memory_space<hbm>>
    tpu.enqueue_indirect_dma source(%dma_start3A_103 : memref<204800x16xf32, #tpu.memory_space<hbm>>) target(%dma_start3A_98 : memref<256x16xf32, #tpu.memory_space<vmem>>) offsets(%dma_start3A_100 : memref<256xi32, #tpu.memory_space<vmem>>) semaphore(%arg18 : memref<!tpu.dma_semaphore, #tpu.memory_space<semaphore_mem>>)
    %dma_start3A_104 = arith.constant 1024 : i32
    %dma_start3A_105 = arith.constant 0 : i32
    %dma_start3A_106 = tpu.memref_slice %arg12[%dma_start3A_104, %dma_start3A_105] : memref<1280x8xf32, #tpu.memory_space<vmem>> -> memref<256x8xf32, #tpu.memory_space<vmem>>
    %dma_start3A_107 = arith.constant 1024 : i32
    %dma_start3A_108 = tpu.memref_slice %arg7[%dma_start3A_107] : memref<1280xi32, #tpu.memory_space<vmem>> -> memref<256xi32, #tpu.memory_space<vmem>>
    %dma_start3A_109 = arith.constant 0 : i32
    %dma_start3A_110 = arith.constant 0 : i32
    %dma_start3A_111 = tpu.memref_slice %arg5[%dma_start3A_109, %dma_start3A_110] : memref<100000x8xf32, #tpu.memory_space<hbm>> -> memref<100000x8xf32, #tpu.memory_space<hbm>>
    tpu.enqueue_indirect_dma source(%dma_start3A_111 : memref<100000x8xf32, #tpu.memory_space<hbm>>) target(%dma_start3A_106 : memref<256x8xf32, #tpu.memory_space<vmem>>) offsets(%dma_start3A_108 : memref<256xi32, #tpu.memory_space<vmem>>) semaphore(%arg18 : memref<!tpu.dma_semaphore, #tpu.memory_space<semaphore_mem>>)
    %jit3A_112 = arith.constant 2 : i32
    %div3A = arith.divsi %select_n3A, %jit3A_112 : i32
    %sign3A = arith.constant 0 : i32
    %sign3A_113 = arith.cmpi sgt, %select_n3A, %sign3A : i32
    %sign3A_114 = arith.extui %sign3A_113 : i1 to i32
    %sign3A_115 = arith.constant 0 : i32
    %sign3A_116 = arith.cmpi slt, %select_n3A, %sign3A_115 : i32
    %sign3A_117 = arith.extui %sign3A_116 : i1 to i32
    %sign3A_118 = arith.subi %sign3A_114, %sign3A_117 : i32
    %sign3A_119 = arith.constant 0 : i32
    %sign3A_120 = arith.cmpi sgt, %jit3A_112, %sign3A_119 : i32
    %sign3A_121 = arith.extui %sign3A_120 : i1 to i32
    %sign3A_122 = arith.constant 0 : i32
    %sign3A_123 = arith.cmpi slt, %jit3A_112, %sign3A_122 : i32
    %sign3A_124 = arith.extui %sign3A_123 : i1 to i32
    %sign3A_125 = arith.subi %sign3A_121, %sign3A_124 : i32
    %ne3A = arith.cmpi ne, %sign3A_118, %sign3A_125 : i32
    %rem3A = arith.remsi %select_n3A, %jit3A_112 : i32
    %ne3A_126 = arith.constant 0 : i32
    %ne3A_127 = arith.cmpi ne, %rem3A, %ne3A_126 : i32
    %and3A = arith.andi %ne3A, %ne3A_127 : i1
    %sub3A = arith.constant 1 : i32
    %sub3A_128 = arith.subi %div3A, %sub3A : i32
    %select_n3A_129 = arith.select %and3A, %sub3A_128, %div3A : i32
    %while3A = arith.constant 0 : i32
    %while3A_130 = arith.constant 0 : i32
    %while3A_131 = arith.subi %select_n3A_129, %while3A_130 : i32
    %while3A_132 = arith.addi %while3A_130, %while3A_131 : i32
    %while3A_133 = arith.constant 1 : i32
    %while3A_134 = arith.divsi %while3A_131, %while3A_133 : i32
    %while3A_135 = arith.muli %while3A_134, %while3A_133 : i32
    %while3A_136 = arith.addi %while3A_130, %while3A_135 : i32
    %while3A_137 = arith.constant 1 : i32
    scf.for %while3A_225 = %while3A_130 to %while3A_136 step %while3A_137  : i32 {
      %mul3A_226 = arith.constant 2 : i32
      %mul3A_227 = arith.muli %while3A_225, %mul3A_226 : i32
      %add3A_228 = arith.constant 0 : i32
      %add3A_229 = arith.addi %mul3A_227, %add3A_228 : i32
      %dma_wait3A_230 = arith.constant 0 : i32
      %dma_wait3A_231 = arith.constant 0 : i32
      %dma_wait3A_232 = tpu.memref_slice %arg11[%dma_wait3A_230, %dma_wait3A_231] : memref<1280x16xf32, #tpu.memory_space<vmem>> -> memref<256x16xf32, #tpu.memory_space<vmem>>
      %dma_wait3A_233 = arith.constant 0 : i32
      %dma_wait3A_234 = tpu.memref_slice %arg8[%dma_wait3A_233] : memref<1280xi32, #tpu.memory_space<vmem>> -> memref<256xi32, #tpu.memory_space<vmem>>
      %dma_wait3A_235 = arith.constant 0 : i32
      %dma_wait3A_236 = arith.constant 0 : i32
      %dma_wait3A_237 = tpu.memref_slice %arg4[%dma_wait3A_235, %dma_wait3A_236] : memref<204800x16xf32, #tpu.memory_space<hbm>> -> memref<204800x16xf32, #tpu.memory_space<hbm>>
      tpu.wait_indirect_dma semaphore(%arg18 : memref<!tpu.dma_semaphore, #tpu.memory_space<semaphore_mem>>) src(%dma_wait3A_237 : memref<204800x16xf32, #tpu.memory_space<hbm>>) dst(%dma_wait3A_232 : memref<256x16xf32, #tpu.memory_space<vmem>>)
      %dma_wait3A_238 = arith.constant 0 : i32
      %dma_wait3A_239 = arith.constant 0 : i32
      %dma_wait3A_240 = tpu.memref_slice %arg12[%dma_wait3A_238, %dma_wait3A_239] : memref<1280x8xf32, #tpu.memory_space<vmem>> -> memref<256x8xf32, #tpu.memory_space<vmem>>
      %dma_wait3A_241 = arith.constant 0 : i32
      %dma_wait3A_242 = tpu.memref_slice %arg7[%dma_wait3A_241] : memref<1280xi32, #tpu.memory_space<vmem>> -> memref<256xi32, #tpu.memory_space<vmem>>
      %dma_wait3A_243 = arith.constant 0 : i32
      %dma_wait3A_244 = arith.constant 0 : i32
      %dma_wait3A_245 = tpu.memref_slice %arg5[%dma_wait3A_243, %dma_wait3A_244] : memref<100000x8xf32, #tpu.memory_space<hbm>> -> memref<100000x8xf32, #tpu.memory_space<hbm>>
      tpu.wait_indirect_dma semaphore(%arg18 : memref<!tpu.dma_semaphore, #tpu.memory_space<semaphore_mem>>) src(%dma_wait3A_245 : memref<100000x8xf32, #tpu.memory_space<hbm>>) dst(%dma_wait3A_240 : memref<256x8xf32, #tpu.memory_space<vmem>>)
      %dma_wait3A_246 = arith.constant 256 : i32
      %dma_wait3A_247 = arith.constant 0 : i32
      %dma_wait3A_248 = tpu.memref_slice %arg11[%dma_wait3A_246, %dma_wait3A_247] : memref<1280x16xf32, #tpu.memory_space<vmem>> -> memref<256x16xf32, #tpu.memory_space<vmem>>
      %dma_wait3A_249 = arith.constant 256 : i32
      %dma_wait3A_250 = tpu.memref_slice %arg8[%dma_wait3A_249] : memref<1280xi32, #tpu.memory_space<vmem>> -> memref<256xi32, #tpu.memory_space<vmem>>
      %dma_wait3A_251 = arith.constant 0 : i32
      %dma_wait3A_252 = arith.constant 0 : i32
      %dma_wait3A_253 = tpu.memref_slice %arg4[%dma_wait3A_251, %dma_wait3A_252] : memref<204800x16xf32, #tpu.memory_space<hbm>> -> memref<204800x16xf32, #tpu.memory_space<hbm>>
      tpu.wait_indirect_dma semaphore(%arg18 : memref<!tpu.dma_semaphore, #tpu.memory_space<semaphore_mem>>) src(%dma_wait3A_253 : memref<204800x16xf32, #tpu.memory_space<hbm>>) dst(%dma_wait3A_248 : memref<256x16xf32, #tpu.memory_space<vmem>>)
      %dma_wait3A_254 = arith.constant 256 : i32
      %dma_wait3A_255 = arith.constant 0 : i32
      %dma_wait3A_256 = tpu.memref_slice %arg12[%dma_wait3A_254, %dma_wait3A_255] : memref<1280x8xf32, #tpu.memory_space<vmem>> -> memref<256x8xf32, #tpu.memory_space<vmem>>
      %dma_wait3A_257 = arith.constant 256 : i32
      %dma_wait3A_258 = tpu.memref_slice %arg7[%dma_wait3A_257] : memref<1280xi32, #tpu.memory_space<vmem>> -> memref<256xi32, #tpu.memory_space<vmem>>
      %dma_wait3A_259 = arith.constant 0 : i32
      %dma_wait3A_260 = arith.constant 0 : i32
      %dma_wait3A_261 = tpu.memref_slice %arg5[%dma_wait3A_259, %dma_wait3A_260] : memref<100000x8xf32, #tpu.memory_space<hbm>> -> memref<100000x8xf32, #tpu.memory_space<hbm>>
      tpu.wait_indirect_dma semaphore(%arg18 : memref<!tpu.dma_semaphore, #tpu.memory_space<semaphore_mem>>) src(%dma_wait3A_261 : memref<100000x8xf32, #tpu.memory_space<hbm>>) dst(%dma_wait3A_256 : memref<256x8xf32, #tpu.memory_space<vmem>>)
      %dma_wait3A_262 = arith.constant 512 : i32
      %dma_wait3A_263 = arith.constant 0 : i32
      %dma_wait3A_264 = tpu.memref_slice %arg11[%dma_wait3A_262, %dma_wait3A_263] : memref<1280x16xf32, #tpu.memory_space<vmem>> -> memref<256x16xf32, #tpu.memory_space<vmem>>
      %dma_wait3A_265 = arith.constant 512 : i32
      %dma_wait3A_266 = tpu.memref_slice %arg8[%dma_wait3A_265] : memref<1280xi32, #tpu.memory_space<vmem>> -> memref<256xi32, #tpu.memory_space<vmem>>
      %dma_wait3A_267 = arith.constant 0 : i32
      %dma_wait3A_268 = arith.constant 0 : i32
      %dma_wait3A_269 = tpu.memref_slice %arg4[%dma_wait3A_267, %dma_wait3A_268] : memref<204800x16xf32, #tpu.memory_space<hbm>> -> memref<204800x16xf32, #tpu.memory_space<hbm>>
      tpu.wait_indirect_dma semaphore(%arg18 : memref<!tpu.dma_semaphore, #tpu.memory_space<semaphore_mem>>) src(%dma_wait3A_269 : memref<204800x16xf32, #tpu.memory_space<hbm>>) dst(%dma_wait3A_264 : memref<256x16xf32, #tpu.memory_space<vmem>>)
      %dma_wait3A_270 = arith.constant 512 : i32
      %dma_wait3A_271 = arith.constant 0 : i32
      %dma_wait3A_272 = tpu.memref_slice %arg12[%dma_wait3A_270, %dma_wait3A_271] : memref<1280x8xf32, #tpu.memory_space<vmem>> -> memref<256x8xf32, #tpu.memory_space<vmem>>
      %dma_wait3A_273 = arith.constant 512 : i32
      %dma_wait3A_274 = tpu.memref_slice %arg7[%dma_wait3A_273] : memref<1280xi32, #tpu.memory_space<vmem>> -> memref<256xi32, #tpu.memory_space<vmem>>
      %dma_wait3A_275 = arith.constant 0 : i32
      %dma_wait3A_276 = arith.constant 0 : i32
      %dma_wait3A_277 = tpu.memref_slice %arg5[%dma_wait3A_275, %dma_wait3A_276] : memref<100000x8xf32, #tpu.memory_space<hbm>> -> memref<100000x8xf32, #tpu.memory_space<hbm>>
      tpu.wait_indirect_dma semaphore(%arg18 : memref<!tpu.dma_semaphore, #tpu.memory_space<semaphore_mem>>) src(%dma_wait3A_277 : memref<100000x8xf32, #tpu.memory_space<hbm>>) dst(%dma_wait3A_272 : memref<256x8xf32, #tpu.memory_space<vmem>>)
      %dma_wait3A_278 = arith.constant 768 : i32
      %dma_wait3A_279 = arith.constant 0 : i32
      %dma_wait3A_280 = tpu.memref_slice %arg11[%dma_wait3A_278, %dma_wait3A_279] : memref<1280x16xf32, #tpu.memory_space<vmem>> -> memref<256x16xf32, #tpu.memory_space<vmem>>
      %dma_wait3A_281 = arith.constant 768 : i32
      %dma_wait3A_282 = tpu.memref_slice %arg8[%dma_wait3A_281] : memref<1280xi32, #tpu.memory_space<vmem>> -> memref<256xi32, #tpu.memory_space<vmem>>
      %dma_wait3A_283 = arith.constant 0 : i32
      %dma_wait3A_284 = arith.constant 0 : i32
      %dma_wait3A_285 = tpu.memref_slice %arg4[%dma_wait3A_283, %dma_wait3A_284] : memref<204800x16xf32, #tpu.memory_space<hbm>> -> memref<204800x16xf32, #tpu.memory_space<hbm>>
      tpu.wait_indirect_dma semaphore(%arg18 : memref<!tpu.dma_semaphore, #tpu.memory_space<semaphore_mem>>) src(%dma_wait3A_285 : memref<204800x16xf32, #tpu.memory_space<hbm>>) dst(%dma_wait3A_280 : memref<256x16xf32, #tpu.memory_space<vmem>>)
      %dma_wait3A_286 = arith.constant 768 : i32
      %dma_wait3A_287 = arith.constant 0 : i32
      %dma_wait3A_288 = tpu.memref_slice %arg12[%dma_wait3A_286, %dma_wait3A_287] : memref<1280x8xf32, #tpu.memory_space<vmem>> -> memref<256x8xf32, #tpu.memory_space<vmem>>
      %dma_wait3A_289 = arith.constant 768 : i32
      %dma_wait3A_290 = tpu.memref_slice %arg7[%dma_wait3A_289] : memref<1280xi32, #tpu.memory_space<vmem>> -> memref<256xi32, #tpu.memory_space<vmem>>
      %dma_wait3A_291 = arith.constant 0 : i32
      %dma_wait3A_292 = arith.constant 0 : i32
      %dma_wait3A_293 = tpu.memref_slice %arg5[%dma_wait3A_291, %dma_wait3A_292] : memref<100000x8xf32, #tpu.memory_space<hbm>> -> memref<100000x8xf32, #tpu.memory_space<hbm>>
      tpu.wait_indirect_dma semaphore(%arg18 : memref<!tpu.dma_semaphore, #tpu.memory_space<semaphore_mem>>) src(%dma_wait3A_293 : memref<100000x8xf32, #tpu.memory_space<hbm>>) dst(%dma_wait3A_288 : memref<256x8xf32, #tpu.memory_space<vmem>>)
      %dma_wait3A_294 = arith.constant 1024 : i32
      %dma_wait3A_295 = arith.constant 0 : i32
      %dma_wait3A_296 = tpu.memref_slice %arg11[%dma_wait3A_294, %dma_wait3A_295] : memref<1280x16xf32, #tpu.memory_space<vmem>> -> memref<256x16xf32, #tpu.memory_space<vmem>>
      %dma_wait3A_297 = arith.constant 1024 : i32
      %dma_wait3A_298 = tpu.memref_slice %arg8[%dma_wait3A_297] : memref<1280xi32, #tpu.memory_space<vmem>> -> memref<256xi32, #tpu.memory_space<vmem>>
      %dma_wait3A_299 = arith.constant 0 : i32
      %dma_wait3A_300 = arith.constant 0 : i32
      %dma_wait3A_301 = tpu.memref_slice %arg4[%dma_wait3A_299, %dma_wait3A_300] : memref<204800x16xf32, #tpu.memory_space<hbm>> -> memref<204800x16xf32, #tpu.memory_space<hbm>>
      tpu.wait_indirect_dma semaphore(%arg18 : memref<!tpu.dma_semaphore, #tpu.memory_space<semaphore_mem>>) src(%dma_wait3A_301 : memref<204800x16xf32, #tpu.memory_space<hbm>>) dst(%dma_wait3A_296 : memref<256x16xf32, #tpu.memory_space<vmem>>)
      %dma_wait3A_302 = arith.constant 1024 : i32
      %dma_wait3A_303 = arith.constant 0 : i32
      %dma_wait3A_304 = tpu.memref_slice %arg12[%dma_wait3A_302, %dma_wait3A_303] : memref<1280x8xf32, #tpu.memory_space<vmem>> -> memref<256x8xf32, #tpu.memory_space<vmem>>
      %dma_wait3A_305 = arith.constant 1024 : i32
      %dma_wait3A_306 = tpu.memref_slice %arg7[%dma_wait3A_305] : memref<1280xi32, #tpu.memory_space<vmem>> -> memref<256xi32, #tpu.memory_space<vmem>>
      %dma_wait3A_307 = arith.constant 0 : i32
      %dma_wait3A_308 = arith.constant 0 : i32
      %dma_wait3A_309 = tpu.memref_slice %arg5[%dma_wait3A_307, %dma_wait3A_308] : memref<100000x8xf32, #tpu.memory_space<hbm>> -> memref<100000x8xf32, #tpu.memory_space<hbm>>
      tpu.wait_indirect_dma semaphore(%arg18 : memref<!tpu.dma_semaphore, #tpu.memory_space<semaphore_mem>>) src(%dma_wait3A_309 : memref<100000x8xf32, #tpu.memory_space<hbm>>) dst(%dma_wait3A_304 : memref<256x8xf32, #tpu.memory_space<vmem>>)
      %add3A_310 = arith.constant 1 : i32
      %add3A_311 = arith.addi %add3A_229, %add3A_310 : i32
      %sub3A_312 = arith.constant 1 : i32
      %sub3A_313 = arith.subi %select_n3A, %sub3A_312 : i32
      %min3A = arith.minsi %add3A_311, %sub3A_313 : i32
      %mul3A_314 = arith.constant 1280 : i32
      %mul3A_315 = arith.muli %min3A, %mul3A_314 : i32
      %add3A_316 = arith.addi %mul3A_13, %mul3A_315 : i32
      %dma_wait3A_317 = tpu.memref_slice %arg2[%add3A_316] : memref<1638400xi32, #tpu.memory_space<hbm>> -> memref<1280xi32, #tpu.memory_space<hbm>>
      %dma_wait3A_318 = tpu.memref_slice %arg2[%add3A_316] : memref<1638400xi32, #tpu.memory_space<hbm>> -> memref<1280xi32, #tpu.memory_space<hbm>>
      tpu.wait_dma2 semaphore(%arg17 : memref<!tpu.dma_semaphore, #tpu.memory_space<semaphore_mem>>) src(%dma_wait3A_318 : memref<1280xi32, #tpu.memory_space<hbm>>) dst(%arg9 : memref<1280xi32, #tpu.memory_space<vmem>>)
      %dma_wait3A_319 = tpu.memref_slice %arg3[%add3A_316] : memref<1638400xi32, #tpu.memory_space<hbm>> -> memref<1280xi32, #tpu.memory_space<hbm>>
      %dma_wait3A_320 = tpu.memref_slice %arg3[%add3A_316] : memref<1638400xi32, #tpu.memory_space<hbm>> -> memref<1280xi32, #tpu.memory_space<hbm>>
      tpu.wait_dma2 semaphore(%arg17 : memref<!tpu.dma_semaphore, #tpu.memory_space<semaphore_mem>>) src(%dma_wait3A_320 : memref<1280xi32, #tpu.memory_space<hbm>>) dst(%arg10 : memref<1280xi32, #tpu.memory_space<vmem>>)
      %dma_start3A_321 = arith.constant 0 : i32
      %dma_start3A_322 = arith.constant 0 : i32
      %dma_start3A_323 = tpu.memref_slice %arg13[%dma_start3A_321, %dma_start3A_322] : memref<1280x16xf32, #tpu.memory_space<vmem>> -> memref<256x16xf32, #tpu.memory_space<vmem>>
      %dma_start3A_324 = arith.constant 0 : i32
      %dma_start3A_325 = tpu.memref_slice %arg10[%dma_start3A_324] : memref<1280xi32, #tpu.memory_space<vmem>> -> memref<256xi32, #tpu.memory_space<vmem>>
      %dma_start3A_326 = arith.constant 0 : i32
      %dma_start3A_327 = arith.constant 0 : i32
      %dma_start3A_328 = tpu.memref_slice %arg4[%dma_start3A_326, %dma_start3A_327] : memref<204800x16xf32, #tpu.memory_space<hbm>> -> memref<204800x16xf32, #tpu.memory_space<hbm>>
      tpu.enqueue_indirect_dma source(%dma_start3A_328 : memref<204800x16xf32, #tpu.memory_space<hbm>>) target(%dma_start3A_323 : memref<256x16xf32, #tpu.memory_space<vmem>>) offsets(%dma_start3A_325 : memref<256xi32, #tpu.memory_space<vmem>>) semaphore(%arg19 : memref<!tpu.dma_semaphore, #tpu.memory_space<semaphore_mem>>)
      %dma_start3A_329 = arith.constant 0 : i32
      %dma_start3A_330 = arith.constant 0 : i32
      %dma_start3A_331 = tpu.memref_slice %arg14[%dma_start3A_329, %dma_start3A_330] : memref<1280x8xf32, #tpu.memory_space<vmem>> -> memref<256x8xf32, #tpu.memory_space<vmem>>
      %dma_start3A_332 = arith.constant 0 : i32
      %dma_start3A_333 = tpu.memref_slice %arg9[%dma_start3A_332] : memref<1280xi32, #tpu.memory_space<vmem>> -> memref<256xi32, #tpu.memory_space<vmem>>
      %dma_start3A_334 = arith.constant 0 : i32
      %dma_start3A_335 = arith.constant 0 : i32
      %dma_start3A_336 = tpu.memref_slice %arg5[%dma_start3A_334, %dma_start3A_335] : memref<100000x8xf32, #tpu.memory_space<hbm>> -> memref<100000x8xf32, #tpu.memory_space<hbm>>
      tpu.enqueue_indirect_dma source(%dma_start3A_336 : memref<100000x8xf32, #tpu.memory_space<hbm>>) target(%dma_start3A_331 : memref<256x8xf32, #tpu.memory_space<vmem>>) offsets(%dma_start3A_333 : memref<256xi32, #tpu.memory_space<vmem>>) semaphore(%arg19 : memref<!tpu.dma_semaphore, #tpu.memory_space<semaphore_mem>>)
      %dma_start3A_337 = arith.constant 256 : i32
      %dma_start3A_338 = arith.constant 0 : i32
      %dma_start3A_339 = tpu.memref_slice %arg13[%dma_start3A_337, %dma_start3A_338] : memref<1280x16xf32, #tpu.memory_space<vmem>> -> memref<256x16xf32, #tpu.memory_space<vmem>>
      %dma_start3A_340 = arith.constant 256 : i32
      %dma_start3A_341 = tpu.memref_slice %arg10[%dma_start3A_340] : memref<1280xi32, #tpu.memory_space<vmem>> -> memref<256xi32, #tpu.memory_space<vmem>>
      %dma_start3A_342 = arith.constant 0 : i32
      %dma_start3A_343 = arith.constant 0 : i32
      %dma_start3A_344 = tpu.memref_slice %arg4[%dma_start3A_342, %dma_start3A_343] : memref<204800x16xf32, #tpu.memory_space<hbm>> -> memref<204800x16xf32, #tpu.memory_space<hbm>>
      tpu.enqueue_indirect_dma source(%dma_start3A_344 : memref<204800x16xf32, #tpu.memory_space<hbm>>) target(%dma_start3A_339 : memref<256x16xf32, #tpu.memory_space<vmem>>) offsets(%dma_start3A_341 : memref<256xi32, #tpu.memory_space<vmem>>) semaphore(%arg19 : memref<!tpu.dma_semaphore, #tpu.memory_space<semaphore_mem>>)
      %dma_start3A_345 = arith.constant 256 : i32
      %dma_start3A_346 = arith.constant 0 : i32
      %dma_start3A_347 = tpu.memref_slice %arg14[%dma_start3A_345, %dma_start3A_346] : memref<1280x8xf32, #tpu.memory_space<vmem>> -> memref<256x8xf32, #tpu.memory_space<vmem>>
      %dma_start3A_348 = arith.constant 256 : i32
      %dma_start3A_349 = tpu.memref_slice %arg9[%dma_start3A_348] : memref<1280xi32, #tpu.memory_space<vmem>> -> memref<256xi32, #tpu.memory_space<vmem>>
      %dma_start3A_350 = arith.constant 0 : i32
      %dma_start3A_351 = arith.constant 0 : i32
      %dma_start3A_352 = tpu.memref_slice %arg5[%dma_start3A_350, %dma_start3A_351] : memref<100000x8xf32, #tpu.memory_space<hbm>> -> memref<100000x8xf32, #tpu.memory_space<hbm>>
      tpu.enqueue_indirect_dma source(%dma_start3A_352 : memref<100000x8xf32, #tpu.memory_space<hbm>>) target(%dma_start3A_347 : memref<256x8xf32, #tpu.memory_space<vmem>>) offsets(%dma_start3A_349 : memref<256xi32, #tpu.memory_space<vmem>>) semaphore(%arg19 : memref<!tpu.dma_semaphore, #tpu.memory_space<semaphore_mem>>)
      %dma_start3A_353 = arith.constant 512 : i32
      %dma_start3A_354 = arith.constant 0 : i32
      %dma_start3A_355 = tpu.memref_slice %arg13[%dma_start3A_353, %dma_start3A_354] : memref<1280x16xf32, #tpu.memory_space<vmem>> -> memref<256x16xf32, #tpu.memory_space<vmem>>
      %dma_start3A_356 = arith.constant 512 : i32
      %dma_start3A_357 = tpu.memref_slice %arg10[%dma_start3A_356] : memref<1280xi32, #tpu.memory_space<vmem>> -> memref<256xi32, #tpu.memory_space<vmem>>
      %dma_start3A_358 = arith.constant 0 : i32
      %dma_start3A_359 = arith.constant 0 : i32
      %dma_start3A_360 = tpu.memref_slice %arg4[%dma_start3A_358, %dma_start3A_359] : memref<204800x16xf32, #tpu.memory_space<hbm>> -> memref<204800x16xf32, #tpu.memory_space<hbm>>
      tpu.enqueue_indirect_dma source(%dma_start3A_360 : memref<204800x16xf32, #tpu.memory_space<hbm>>) target(%dma_start3A_355 : memref<256x16xf32, #tpu.memory_space<vmem>>) offsets(%dma_start3A_357 : memref<256xi32, #tpu.memory_space<vmem>>) semaphore(%arg19 : memref<!tpu.dma_semaphore, #tpu.memory_space<semaphore_mem>>)
      %dma_start3A_361 = arith.constant 512 : i32
      %dma_start3A_362 = arith.constant 0 : i32
      %dma_start3A_363 = tpu.memref_slice %arg14[%dma_start3A_361, %dma_start3A_362] : memref<1280x8xf32, #tpu.memory_space<vmem>> -> memref<256x8xf32, #tpu.memory_space<vmem>>
      %dma_start3A_364 = arith.constant 512 : i32
      %dma_start3A_365 = tpu.memref_slice %arg9[%dma_start3A_364] : memref<1280xi32, #tpu.memory_space<vmem>> -> memref<256xi32, #tpu.memory_space<vmem>>
      %dma_start3A_366 = arith.constant 0 : i32
      %dma_start3A_367 = arith.constant 0 : i32
      %dma_start3A_368 = tpu.memref_slice %arg5[%dma_start3A_366, %dma_start3A_367] : memref<100000x8xf32, #tpu.memory_space<hbm>> -> memref<100000x8xf32, #tpu.memory_space<hbm>>
      tpu.enqueue_indirect_dma source(%dma_start3A_368 : memref<100000x8xf32, #tpu.memory_space<hbm>>) target(%dma_start3A_363 : memref<256x8xf32, #tpu.memory_space<vmem>>) offsets(%dma_start3A_365 : memref<256xi32, #tpu.memory_space<vmem>>) semaphore(%arg19 : memref<!tpu.dma_semaphore, #tpu.memory_space<semaphore_mem>>)
      %dma_start3A_369 = arith.constant 768 : i32
      %dma_start3A_370 = arith.constant 0 : i32
      %dma_start3A_371 = tpu.memref_slice %arg13[%dma_start3A_369, %dma_start3A_370] : memref<1280x16xf32, #tpu.memory_space<vmem>> -> memref<256x16xf32, #tpu.memory_space<vmem>>
      %dma_start3A_372 = arith.constant 768 : i32
      %dma_start3A_373 = tpu.memref_slice %arg10[%dma_start3A_372] : memref<1280xi32, #tpu.memory_space<vmem>> -> memref<256xi32, #tpu.memory_space<vmem>>
      %dma_start3A_374 = arith.constant 0 : i32
      %dma_start3A_375 = arith.constant 0 : i32
      %dma_start3A_376 = tpu.memref_slice %arg4[%dma_start3A_374, %dma_start3A_375] : memref<204800x16xf32, #tpu.memory_space<hbm>> -> memref<204800x16xf32, #tpu.memory_space<hbm>>
      tpu.enqueue_indirect_dma source(%dma_start3A_376 : memref<204800x16xf32, #tpu.memory_space<hbm>>) target(%dma_start3A_371 : memref<256x16xf32, #tpu.memory_space<vmem>>) offsets(%dma_start3A_373 : memref<256xi32, #tpu.memory_space<vmem>>) semaphore(%arg19 : memref<!tpu.dma_semaphore, #tpu.memory_space<semaphore_mem>>)
      %dma_start3A_377 = arith.constant 768 : i32
      %dma_start3A_378 = arith.constant 0 : i32
      %dma_start3A_379 = tpu.memref_slice %arg14[%dma_start3A_377, %dma_start3A_378] : memref<1280x8xf32, #tpu.memory_space<vmem>> -> memref<256x8xf32, #tpu.memory_space<vmem>>
      %dma_start3A_380 = arith.constant 768 : i32
      %dma_start3A_381 = tpu.memref_slice %arg9[%dma_start3A_380] : memref<1280xi32, #tpu.memory_space<vmem>> -> memref<256xi32, #tpu.memory_space<vmem>>
      %dma_start3A_382 = arith.constant 0 : i32
      %dma_start3A_383 = arith.constant 0 : i32
      %dma_start3A_384 = tpu.memref_slice %arg5[%dma_start3A_382, %dma_start3A_383] : memref<100000x8xf32, #tpu.memory_space<hbm>> -> memref<100000x8xf32, #tpu.memory_space<hbm>>
      tpu.enqueue_indirect_dma source(%dma_start3A_384 : memref<100000x8xf32, #tpu.memory_space<hbm>>) target(%dma_start3A_379 : memref<256x8xf32, #tpu.memory_space<vmem>>) offsets(%dma_start3A_381 : memref<256xi32, #tpu.memory_space<vmem>>) semaphore(%arg19 : memref<!tpu.dma_semaphore, #tpu.memory_space<semaphore_mem>>)
      %dma_start3A_385 = arith.constant 1024 : i32
      %dma_start3A_386 = arith.constant 0 : i32
      %dma_start3A_387 = tpu.memref_slice %arg13[%dma_start3A_385, %dma_start3A_386] : memref<1280x16xf32, #tpu.memory_space<vmem>> -> memref<256x16xf32, #tpu.memory_space<vmem>>
      %dma_start3A_388 = arith.constant 1024 : i32
      %dma_start3A_389 = tpu.memref_slice %arg10[%dma_start3A_388] : memref<1280xi32, #tpu.memory_space<vmem>> -> memref<256xi32, #tpu.memory_space<vmem>>
      %dma_start3A_390 = arith.constant 0 : i32
      %dma_start3A_391 = arith.constant 0 : i32
      %dma_start3A_392 = tpu.memref_slice %arg4[%dma_start3A_390, %dma_start3A_391] : memref<204800x16xf32, #tpu.memory_space<hbm>> -> memref<204800x16xf32, #tpu.memory_space<hbm>>
      tpu.enqueue_indirect_dma source(%dma_start3A_392 : memref<204800x16xf32, #tpu.memory_space<hbm>>) target(%dma_start3A_387 : memref<256x16xf32, #tpu.memory_space<vmem>>) offsets(%dma_start3A_389 : memref<256xi32, #tpu.memory_space<vmem>>) semaphore(%arg19 : memref<!tpu.dma_semaphore, #tpu.memory_space<semaphore_mem>>)
      %dma_start3A_393 = arith.constant 1024 : i32
      %dma_start3A_394 = arith.constant 0 : i32
      %dma_start3A_395 = tpu.memref_slice %arg14[%dma_start3A_393, %dma_start3A_394] : memref<1280x8xf32, #tpu.memory_space<vmem>> -> memref<256x8xf32, #tpu.memory_space<vmem>>
      %dma_start3A_396 = arith.constant 1024 : i32
      %dma_start3A_397 = tpu.memref_slice %arg9[%dma_start3A_396] : memref<1280xi32, #tpu.memory_space<vmem>> -> memref<256xi32, #tpu.memory_space<vmem>>
      %dma_start3A_398 = arith.constant 0 : i32
      %dma_start3A_399 = arith.constant 0 : i32
      %dma_start3A_400 = tpu.memref_slice %arg5[%dma_start3A_398, %dma_start3A_399] : memref<100000x8xf32, #tpu.memory_space<hbm>> -> memref<100000x8xf32, #tpu.memory_space<hbm>>
      tpu.enqueue_indirect_dma source(%dma_start3A_400 : memref<100000x8xf32, #tpu.memory_space<hbm>>) target(%dma_start3A_395 : memref<256x8xf32, #tpu.memory_space<vmem>>) offsets(%dma_start3A_397 : memref<256xi32, #tpu.memory_space<vmem>>) semaphore(%arg19 : memref<!tpu.dma_semaphore, #tpu.memory_space<semaphore_mem>>)
      %add3A_401 = arith.constant 2 : i32
      %add3A_402 = arith.addi %add3A_229, %add3A_401 : i32
      %sub3A_403 = arith.constant 1 : i32
      %sub3A_404 = arith.subi %select_n3A, %sub3A_403 : i32
      %min3A_405 = arith.minsi %add3A_402, %sub3A_404 : i32
      %mul3A_406 = arith.constant 1280 : i32
      %mul3A_407 = arith.muli %min3A_405, %mul3A_406 : i32
      %add3A_408 = arith.addi %mul3A_13, %mul3A_407 : i32
      %dma_start3A_409 = tpu.memref_slice %arg2[%add3A_408] : memref<1638400xi32, #tpu.memory_space<hbm>> -> memref<1280xi32, #tpu.memory_space<hbm>>
      %dma_start3A_410 = tpu.memref_slice %arg2[%add3A_408] : memref<1638400xi32, #tpu.memory_space<hbm>> -> memref<1280xi32, #tpu.memory_space<hbm>>
      tpu.enqueue_dma source(%dma_start3A_410 : memref<1280xi32, #tpu.memory_space<hbm>>) target(%arg7 : memref<1280xi32, #tpu.memory_space<vmem>>) target_semaphore(%arg16 : memref<!tpu.dma_semaphore, #tpu.memory_space<semaphore_mem>>)
      %dma_start3A_411 = tpu.memref_slice %arg3[%add3A_408] : memref<1638400xi32, #tpu.memory_space<hbm>> -> memref<1280xi32, #tpu.memory_space<hbm>>
      %dma_start3A_412 = tpu.memref_slice %arg3[%add3A_408] : memref<1638400xi32, #tpu.memory_space<hbm>> -> memref<1280xi32, #tpu.memory_space<hbm>>
      tpu.enqueue_dma source(%dma_start3A_412 : memref<1280xi32, #tpu.memory_space<hbm>>) target(%arg8 : memref<1280xi32, #tpu.memory_space<vmem>>) target_semaphore(%arg16 : memref<!tpu.dma_semaphore, #tpu.memory_space<semaphore_mem>>)
      %mul3A_413 = arith.constant 1280 : i32
      %mul3A_414 = arith.muli %add3A_229, %mul3A_413 : i32
      %add3A_415 = arith.addi %mul3A_13, %mul3A_414 : i32
      %scan3A = arith.constant 0 : i32
      %scan3A_416 = arith.constant 0 : i32
      %scan3A_417 = arith.constant 80 : i32
      %scan3A_418 = arith.addi %scan3A_416, %scan3A_417 : i32
      %scan3A_419 = arith.constant 1 : i32
      scf.for %scan3A_616 = %scan3A_416 to %scan3A_418 step %scan3A_419  : i32 {
        %mul3A_617 = arith.constant 16 : i32
        %mul3A_618 = arith.muli %scan3A_616, %mul3A_617 : i32
        %add3A_619 = vector.broadcast %mul3A_618 : i32 to vector<16xi32>
        %add3A_620 = arith.addi %add3A_619, %iota3A : vector<16xi32>
        %broadcast_in_dim3A_621 = arith.constant 0 : i32
        %broadcast_in_dim3A_622 = vector.broadcast %broadcast_in_dim3A_621 : i32 to vector<16xi32>
        %gather3A = tpu.vector_load_idx %arg11[%add3A_620, %broadcast_in_dim3A_622] : memref<1280x16xf32, #tpu.memory_space<vmem>>[vector<16xi32>, vector<16xi32>], vector<16xf32>,
        %broadcast_in_dim3A_623 = arith.constant 1 : i32
        %broadcast_in_dim3A_624 = vector.broadcast %broadcast_in_dim3A_623 : i32 to vector<16xi32>
        %gather3A_625 = tpu.vector_load_idx %arg11[%add3A_620, %broadcast_in_dim3A_624] : memref<1280x16xf32, #tpu.memory_space<vmem>>[vector<16xi32>, vector<16xi32>], vector<16xf32>,
        %broadcast_in_dim3A_626 = arith.constant 2 : i32
        %broadcast_in_dim3A_627 = vector.broadcast %broadcast_in_dim3A_626 : i32 to vector<16xi32>
        %gather3A_628 = tpu.vector_load_idx %arg11[%add3A_620, %broadcast_in_dim3A_627] : memref<1280x16xf32, #tpu.memory_space<vmem>>[vector<16xi32>, vector<16xi32>], vector<16xf32>,
        %broadcast_in_dim3A_629 = arith.constant 3 : i32
        %broadcast_in_dim3A_630 = vector.broadcast %broadcast_in_dim3A_629 : i32 to vector<16xi32>
        %gather3A_631 = tpu.vector_load_idx %arg11[%add3A_620, %broadcast_in_dim3A_630] : memref<1280x16xf32, #tpu.memory_space<vmem>>[vector<16xi32>, vector<16xi32>], vector<16xf32>,
        %broadcast_in_dim3A_632 = arith.constant 4 : i32
        %broadcast_in_dim3A_633 = vector.broadcast %broadcast_in_dim3A_632 : i32 to vector<16xi32>
        %gather3A_634 = tpu.vector_load_idx %arg11[%add3A_620, %broadcast_in_dim3A_633] : memref<1280x16xf32, #tpu.memory_space<vmem>>[vector<16xi32>, vector<16xi32>], vector<16xf32>,
        %broadcast_in_dim3A_635 = arith.constant 5 : i32
        %broadcast_in_dim3A_636 = vector.broadcast %broadcast_in_dim3A_635 : i32 to vector<16xi32>
        %gather3A_637 = tpu.vector_load_idx %arg11[%add3A_620, %broadcast_in_dim3A_636] : memref<1280x16xf32, #tpu.memory_space<vmem>>[vector<16xi32>, vector<16xi32>], vector<16xf32>,
        %broadcast_in_dim3A_638 = arith.constant 6 : i32
        %broadcast_in_dim3A_639 = vector.broadcast %broadcast_in_dim3A_638 : i32 to vector<16xi32>
        %gather3A_640 = tpu.vector_load_idx %arg11[%add3A_620, %broadcast_in_dim3A_639] : memref<1280x16xf32, #tpu.memory_space<vmem>>[vector<16xi32>, vector<16xi32>], vector<16xf32>,
        %broadcast_in_dim3A_641 = arith.constant 7 : i32
        %broadcast_in_dim3A_642 = vector.broadcast %broadcast_in_dim3A_641 : i32 to vector<16xi32>
        %gather3A_643 = tpu.vector_load_idx %arg11[%add3A_620, %broadcast_in_dim3A_642] : memref<1280x16xf32, #tpu.memory_space<vmem>>[vector<16xi32>, vector<16xi32>], vector<16xf32>,
        %broadcast_in_dim3A_644 = arith.constant 8 : i32
        %broadcast_in_dim3A_645 = vector.broadcast %broadcast_in_dim3A_644 : i32 to vector<16xi32>
        %gather3A_646 = tpu.vector_load_idx %arg11[%add3A_620, %broadcast_in_dim3A_645] : memref<1280x16xf32, #tpu.memory_space<vmem>>[vector<16xi32>, vector<16xi32>], vector<16xf32>,
        %broadcast_in_dim3A_647 = arith.constant 0 : i32
        %broadcast_in_dim3A_648 = vector.broadcast %broadcast_in_dim3A_647 : i32 to vector<16xi32>
        %gather3A_649 = tpu.vector_load_idx %arg12[%add3A_620, %broadcast_in_dim3A_648] : memref<1280x8xf32, #tpu.memory_space<vmem>>[vector<16xi32>, vector<16xi32>], vector<16xf32>,
        %broadcast_in_dim3A_650 = arith.constant 1 : i32
        %broadcast_in_dim3A_651 = vector.broadcast %broadcast_in_dim3A_650 : i32 to vector<16xi32>
        %gather3A_652 = tpu.vector_load_idx %arg12[%add3A_620, %broadcast_in_dim3A_651] : memref<1280x8xf32, #tpu.memory_space<vmem>>[vector<16xi32>, vector<16xi32>], vector<16xf32>,
        %broadcast_in_dim3A_653 = arith.constant 2 : i32
        %broadcast_in_dim3A_654 = vector.broadcast %broadcast_in_dim3A_653 : i32 to vector<16xi32>
        %gather3A_655 = tpu.vector_load_idx %arg12[%add3A_620, %broadcast_in_dim3A_654] : memref<1280x8xf32, #tpu.memory_space<vmem>>[vector<16xi32>, vector<16xi32>], vector<16xf32>,
        %broadcast_in_dim3A_656 = arith.constant 3 : i32
        %broadcast_in_dim3A_657 = vector.broadcast %broadcast_in_dim3A_656 : i32 to vector<16xi32>
        %gather3A_658 = tpu.vector_load_idx %arg12[%add3A_620, %broadcast_in_dim3A_657] : memref<1280x8xf32, #tpu.memory_space<vmem>>[vector<16xi32>, vector<16xi32>], vector<16xf32>,
        %broadcast_in_dim3A_659 = arith.constant 4 : i32
        %broadcast_in_dim3A_660 = vector.broadcast %broadcast_in_dim3A_659 : i32 to vector<16xi32>
        %gather3A_661 = tpu.vector_load_idx %arg12[%add3A_620, %broadcast_in_dim3A_660] : memref<1280x8xf32, #tpu.memory_space<vmem>>[vector<16xi32>, vector<16xi32>], vector<16xf32>,
        %broadcast_in_dim3A_662 = arith.constant 5 : i32
        %broadcast_in_dim3A_663 = vector.broadcast %broadcast_in_dim3A_662 : i32 to vector<16xi32>
        %gather3A_664 = tpu.vector_load_idx %arg12[%add3A_620, %broadcast_in_dim3A_663] : memref<1280x8xf32, #tpu.memory_space<vmem>>[vector<16xi32>, vector<16xi32>], vector<16xf32>,
        %broadcast_in_dim3A_665 = arith.constant 6 : i32
        %broadcast_in_dim3A_666 = vector.broadcast %broadcast_in_dim3A_665 : i32 to vector<16xi32>
        %gather3A_667 = tpu.vector_load_idx %arg12[%add3A_620, %broadcast_in_dim3A_666] : memref<1280x8xf32, #tpu.memory_space<vmem>>[vector<16xi32>, vector<16xi32>], vector<16xf32>,
        %mul3A_668 = arith.mulf %gather3A_649, %gather3A : vector<16xf32>
        %mul3A_669 = arith.mulf %gather3A_652, %gather3A_625 : vector<16xf32>
        %add3A_670 = arith.addf %mul3A_668, %mul3A_669 : vector<16xf32>
        %mul3A_671 = arith.mulf %gather3A_655, %gather3A_628 : vector<16xf32>
        %add3A_672 = arith.addf %add3A_670, %mul3A_671 : vector<16xf32>
        %sub3A_673 = arith.subf %add3A_672, %gather3A_631 : vector<16xf32>
        %mul3A_674 = arith.mulf %gather3A_661, %gather3A_634 : vector<16xf32>
        %mul3A_675 = arith.mulf %gather3A_664, %gather3A_637 : vector<16xf32>
        %add3A_676 = arith.addf %mul3A_674, %mul3A_675 : vector<16xf32>
        %mul3A_677 = arith.mulf %gather3A_667, %gather3A_640 : vector<16xf32>
        %add3A_678 = arith.addf %add3A_676, %mul3A_677 : vector<16xf32>
        %sub3A_679 = arith.subf %add3A_678, %gather3A_643 : vector<16xf32>
        %abs3A = math.absf %sub3A_673 : vector<16xf32>
        %lt3A = arith.constant 1.000000e+00 : f32
        %lt3A_680 = vector.broadcast %lt3A : f32 to vector<16xf32>
        %lt3A_681 = arith.cmpf olt, %abs3A, %lt3A_680 : vector<16xf32>
        %sign3A_682 = tpu.bitcast %sub3A_673 : vector<16xf32> -> vector<16xi32>
        %sign3A_683 = arith.constant -2147483648 : i32
        %sign3A_684 = vector.broadcast %sign3A_683 : i32 to vector<16xi32>
        %sign3A_685 = arith.andi %sign3A_682, %sign3A_684 : vector<16xi32>
        %sign3A_686 = arith.constant 1065353216 : i32
        %sign3A_687 = vector.broadcast %sign3A_686 : i32 to vector<16xi32>
        %sign3A_688 = arith.ori %sign3A_687, %sign3A_685 : vector<16xi32>
        %sign3A_689 = tpu.bitcast %sign3A_688 : vector<16xi32> -> vector<16xf32>
        %sign3A_690 = math.absf %sub3A_673 : vector<16xf32>
        %sign3A_691 = arith.constant 0.000000e+00 : f32
        %sign3A_692 = vector.broadcast %sign3A_691 : f32 to vector<16xf32>
        %sign3A_693 = arith.cmpf ogt, %sign3A_690, %sign3A_692 : vector<16xf32>
        %sign3A_694 = arith.select %sign3A_693, %sign3A_689, %sub3A_673 : vector<16xi1>, vector<16xf32>
        %mul3A_695 = arith.mulf %sub3A_679, %sign3A_694 : vector<16xf32>
        %sub3A_696 = arith.constant 1.000000e-01 : f32
        %sub3A_697 = vector.broadcast %sub3A_696 : f32 to vector<16xf32>
        %sub3A_698 = arith.subf %sub3A_697, %mul3A_695 : vector<16xf32>
        %max3A = arith.constant 0.000000e+00 : f32
        %max3A_699 = vector.broadcast %max3A : f32 to vector<16xf32>
        %max3A_700 = arith.maximumf %sub3A_698, %max3A_699 : vector<16xf32>
        %eq3A_701 = arith.constant 3.000000e+00 : f32
        %eq3A_702 = vector.broadcast %eq3A_701 : f32 to vector<16xf32>
        %eq3A_703 = arith.cmpf oeq, %gather3A_658, %eq3A_702 : vector<16xf32>
        %jit3A_704 = arith.constant 1.000000e+01 : f32
        %jit3A_705 = arith.constant 1.000000e+00 : f32
        %broadcast_in_dim3A_706 = vector.broadcast %jit3A_704 : f32 to vector<16xf32>
        %broadcast_in_dim3A_707 = vector.broadcast %jit3A_705 : f32 to vector<16xf32>
        %select_n3A_708 = arith.select %eq3A_703, %broadcast_in_dim3A_706, %broadcast_in_dim3A_707 : vector<16xi1>, vector<16xf32>
        %max3A_709 = arith.maximumf %gather3A_646, %select_n3A_708 : vector<16xf32>
        %mul3A_710 = arith.mulf %max3A_700, %max3A_709 : vector<16xf32>
        %add3A_711 = vector.broadcast %add3A_415 : i32 to vector<16xi32>
        %add3A_712 = arith.addi %add3A_711, %add3A_620 : vector<16xi32>
        %lt3A_713 = arith.constant 1600000 : i32
        %lt3A_714 = vector.broadcast %lt3A_713 : i32 to vector<16xi32>
        %lt3A_715 = arith.cmpi slt, %add3A_712, %lt3A_714 : vector<16xi32>
        %get3A = arith.constant 0 : index
        %get3A_716 = tpu.vector_load %arg15[%get3A] {strides = array<i32>} : memref<16xf32, #tpu.memory_space<vmem>>, vector<16xf32>,
        %and3A_717 = arith.andi %lt3A_681, %lt3A_715 : vector<16xi1>
        %mul3A_718 = arith.mulf %mul3A_710, %mul3A_710 : vector<16xf32>
        %mul3A_719 = arith.mulf %mul3A_718, %mul3A_710 : vector<16xf32>
        %jit3A_720 = arith.constant 0.000000e+00 : f32
        %broadcast_in_dim3A_721 = vector.broadcast %jit3A_720 : f32 to vector<16xf32>
        %select_n3A_722 = arith.select %and3A_717, %mul3A_719, %broadcast_in_dim3A_721 : vector<16xi1>, vector<16xf32>
        %add3A_723 = arith.addf %get3A_716, %select_n3A_722 : vector<16xf32>
        %swap3A_724 = arith.constant 0 : index
        %swap3A_725 = tpu.vector_load %arg15[%swap3A_724] {strides = array<i32>} : memref<16xf32, #tpu.memory_space<vmem>>, vector<16xf32>,
        tpu.vector_store %arg15[%swap3A_724], %add3A_723 {strides = array<i32>} : memref<16xf32, #tpu.memory_space<vmem>>, vector<16xf32>,
      }
      %scan3A_420 = arith.constant 80 : i32
      %add3A_421 = arith.constant 1 : i32
      %add3A_422 = arith.addi %mul3A_227, %add3A_421 : i32
      %dma_wait3A_423 = arith.constant 0 : i32
      %dma_wait3A_424 = arith.constant 0 : i32
      %dma_wait3A_425 = tpu.memref_slice %arg13[%dma_wait3A_423, %dma_wait3A_424] : memref<1280x16xf32, #tpu.memory_space<vmem>> -> memref<256x16xf32, #tpu.memory_space<vmem>>
      %dma_wait3A_426 = arith.constant 0 : i32
      %dma_wait3A_427 = tpu.memref_slice %arg10[%dma_wait3A_426] : memref<1280xi32, #tpu.memory_space<vmem>> -> memref<256xi32, #tpu.memory_space<vmem>>
      %dma_wait3A_428 = arith.constant 0 : i32
      %dma_wait3A_429 = arith.constant 0 : i32
      %dma_wait3A_430 = tpu.memref_slice %arg4[%dma_wait3A_428, %dma_wait3A_429] : memref<204800x16xf32, #tpu.memory_space<hbm>> -> memref<204800x16xf32, #tpu.memory_space<hbm>>
      tpu.wait_indirect_dma semaphore(%arg19 : memref<!tpu.dma_semaphore, #tpu.memory_space<semaphore_mem>>) src(%dma_wait3A_430 : memref<204800x16xf32, #tpu.memory_space<hbm>>) dst(%dma_wait3A_425 : memref<256x16xf32, #tpu.memory_space<vmem>>)
      %dma_wait3A_431 = arith.constant 0 : i32
      %dma_wait3A_432 = arith.constant 0 : i32
      %dma_wait3A_433 = tpu.memref_slice %arg14[%dma_wait3A_431, %dma_wait3A_432] : memref<1280x8xf32, #tpu.memory_space<vmem>> -> memref<256x8xf32, #tpu.memory_space<vmem>>
      %dma_wait3A_434 = arith.constant 0 : i32
      %dma_wait3A_435 = tpu.memref_slice %arg9[%dma_wait3A_434] : memref<1280xi32, #tpu.memory_space<vmem>> -> memref<256xi32, #tpu.memory_space<vmem>>
      %dma_wait3A_436 = arith.constant 0 : i32
      %dma_wait3A_437 = arith.constant 0 : i32
      %dma_wait3A_438 = tpu.memref_slice %arg5[%dma_wait3A_436, %dma_wait3A_437] : memref<100000x8xf32, #tpu.memory_space<hbm>> -> memref<100000x8xf32, #tpu.memory_space<hbm>>
      tpu.wait_indirect_dma semaphore(%arg19 : memref<!tpu.dma_semaphore, #tpu.memory_space<semaphore_mem>>) src(%dma_wait3A_438 : memref<100000x8xf32, #tpu.memory_space<hbm>>) dst(%dma_wait3A_433 : memref<256x8xf32, #tpu.memory_space<vmem>>)
      %dma_wait3A_439 = arith.constant 256 : i32
      %dma_wait3A_440 = arith.constant 0 : i32
      %dma_wait3A_441 = tpu.memref_slice %arg13[%dma_wait3A_439, %dma_wait3A_440] : memref<1280x16xf32, #tpu.memory_space<vmem>> -> memref<256x16xf32, #tpu.memory_space<vmem>>
      %dma_wait3A_442 = arith.constant 256 : i32
      %dma_wait3A_443 = tpu.memref_slice %arg10[%dma_wait3A_442] : memref<1280xi32, #tpu.memory_space<vmem>> -> memref<256xi32, #tpu.memory_space<vmem>>
      %dma_wait3A_444 = arith.constant 0 : i32
      %dma_wait3A_445 = arith.constant 0 : i32
      %dma_wait3A_446 = tpu.memref_slice %arg4[%dma_wait3A_444, %dma_wait3A_445] : memref<204800x16xf32, #tpu.memory_space<hbm>> -> memref<204800x16xf32, #tpu.memory_space<hbm>>
      tpu.wait_indirect_dma semaphore(%arg19 : memref<!tpu.dma_semaphore, #tpu.memory_space<semaphore_mem>>) src(%dma_wait3A_446 : memref<204800x16xf32, #tpu.memory_space<hbm>>) dst(%dma_wait3A_441 : memref<256x16xf32, #tpu.memory_space<vmem>>)
      %dma_wait3A_447 = arith.constant 256 : i32
      %dma_wait3A_448 = arith.constant 0 : i32
      %dma_wait3A_449 = tpu.memref_slice %arg14[%dma_wait3A_447, %dma_wait3A_448] : memref<1280x8xf32, #tpu.memory_space<vmem>> -> memref<256x8xf32, #tpu.memory_space<vmem>>
      %dma_wait3A_450 = arith.constant 256 : i32
      %dma_wait3A_451 = tpu.memref_slice %arg9[%dma_wait3A_450] : memref<1280xi32, #tpu.memory_space<vmem>> -> memref<256xi32, #tpu.memory_space<vmem>>
      %dma_wait3A_452 = arith.constant 0 : i32
      %dma_wait3A_453 = arith.constant 0 : i32
      %dma_wait3A_454 = tpu.memref_slice %arg5[%dma_wait3A_452, %dma_wait3A_453] : memref<100000x8xf32, #tpu.memory_space<hbm>> -> memref<100000x8xf32, #tpu.memory_space<hbm>>
      tpu.wait_indirect_dma semaphore(%arg19 : memref<!tpu.dma_semaphore, #tpu.memory_space<semaphore_mem>>) src(%dma_wait3A_454 : memref<100000x8xf32, #tpu.memory_space<hbm>>) dst(%dma_wait3A_449 : memref<256x8xf32, #tpu.memory_space<vmem>>)
      %dma_wait3A_455 = arith.constant 512 : i32
      %dma_wait3A_456 = arith.constant 0 : i32
      %dma_wait3A_457 = tpu.memref_slice %arg13[%dma_wait3A_455, %dma_wait3A_456] : memref<1280x16xf32, #tpu.memory_space<vmem>> -> memref<256x16xf32, #tpu.memory_space<vmem>>
      %dma_wait3A_458 = arith.constant 512 : i32
      %dma_wait3A_459 = tpu.memref_slice %arg10[%dma_wait3A_458] : memref<1280xi32, #tpu.memory_space<vmem>> -> memref<256xi32, #tpu.memory_space<vmem>>
      %dma_wait3A_460 = arith.constant 0 : i32
      %dma_wait3A_461 = arith.constant 0 : i32
      %dma_wait3A_462 = tpu.memref_slice %arg4[%dma_wait3A_460, %dma_wait3A_461] : memref<204800x16xf32, #tpu.memory_space<hbm>> -> memref<204800x16xf32, #tpu.memory_space<hbm>>
      tpu.wait_indirect_dma semaphore(%arg19 : memref<!tpu.dma_semaphore, #tpu.memory_space<semaphore_mem>>) src(%dma_wait3A_462 : memref<204800x16xf32, #tpu.memory_space<hbm>>) dst(%dma_wait3A_457 : memref<256x16xf32, #tpu.memory_space<vmem>>)
      %dma_wait3A_463 = arith.constant 512 : i32
      %dma_wait3A_464 = arith.constant 0 : i32
      %dma_wait3A_465 = tpu.memref_slice %arg14[%dma_wait3A_463, %dma_wait3A_464] : memref<1280x8xf32, #tpu.memory_space<vmem>> -> memref<256x8xf32, #tpu.memory_space<vmem>>
      %dma_wait3A_466 = arith.constant 512 : i32
      %dma_wait3A_467 = tpu.memref_slice %arg9[%dma_wait3A_466] : memref<1280xi32, #tpu.memory_space<vmem>> -> memref<256xi32, #tpu.memory_space<vmem>>
      %dma_wait3A_468 = arith.constant 0 : i32
      %dma_wait3A_469 = arith.constant 0 : i32
      %dma_wait3A_470 = tpu.memref_slice %arg5[%dma_wait3A_468, %dma_wait3A_469] : memref<100000x8xf32, #tpu.memory_space<hbm>> -> memref<100000x8xf32, #tpu.memory_space<hbm>>
      tpu.wait_indirect_dma semaphore(%arg19 : memref<!tpu.dma_semaphore, #tpu.memory_space<semaphore_mem>>) src(%dma_wait3A_470 : memref<100000x8xf32, #tpu.memory_space<hbm>>) dst(%dma_wait3A_465 : memref<256x8xf32, #tpu.memory_space<vmem>>)
      %dma_wait3A_471 = arith.constant 768 : i32
      %dma_wait3A_472 = arith.constant 0 : i32
      %dma_wait3A_473 = tpu.memref_slice %arg13[%dma_wait3A_471, %dma_wait3A_472] : memref<1280x16xf32, #tpu.memory_space<vmem>> -> memref<256x16xf32, #tpu.memory_space<vmem>>
      %dma_wait3A_474 = arith.constant 768 : i32
      %dma_wait3A_475 = tpu.memref_slice %arg10[%dma_wait3A_474] : memref<1280xi32, #tpu.memory_space<vmem>> -> memref<256xi32, #tpu.memory_space<vmem>>
      %dma_wait3A_476 = arith.constant 0 : i32
      %dma_wait3A_477 = arith.constant 0 : i32
      %dma_wait3A_478 = tpu.memref_slice %arg4[%dma_wait3A_476, %dma_wait3A_477] : memref<204800x16xf32, #tpu.memory_space<hbm>> -> memref<204800x16xf32, #tpu.memory_space<hbm>>
      tpu.wait_indirect_dma semaphore(%arg19 : memref<!tpu.dma_semaphore, #tpu.memory_space<semaphore_mem>>) src(%dma_wait3A_478 : memref<204800x16xf32, #tpu.memory_space<hbm>>) dst(%dma_wait3A_473 : memref<256x16xf32, #tpu.memory_space<vmem>>)
      %dma_wait3A_479 = arith.constant 768 : i32
      %dma_wait3A_480 = arith.constant 0 : i32
      %dma_wait3A_481 = tpu.memref_slice %arg14[%dma_wait3A_479, %dma_wait3A_480] : memref<1280x8xf32, #tpu.memory_space<vmem>> -> memref<256x8xf32, #tpu.memory_space<vmem>>
      %dma_wait3A_482 = arith.constant 768 : i32
      %dma_wait3A_483 = tpu.memref_slice %arg9[%dma_wait3A_482] : memref<1280xi32, #tpu.memory_space<vmem>> -> memref<256xi32, #tpu.memory_space<vmem>>
      %dma_wait3A_484 = arith.constant 0 : i32
      %dma_wait3A_485 = arith.constant 0 : i32
      %dma_wait3A_486 = tpu.memref_slice %arg5[%dma_wait3A_484, %dma_wait3A_485] : memref<100000x8xf32, #tpu.memory_space<hbm>> -> memref<100000x8xf32, #tpu.memory_space<hbm>>
      tpu.wait_indirect_dma semaphore(%arg19 : memref<!tpu.dma_semaphore, #tpu.memory_space<semaphore_mem>>) src(%dma_wait3A_486 : memref<100000x8xf32, #tpu.memory_space<hbm>>) dst(%dma_wait3A_481 : memref<256x8xf32, #tpu.memory_space<vmem>>)
      %dma_wait3A_487 = arith.constant 1024 : i32
      %dma_wait3A_488 = arith.constant 0 : i32
      %dma_wait3A_489 = tpu.memref_slice %arg13[%dma_wait3A_487, %dma_wait3A_488] : memref<1280x16xf32, #tpu.memory_space<vmem>> -> memref<256x16xf32, #tpu.memory_space<vmem>>
      %dma_wait3A_490 = arith.constant 1024 : i32
      %dma_wait3A_491 = tpu.memref_slice %arg10[%dma_wait3A_490] : memref<1280xi32, #tpu.memory_space<vmem>> -> memref<256xi32, #tpu.memory_space<vmem>>
      %dma_wait3A_492 = arith.constant 0 : i32
      %dma_wait3A_493 = arith.constant 0 : i32
      %dma_wait3A_494 = tpu.memref_slice %arg4[%dma_wait3A_492, %dma_wait3A_493] : memref<204800x16xf32, #tpu.memory_space<hbm>> -> memref<204800x16xf32, #tpu.memory_space<hbm>>
      tpu.wait_indirect_dma semaphore(%arg19 : memref<!tpu.dma_semaphore, #tpu.memory_space<semaphore_mem>>) src(%dma_wait3A_494 : memref<204800x16xf32, #tpu.memory_space<hbm>>) dst(%dma_wait3A_489 : memref<256x16xf32, #tpu.memory_space<vmem>>)
      %dma_wait3A_495 = arith.constant 1024 : i32
      %dma_wait3A_496 = arith.constant 0 : i32
      %dma_wait3A_497 = tpu.memref_slice %arg14[%dma_wait3A_495, %dma_wait3A_496] : memref<1280x8xf32, #tpu.memory_space<vmem>> -> memref<256x8xf32, #tpu.memory_space<vmem>>
      %dma_wait3A_498 = arith.constant 1024 : i32
      %dma_wait3A_499 = tpu.memref_slice %arg9[%dma_wait3A_498] : memref<1280xi32, #tpu.memory_space<vmem>> -> memref<256xi32, #tpu.memory_space<vmem>>
      %dma_wait3A_500 = arith.constant 0 : i32
      %dma_wait3A_501 = arith.constant 0 : i32
      %dma_wait3A_502 = tpu.memref_slice %arg5[%dma_wait3A_500, %dma_wait3A_501] : memref<100000x8xf32, #tpu.memory_space<hbm>> -> memref<100000x8xf32, #tpu.memory_space<hbm>>
      tpu.wait_indirect_dma semaphore(%arg19 : memref<!tpu.dma_semaphore, #tpu.memory_space<semaphore_mem>>) src(%dma_wait3A_502 : memref<100000x8xf32, #tpu.memory_space<hbm>>) dst(%dma_wait3A_497 : memref<256x8xf32, #tpu.memory_space<vmem>>)
      %add3A_503 = arith.constant 1 : i32
      %add3A_504 = arith.addi %add3A_422, %add3A_503 : i32
      %sub3A_505 = arith.constant 1 : i32
      %sub3A_506 = arith.subi %select_n3A, %sub3A_505 : i32
      %min3A_507 = arith.minsi %add3A_504, %sub3A_506 : i32
      %mul3A_508 = arith.constant 1280 : i32
      %mul3A_509 = arith.muli %min3A_507, %mul3A_508 : i32
      %add3A_510 = arith.addi %mul3A_13, %mul3A_509 : i32
      %dma_wait3A_511 = tpu.memref_slice %arg2[%add3A_510] : memref<1638400xi32, #tpu.memory_space<hbm>> -> memref<1280xi32, #tpu.memory_space<hbm>>
      %dma_wait3A_512 = tpu.memref_slice %arg2[%add3A_510] : memref<1638400xi32, #tpu.memory_space<hbm>> -> memref<1280xi32, #tpu.memory_space<hbm>>
      tpu.wait_dma2 semaphore(%arg16 : memref<!tpu.dma_semaphore, #tpu.memory_space<semaphore_mem>>) src(%dma_wait3A_512 : memref<1280xi32, #tpu.memory_space<hbm>>) dst(%arg7 : memref<1280xi32, #tpu.memory_space<vmem>>)
      %dma_wait3A_513 = tpu.memref_slice %arg3[%add3A_510] : memref<1638400xi32, #tpu.memory_space<hbm>> -> memref<1280xi32, #tpu.memory_space<hbm>>
      %dma_wait3A_514 = tpu.memref_slice %arg3[%add3A_510] : memref<1638400xi32, #tpu.memory_space<hbm>> -> memref<1280xi32, #tpu.memory_space<hbm>>
      tpu.wait_dma2 semaphore(%arg16 : memref<!tpu.dma_semaphore, #tpu.memory_space<semaphore_mem>>) src(%dma_wait3A_514 : memref<1280xi32, #tpu.memory_space<hbm>>) dst(%arg8 : memref<1280xi32, #tpu.memory_space<vmem>>)
      %dma_start3A_515 = arith.constant 0 : i32
      %dma_start3A_516 = arith.constant 0 : i32
      %dma_start3A_517 = tpu.memref_slice %arg11[%dma_start3A_515, %dma_start3A_516] : memref<1280x16xf32, #tpu.memory_space<vmem>> -> memref<256x16xf32, #tpu.memory_space<vmem>>
      %dma_start3A_518 = arith.constant 0 : i32
      %dma_start3A_519 = tpu.memref_slice %arg8[%dma_start3A_518] : memref<1280xi32, #tpu.memory_space<vmem>> -> memref<256xi32, #tpu.memory_space<vmem>>
      %dma_start3A_520 = arith.constant 0 : i32
      %dma_start3A_521 = arith.constant 0 : i32
      %dma_start3A_522 = tpu.memref_slice %arg4[%dma_start3A_520, %dma_start3A_521] : memref<204800x16xf32, #tpu.memory_space<hbm>> -> memref<204800x16xf32, #tpu.memory_space<hbm>>
      tpu.enqueue_indirect_dma source(%dma_start3A_522 : memref<204800x16xf32, #tpu.memory_space<hbm>>) target(%dma_start3A_517 : memref<256x16xf32, #tpu.memory_space<vmem>>) offsets(%dma_start3A_519 : memref<256xi32, #tpu.memory_space<vmem>>) semaphore(%arg18 : memref<!tpu.dma_semaphore, #tpu.memory_space<semaphore_mem>>)
      %dma_start3A_523 = arith.constant 0 : i32
      %dma_start3A_524 = arith.constant 0 : i32
      %dma_start3A_525 = tpu.memref_slice %arg12[%dma_start3A_523, %dma_start3A_524] : memref<1280x8xf32, #tpu.memory_space<vmem>> -> memref<256x8xf32, #tpu.memory_space<vmem>>
      %dma_start3A_526 = arith.constant 0 : i32
      %dma_start3A_527 = tpu.memref_slice %arg7[%dma_start3A_526] : memref<1280xi32, #tpu.memory_space<vmem>> -> memref<256xi32, #tpu.memory_space<vmem>>
      %dma_start3A_528 = arith.constant 0 : i32
      %dma_start3A_529 = arith.constant 0 : i32
      %dma_start3A_530 = tpu.memref_slice %arg5[%dma_start3A_528, %dma_start3A_529] : memref<100000x8xf32, #tpu.memory_space<hbm>> -> memref<100000x8xf32, #tpu.memory_space<hbm>>
      tpu.enqueue_indirect_dma source(%dma_start3A_530 : memref<100000x8xf32, #tpu.memory_space<hbm>>) target(%dma_start3A_525 : memref<256x8xf32, #tpu.memory_space<vmem>>) offsets(%dma_start3A_527 : memref<256xi32, #tpu.memory_space<vmem>>) semaphore(%arg18 : memref<!tpu.dma_semaphore, #tpu.memory_space<semaphore_mem>>)
      %dma_start3A_531 = arith.constant 256 : i32
      %dma_start3A_532 = arith.constant 0 : i32
      %dma_start3A_533 = tpu.memref_slice %arg11[%dma_start3A_531, %dma_start3A_532] : memref<1280x16xf32, #tpu.memory_space<vmem>> -> memref<256x16xf32, #tpu.memory_space<vmem>>
      %dma_start3A_534 = arith.constant 256 : i32
      %dma_start3A_535 = tpu.memref_slice %arg8[%dma_start3A_534] : memref<1280xi32, #tpu.memory_space<vmem>> -> memref<256xi32, #tpu.memory_space<vmem>>
      %dma_start3A_536 = arith.constant 0 : i32
      %dma_start3A_537 = arith.constant 0 : i32
      %dma_start3A_538 = tpu.memref_slice %arg4[%dma_start3A_536, %dma_start3A_537] : memref<204800x16xf32, #tpu.memory_space<hbm>> -> memref<204800x16xf32, #tpu.memory_space<hbm>>
      tpu.enqueue_indirect_dma source(%dma_start3A_538 : memref<204800x16xf32, #tpu.memory_space<hbm>>) target(%dma_start3A_533 : memref<256x16xf32, #tpu.memory_space<vmem>>) offsets(%dma_start3A_535 : memref<256xi32, #tpu.memory_space<vmem>>) semaphore(%arg18 : memref<!tpu.dma_semaphore, #tpu.memory_space<semaphore_mem>>)
      %dma_start3A_539 = arith.constant 256 : i32
      %dma_start3A_540 = arith.constant 0 : i32
      %dma_start3A_541 = tpu.memref_slice %arg12[%dma_start3A_539, %dma_start3A_540] : memref<1280x8xf32, #tpu.memory_space<vmem>> -> memref<256x8xf32, #tpu.memory_space<vmem>>
      %dma_start3A_542 = arith.constant 256 : i32
      %dma_start3A_543 = tpu.memref_slice %arg7[%dma_start3A_542] : memref<1280xi32, #tpu.memory_space<vmem>> -> memref<256xi32, #tpu.memory_space<vmem>>
      %dma_start3A_544 = arith.constant 0 : i32
      %dma_start3A_545 = arith.constant 0 : i32
      %dma_start3A_546 = tpu.memref_slice %arg5[%dma_start3A_544, %dma_start3A_545] : memref<100000x8xf32, #tpu.memory_space<hbm>> -> memref<100000x8xf32, #tpu.memory_space<hbm>>
      tpu.enqueue_indirect_dma source(%dma_start3A_546 : memref<100000x8xf32, #tpu.memory_space<hbm>>) target(%dma_start3A_541 : memref<256x8xf32, #tpu.memory_space<vmem>>) offsets(%dma_start3A_543 : memref<256xi32, #tpu.memory_space<vmem>>) semaphore(%arg18 : memref<!tpu.dma_semaphore, #tpu.memory_space<semaphore_mem>>)
      %dma_start3A_547 = arith.constant 512 : i32
      %dma_start3A_548 = arith.constant 0 : i32
      %dma_start3A_549 = tpu.memref_slice %arg11[%dma_start3A_547, %dma_start3A_548] : memref<1280x16xf32, #tpu.memory_space<vmem>> -> memref<256x16xf32, #tpu.memory_space<vmem>>
      %dma_start3A_550 = arith.constant 512 : i32
      %dma_start3A_551 = tpu.memref_slice %arg8[%dma_start3A_550] : memref<1280xi32, #tpu.memory_space<vmem>> -> memref<256xi32, #tpu.memory_space<vmem>>
      %dma_start3A_552 = arith.constant 0 : i32
      %dma_start3A_553 = arith.constant 0 : i32
      %dma_start3A_554 = tpu.memref_slice %arg4[%dma_start3A_552, %dma_start3A_553] : memref<204800x16xf32, #tpu.memory_space<hbm>> -> memref<204800x16xf32, #tpu.memory_space<hbm>>
      tpu.enqueue_indirect_dma source(%dma_start3A_554 : memref<204800x16xf32, #tpu.memory_space<hbm>>) target(%dma_start3A_549 : memref<256x16xf32, #tpu.memory_space<vmem>>) offsets(%dma_start3A_551 : memref<256xi32, #tpu.memory_space<vmem>>) semaphore(%arg18 : memref<!tpu.dma_semaphore, #tpu.memory_space<semaphore_mem>>)
      %dma_start3A_555 = arith.constant 512 : i32
      %dma_start3A_556 = arith.constant 0 : i32
      %dma_start3A_557 = tpu.memref_slice %arg12[%dma_start3A_555, %dma_start3A_556] : memref<1280x8xf32, #tpu.memory_space<vmem>> -> memref<256x8xf32, #tpu.memory_space<vmem>>
      %dma_start3A_558 = arith.constant 512 : i32
      %dma_start3A_559 = tpu.memref_slice %arg7[%dma_start3A_558] : memref<1280xi32, #tpu.memory_space<vmem>> -> memref<256xi32, #tpu.memory_space<vmem>>
      %dma_start3A_560 = arith.constant 0 : i32
      %dma_start3A_561 = arith.constant 0 : i32
      %dma_start3A_562 = tpu.memref_slice %arg5[%dma_start3A_560, %dma_start3A_561] : memref<100000x8xf32, #tpu.memory_space<hbm>> -> memref<100000x8xf32, #tpu.memory_space<hbm>>
      tpu.enqueue_indirect_dma source(%dma_start3A_562 : memref<100000x8xf32, #tpu.memory_space<hbm>>) target(%dma_start3A_557 : memref<256x8xf32, #tpu.memory_space<vmem>>) offsets(%dma_start3A_559 : memref<256xi32, #tpu.memory_space<vmem>>) semaphore(%arg18 : memref<!tpu.dma_semaphore, #tpu.memory_space<semaphore_mem>>)
      %dma_start3A_563 = arith.constant 768 : i32
      %dma_start3A_564 = arith.constant 0 : i32
      %dma_start3A_565 = tpu.memref_slice %arg11[%dma_start3A_563, %dma_start3A_564] : memref<1280x16xf32, #tpu.memory_space<vmem>> -> memref<256x16xf32, #tpu.memory_space<vmem>>
      %dma_start3A_566 = arith.constant 768 : i32
      %dma_start3A_567 = tpu.memref_slice %arg8[%dma_start3A_566] : memref<1280xi32, #tpu.memory_space<vmem>> -> memref<256xi32, #tpu.memory_space<vmem>>
      %dma_start3A_568 = arith.constant 0 : i32
      %dma_start3A_569 = arith.constant 0 : i32
      %dma_start3A_570 = tpu.memref_slice %arg4[%dma_start3A_568, %dma_start3A_569] : memref<204800x16xf32, #tpu.memory_space<hbm>> -> memref<204800x16xf32, #tpu.memory_space<hbm>>
      tpu.enqueue_indirect_dma source(%dma_start3A_570 : memref<204800x16xf32, #tpu.memory_space<hbm>>) target(%dma_start3A_565 : memref<256x16xf32, #tpu.memory_space<vmem>>) offsets(%dma_start3A_567 : memref<256xi32, #tpu.memory_space<vmem>>) semaphore(%arg18 : memref<!tpu.dma_semaphore, #tpu.memory_space<semaphore_mem>>)
      %dma_start3A_571 = arith.constant 768 : i32
      %dma_start3A_572 = arith.constant 0 : i32
      %dma_start3A_573 = tpu.memref_slice %arg12[%dma_start3A_571, %dma_start3A_572] : memref<1280x8xf32, #tpu.memory_space<vmem>> -> memref<256x8xf32, #tpu.memory_space<vmem>>
      %dma_start3A_574 = arith.constant 768 : i32
      %dma_start3A_575 = tpu.memref_slice %arg7[%dma_start3A_574] : memref<1280xi32, #tpu.memory_space<vmem>> -> memref<256xi32, #tpu.memory_space<vmem>>
      %dma_start3A_576 = arith.constant 0 : i32
      %dma_start3A_577 = arith.constant 0 : i32
      %dma_start3A_578 = tpu.memref_slice %arg5[%dma_start3A_576, %dma_start3A_577] : memref<100000x8xf32, #tpu.memory_space<hbm>> -> memref<100000x8xf32, #tpu.memory_space<hbm>>
      tpu.enqueue_indirect_dma source(%dma_start3A_578 : memref<100000x8xf32, #tpu.memory_space<hbm>>) target(%dma_start3A_573 : memref<256x8xf32, #tpu.memory_space<vmem>>) offsets(%dma_start3A_575 : memref<256xi32, #tpu.memory_space<vmem>>) semaphore(%arg18 : memref<!tpu.dma_semaphore, #tpu.memory_space<semaphore_mem>>)
      %dma_start3A_579 = arith.constant 1024 : i32
      %dma_start3A_580 = arith.constant 0 : i32
      %dma_start3A_581 = tpu.memref_slice %arg11[%dma_start3A_579, %dma_start3A_580] : memref<1280x16xf32, #tpu.memory_space<vmem>> -> memref<256x16xf32, #tpu.memory_space<vmem>>
      %dma_start3A_582 = arith.constant 1024 : i32
      %dma_start3A_583 = tpu.memref_slice %arg8[%dma_start3A_582] : memref<1280xi32, #tpu.memory_space<vmem>> -> memref<256xi32, #tpu.memory_space<vmem>>
      %dma_start3A_584 = arith.constant 0 : i32
      %dma_start3A_585 = arith.constant 0 : i32
      %dma_start3A_586 = tpu.memref_slice %arg4[%dma_start3A_584, %dma_start3A_585] : memref<204800x16xf32, #tpu.memory_space<hbm>> -> memref<204800x16xf32, #tpu.memory_space<hbm>>
      tpu.enqueue_indirect_dma source(%dma_start3A_586 : memref<204800x16xf32, #tpu.memory_space<hbm>>) target(%dma_start3A_581 : memref<256x16xf32, #tpu.memory_space<vmem>>) offsets(%dma_start3A_583 : memref<256xi32, #tpu.memory_space<vmem>>) semaphore(%arg18 : memref<!tpu.dma_semaphore, #tpu.memory_space<semaphore_mem>>)
      %dma_start3A_587 = arith.constant 1024 : i32
      %dma_start3A_588 = arith.constant 0 : i32
      %dma_start3A_589 = tpu.memref_slice %arg12[%dma_start3A_587, %dma_start3A_588] : memref<1280x8xf32, #tpu.memory_space<vmem>> -> memref<256x8xf32, #tpu.memory_space<vmem>>
      %dma_start3A_590 = arith.constant 1024 : i32
      %dma_start3A_591 = tpu.memref_slice %arg7[%dma_start3A_590] : memref<1280xi32, #tpu.memory_space<vmem>> -> memref<256xi32, #tpu.memory_space<vmem>>
      %dma_start3A_592 = arith.constant 0 : i32
      %dma_start3A_593 = arith.constant 0 : i32
      %dma_start3A_594 = tpu.memref_slice %arg5[%dma_start3A_592, %dma_start3A_593] : memref<100000x8xf32, #tpu.memory_space<hbm>> -> memref<100000x8xf32, #tpu.memory_space<hbm>>
      tpu.enqueue_indirect_dma source(%dma_start3A_594 : memref<100000x8xf32, #tpu.memory_space<hbm>>) target(%dma_start3A_589 : memref<256x8xf32, #tpu.memory_space<vmem>>) offsets(%dma_start3A_591 : memref<256xi32, #tpu.memory_space<vmem>>) semaphore(%arg18 : memref<!tpu.dma_semaphore, #tpu.memory_space<semaphore_mem>>)
      %add3A_595 = arith.constant 2 : i32
      %add3A_596 = arith.addi %add3A_422, %add3A_595 : i32
      %sub3A_597 = arith.constant 1 : i32
      %sub3A_598 = arith.subi %select_n3A, %sub3A_597 : i32
      %min3A_599 = arith.minsi %add3A_596, %sub3A_598 : i32
      %mul3A_600 = arith.constant 1280 : i32
      %mul3A_601 = arith.muli %min3A_599, %mul3A_600 : i32
      %add3A_602 = arith.addi %mul3A_13, %mul3A_601 : i32
      %dma_start3A_603 = tpu.memref_slice %arg2[%add3A_602] : memref<1638400xi32, #tpu.memory_space<hbm>> -> memref<1280xi32, #tpu.memory_space<hbm>>
      %dma_start3A_604 = tpu.memref_slice %arg2[%add3A_602] : memref<1638400xi32, #tpu.memory_space<hbm>> -> memref<1280xi32, #tpu.memory_space<hbm>>
      tpu.enqueue_dma source(%dma_start3A_604 : memref<1280xi32, #tpu.memory_space<hbm>>) target(%arg9 : memref<1280xi32, #tpu.memory_space<vmem>>) target_semaphore(%arg17 : memref<!tpu.dma_semaphore, #tpu.memory_space<semaphore_mem>>)
      %dma_start3A_605 = tpu.memref_slice %arg3[%add3A_602] : memref<1638400xi32, #tpu.memory_space<hbm>> -> memref<1280xi32, #tpu.memory_space<hbm>>
      %dma_start3A_606 = tpu.memref_slice %arg3[%add3A_602] : memref<1638400xi32, #tpu.memory_space<hbm>> -> memref<1280xi32, #tpu.memory_space<hbm>>
      tpu.enqueue_dma source(%dma_start3A_606 : memref<1280xi32, #tpu.memory_space<hbm>>) target(%arg10 : memref<1280xi32, #tpu.memory_space<vmem>>) target_semaphore(%arg17 : memref<!tpu.dma_semaphore, #tpu.memory_space<semaphore_mem>>)
      %mul3A_607 = arith.constant 1280 : i32
      %mul3A_608 = arith.muli %add3A_422, %mul3A_607 : i32
      %add3A_609 = arith.addi %mul3A_13, %mul3A_608 : i32
      %scan3A_610 = arith.constant 0 : i32
      %scan3A_611 = arith.constant 0 : i32
      %scan3A_612 = arith.constant 80 : i32
      %scan3A_613 = arith.addi %scan3A_611, %scan3A_612 : i32
      %scan3A_614 = arith.constant 1 : i32
      scf.for %scan3A_616 = %scan3A_611 to %scan3A_613 step %scan3A_614  : i32 {
        %mul3A_617 = arith.constant 16 : i32
        %mul3A_618 = arith.muli %scan3A_616, %mul3A_617 : i32
        %add3A_619 = vector.broadcast %mul3A_618 : i32 to vector<16xi32>
        %add3A_620 = arith.addi %add3A_619, %iota3A : vector<16xi32>
        %broadcast_in_dim3A_621 = arith.constant 0 : i32
        %broadcast_in_dim3A_622 = vector.broadcast %broadcast_in_dim3A_621 : i32 to vector<16xi32>
        %gather3A = tpu.vector_load_idx %arg13[%add3A_620, %broadcast_in_dim3A_622] : memref<1280x16xf32, #tpu.memory_space<vmem>>[vector<16xi32>, vector<16xi32>], vector<16xf32>,
        %broadcast_in_dim3A_623 = arith.constant 1 : i32
        %broadcast_in_dim3A_624 = vector.broadcast %broadcast_in_dim3A_623 : i32 to vector<16xi32>
        %gather3A_625 = tpu.vector_load_idx %arg13[%add3A_620, %broadcast_in_dim3A_624] : memref<1280x16xf32, #tpu.memory_space<vmem>>[vector<16xi32>, vector<16xi32>], vector<16xf32>,
        %broadcast_in_dim3A_626 = arith.constant 2 : i32
        %broadcast_in_dim3A_627 = vector.broadcast %broadcast_in_dim3A_626 : i32 to vector<16xi32>
        %gather3A_628 = tpu.vector_load_idx %arg13[%add3A_620, %broadcast_in_dim3A_627] : memref<1280x16xf32, #tpu.memory_space<vmem>>[vector<16xi32>, vector<16xi32>], vector<16xf32>,
        %broadcast_in_dim3A_629 = arith.constant 3 : i32
        %broadcast_in_dim3A_630 = vector.broadcast %broadcast_in_dim3A_629 : i32 to vector<16xi32>
        %gather3A_631 = tpu.vector_load_idx %arg13[%add3A_620, %broadcast_in_dim3A_630] : memref<1280x16xf32, #tpu.memory_space<vmem>>[vector<16xi32>, vector<16xi32>], vector<16xf32>,
        %broadcast_in_dim3A_632 = arith.constant 4 : i32
        %broadcast_in_dim3A_633 = vector.broadcast %broadcast_in_dim3A_632 : i32 to vector<16xi32>
        %gather3A_634 = tpu.vector_load_idx %arg13[%add3A_620, %broadcast_in_dim3A_633] : memref<1280x16xf32, #tpu.memory_space<vmem>>[vector<16xi32>, vector<16xi32>], vector<16xf32>,
        %broadcast_in_dim3A_635 = arith.constant 5 : i32
        %broadcast_in_dim3A_636 = vector.broadcast %broadcast_in_dim3A_635 : i32 to vector<16xi32>
        %gather3A_637 = tpu.vector_load_idx %arg13[%add3A_620, %broadcast_in_dim3A_636] : memref<1280x16xf32, #tpu.memory_space<vmem>>[vector<16xi32>, vector<16xi32>], vector<16xf32>,
        %broadcast_in_dim3A_638 = arith.constant 6 : i32
        %broadcast_in_dim3A_639 = vector.broadcast %broadcast_in_dim3A_638 : i32 to vector<16xi32>
        %gather3A_640 = tpu.vector_load_idx %arg13[%add3A_620, %broadcast_in_dim3A_639] : memref<1280x16xf32, #tpu.memory_space<vmem>>[vector<16xi32>, vector<16xi32>], vector<16xf32>,
        %broadcast_in_dim3A_641 = arith.constant 7 : i32
        %broadcast_in_dim3A_642 = vector.broadcast %broadcast_in_dim3A_641 : i32 to vector<16xi32>
        %gather3A_643 = tpu.vector_load_idx %arg13[%add3A_620, %broadcast_in_dim3A_642] : memref<1280x16xf32, #tpu.memory_space<vmem>>[vector<16xi32>, vector<16xi32>], vector<16xf32>,
        %broadcast_in_dim3A_644 = arith.constant 8 : i32
        %broadcast_in_dim3A_645 = vector.broadcast %broadcast_in_dim3A_644 : i32 to vector<16xi32>
        %gather3A_646 = tpu.vector_load_idx %arg13[%add3A_620, %broadcast_in_dim3A_645] : memref<1280x16xf32, #tpu.memory_space<vmem>>[vector<16xi32>, vector<16xi32>], vector<16xf32>,
        %broadcast_in_dim3A_647 = arith.constant 0 : i32
        %broadcast_in_dim3A_648 = vector.broadcast %broadcast_in_dim3A_647 : i32 to vector<16xi32>
        %gather3A_649 = tpu.vector_load_idx %arg14[%add3A_620, %broadcast_in_dim3A_648] : memref<1280x8xf32, #tpu.memory_space<vmem>>[vector<16xi32>, vector<16xi32>], vector<16xf32>,
        %broadcast_in_dim3A_650 = arith.constant 1 : i32
        %broadcast_in_dim3A_651 = vector.broadcast %broadcast_in_dim3A_650 : i32 to vector<16xi32>
        %gather3A_652 = tpu.vector_load_idx %arg14[%add3A_620, %broadcast_in_dim3A_651] : memref<1280x8xf32, #tpu.memory_space<vmem>>[vector<16xi32>, vector<16xi32>], vector<16xf32>,
        %broadcast_in_dim3A_653 = arith.constant 2 : i32
        %broadcast_in_dim3A_654 = vector.broadcast %broadcast_in_dim3A_653 : i32 to vector<16xi32>
        %gather3A_655 = tpu.vector_load_idx %arg14[%add3A_620, %broadcast_in_dim3A_654] : memref<1280x8xf32, #tpu.memory_space<vmem>>[vector<16xi32>, vector<16xi32>], vector<16xf32>,
        %broadcast_in_dim3A_656 = arith.constant 3 : i32
        %broadcast_in_dim3A_657 = vector.broadcast %broadcast_in_dim3A_656 : i32 to vector<16xi32>
        %gather3A_658 = tpu.vector_load_idx %arg14[%add3A_620, %broadcast_in_dim3A_657] : memref<1280x8xf32, #tpu.memory_space<vmem>>[vector<16xi32>, vector<16xi32>], vector<16xf32>,
        %broadcast_in_dim3A_659 = arith.constant 4 : i32
        %broadcast_in_dim3A_660 = vector.broadcast %broadcast_in_dim3A_659 : i32 to vector<16xi32>
        %gather3A_661 = tpu.vector_load_idx %arg14[%add3A_620, %broadcast_in_dim3A_660] : memref<1280x8xf32, #tpu.memory_space<vmem>>[vector<16xi32>, vector<16xi32>], vector<16xf32>,
        %broadcast_in_dim3A_662 = arith.constant 5 : i32
        %broadcast_in_dim3A_663 = vector.broadcast %broadcast_in_dim3A_662 : i32 to vector<16xi32>
        %gather3A_664 = tpu.vector_load_idx %arg14[%add3A_620, %broadcast_in_dim3A_663] : memref<1280x8xf32, #tpu.memory_space<vmem>>[vector<16xi32>, vector<16xi32>], vector<16xf32>,
        %broadcast_in_dim3A_665 = arith.constant 6 : i32
        %broadcast_in_dim3A_666 = vector.broadcast %broadcast_in_dim3A_665 : i32 to vector<16xi32>
        %gather3A_667 = tpu.vector_load_idx %arg14[%add3A_620, %broadcast_in_dim3A_666] : memref<1280x8xf32, #tpu.memory_space<vmem>>[vector<16xi32>, vector<16xi32>], vector<16xf32>,
        %mul3A_668 = arith.mulf %gather3A_649, %gather3A : vector<16xf32>
        %mul3A_669 = arith.mulf %gather3A_652, %gather3A_625 : vector<16xf32>
        %add3A_670 = arith.addf %mul3A_668, %mul3A_669 : vector<16xf32>
        %mul3A_671 = arith.mulf %gather3A_655, %gather3A_628 : vector<16xf32>
        %add3A_672 = arith.addf %add3A_670, %mul3A_671 : vector<16xf32>
        %sub3A_673 = arith.subf %add3A_672, %gather3A_631 : vector<16xf32>
        %mul3A_674 = arith.mulf %gather3A_661, %gather3A_634 : vector<16xf32>
        %mul3A_675 = arith.mulf %gather3A_664, %gather3A_637 : vector<16xf32>
        %add3A_676 = arith.addf %mul3A_674, %mul3A_675 : vector<16xf32>
        %mul3A_677 = arith.mulf %gather3A_667, %gather3A_640 : vector<16xf32>
        %add3A_678 = arith.addf %add3A_676, %mul3A_677 : vector<16xf32>
        %sub3A_679 = arith.subf %add3A_678, %gather3A_643 : vector<16xf32>
        %abs3A = math.absf %sub3A_673 : vector<16xf32>
        %lt3A = arith.constant 1.000000e+00 : f32
        %lt3A_680 = vector.broadcast %lt3A : f32 to vector<16xf32>
        %lt3A_681 = arith.cmpf olt, %abs3A, %lt3A_680 : vector<16xf32>
        %sign3A_682 = tpu.bitcast %sub3A_673 : vector<16xf32> -> vector<16xi32>
        %sign3A_683 = arith.constant -2147483648 : i32
        %sign3A_684 = vector.broadcast %sign3A_683 : i32 to vector<16xi32>
        %sign3A_685 = arith.andi %sign3A_682, %sign3A_684 : vector<16xi32>
        %sign3A_686 = arith.constant 1065353216 : i32
        %sign3A_687 = vector.broadcast %sign3A_686 : i32 to vector<16xi32>
        %sign3A_688 = arith.ori %sign3A_687, %sign3A_685 : vector<16xi32>
        %sign3A_689 = tpu.bitcast %sign3A_688 : vector<16xi32> -> vector<16xf32>
        %sign3A_690 = math.absf %sub3A_673 : vector<16xf32>
        %sign3A_691 = arith.constant 0.000000e+00 : f32
        %sign3A_692 = vector.broadcast %sign3A_691 : f32 to vector<16xf32>
        %sign3A_693 = arith.cmpf ogt, %sign3A_690, %sign3A_692 : vector<16xf32>
        %sign3A_694 = arith.select %sign3A_693, %sign3A_689, %sub3A_673 : vector<16xi1>, vector<16xf32>
        %mul3A_695 = arith.mulf %sub3A_679, %sign3A_694 : vector<16xf32>
        %sub3A_696 = arith.constant 1.000000e-01 : f32
        %sub3A_697 = vector.broadcast %sub3A_696 : f32 to vector<16xf32>
        %sub3A_698 = arith.subf %sub3A_697, %mul3A_695 : vector<16xf32>
        %max3A = arith.constant 0.000000e+00 : f32
        %max3A_699 = vector.broadcast %max3A : f32 to vector<16xf32>
        %max3A_700 = arith.maximumf %sub3A_698, %max3A_699 : vector<16xf32>
        %eq3A_701 = arith.constant 3.000000e+00 : f32
        %eq3A_702 = vector.broadcast %eq3A_701 : f32 to vector<16xf32>
        %eq3A_703 = arith.cmpf oeq, %gather3A_658, %eq3A_702 : vector<16xf32>
        %jit3A_704 = arith.constant 1.000000e+01 : f32
        %jit3A_705 = arith.constant 1.000000e+00 : f32
        %broadcast_in_dim3A_706 = vector.broadcast %jit3A_704 : f32 to vector<16xf32>
        %broadcast_in_dim3A_707 = vector.broadcast %jit3A_705 : f32 to vector<16xf32>
        %select_n3A_708 = arith.select %eq3A_703, %broadcast_in_dim3A_706, %broadcast_in_dim3A_707 : vector<16xi1>, vector<16xf32>
        %max3A_709 = arith.maximumf %gather3A_646, %select_n3A_708 : vector<16xf32>
        %mul3A_710 = arith.mulf %max3A_700, %max3A_709 : vector<16xf32>
        %add3A_711 = vector.broadcast %add3A_609 : i32 to vector<16xi32>
        %add3A_712 = arith.addi %add3A_711, %add3A_620 : vector<16xi32>
        %lt3A_713 = arith.constant 1600000 : i32
        %lt3A_714 = vector.broadcast %lt3A_713 : i32 to vector<16xi32>
        %lt3A_715 = arith.cmpi slt, %add3A_712, %lt3A_714 : vector<16xi32>
        %get3A = arith.constant 0 : index
        %get3A_716 = tpu.vector_load %arg15[%get3A] {strides = array<i32>} : memref<16xf32, #tpu.memory_space<vmem>>, vector<16xf32>,
        %and3A_717 = arith.andi %lt3A_681, %lt3A_715 : vector<16xi1>
        %mul3A_718 = arith.mulf %mul3A_710, %mul3A_710 : vector<16xf32>
        %mul3A_719 = arith.mulf %mul3A_718, %mul3A_710 : vector<16xf32>
        %jit3A_720 = arith.constant 0.000000e+00 : f32
        %broadcast_in_dim3A_721 = vector.broadcast %jit3A_720 : f32 to vector<16xf32>
        %select_n3A_722 = arith.select %and3A_717, %mul3A_719, %broadcast_in_dim3A_721 : vector<16xi1>, vector<16xf32>
        %add3A_723 = arith.addf %get3A_716, %select_n3A_722 : vector<16xf32>
        %swap3A_724 = arith.constant 0 : index
        %swap3A_725 = tpu.vector_load %arg15[%swap3A_724] {strides = array<i32>} : memref<16xf32, #tpu.memory_space<vmem>>, vector<16xf32>,
        tpu.vector_store %arg15[%swap3A_724], %add3A_723 {strides = array<i32>} : memref<16xf32, #tpu.memory_space<vmem>>, vector<16xf32>,
      }
      %scan3A_615 = arith.constant 80 : i32
    }
    %while3A_138 = arith.constant 1 : i32
    scf.for %while3A_225 = %while3A_136 to %while3A_132 step %while3A_138  : i32 {
      %mul3A_226 = arith.constant 2 : i32
      %mul3A_227 = arith.muli %while3A_225, %mul3A_226 : i32
      %add3A_228 = arith.constant 0 : i32
      %add3A_229 = arith.addi %mul3A_227, %add3A_228 : i32
      %dma_wait3A_230 = arith.constant 0 : i32
      %dma_wait3A_231 = arith.constant 0 : i32
      %dma_wait3A_232 = tpu.memref_slice %arg11[%dma_wait3A_230, %dma_wait3A_231] : memref<1280x16xf32, #tpu.memory_space<vmem>> -> memref<256x16xf32, #tpu.memory_space<vmem>>
      %dma_wait3A_233 = arith.constant 0 : i32
      %dma_wait3A_234 = tpu.memref_slice %arg8[%dma_wait3A_233] : memref<1280xi32, #tpu.memory_space<vmem>> -> memref<256xi32, #tpu.memory_space<vmem>>
      %dma_wait3A_235 = arith.constant 0 : i32
      %dma_wait3A_236 = arith.constant 0 : i32
      %dma_wait3A_237 = tpu.memref_slice %arg4[%dma_wait3A_235, %dma_wait3A_236] : memref<204800x16xf32, #tpu.memory_space<hbm>> -> memref<204800x16xf32, #tpu.memory_space<hbm>>
      tpu.wait_indirect_dma semaphore(%arg18 : memref<!tpu.dma_semaphore, #tpu.memory_space<semaphore_mem>>) src(%dma_wait3A_237 : memref<204800x16xf32, #tpu.memory_space<hbm>>) dst(%dma_wait3A_232 : memref<256x16xf32, #tpu.memory_space<vmem>>)
      %dma_wait3A_238 = arith.constant 0 : i32
      %dma_wait3A_239 = arith.constant 0 : i32
      %dma_wait3A_240 = tpu.memref_slice %arg12[%dma_wait3A_238, %dma_wait3A_239] : memref<1280x8xf32, #tpu.memory_space<vmem>> -> memref<256x8xf32, #tpu.memory_space<vmem>>
      %dma_wait3A_241 = arith.constant 0 : i32
      %dma_wait3A_242 = tpu.memref_slice %arg7[%dma_wait3A_241] : memref<1280xi32, #tpu.memory_space<vmem>> -> memref<256xi32, #tpu.memory_space<vmem>>
      %dma_wait3A_243 = arith.constant 0 : i32
      %dma_wait3A_244 = arith.constant 0 : i32
      %dma_wait3A_245 = tpu.memref_slice %arg5[%dma_wait3A_243, %dma_wait3A_244] : memref<100000x8xf32, #tpu.memory_space<hbm>> -> memref<100000x8xf32, #tpu.memory_space<hbm>>
      tpu.wait_indirect_dma semaphore(%arg18 : memref<!tpu.dma_semaphore, #tpu.memory_space<semaphore_mem>>) src(%dma_wait3A_245 : memref<100000x8xf32, #tpu.memory_space<hbm>>) dst(%dma_wait3A_240 : memref<256x8xf32, #tpu.memory_space<vmem>>)
      %dma_wait3A_246 = arith.constant 256 : i32
      %dma_wait3A_247 = arith.constant 0 : i32
      %dma_wait3A_248 = tpu.memref_slice %arg11[%dma_wait3A_246, %dma_wait3A_247] : memref<1280x16xf32, #tpu.memory_space<vmem>> -> memref<256x16xf32, #tpu.memory_space<vmem>>
      %dma_wait3A_249 = arith.constant 256 : i32
      %dma_wait3A_250 = tpu.memref_slice %arg8[%dma_wait3A_249] : memref<1280xi32, #tpu.memory_space<vmem>> -> memref<256xi32, #tpu.memory_space<vmem>>
      %dma_wait3A_251 = arith.constant 0 : i32
      %dma_wait3A_252 = arith.constant 0 : i32
      %dma_wait3A_253 = tpu.memref_slice %arg4[%dma_wait3A_251, %dma_wait3A_252] : memref<204800x16xf32, #tpu.memory_space<hbm>> -> memref<204800x16xf32, #tpu.memory_space<hbm>>
      tpu.wait_indirect_dma semaphore(%arg18 : memref<!tpu.dma_semaphore, #tpu.memory_space<semaphore_mem>>) src(%dma_wait3A_253 : memref<204800x16xf32, #tpu.memory_space<hbm>>) dst(%dma_wait3A_248 : memref<256x16xf32, #tpu.memory_space<vmem>>)
      %dma_wait3A_254 = arith.constant 256 : i32
      %dma_wait3A_255 = arith.constant 0 : i32
      %dma_wait3A_256 = tpu.memref_slice %arg12[%dma_wait3A_254, %dma_wait3A_255] : memref<1280x8xf32, #tpu.memory_space<vmem>> -> memref<256x8xf32, #tpu.memory_space<vmem>>
      %dma_wait3A_257 = arith.constant 256 : i32
      %dma_wait3A_258 = tpu.memref_slice %arg7[%dma_wait3A_257] : memref<1280xi32, #tpu.memory_space<vmem>> -> memref<256xi32, #tpu.memory_space<vmem>>
      %dma_wait3A_259 = arith.constant 0 : i32
      %dma_wait3A_260 = arith.constant 0 : i32
      %dma_wait3A_261 = tpu.memref_slice %arg5[%dma_wait3A_259, %dma_wait3A_260] : memref<100000x8xf32, #tpu.memory_space<hbm>> -> memref<100000x8xf32, #tpu.memory_space<hbm>>
      tpu.wait_indirect_dma semaphore(%arg18 : memref<!tpu.dma_semaphore, #tpu.memory_space<semaphore_mem>>) src(%dma_wait3A_261 : memref<100000x8xf32, #tpu.memory_space<hbm>>) dst(%dma_wait3A_256 : memref<256x8xf32, #tpu.memory_space<vmem>>)
      %dma_wait3A_262 = arith.constant 512 : i32
      %dma_wait3A_263 = arith.constant 0 : i32
      %dma_wait3A_264 = tpu.memref_slice %arg11[%dma_wait3A_262, %dma_wait3A_263] : memref<1280x16xf32, #tpu.memory_space<vmem>> -> memref<256x16xf32, #tpu.memory_space<vmem>>
      %dma_wait3A_265 = arith.constant 512 : i32
      %dma_wait3A_266 = tpu.memref_slice %arg8[%dma_wait3A_265] : memref<1280xi32, #tpu.memory_space<vmem>> -> memref<256xi32, #tpu.memory_space<vmem>>
      %dma_wait3A_267 = arith.constant 0 : i32
      %dma_wait3A_268 = arith.constant 0 : i32
      %dma_wait3A_269 = tpu.memref_slice %arg4[%dma_wait3A_267, %dma_wait3A_268] : memref<204800x16xf32, #tpu.memory_space<hbm>> -> memref<204800x16xf32, #tpu.memory_space<hbm>>
      tpu.wait_indirect_dma semaphore(%arg18 : memref<!tpu.dma_semaphore, #tpu.memory_space<semaphore_mem>>) src(%dma_wait3A_269 : memref<204800x16xf32, #tpu.memory_space<hbm>>) dst(%dma_wait3A_264 : memref<256x16xf32, #tpu.memory_space<vmem>>)
      %dma_wait3A_270 = arith.constant 512 : i32
      %dma_wait3A_271 = arith.constant 0 : i32
      %dma_wait3A_272 = tpu.memref_slice %arg12[%dma_wait3A_270, %dma_wait3A_271] : memref<1280x8xf32, #tpu.memory_space<vmem>> -> memref<256x8xf32, #tpu.memory_space<vmem>>
      %dma_wait3A_273 = arith.constant 512 : i32
      %dma_wait3A_274 = tpu.memref_slice %arg7[%dma_wait3A_273] : memref<1280xi32, #tpu.memory_space<vmem>> -> memref<256xi32, #tpu.memory_space<vmem>>
      %dma_wait3A_275 = arith.constant 0 : i32
      %dma_wait3A_276 = arith.constant 0 : i32
      %dma_wait3A_277 = tpu.memref_slice %arg5[%dma_wait3A_275, %dma_wait3A_276] : memref<100000x8xf32, #tpu.memory_space<hbm>> -> memref<100000x8xf32, #tpu.memory_space<hbm>>
      tpu.wait_indirect_dma semaphore(%arg18 : memref<!tpu.dma_semaphore, #tpu.memory_space<semaphore_mem>>) src(%dma_wait3A_277 : memref<100000x8xf32, #tpu.memory_space<hbm>>) dst(%dma_wait3A_272 : memref<256x8xf32, #tpu.memory_space<vmem>>)
      %dma_wait3A_278 = arith.constant 768 : i32
      %dma_wait3A_279 = arith.constant 0 : i32
      %dma_wait3A_280 = tpu.memref_slice %arg11[%dma_wait3A_278, %dma_wait3A_279] : memref<1280x16xf32, #tpu.memory_space<vmem>> -> memref<256x16xf32, #tpu.memory_space<vmem>>
      %dma_wait3A_281 = arith.constant 768 : i32
      %dma_wait3A_282 = tpu.memref_slice %arg8[%dma_wait3A_281] : memref<1280xi32, #tpu.memory_space<vmem>> -> memref<256xi32, #tpu.memory_space<vmem>>
      %dma_wait3A_283 = arith.constant 0 : i32
      %dma_wait3A_284 = arith.constant 0 : i32
      %dma_wait3A_285 = tpu.memref_slice %arg4[%dma_wait3A_283, %dma_wait3A_284] : memref<204800x16xf32, #tpu.memory_space<hbm>> -> memref<204800x16xf32, #tpu.memory_space<hbm>>
      tpu.wait_indirect_dma semaphore(%arg18 : memref<!tpu.dma_semaphore, #tpu.memory_space<semaphore_mem>>) src(%dma_wait3A_285 : memref<204800x16xf32, #tpu.memory_space<hbm>>) dst(%dma_wait3A_280 : memref<256x16xf32, #tpu.memory_space<vmem>>)
      %dma_wait3A_286 = arith.constant 768 : i32
      %dma_wait3A_287 = arith.constant 0 : i32
      %dma_wait3A_288 = tpu.memref_slice %arg12[%dma_wait3A_286, %dma_wait3A_287] : memref<1280x8xf32, #tpu.memory_space<vmem>> -> memref<256x8xf32, #tpu.memory_space<vmem>>
      %dma_wait3A_289 = arith.constant 768 : i32
      %dma_wait3A_290 = tpu.memref_slice %arg7[%dma_wait3A_289] : memref<1280xi32, #tpu.memory_space<vmem>> -> memref<256xi32, #tpu.memory_space<vmem>>
      %dma_wait3A_291 = arith.constant 0 : i32
      %dma_wait3A_292 = arith.constant 0 : i32
      %dma_wait3A_293 = tpu.memref_slice %arg5[%dma_wait3A_291, %dma_wait3A_292] : memref<100000x8xf32, #tpu.memory_space<hbm>> -> memref<100000x8xf32, #tpu.memory_space<hbm>>
      tpu.wait_indirect_dma semaphore(%arg18 : memref<!tpu.dma_semaphore, #tpu.memory_space<semaphore_mem>>) src(%dma_wait3A_293 : memref<100000x8xf32, #tpu.memory_space<hbm>>) dst(%dma_wait3A_288 : memref<256x8xf32, #tpu.memory_space<vmem>>)
      %dma_wait3A_294 = arith.constant 1024 : i32
      %dma_wait3A_295 = arith.constant 0 : i32
      %dma_wait3A_296 = tpu.memref_slice %arg11[%dma_wait3A_294, %dma_wait3A_295] : memref<1280x16xf32, #tpu.memory_space<vmem>> -> memref<256x16xf32, #tpu.memory_space<vmem>>
      %dma_wait3A_297 = arith.constant 1024 : i32
      %dma_wait3A_298 = tpu.memref_slice %arg8[%dma_wait3A_297] : memref<1280xi32, #tpu.memory_space<vmem>> -> memref<256xi32, #tpu.memory_space<vmem>>
      %dma_wait3A_299 = arith.constant 0 : i32
      %dma_wait3A_300 = arith.constant 0 : i32
      %dma_wait3A_301 = tpu.memref_slice %arg4[%dma_wait3A_299, %dma_wait3A_300] : memref<204800x16xf32, #tpu.memory_space<hbm>> -> memref<204800x16xf32, #tpu.memory_space<hbm>>
      tpu.wait_indirect_dma semaphore(%arg18 : memref<!tpu.dma_semaphore, #tpu.memory_space<semaphore_mem>>) src(%dma_wait3A_301 : memref<204800x16xf32, #tpu.memory_space<hbm>>) dst(%dma_wait3A_296 : memref<256x16xf32, #tpu.memory_space<vmem>>)
      %dma_wait3A_302 = arith.constant 1024 : i32
      %dma_wait3A_303 = arith.constant 0 : i32
      %dma_wait3A_304 = tpu.memref_slice %arg12[%dma_wait3A_302, %dma_wait3A_303] : memref<1280x8xf32, #tpu.memory_space<vmem>> -> memref<256x8xf32, #tpu.memory_space<vmem>>
      %dma_wait3A_305 = arith.constant 1024 : i32
      %dma_wait3A_306 = tpu.memref_slice %arg7[%dma_wait3A_305] : memref<1280xi32, #tpu.memory_space<vmem>> -> memref<256xi32, #tpu.memory_space<vmem>>
      %dma_wait3A_307 = arith.constant 0 : i32
      %dma_wait3A_308 = arith.constant 0 : i32
      %dma_wait3A_309 = tpu.memref_slice %arg5[%dma_wait3A_307, %dma_wait3A_308] : memref<100000x8xf32, #tpu.memory_space<hbm>> -> memref<100000x8xf32, #tpu.memory_space<hbm>>
      tpu.wait_indirect_dma semaphore(%arg18 : memref<!tpu.dma_semaphore, #tpu.memory_space<semaphore_mem>>) src(%dma_wait3A_309 : memref<100000x8xf32, #tpu.memory_space<hbm>>) dst(%dma_wait3A_304 : memref<256x8xf32, #tpu.memory_space<vmem>>)
      %add3A_310 = arith.constant 1 : i32
      %add3A_311 = arith.addi %add3A_229, %add3A_310 : i32
      %sub3A_312 = arith.constant 1 : i32
      %sub3A_313 = arith.subi %select_n3A, %sub3A_312 : i32
      %min3A = arith.minsi %add3A_311, %sub3A_313 : i32
      %mul3A_314 = arith.constant 1280 : i32
      %mul3A_315 = arith.muli %min3A, %mul3A_314 : i32
      %add3A_316 = arith.addi %mul3A_13, %mul3A_315 : i32
      %dma_wait3A_317 = tpu.memref_slice %arg2[%add3A_316] : memref<1638400xi32, #tpu.memory_space<hbm>> -> memref<1280xi32, #tpu.memory_space<hbm>>
      %dma_wait3A_318 = tpu.memref_slice %arg2[%add3A_316] : memref<1638400xi32, #tpu.memory_space<hbm>> -> memref<1280xi32, #tpu.memory_space<hbm>>
      tpu.wait_dma2 semaphore(%arg17 : memref<!tpu.dma_semaphore, #tpu.memory_space<semaphore_mem>>) src(%dma_wait3A_318 : memref<1280xi32, #tpu.memory_space<hbm>>) dst(%arg9 : memref<1280xi32, #tpu.memory_space<vmem>>)
      %dma_wait3A_319 = tpu.memref_slice %arg3[%add3A_316] : memref<1638400xi32, #tpu.memory_space<hbm>> -> memref<1280xi32, #tpu.memory_space<hbm>>
      %dma_wait3A_320 = tpu.memref_slice %arg3[%add3A_316] : memref<1638400xi32, #tpu.memory_space<hbm>> -> memref<1280xi32, #tpu.memory_space<hbm>>
      tpu.wait_dma2 semaphore(%arg17 : memref<!tpu.dma_semaphore, #tpu.memory_space<semaphore_mem>>) src(%dma_wait3A_320 : memref<1280xi32, #tpu.memory_space<hbm>>) dst(%arg10 : memref<1280xi32, #tpu.memory_space<vmem>>)
      %dma_start3A_321 = arith.constant 0 : i32
      %dma_start3A_322 = arith.constant 0 : i32
      %dma_start3A_323 = tpu.memref_slice %arg13[%dma_start3A_321, %dma_start3A_322] : memref<1280x16xf32, #tpu.memory_space<vmem>> -> memref<256x16xf32, #tpu.memory_space<vmem>>
      %dma_start3A_324 = arith.constant 0 : i32
      %dma_start3A_325 = tpu.memref_slice %arg10[%dma_start3A_324] : memref<1280xi32, #tpu.memory_space<vmem>> -> memref<256xi32, #tpu.memory_space<vmem>>
      %dma_start3A_326 = arith.constant 0 : i32
      %dma_start3A_327 = arith.constant 0 : i32
      %dma_start3A_328 = tpu.memref_slice %arg4[%dma_start3A_326, %dma_start3A_327] : memref<204800x16xf32, #tpu.memory_space<hbm>> -> memref<204800x16xf32, #tpu.memory_space<hbm>>
      tpu.enqueue_indirect_dma source(%dma_start3A_328 : memref<204800x16xf32, #tpu.memory_space<hbm>>) target(%dma_start3A_323 : memref<256x16xf32, #tpu.memory_space<vmem>>) offsets(%dma_start3A_325 : memref<256xi32, #tpu.memory_space<vmem>>) semaphore(%arg19 : memref<!tpu.dma_semaphore, #tpu.memory_space<semaphore_mem>>)
      %dma_start3A_329 = arith.constant 0 : i32
      %dma_start3A_330 = arith.constant 0 : i32
      %dma_start3A_331 = tpu.memref_slice %arg14[%dma_start3A_329, %dma_start3A_330] : memref<1280x8xf32, #tpu.memory_space<vmem>> -> memref<256x8xf32, #tpu.memory_space<vmem>>
      %dma_start3A_332 = arith.constant 0 : i32
      %dma_start3A_333 = tpu.memref_slice %arg9[%dma_start3A_332] : memref<1280xi32, #tpu.memory_space<vmem>> -> memref<256xi32, #tpu.memory_space<vmem>>
      %dma_start3A_334 = arith.constant 0 : i32
      %dma_start3A_335 = arith.constant 0 : i32
      %dma_start3A_336 = tpu.memref_slice %arg5[%dma_start3A_334, %dma_start3A_335] : memref<100000x8xf32, #tpu.memory_space<hbm>> -> memref<100000x8xf32, #tpu.memory_space<hbm>>
      tpu.enqueue_indirect_dma source(%dma_start3A_336 : memref<100000x8xf32, #tpu.memory_space<hbm>>) target(%dma_start3A_331 : memref<256x8xf32, #tpu.memory_space<vmem>>) offsets(%dma_start3A_333 : memref<256xi32, #tpu.memory_space<vmem>>) semaphore(%arg19 : memref<!tpu.dma_semaphore, #tpu.memory_space<semaphore_mem>>)
      %dma_start3A_337 = arith.constant 256 : i32
      %dma_start3A_338 = arith.constant 0 : i32
      %dma_start3A_339 = tpu.memref_slice %arg13[%dma_start3A_337, %dma_start3A_338] : memref<1280x16xf32, #tpu.memory_space<vmem>> -> memref<256x16xf32, #tpu.memory_space<vmem>>
      %dma_start3A_340 = arith.constant 256 : i32
      %dma_start3A_341 = tpu.memref_slice %arg10[%dma_start3A_340] : memref<1280xi32, #tpu.memory_space<vmem>> -> memref<256xi32, #tpu.memory_space<vmem>>
      %dma_start3A_342 = arith.constant 0 : i32
      %dma_start3A_343 = arith.constant 0 : i32
      %dma_start3A_344 = tpu.memref_slice %arg4[%dma_start3A_342, %dma_start3A_343] : memref<204800x16xf32, #tpu.memory_space<hbm>> -> memref<204800x16xf32, #tpu.memory_space<hbm>>
      tpu.enqueue_indirect_dma source(%dma_start3A_344 : memref<204800x16xf32, #tpu.memory_space<hbm>>) target(%dma_start3A_339 : memref<256x16xf32, #tpu.memory_space<vmem>>) offsets(%dma_start3A_341 : memref<256xi32, #tpu.memory_space<vmem>>) semaphore(%arg19 : memref<!tpu.dma_semaphore, #tpu.memory_space<semaphore_mem>>)
      %dma_start3A_345 = arith.constant 256 : i32
      %dma_start3A_346 = arith.constant 0 : i32
      %dma_start3A_347 = tpu.memref_slice %arg14[%dma_start3A_345, %dma_start3A_346] : memref<1280x8xf32, #tpu.memory_space<vmem>> -> memref<256x8xf32, #tpu.memory_space<vmem>>
      %dma_start3A_348 = arith.constant 256 : i32
      %dma_start3A_349 = tpu.memref_slice %arg9[%dma_start3A_348] : memref<1280xi32, #tpu.memory_space<vmem>> -> memref<256xi32, #tpu.memory_space<vmem>>
      %dma_start3A_350 = arith.constant 0 : i32
      %dma_start3A_351 = arith.constant 0 : i32
      %dma_start3A_352 = tpu.memref_slice %arg5[%dma_start3A_350, %dma_start3A_351] : memref<100000x8xf32, #tpu.memory_space<hbm>> -> memref<100000x8xf32, #tpu.memory_space<hbm>>
      tpu.enqueue_indirect_dma source(%dma_start3A_352 : memref<100000x8xf32, #tpu.memory_space<hbm>>) target(%dma_start3A_347 : memref<256x8xf32, #tpu.memory_space<vmem>>) offsets(%dma_start3A_349 : memref<256xi32, #tpu.memory_space<vmem>>) semaphore(%arg19 : memref<!tpu.dma_semaphore, #tpu.memory_space<semaphore_mem>>)
      %dma_start3A_353 = arith.constant 512 : i32
      %dma_start3A_354 = arith.constant 0 : i32
      %dma_start3A_355 = tpu.memref_slice %arg13[%dma_start3A_353, %dma_start3A_354] : memref<1280x16xf32, #tpu.memory_space<vmem>> -> memref<256x16xf32, #tpu.memory_space<vmem>>
      %dma_start3A_356 = arith.constant 512 : i32
      %dma_start3A_357 = tpu.memref_slice %arg10[%dma_start3A_356] : memref<1280xi32, #tpu.memory_space<vmem>> -> memref<256xi32, #tpu.memory_space<vmem>>
      %dma_start3A_358 = arith.constant 0 : i32
      %dma_start3A_359 = arith.constant 0 : i32
      %dma_start3A_360 = tpu.memref_slice %arg4[%dma_start3A_358, %dma_start3A_359] : memref<204800x16xf32, #tpu.memory_space<hbm>> -> memref<204800x16xf32, #tpu.memory_space<hbm>>
      tpu.enqueue_indirect_dma source(%dma_start3A_360 : memref<204800x16xf32, #tpu.memory_space<hbm>>) target(%dma_start3A_355 : memref<256x16xf32, #tpu.memory_space<vmem>>) offsets(%dma_start3A_357 : memref<256xi32, #tpu.memory_space<vmem>>) semaphore(%arg19 : memref<!tpu.dma_semaphore, #tpu.memory_space<semaphore_mem>>)
      %dma_start3A_361 = arith.constant 512 : i32
      %dma_start3A_362 = arith.constant 0 : i32
      %dma_start3A_363 = tpu.memref_slice %arg14[%dma_start3A_361, %dma_start3A_362] : memref<1280x8xf32, #tpu.memory_space<vmem>> -> memref<256x8xf32, #tpu.memory_space<vmem>>
      %dma_start3A_364 = arith.constant 512 : i32
      %dma_start3A_365 = tpu.memref_slice %arg9[%dma_start3A_364] : memref<1280xi32, #tpu.memory_space<vmem>> -> memref<256xi32, #tpu.memory_space<vmem>>
      %dma_start3A_366 = arith.constant 0 : i32
      %dma_start3A_367 = arith.constant 0 : i32
      %dma_start3A_368 = tpu.memref_slice %arg5[%dma_start3A_366, %dma_start3A_367] : memref<100000x8xf32, #tpu.memory_space<hbm>> -> memref<100000x8xf32, #tpu.memory_space<hbm>>
      tpu.enqueue_indirect_dma source(%dma_start3A_368 : memref<100000x8xf32, #tpu.memory_space<hbm>>) target(%dma_start3A_363 : memref<256x8xf32, #tpu.memory_space<vmem>>) offsets(%dma_start3A_365 : memref<256xi32, #tpu.memory_space<vmem>>) semaphore(%arg19 : memref<!tpu.dma_semaphore, #tpu.memory_space<semaphore_mem>>)
      %dma_start3A_369 = arith.constant 768 : i32
      %dma_start3A_370 = arith.constant 0 : i32
      %dma_start3A_371 = tpu.memref_slice %arg13[%dma_start3A_369, %dma_start3A_370] : memref<1280x16xf32, #tpu.memory_space<vmem>> -> memref<256x16xf32, #tpu.memory_space<vmem>>
      %dma_start3A_372 = arith.constant 768 : i32
      %dma_start3A_373 = tpu.memref_slice %arg10[%dma_start3A_372] : memref<1280xi32, #tpu.memory_space<vmem>> -> memref<256xi32, #tpu.memory_space<vmem>>
      %dma_start3A_374 = arith.constant 0 : i32
      %dma_start3A_375 = arith.constant 0 : i32
      %dma_start3A_376 = tpu.memref_slice %arg4[%dma_start3A_374, %dma_start3A_375] : memref<204800x16xf32, #tpu.memory_space<hbm>> -> memref<204800x16xf32, #tpu.memory_space<hbm>>
      tpu.enqueue_indirect_dma source(%dma_start3A_376 : memref<204800x16xf32, #tpu.memory_space<hbm>>) target(%dma_start3A_371 : memref<256x16xf32, #tpu.memory_space<vmem>>) offsets(%dma_start3A_373 : memref<256xi32, #tpu.memory_space<vmem>>) semaphore(%arg19 : memref<!tpu.dma_semaphore, #tpu.memory_space<semaphore_mem>>)
      %dma_start3A_377 = arith.constant 768 : i32
      %dma_start3A_378 = arith.constant 0 : i32
      %dma_start3A_379 = tpu.memref_slice %arg14[%dma_start3A_377, %dma_start3A_378] : memref<1280x8xf32, #tpu.memory_space<vmem>> -> memref<256x8xf32, #tpu.memory_space<vmem>>
      %dma_start3A_380 = arith.constant 768 : i32
      %dma_start3A_381 = tpu.memref_slice %arg9[%dma_start3A_380] : memref<1280xi32, #tpu.memory_space<vmem>> -> memref<256xi32, #tpu.memory_space<vmem>>
      %dma_start3A_382 = arith.constant 0 : i32
      %dma_start3A_383 = arith.constant 0 : i32
      %dma_start3A_384 = tpu.memref_slice %arg5[%dma_start3A_382, %dma_start3A_383] : memref<100000x8xf32, #tpu.memory_space<hbm>> -> memref<100000x8xf32, #tpu.memory_space<hbm>>
      tpu.enqueue_indirect_dma source(%dma_start3A_384 : memref<100000x8xf32, #tpu.memory_space<hbm>>) target(%dma_start3A_379 : memref<256x8xf32, #tpu.memory_space<vmem>>) offsets(%dma_start3A_381 : memref<256xi32, #tpu.memory_space<vmem>>) semaphore(%arg19 : memref<!tpu.dma_semaphore, #tpu.memory_space<semaphore_mem>>)
      %dma_start3A_385 = arith.constant 1024 : i32
      %dma_start3A_386 = arith.constant 0 : i32
      %dma_start3A_387 = tpu.memref_slice %arg13[%dma_start3A_385, %dma_start3A_386] : memref<1280x16xf32, #tpu.memory_space<vmem>> -> memref<256x16xf32, #tpu.memory_space<vmem>>
      %dma_start3A_388 = arith.constant 1024 : i32
      %dma_start3A_389 = tpu.memref_slice %arg10[%dma_start3A_388] : memref<1280xi32, #tpu.memory_space<vmem>> -> memref<256xi32, #tpu.memory_space<vmem>>
      %dma_start3A_390 = arith.constant 0 : i32
      %dma_start3A_391 = arith.constant 0 : i32
      %dma_start3A_392 = tpu.memref_slice %arg4[%dma_start3A_390, %dma_start3A_391] : memref<204800x16xf32, #tpu.memory_space<hbm>> -> memref<204800x16xf32, #tpu.memory_space<hbm>>
      tpu.enqueue_indirect_dma source(%dma_start3A_392 : memref<204800x16xf32, #tpu.memory_space<hbm>>) target(%dma_start3A_387 : memref<256x16xf32, #tpu.memory_space<vmem>>) offsets(%dma_start3A_389 : memref<256xi32, #tpu.memory_space<vmem>>) semaphore(%arg19 : memref<!tpu.dma_semaphore, #tpu.memory_space<semaphore_mem>>)
      %dma_start3A_393 = arith.constant 1024 : i32
      %dma_start3A_394 = arith.constant 0 : i32
      %dma_start3A_395 = tpu.memref_slice %arg14[%dma_start3A_393, %dma_start3A_394] : memref<1280x8xf32, #tpu.memory_space<vmem>> -> memref<256x8xf32, #tpu.memory_space<vmem>>
      %dma_start3A_396 = arith.constant 1024 : i32
      %dma_start3A_397 = tpu.memref_slice %arg9[%dma_start3A_396] : memref<1280xi32, #tpu.memory_space<vmem>> -> memref<256xi32, #tpu.memory_space<vmem>>
      %dma_start3A_398 = arith.constant 0 : i32
      %dma_start3A_399 = arith.constant 0 : i32
      %dma_start3A_400 = tpu.memref_slice %arg5[%dma_start3A_398, %dma_start3A_399] : memref<100000x8xf32, #tpu.memory_space<hbm>> -> memref<100000x8xf32, #tpu.memory_space<hbm>>
      tpu.enqueue_indirect_dma source(%dma_start3A_400 : memref<100000x8xf32, #tpu.memory_space<hbm>>) target(%dma_start3A_395 : memref<256x8xf32, #tpu.memory_space<vmem>>) offsets(%dma_start3A_397 : memref<256xi32, #tpu.memory_space<vmem>>) semaphore(%arg19 : memref<!tpu.dma_semaphore, #tpu.memory_space<semaphore_mem>>)
      %add3A_401 = arith.constant 2 : i32
      %add3A_402 = arith.addi %add3A_229, %add3A_401 : i32
      %sub3A_403 = arith.constant 1 : i32
      %sub3A_404 = arith.subi %select_n3A, %sub3A_403 : i32
      %min3A_405 = arith.minsi %add3A_402, %sub3A_404 : i32
      %mul3A_406 = arith.constant 1280 : i32
      %mul3A_407 = arith.muli %min3A_405, %mul3A_406 : i32
      %add3A_408 = arith.addi %mul3A_13, %mul3A_407 : i32
      %dma_start3A_409 = tpu.memref_slice %arg2[%add3A_408] : memref<1638400xi32, #tpu.memory_space<hbm>> -> memref<1280xi32, #tpu.memory_space<hbm>>
      %dma_start3A_410 = tpu.memref_slice %arg2[%add3A_408] : memref<1638400xi32, #tpu.memory_space<hbm>> -> memref<1280xi32, #tpu.memory_space<hbm>>
      tpu.enqueue_dma source(%dma_start3A_410 : memref<1280xi32, #tpu.memory_space<hbm>>) target(%arg7 : memref<1280xi32, #tpu.memory_space<vmem>>) target_semaphore(%arg16 : memref<!tpu.dma_semaphore, #tpu.memory_space<semaphore_mem>>)
      %dma_start3A_411 = tpu.memref_slice %arg3[%add3A_408] : memref<1638400xi32, #tpu.memory_space<hbm>> -> memref<1280xi32, #tpu.memory_space<hbm>>
      %dma_start3A_412 = tpu.memref_slice %arg3[%add3A_408] : memref<1638400xi32, #tpu.memory_space<hbm>> -> memref<1280xi32, #tpu.memory_space<hbm>>
      tpu.enqueue_dma source(%dma_start3A_412 : memref<1280xi32, #tpu.memory_space<hbm>>) target(%arg8 : memref<1280xi32, #tpu.memory_space<vmem>>) target_semaphore(%arg16 : memref<!tpu.dma_semaphore, #tpu.memory_space<semaphore_mem>>)
      %mul3A_413 = arith.constant 1280 : i32
      %mul3A_414 = arith.muli %add3A_229, %mul3A_413 : i32
      %add3A_415 = arith.addi %mul3A_13, %mul3A_414 : i32
      %scan3A = arith.constant 0 : i32
      %scan3A_416 = arith.constant 0 : i32
      %scan3A_417 = arith.constant 80 : i32
      %scan3A_418 = arith.addi %scan3A_416, %scan3A_417 : i32
      %scan3A_419 = arith.constant 1 : i32
      scf.for %scan3A_616 = %scan3A_416 to %scan3A_418 step %scan3A_419  : i32 {
        %mul3A_617 = arith.constant 16 : i32
        %mul3A_618 = arith.muli %scan3A_616, %mul3A_617 : i32
        %add3A_619 = vector.broadcast %mul3A_618 : i32 to vector<16xi32>
        %add3A_620 = arith.addi %add3A_619, %iota3A : vector<16xi32>
        %broadcast_in_dim3A_621 = arith.constant 0 : i32
        %broadcast_in_dim3A_622 = vector.broadcast %broadcast_in_dim3A_621 : i32 to vector<16xi32>
        %gather3A = tpu.vector_load_idx %arg11[%add3A_620, %broadcast_in_dim3A_622] : memref<1280x16xf32, #tpu.memory_space<vmem>>[vector<16xi32>, vector<16xi32>], vector<16xf32>,
        %broadcast_in_dim3A_623 = arith.constant 1 : i32
        %broadcast_in_dim3A_624 = vector.broadcast %broadcast_in_dim3A_623 : i32 to vector<16xi32>
        %gather3A_625 = tpu.vector_load_idx %arg11[%add3A_620, %broadcast_in_dim3A_624] : memref<1280x16xf32, #tpu.memory_space<vmem>>[vector<16xi32>, vector<16xi32>], vector<16xf32>,
        %broadcast_in_dim3A_626 = arith.constant 2 : i32
        %broadcast_in_dim3A_627 = vector.broadcast %broadcast_in_dim3A_626 : i32 to vector<16xi32>
        %gather3A_628 = tpu.vector_load_idx %arg11[%add3A_620, %broadcast_in_dim3A_627] : memref<1280x16xf32, #tpu.memory_space<vmem>>[vector<16xi32>, vector<16xi32>], vector<16xf32>,
        %broadcast_in_dim3A_629 = arith.constant 3 : i32
        %broadcast_in_dim3A_630 = vector.broadcast %broadcast_in_dim3A_629 : i32 to vector<16xi32>
        %gather3A_631 = tpu.vector_load_idx %arg11[%add3A_620, %broadcast_in_dim3A_630] : memref<1280x16xf32, #tpu.memory_space<vmem>>[vector<16xi32>, vector<16xi32>], vector<16xf32>,
        %broadcast_in_dim3A_632 = arith.constant 4 : i32
        %broadcast_in_dim3A_633 = vector.broadcast %broadcast_in_dim3A_632 : i32 to vector<16xi32>
        %gather3A_634 = tpu.vector_load_idx %arg11[%add3A_620, %broadcast_in_dim3A_633] : memref<1280x16xf32, #tpu.memory_space<vmem>>[vector<16xi32>, vector<16xi32>], vector<16xf32>,
        %broadcast_in_dim3A_635 = arith.constant 5 : i32
        %broadcast_in_dim3A_636 = vector.broadcast %broadcast_in_dim3A_635 : i32 to vector<16xi32>
        %gather3A_637 = tpu.vector_load_idx %arg11[%add3A_620, %broadcast_in_dim3A_636] : memref<1280x16xf32, #tpu.memory_space<vmem>>[vector<16xi32>, vector<16xi32>], vector<16xf32>,
        %broadcast_in_dim3A_638 = arith.constant 6 : i32
        %broadcast_in_dim3A_639 = vector.broadcast %broadcast_in_dim3A_638 : i32 to vector<16xi32>
        %gather3A_640 = tpu.vector_load_idx %arg11[%add3A_620, %broadcast_in_dim3A_639] : memref<1280x16xf32, #tpu.memory_space<vmem>>[vector<16xi32>, vector<16xi32>], vector<16xf32>,
        %broadcast_in_dim3A_641 = arith.constant 7 : i32
        %broadcast_in_dim3A_642 = vector.broadcast %broadcast_in_dim3A_641 : i32 to vector<16xi32>
        %gather3A_643 = tpu.vector_load_idx %arg11[%add3A_620, %broadcast_in_dim3A_642] : memref<1280x16xf32, #tpu.memory_space<vmem>>[vector<16xi32>, vector<16xi32>], vector<16xf32>,
        %broadcast_in_dim3A_644 = arith.constant 8 : i32
        %broadcast_in_dim3A_645 = vector.broadcast %broadcast_in_dim3A_644 : i32 to vector<16xi32>
        %gather3A_646 = tpu.vector_load_idx %arg11[%add3A_620, %broadcast_in_dim3A_645] : memref<1280x16xf32, #tpu.memory_space<vmem>>[vector<16xi32>, vector<16xi32>], vector<16xf32>,
        %broadcast_in_dim3A_647 = arith.constant 0 : i32
        %broadcast_in_dim3A_648 = vector.broadcast %broadcast_in_dim3A_647 : i32 to vector<16xi32>
        %gather3A_649 = tpu.vector_load_idx %arg12[%add3A_620, %broadcast_in_dim3A_648] : memref<1280x8xf32, #tpu.memory_space<vmem>>[vector<16xi32>, vector<16xi32>], vector<16xf32>,
        %broadcast_in_dim3A_650 = arith.constant 1 : i32
        %broadcast_in_dim3A_651 = vector.broadcast %broadcast_in_dim3A_650 : i32 to vector<16xi32>
        %gather3A_652 = tpu.vector_load_idx %arg12[%add3A_620, %broadcast_in_dim3A_651] : memref<1280x8xf32, #tpu.memory_space<vmem>>[vector<16xi32>, vector<16xi32>], vector<16xf32>,
        %broadcast_in_dim3A_653 = arith.constant 2 : i32
        %broadcast_in_dim3A_654 = vector.broadcast %broadcast_in_dim3A_653 : i32 to vector<16xi32>
        %gather3A_655 = tpu.vector_load_idx %arg12[%add3A_620, %broadcast_in_dim3A_654] : memref<1280x8xf32, #tpu.memory_space<vmem>>[vector<16xi32>, vector<16xi32>], vector<16xf32>,
        %broadcast_in_dim3A_656 = arith.constant 3 : i32
        %broadcast_in_dim3A_657 = vector.broadcast %broadcast_in_dim3A_656 : i32 to vector<16xi32>
        %gather3A_658 = tpu.vector_load_idx %arg12[%add3A_620, %broadcast_in_dim3A_657] : memref<1280x8xf32, #tpu.memory_space<vmem>>[vector<16xi32>, vector<16xi32>], vector<16xf32>,
        %broadcast_in_dim3A_659 = arith.constant 4 : i32
        %broadcast_in_dim3A_660 = vector.broadcast %broadcast_in_dim3A_659 : i32 to vector<16xi32>
        %gather3A_661 = tpu.vector_load_idx %arg12[%add3A_620, %broadcast_in_dim3A_660] : memref<1280x8xf32, #tpu.memory_space<vmem>>[vector<16xi32>, vector<16xi32>], vector<16xf32>,
        %broadcast_in_dim3A_662 = arith.constant 5 : i32
        %broadcast_in_dim3A_663 = vector.broadcast %broadcast_in_dim3A_662 : i32 to vector<16xi32>
        %gather3A_664 = tpu.vector_load_idx %arg12[%add3A_620, %broadcast_in_dim3A_663] : memref<1280x8xf32, #tpu.memory_space<vmem>>[vector<16xi32>, vector<16xi32>], vector<16xf32>,
        %broadcast_in_dim3A_665 = arith.constant 6 : i32
        %broadcast_in_dim3A_666 = vector.broadcast %broadcast_in_dim3A_665 : i32 to vector<16xi32>
        %gather3A_667 = tpu.vector_load_idx %arg12[%add3A_620, %broadcast_in_dim3A_666] : memref<1280x8xf32, #tpu.memory_space<vmem>>[vector<16xi32>, vector<16xi32>], vector<16xf32>,
        %mul3A_668 = arith.mulf %gather3A_649, %gather3A : vector<16xf32>
        %mul3A_669 = arith.mulf %gather3A_652, %gather3A_625 : vector<16xf32>
        %add3A_670 = arith.addf %mul3A_668, %mul3A_669 : vector<16xf32>
        %mul3A_671 = arith.mulf %gather3A_655, %gather3A_628 : vector<16xf32>
        %add3A_672 = arith.addf %add3A_670, %mul3A_671 : vector<16xf32>
        %sub3A_673 = arith.subf %add3A_672, %gather3A_631 : vector<16xf32>
        %mul3A_674 = arith.mulf %gather3A_661, %gather3A_634 : vector<16xf32>
        %mul3A_675 = arith.mulf %gather3A_664, %gather3A_637 : vector<16xf32>
        %add3A_676 = arith.addf %mul3A_674, %mul3A_675 : vector<16xf32>
        %mul3A_677 = arith.mulf %gather3A_667, %gather3A_640 : vector<16xf32>
        %add3A_678 = arith.addf %add3A_676, %mul3A_677 : vector<16xf32>
        %sub3A_679 = arith.subf %add3A_678, %gather3A_643 : vector<16xf32>
        %abs3A = math.absf %sub3A_673 : vector<16xf32>
        %lt3A = arith.constant 1.000000e+00 : f32
        %lt3A_680 = vector.broadcast %lt3A : f32 to vector<16xf32>
        %lt3A_681 = arith.cmpf olt, %abs3A, %lt3A_680 : vector<16xf32>
        %sign3A_682 = tpu.bitcast %sub3A_673 : vector<16xf32> -> vector<16xi32>
        %sign3A_683 = arith.constant -2147483648 : i32
        %sign3A_684 = vector.broadcast %sign3A_683 : i32 to vector<16xi32>
        %sign3A_685 = arith.andi %sign3A_682, %sign3A_684 : vector<16xi32>
        %sign3A_686 = arith.constant 1065353216 : i32
        %sign3A_687 = vector.broadcast %sign3A_686 : i32 to vector<16xi32>
        %sign3A_688 = arith.ori %sign3A_687, %sign3A_685 : vector<16xi32>
        %sign3A_689 = tpu.bitcast %sign3A_688 : vector<16xi32> -> vector<16xf32>
        %sign3A_690 = math.absf %sub3A_673 : vector<16xf32>
        %sign3A_691 = arith.constant 0.000000e+00 : f32
        %sign3A_692 = vector.broadcast %sign3A_691 : f32 to vector<16xf32>
        %sign3A_693 = arith.cmpf ogt, %sign3A_690, %sign3A_692 : vector<16xf32>
        %sign3A_694 = arith.select %sign3A_693, %sign3A_689, %sub3A_673 : vector<16xi1>, vector<16xf32>
        %mul3A_695 = arith.mulf %sub3A_679, %sign3A_694 : vector<16xf32>
        %sub3A_696 = arith.constant 1.000000e-01 : f32
        %sub3A_697 = vector.broadcast %sub3A_696 : f32 to vector<16xf32>
        %sub3A_698 = arith.subf %sub3A_697, %mul3A_695 : vector<16xf32>
        %max3A = arith.constant 0.000000e+00 : f32
        %max3A_699 = vector.broadcast %max3A : f32 to vector<16xf32>
        %max3A_700 = arith.maximumf %sub3A_698, %max3A_699 : vector<16xf32>
        %eq3A_701 = arith.constant 3.000000e+00 : f32
        %eq3A_702 = vector.broadcast %eq3A_701 : f32 to vector<16xf32>
        %eq3A_703 = arith.cmpf oeq, %gather3A_658, %eq3A_702 : vector<16xf32>
        %jit3A_704 = arith.constant 1.000000e+01 : f32
        %jit3A_705 = arith.constant 1.000000e+00 : f32
        %broadcast_in_dim3A_706 = vector.broadcast %jit3A_704 : f32 to vector<16xf32>
        %broadcast_in_dim3A_707 = vector.broadcast %jit3A_705 : f32 to vector<16xf32>
        %select_n3A_708 = arith.select %eq3A_703, %broadcast_in_dim3A_706, %broadcast_in_dim3A_707 : vector<16xi1>, vector<16xf32>
        %max3A_709 = arith.maximumf %gather3A_646, %select_n3A_708 : vector<16xf32>
        %mul3A_710 = arith.mulf %max3A_700, %max3A_709 : vector<16xf32>
        %add3A_711 = vector.broadcast %add3A_415 : i32 to vector<16xi32>
        %add3A_712 = arith.addi %add3A_711, %add3A_620 : vector<16xi32>
        %lt3A_713 = arith.constant 1600000 : i32
        %lt3A_714 = vector.broadcast %lt3A_713 : i32 to vector<16xi32>
        %lt3A_715 = arith.cmpi slt, %add3A_712, %lt3A_714 : vector<16xi32>
        %get3A = arith.constant 0 : index
        %get3A_716 = tpu.vector_load %arg15[%get3A] {strides = array<i32>} : memref<16xf32, #tpu.memory_space<vmem>>, vector<16xf32>,
        %and3A_717 = arith.andi %lt3A_681, %lt3A_715 : vector<16xi1>
        %mul3A_718 = arith.mulf %mul3A_710, %mul3A_710 : vector<16xf32>
        %mul3A_719 = arith.mulf %mul3A_718, %mul3A_710 : vector<16xf32>
        %jit3A_720 = arith.constant 0.000000e+00 : f32
        %broadcast_in_dim3A_721 = vector.broadcast %jit3A_720 : f32 to vector<16xf32>
        %select_n3A_722 = arith.select %and3A_717, %mul3A_719, %broadcast_in_dim3A_721 : vector<16xi1>, vector<16xf32>
        %add3A_723 = arith.addf %get3A_716, %select_n3A_722 : vector<16xf32>
        %swap3A_724 = arith.constant 0 : index
        %swap3A_725 = tpu.vector_load %arg15[%swap3A_724] {strides = array<i32>} : memref<16xf32, #tpu.memory_space<vmem>>, vector<16xf32>,
        tpu.vector_store %arg15[%swap3A_724], %add3A_723 {strides = array<i32>} : memref<16xf32, #tpu.memory_space<vmem>>, vector<16xf32>,
      }
      %scan3A_420 = arith.constant 80 : i32
      %add3A_421 = arith.constant 1 : i32
      %add3A_422 = arith.addi %mul3A_227, %add3A_421 : i32
      %dma_wait3A_423 = arith.constant 0 : i32
      %dma_wait3A_424 = arith.constant 0 : i32
      %dma_wait3A_425 = tpu.memref_slice %arg13[%dma_wait3A_423, %dma_wait3A_424] : memref<1280x16xf32, #tpu.memory_space<vmem>> -> memref<256x16xf32, #tpu.memory_space<vmem>>
      %dma_wait3A_426 = arith.constant 0 : i32
      %dma_wait3A_427 = tpu.memref_slice %arg10[%dma_wait3A_426] : memref<1280xi32, #tpu.memory_space<vmem>> -> memref<256xi32, #tpu.memory_space<vmem>>
      %dma_wait3A_428 = arith.constant 0 : i32
      %dma_wait3A_429 = arith.constant 0 : i32
      %dma_wait3A_430 = tpu.memref_slice %arg4[%dma_wait3A_428, %dma_wait3A_429] : memref<204800x16xf32, #tpu.memory_space<hbm>> -> memref<204800x16xf32, #tpu.memory_space<hbm>>
      tpu.wait_indirect_dma semaphore(%arg19 : memref<!tpu.dma_semaphore, #tpu.memory_space<semaphore_mem>>) src(%dma_wait3A_430 : memref<204800x16xf32, #tpu.memory_space<hbm>>) dst(%dma_wait3A_425 : memref<256x16xf32, #tpu.memory_space<vmem>>)
      %dma_wait3A_431 = arith.constant 0 : i32
      %dma_wait3A_432 = arith.constant 0 : i32
      %dma_wait3A_433 = tpu.memref_slice %arg14[%dma_wait3A_431, %dma_wait3A_432] : memref<1280x8xf32, #tpu.memory_space<vmem>> -> memref<256x8xf32, #tpu.memory_space<vmem>>
      %dma_wait3A_434 = arith.constant 0 : i32
      %dma_wait3A_435 = tpu.memref_slice %arg9[%dma_wait3A_434] : memref<1280xi32, #tpu.memory_space<vmem>> -> memref<256xi32, #tpu.memory_space<vmem>>
      %dma_wait3A_436 = arith.constant 0 : i32
      %dma_wait3A_437 = arith.constant 0 : i32
      %dma_wait3A_438 = tpu.memref_slice %arg5[%dma_wait3A_436, %dma_wait3A_437] : memref<100000x8xf32, #tpu.memory_space<hbm>> -> memref<100000x8xf32, #tpu.memory_space<hbm>>
      tpu.wait_indirect_dma semaphore(%arg19 : memref<!tpu.dma_semaphore, #tpu.memory_space<semaphore_mem>>) src(%dma_wait3A_438 : memref<100000x8xf32, #tpu.memory_space<hbm>>) dst(%dma_wait3A_433 : memref<256x8xf32, #tpu.memory_space<vmem>>)
      %dma_wait3A_439 = arith.constant 256 : i32
      %dma_wait3A_440 = arith.constant 0 : i32
      %dma_wait3A_441 = tpu.memref_slice %arg13[%dma_wait3A_439, %dma_wait3A_440] : memref<1280x16xf32, #tpu.memory_space<vmem>> -> memref<256x16xf32, #tpu.memory_space<vmem>>
      %dma_wait3A_442 = arith.constant 256 : i32
      %dma_wait3A_443 = tpu.memref_slice %arg10[%dma_wait3A_442] : memref<1280xi32, #tpu.memory_space<vmem>> -> memref<256xi32, #tpu.memory_space<vmem>>
      %dma_wait3A_444 = arith.constant 0 : i32
      %dma_wait3A_445 = arith.constant 0 : i32
      %dma_wait3A_446 = tpu.memref_slice %arg4[%dma_wait3A_444, %dma_wait3A_445] : memref<204800x16xf32, #tpu.memory_space<hbm>> -> memref<204800x16xf32, #tpu.memory_space<hbm>>
      tpu.wait_indirect_dma semaphore(%arg19 : memref<!tpu.dma_semaphore, #tpu.memory_space<semaphore_mem>>) src(%dma_wait3A_446 : memref<204800x16xf32, #tpu.memory_space<hbm>>) dst(%dma_wait3A_441 : memref<256x16xf32, #tpu.memory_space<vmem>>)
      %dma_wait3A_447 = arith.constant 256 : i32
      %dma_wait3A_448 = arith.constant 0 : i32
      %dma_wait3A_449 = tpu.memref_slice %arg14[%dma_wait3A_447, %dma_wait3A_448] : memref<1280x8xf32, #tpu.memory_space<vmem>> -> memref<256x8xf32, #tpu.memory_space<vmem>>
      %dma_wait3A_450 = arith.constant 256 : i32
      %dma_wait3A_451 = tpu.memref_slice %arg9[%dma_wait3A_450] : memref<1280xi32, #tpu.memory_space<vmem>> -> memref<256xi32, #tpu.memory_space<vmem>>
      %dma_wait3A_452 = arith.constant 0 : i32
      %dma_wait3A_453 = arith.constant 0 : i32
      %dma_wait3A_454 = tpu.memref_slice %arg5[%dma_wait3A_452, %dma_wait3A_453] : memref<100000x8xf32, #tpu.memory_space<hbm>> -> memref<100000x8xf32, #tpu.memory_space<hbm>>
      tpu.wait_indirect_dma semaphore(%arg19 : memref<!tpu.dma_semaphore, #tpu.memory_space<semaphore_mem>>) src(%dma_wait3A_454 : memref<100000x8xf32, #tpu.memory_space<hbm>>) dst(%dma_wait3A_449 : memref<256x8xf32, #tpu.memory_space<vmem>>)
      %dma_wait3A_455 = arith.constant 512 : i32
      %dma_wait3A_456 = arith.constant 0 : i32
      %dma_wait3A_457 = tpu.memref_slice %arg13[%dma_wait3A_455, %dma_wait3A_456] : memref<1280x16xf32, #tpu.memory_space<vmem>> -> memref<256x16xf32, #tpu.memory_space<vmem>>
      %dma_wait3A_458 = arith.constant 512 : i32
      %dma_wait3A_459 = tpu.memref_slice %arg10[%dma_wait3A_458] : memref<1280xi32, #tpu.memory_space<vmem>> -> memref<256xi32, #tpu.memory_space<vmem>>
      %dma_wait3A_460 = arith.constant 0 : i32
      %dma_wait3A_461 = arith.constant 0 : i32
      %dma_wait3A_462 = tpu.memref_slice %arg4[%dma_wait3A_460, %dma_wait3A_461] : memref<204800x16xf32, #tpu.memory_space<hbm>> -> memref<204800x16xf32, #tpu.memory_space<hbm>>
      tpu.wait_indirect_dma semaphore(%arg19 : memref<!tpu.dma_semaphore, #tpu.memory_space<semaphore_mem>>) src(%dma_wait3A_462 : memref<204800x16xf32, #tpu.memory_space<hbm>>) dst(%dma_wait3A_457 : memref<256x16xf32, #tpu.memory_space<vmem>>)
      %dma_wait3A_463 = arith.constant 512 : i32
      %dma_wait3A_464 = arith.constant 0 : i32
      %dma_wait3A_465 = tpu.memref_slice %arg14[%dma_wait3A_463, %dma_wait3A_464] : memref<1280x8xf32, #tpu.memory_space<vmem>> -> memref<256x8xf32, #tpu.memory_space<vmem>>
      %dma_wait3A_466 = arith.constant 512 : i32
      %dma_wait3A_467 = tpu.memref_slice %arg9[%dma_wait3A_466] : memref<1280xi32, #tpu.memory_space<vmem>> -> memref<256xi32, #tpu.memory_space<vmem>>
      %dma_wait3A_468 = arith.constant 0 : i32
      %dma_wait3A_469 = arith.constant 0 : i32
      %dma_wait3A_470 = tpu.memref_slice %arg5[%dma_wait3A_468, %dma_wait3A_469] : memref<100000x8xf32, #tpu.memory_space<hbm>> -> memref<100000x8xf32, #tpu.memory_space<hbm>>
      tpu.wait_indirect_dma semaphore(%arg19 : memref<!tpu.dma_semaphore, #tpu.memory_space<semaphore_mem>>) src(%dma_wait3A_470 : memref<100000x8xf32, #tpu.memory_space<hbm>>) dst(%dma_wait3A_465 : memref<256x8xf32, #tpu.memory_space<vmem>>)
      %dma_wait3A_471 = arith.constant 768 : i32
      %dma_wait3A_472 = arith.constant 0 : i32
      %dma_wait3A_473 = tpu.memref_slice %arg13[%dma_wait3A_471, %dma_wait3A_472] : memref<1280x16xf32, #tpu.memory_space<vmem>> -> memref<256x16xf32, #tpu.memory_space<vmem>>
      %dma_wait3A_474 = arith.constant 768 : i32
      %dma_wait3A_475 = tpu.memref_slice %arg10[%dma_wait3A_474] : memref<1280xi32, #tpu.memory_space<vmem>> -> memref<256xi32, #tpu.memory_space<vmem>>
      %dma_wait3A_476 = arith.constant 0 : i32
      %dma_wait3A_477 = arith.constant 0 : i32
      %dma_wait3A_478 = tpu.memref_slice %arg4[%dma_wait3A_476, %dma_wait3A_477] : memref<204800x16xf32, #tpu.memory_space<hbm>> -> memref<204800x16xf32, #tpu.memory_space<hbm>>
      tpu.wait_indirect_dma semaphore(%arg19 : memref<!tpu.dma_semaphore, #tpu.memory_space<semaphore_mem>>) src(%dma_wait3A_478 : memref<204800x16xf32, #tpu.memory_space<hbm>>) dst(%dma_wait3A_473 : memref<256x16xf32, #tpu.memory_space<vmem>>)
      %dma_wait3A_479 = arith.constant 768 : i32
      %dma_wait3A_480 = arith.constant 0 : i32
      %dma_wait3A_481 = tpu.memref_slice %arg14[%dma_wait3A_479, %dma_wait3A_480] : memref<1280x8xf32, #tpu.memory_space<vmem>> -> memref<256x8xf32, #tpu.memory_space<vmem>>
      %dma_wait3A_482 = arith.constant 768 : i32
      %dma_wait3A_483 = tpu.memref_slice %arg9[%dma_wait3A_482] : memref<1280xi32, #tpu.memory_space<vmem>> -> memref<256xi32, #tpu.memory_space<vmem>>
      %dma_wait3A_484 = arith.constant 0 : i32
      %dma_wait3A_485 = arith.constant 0 : i32
      %dma_wait3A_486 = tpu.memref_slice %arg5[%dma_wait3A_484, %dma_wait3A_485] : memref<100000x8xf32, #tpu.memory_space<hbm>> -> memref<100000x8xf32, #tpu.memory_space<hbm>>
      tpu.wait_indirect_dma semaphore(%arg19 : memref<!tpu.dma_semaphore, #tpu.memory_space<semaphore_mem>>) src(%dma_wait3A_486 : memref<100000x8xf32, #tpu.memory_space<hbm>>) dst(%dma_wait3A_481 : memref<256x8xf32, #tpu.memory_space<vmem>>)
      %dma_wait3A_487 = arith.constant 1024 : i32
      %dma_wait3A_488 = arith.constant 0 : i32
      %dma_wait3A_489 = tpu.memref_slice %arg13[%dma_wait3A_487, %dma_wait3A_488] : memref<1280x16xf32, #tpu.memory_space<vmem>> -> memref<256x16xf32, #tpu.memory_space<vmem>>
      %dma_wait3A_490 = arith.constant 1024 : i32
      %dma_wait3A_491 = tpu.memref_slice %arg10[%dma_wait3A_490] : memref<1280xi32, #tpu.memory_space<vmem>> -> memref<256xi32, #tpu.memory_space<vmem>>
      %dma_wait3A_492 = arith.constant 0 : i32
      %dma_wait3A_493 = arith.constant 0 : i32
      %dma_wait3A_494 = tpu.memref_slice %arg4[%dma_wait3A_492, %dma_wait3A_493] : memref<204800x16xf32, #tpu.memory_space<hbm>> -> memref<204800x16xf32, #tpu.memory_space<hbm>>
      tpu.wait_indirect_dma semaphore(%arg19 : memref<!tpu.dma_semaphore, #tpu.memory_space<semaphore_mem>>) src(%dma_wait3A_494 : memref<204800x16xf32, #tpu.memory_space<hbm>>) dst(%dma_wait3A_489 : memref<256x16xf32, #tpu.memory_space<vmem>>)
      %dma_wait3A_495 = arith.constant 1024 : i32
      %dma_wait3A_496 = arith.constant 0 : i32
      %dma_wait3A_497 = tpu.memref_slice %arg14[%dma_wait3A_495, %dma_wait3A_496] : memref<1280x8xf32, #tpu.memory_space<vmem>> -> memref<256x8xf32, #tpu.memory_space<vmem>>
      %dma_wait3A_498 = arith.constant 1024 : i32
      %dma_wait3A_499 = tpu.memref_slice %arg9[%dma_wait3A_498] : memref<1280xi32, #tpu.memory_space<vmem>> -> memref<256xi32, #tpu.memory_space<vmem>>
      %dma_wait3A_500 = arith.constant 0 : i32
      %dma_wait3A_501 = arith.constant 0 : i32
      %dma_wait3A_502 = tpu.memref_slice %arg5[%dma_wait3A_500, %dma_wait3A_501] : memref<100000x8xf32, #tpu.memory_space<hbm>> -> memref<100000x8xf32, #tpu.memory_space<hbm>>
      tpu.wait_indirect_dma semaphore(%arg19 : memref<!tpu.dma_semaphore, #tpu.memory_space<semaphore_mem>>) src(%dma_wait3A_502 : memref<100000x8xf32, #tpu.memory_space<hbm>>) dst(%dma_wait3A_497 : memref<256x8xf32, #tpu.memory_space<vmem>>)
      %add3A_503 = arith.constant 1 : i32
      %add3A_504 = arith.addi %add3A_422, %add3A_503 : i32
      %sub3A_505 = arith.constant 1 : i32
      %sub3A_506 = arith.subi %select_n3A, %sub3A_505 : i32
      %min3A_507 = arith.minsi %add3A_504, %sub3A_506 : i32
      %mul3A_508 = arith.constant 1280 : i32
      %mul3A_509 = arith.muli %min3A_507, %mul3A_508 : i32
      %add3A_510 = arith.addi %mul3A_13, %mul3A_509 : i32
      %dma_wait3A_511 = tpu.memref_slice %arg2[%add3A_510] : memref<1638400xi32, #tpu.memory_space<hbm>> -> memref<1280xi32, #tpu.memory_space<hbm>>
      %dma_wait3A_512 = tpu.memref_slice %arg2[%add3A_510] : memref<1638400xi32, #tpu.memory_space<hbm>> -> memref<1280xi32, #tpu.memory_space<hbm>>
      tpu.wait_dma2 semaphore(%arg16 : memref<!tpu.dma_semaphore, #tpu.memory_space<semaphore_mem>>) src(%dma_wait3A_512 : memref<1280xi32, #tpu.memory_space<hbm>>) dst(%arg7 : memref<1280xi32, #tpu.memory_space<vmem>>)
      %dma_wait3A_513 = tpu.memref_slice %arg3[%add3A_510] : memref<1638400xi32, #tpu.memory_space<hbm>> -> memref<1280xi32, #tpu.memory_space<hbm>>
      %dma_wait3A_514 = tpu.memref_slice %arg3[%add3A_510] : memref<1638400xi32, #tpu.memory_space<hbm>> -> memref<1280xi32, #tpu.memory_space<hbm>>
      tpu.wait_dma2 semaphore(%arg16 : memref<!tpu.dma_semaphore, #tpu.memory_space<semaphore_mem>>) src(%dma_wait3A_514 : memref<1280xi32, #tpu.memory_space<hbm>>) dst(%arg8 : memref<1280xi32, #tpu.memory_space<vmem>>)
      %dma_start3A_515 = arith.constant 0 : i32
      %dma_start3A_516 = arith.constant 0 : i32
      %dma_start3A_517 = tpu.memref_slice %arg11[%dma_start3A_515, %dma_start3A_516] : memref<1280x16xf32, #tpu.memory_space<vmem>> -> memref<256x16xf32, #tpu.memory_space<vmem>>
      %dma_start3A_518 = arith.constant 0 : i32
      %dma_start3A_519 = tpu.memref_slice %arg8[%dma_start3A_518] : memref<1280xi32, #tpu.memory_space<vmem>> -> memref<256xi32, #tpu.memory_space<vmem>>
      %dma_start3A_520 = arith.constant 0 : i32
      %dma_start3A_521 = arith.constant 0 : i32
      %dma_start3A_522 = tpu.memref_slice %arg4[%dma_start3A_520, %dma_start3A_521] : memref<204800x16xf32, #tpu.memory_space<hbm>> -> memref<204800x16xf32, #tpu.memory_space<hbm>>
      tpu.enqueue_indirect_dma source(%dma_start3A_522 : memref<204800x16xf32, #tpu.memory_space<hbm>>) target(%dma_start3A_517 : memref<256x16xf32, #tpu.memory_space<vmem>>) offsets(%dma_start3A_519 : memref<256xi32, #tpu.memory_space<vmem>>) semaphore(%arg18 : memref<!tpu.dma_semaphore, #tpu.memory_space<semaphore_mem>>)
      %dma_start3A_523 = arith.constant 0 : i32
      %dma_start3A_524 = arith.constant 0 : i32
      %dma_start3A_525 = tpu.memref_slice %arg12[%dma_start3A_523, %dma_start3A_524] : memref<1280x8xf32, #tpu.memory_space<vmem>> -> memref<256x8xf32, #tpu.memory_space<vmem>>
      %dma_start3A_526 = arith.constant 0 : i32
      %dma_start3A_527 = tpu.memref_slice %arg7[%dma_start3A_526] : memref<1280xi32, #tpu.memory_space<vmem>> -> memref<256xi32, #tpu.memory_space<vmem>>
      %dma_start3A_528 = arith.constant 0 : i32
      %dma_start3A_529 = arith.constant 0 : i32
      %dma_start3A_530 = tpu.memref_slice %arg5[%dma_start3A_528, %dma_start3A_529] : memref<100000x8xf32, #tpu.memory_space<hbm>> -> memref<100000x8xf32, #tpu.memory_space<hbm>>
      tpu.enqueue_indirect_dma source(%dma_start3A_530 : memref<100000x8xf32, #tpu.memory_space<hbm>>) target(%dma_start3A_525 : memref<256x8xf32, #tpu.memory_space<vmem>>) offsets(%dma_start3A_527 : memref<256xi32, #tpu.memory_space<vmem>>) semaphore(%arg18 : memref<!tpu.dma_semaphore, #tpu.memory_space<semaphore_mem>>)
      %dma_start3A_531 = arith.constant 256 : i32
      %dma_start3A_532 = arith.constant 0 : i32
      %dma_start3A_533 = tpu.memref_slice %arg11[%dma_start3A_531, %dma_start3A_532] : memref<1280x16xf32, #tpu.memory_space<vmem>> -> memref<256x16xf32, #tpu.memory_space<vmem>>
      %dma_start3A_534 = arith.constant 256 : i32
      %dma_start3A_535 = tpu.memref_slice %arg8[%dma_start3A_534] : memref<1280xi32, #tpu.memory_space<vmem>> -> memref<256xi32, #tpu.memory_space<vmem>>
      %dma_start3A_536 = arith.constant 0 : i32
      %dma_start3A_537 = arith.constant 0 : i32
      %dma_start3A_538 = tpu.memref_slice %arg4[%dma_start3A_536, %dma_start3A_537] : memref<204800x16xf32, #tpu.memory_space<hbm>> -> memref<204800x16xf32, #tpu.memory_space<hbm>>
      tpu.enqueue_indirect_dma source(%dma_start3A_538 : memref<204800x16xf32, #tpu.memory_space<hbm>>) target(%dma_start3A_533 : memref<256x16xf32, #tpu.memory_space<vmem>>) offsets(%dma_start3A_535 : memref<256xi32, #tpu.memory_space<vmem>>) semaphore(%arg18 : memref<!tpu.dma_semaphore, #tpu.memory_space<semaphore_mem>>)
      %dma_start3A_539 = arith.constant 256 : i32
      %dma_start3A_540 = arith.constant 0 : i32
      %dma_start3A_541 = tpu.memref_slice %arg12[%dma_start3A_539, %dma_start3A_540] : memref<1280x8xf32, #tpu.memory_space<vmem>> -> memref<256x8xf32, #tpu.memory_space<vmem>>
      %dma_start3A_542 = arith.constant 256 : i32
      %dma_start3A_543 = tpu.memref_slice %arg7[%dma_start3A_542] : memref<1280xi32, #tpu.memory_space<vmem>> -> memref<256xi32, #tpu.memory_space<vmem>>
      %dma_start3A_544 = arith.constant 0 : i32
      %dma_start3A_545 = arith.constant 0 : i32
      %dma_start3A_546 = tpu.memref_slice %arg5[%dma_start3A_544, %dma_start3A_545] : memref<100000x8xf32, #tpu.memory_space<hbm>> -> memref<100000x8xf32, #tpu.memory_space<hbm>>
      tpu.enqueue_indirect_dma source(%dma_start3A_546 : memref<100000x8xf32, #tpu.memory_space<hbm>>) target(%dma_start3A_541 : memref<256x8xf32, #tpu.memory_space<vmem>>) offsets(%dma_start3A_543 : memref<256xi32, #tpu.memory_space<vmem>>) semaphore(%arg18 : memref<!tpu.dma_semaphore, #tpu.memory_space<semaphore_mem>>)
      %dma_start3A_547 = arith.constant 512 : i32
      %dma_start3A_548 = arith.constant 0 : i32
      %dma_start3A_549 = tpu.memref_slice %arg11[%dma_start3A_547, %dma_start3A_548] : memref<1280x16xf32, #tpu.memory_space<vmem>> -> memref<256x16xf32, #tpu.memory_space<vmem>>
      %dma_start3A_550 = arith.constant 512 : i32
      %dma_start3A_551 = tpu.memref_slice %arg8[%dma_start3A_550] : memref<1280xi32, #tpu.memory_space<vmem>> -> memref<256xi32, #tpu.memory_space<vmem>>
      %dma_start3A_552 = arith.constant 0 : i32
      %dma_start3A_553 = arith.constant 0 : i32
      %dma_start3A_554 = tpu.memref_slice %arg4[%dma_start3A_552, %dma_start3A_553] : memref<204800x16xf32, #tpu.memory_space<hbm>> -> memref<204800x16xf32, #tpu.memory_space<hbm>>
      tpu.enqueue_indirect_dma source(%dma_start3A_554 : memref<204800x16xf32, #tpu.memory_space<hbm>>) target(%dma_start3A_549 : memref<256x16xf32, #tpu.memory_space<vmem>>) offsets(%dma_start3A_551 : memref<256xi32, #tpu.memory_space<vmem>>) semaphore(%arg18 : memref<!tpu.dma_semaphore, #tpu.memory_space<semaphore_mem>>)
      %dma_start3A_555 = arith.constant 512 : i32
      %dma_start3A_556 = arith.constant 0 : i32
      %dma_start3A_557 = tpu.memref_slice %arg12[%dma_start3A_555, %dma_start3A_556] : memref<1280x8xf32, #tpu.memory_space<vmem>> -> memref<256x8xf32, #tpu.memory_space<vmem>>
      %dma_start3A_558 = arith.constant 512 : i32
      %dma_start3A_559 = tpu.memref_slice %arg7[%dma_start3A_558] : memref<1280xi32, #tpu.memory_space<vmem>> -> memref<256xi32, #tpu.memory_space<vmem>>
      %dma_start3A_560 = arith.constant 0 : i32
      %dma_start3A_561 = arith.constant 0 : i32
      %dma_start3A_562 = tpu.memref_slice %arg5[%dma_start3A_560, %dma_start3A_561] : memref<100000x8xf32, #tpu.memory_space<hbm>> -> memref<100000x8xf32, #tpu.memory_space<hbm>>
      tpu.enqueue_indirect_dma source(%dma_start3A_562 : memref<100000x8xf32, #tpu.memory_space<hbm>>) target(%dma_start3A_557 : memref<256x8xf32, #tpu.memory_space<vmem>>) offsets(%dma_start3A_559 : memref<256xi32, #tpu.memory_space<vmem>>) semaphore(%arg18 : memref<!tpu.dma_semaphore, #tpu.memory_space<semaphore_mem>>)
      %dma_start3A_563 = arith.constant 768 : i32
      %dma_start3A_564 = arith.constant 0 : i32
      %dma_start3A_565 = tpu.memref_slice %arg11[%dma_start3A_563, %dma_start3A_564] : memref<1280x16xf32, #tpu.memory_space<vmem>> -> memref<256x16xf32, #tpu.memory_space<vmem>>
      %dma_start3A_566 = arith.constant 768 : i32
      %dma_start3A_567 = tpu.memref_slice %arg8[%dma_start3A_566] : memref<1280xi32, #tpu.memory_space<vmem>> -> memref<256xi32, #tpu.memory_space<vmem>>
      %dma_start3A_568 = arith.constant 0 : i32
      %dma_start3A_569 = arith.constant 0 : i32
      %dma_start3A_570 = tpu.memref_slice %arg4[%dma_start3A_568, %dma_start3A_569] : memref<204800x16xf32, #tpu.memory_space<hbm>> -> memref<204800x16xf32, #tpu.memory_space<hbm>>
      tpu.enqueue_indirect_dma source(%dma_start3A_570 : memref<204800x16xf32, #tpu.memory_space<hbm>>) target(%dma_start3A_565 : memref<256x16xf32, #tpu.memory_space<vmem>>) offsets(%dma_start3A_567 : memref<256xi32, #tpu.memory_space<vmem>>) semaphore(%arg18 : memref<!tpu.dma_semaphore, #tpu.memory_space<semaphore_mem>>)
      %dma_start3A_571 = arith.constant 768 : i32
      %dma_start3A_572 = arith.constant 0 : i32
      %dma_start3A_573 = tpu.memref_slice %arg12[%dma_start3A_571, %dma_start3A_572] : memref<1280x8xf32, #tpu.memory_space<vmem>> -> memref<256x8xf32, #tpu.memory_space<vmem>>
      %dma_start3A_574 = arith.constant 768 : i32
      %dma_start3A_575 = tpu.memref_slice %arg7[%dma_start3A_574] : memref<1280xi32, #tpu.memory_space<vmem>> -> memref<256xi32, #tpu.memory_space<vmem>>
      %dma_start3A_576 = arith.constant 0 : i32
      %dma_start3A_577 = arith.constant 0 : i32
      %dma_start3A_578 = tpu.memref_slice %arg5[%dma_start3A_576, %dma_start3A_577] : memref<100000x8xf32, #tpu.memory_space<hbm>> -> memref<100000x8xf32, #tpu.memory_space<hbm>>
      tpu.enqueue_indirect_dma source(%dma_start3A_578 : memref<100000x8xf32, #tpu.memory_space<hbm>>) target(%dma_start3A_573 : memref<256x8xf32, #tpu.memory_space<vmem>>) offsets(%dma_start3A_575 : memref<256xi32, #tpu.memory_space<vmem>>) semaphore(%arg18 : memref<!tpu.dma_semaphore, #tpu.memory_space<semaphore_mem>>)
      %dma_start3A_579 = arith.constant 1024 : i32
      %dma_start3A_580 = arith.constant 0 : i32
      %dma_start3A_581 = tpu.memref_slice %arg11[%dma_start3A_579, %dma_start3A_580] : memref<1280x16xf32, #tpu.memory_space<vmem>> -> memref<256x16xf32, #tpu.memory_space<vmem>>
      %dma_start3A_582 = arith.constant 1024 : i32
      %dma_start3A_583 = tpu.memref_slice %arg8[%dma_start3A_582] : memref<1280xi32, #tpu.memory_space<vmem>> -> memref<256xi32, #tpu.memory_space<vmem>>
      %dma_start3A_584 = arith.constant 0 : i32
      %dma_start3A_585 = arith.constant 0 : i32
      %dma_start3A_586 = tpu.memref_slice %arg4[%dma_start3A_584, %dma_start3A_585] : memref<204800x16xf32, #tpu.memory_space<hbm>> -> memref<204800x16xf32, #tpu.memory_space<hbm>>
      tpu.enqueue_indirect_dma source(%dma_start3A_586 : memref<204800x16xf32, #tpu.memory_space<hbm>>) target(%dma_start3A_581 : memref<256x16xf32, #tpu.memory_space<vmem>>) offsets(%dma_start3A_583 : memref<256xi32, #tpu.memory_space<vmem>>) semaphore(%arg18 : memref<!tpu.dma_semaphore, #tpu.memory_space<semaphore_mem>>)
      %dma_start3A_587 = arith.constant 1024 : i32
      %dma_start3A_588 = arith.constant 0 : i32
      %dma_start3A_589 = tpu.memref_slice %arg12[%dma_start3A_587, %dma_start3A_588] : memref<1280x8xf32, #tpu.memory_space<vmem>> -> memref<256x8xf32, #tpu.memory_space<vmem>>
      %dma_start3A_590 = arith.constant 1024 : i32
      %dma_start3A_591 = tpu.memref_slice %arg7[%dma_start3A_590] : memref<1280xi32, #tpu.memory_space<vmem>> -> memref<256xi32, #tpu.memory_space<vmem>>
      %dma_start3A_592 = arith.constant 0 : i32
      %dma_start3A_593 = arith.constant 0 : i32
      %dma_start3A_594 = tpu.memref_slice %arg5[%dma_start3A_592, %dma_start3A_593] : memref<100000x8xf32, #tpu.memory_space<hbm>> -> memref<100000x8xf32, #tpu.memory_space<hbm>>
      tpu.enqueue_indirect_dma source(%dma_start3A_594 : memref<100000x8xf32, #tpu.memory_space<hbm>>) target(%dma_start3A_589 : memref<256x8xf32, #tpu.memory_space<vmem>>) offsets(%dma_start3A_591 : memref<256xi32, #tpu.memory_space<vmem>>) semaphore(%arg18 : memref<!tpu.dma_semaphore, #tpu.memory_space<semaphore_mem>>)
      %add3A_595 = arith.constant 2 : i32
      %add3A_596 = arith.addi %add3A_422, %add3A_595 : i32
      %sub3A_597 = arith.constant 1 : i32
      %sub3A_598 = arith.subi %select_n3A, %sub3A_597 : i32
      %min3A_599 = arith.minsi %add3A_596, %sub3A_598 : i32
      %mul3A_600 = arith.constant 1280 : i32
      %mul3A_601 = arith.muli %min3A_599, %mul3A_600 : i32
      %add3A_602 = arith.addi %mul3A_13, %mul3A_601 : i32
      %dma_start3A_603 = tpu.memref_slice %arg2[%add3A_602] : memref<1638400xi32, #tpu.memory_space<hbm>> -> memref<1280xi32, #tpu.memory_space<hbm>>
      %dma_start3A_604 = tpu.memref_slice %arg2[%add3A_602] : memref<1638400xi32, #tpu.memory_space<hbm>> -> memref<1280xi32, #tpu.memory_space<hbm>>
      tpu.enqueue_dma source(%dma_start3A_604 : memref<1280xi32, #tpu.memory_space<hbm>>) target(%arg9 : memref<1280xi32, #tpu.memory_space<vmem>>) target_semaphore(%arg17 : memref<!tpu.dma_semaphore, #tpu.memory_space<semaphore_mem>>)
      %dma_start3A_605 = tpu.memref_slice %arg3[%add3A_602] : memref<1638400xi32, #tpu.memory_space<hbm>> -> memref<1280xi32, #tpu.memory_space<hbm>>
      %dma_start3A_606 = tpu.memref_slice %arg3[%add3A_602] : memref<1638400xi32, #tpu.memory_space<hbm>> -> memref<1280xi32, #tpu.memory_space<hbm>>
      tpu.enqueue_dma source(%dma_start3A_606 : memref<1280xi32, #tpu.memory_space<hbm>>) target(%arg10 : memref<1280xi32, #tpu.memory_space<vmem>>) target_semaphore(%arg17 : memref<!tpu.dma_semaphore, #tpu.memory_space<semaphore_mem>>)
      %mul3A_607 = arith.constant 1280 : i32
      %mul3A_608 = arith.muli %add3A_422, %mul3A_607 : i32
      %add3A_609 = arith.addi %mul3A_13, %mul3A_608 : i32
      %scan3A_610 = arith.constant 0 : i32
      %scan3A_611 = arith.constant 0 : i32
      %scan3A_612 = arith.constant 80 : i32
      %scan3A_613 = arith.addi %scan3A_611, %scan3A_612 : i32
      %scan3A_614 = arith.constant 1 : i32
      scf.for %scan3A_616 = %scan3A_611 to %scan3A_613 step %scan3A_614  : i32 {
        %mul3A_617 = arith.constant 16 : i32
        %mul3A_618 = arith.muli %scan3A_616, %mul3A_617 : i32
        %add3A_619 = vector.broadcast %mul3A_618 : i32 to vector<16xi32>
        %add3A_620 = arith.addi %add3A_619, %iota3A : vector<16xi32>
        %broadcast_in_dim3A_621 = arith.constant 0 : i32
        %broadcast_in_dim3A_622 = vector.broadcast %broadcast_in_dim3A_621 : i32 to vector<16xi32>
        %gather3A = tpu.vector_load_idx %arg13[%add3A_620, %broadcast_in_dim3A_622] : memref<1280x16xf32, #tpu.memory_space<vmem>>[vector<16xi32>, vector<16xi32>], vector<16xf32>,
        %broadcast_in_dim3A_623 = arith.constant 1 : i32
        %broadcast_in_dim3A_624 = vector.broadcast %broadcast_in_dim3A_623 : i32 to vector<16xi32>
        %gather3A_625 = tpu.vector_load_idx %arg13[%add3A_620, %broadcast_in_dim3A_624] : memref<1280x16xf32, #tpu.memory_space<vmem>>[vector<16xi32>, vector<16xi32>], vector<16xf32>,
        %broadcast_in_dim3A_626 = arith.constant 2 : i32
        %broadcast_in_dim3A_627 = vector.broadcast %broadcast_in_dim3A_626 : i32 to vector<16xi32>
        %gather3A_628 = tpu.vector_load_idx %arg13[%add3A_620, %broadcast_in_dim3A_627] : memref<1280x16xf32, #tpu.memory_space<vmem>>[vector<16xi32>, vector<16xi32>], vector<16xf32>,
        %broadcast_in_dim3A_629 = arith.constant 3 : i32
        %broadcast_in_dim3A_630 = vector.broadcast %broadcast_in_dim3A_629 : i32 to vector<16xi32>
        %gather3A_631 = tpu.vector_load_idx %arg13[%add3A_620, %broadcast_in_dim3A_630] : memref<1280x16xf32, #tpu.memory_space<vmem>>[vector<16xi32>, vector<16xi32>], vector<16xf32>,
        %broadcast_in_dim3A_632 = arith.constant 4 : i32
        %broadcast_in_dim3A_633 = vector.broadcast %broadcast_in_dim3A_632 : i32 to vector<16xi32>
        %gather3A_634 = tpu.vector_load_idx %arg13[%add3A_620, %broadcast_in_dim3A_633] : memref<1280x16xf32, #tpu.memory_space<vmem>>[vector<16xi32>, vector<16xi32>], vector<16xf32>,
        %broadcast_in_dim3A_635 = arith.constant 5 : i32
        %broadcast_in_dim3A_636 = vector.broadcast %broadcast_in_dim3A_635 : i32 to vector<16xi32>
        %gather3A_637 = tpu.vector_load_idx %arg13[%add3A_620, %broadcast_in_dim3A_636] : memref<1280x16xf32, #tpu.memory_space<vmem>>[vector<16xi32>, vector<16xi32>], vector<16xf32>,
        %broadcast_in_dim3A_638 = arith.constant 6 : i32
        %broadcast_in_dim3A_639 = vector.broadcast %broadcast_in_dim3A_638 : i32 to vector<16xi32>
        %gather3A_640 = tpu.vector_load_idx %arg13[%add3A_620, %broadcast_in_dim3A_639] : memref<1280x16xf32, #tpu.memory_space<vmem>>[vector<16xi32>, vector<16xi32>], vector<16xf32>,
        %broadcast_in_dim3A_641 = arith.constant 7 : i32
        %broadcast_in_dim3A_642 = vector.broadcast %broadcast_in_dim3A_641 : i32 to vector<16xi32>
        %gather3A_643 = tpu.vector_load_idx %arg13[%add3A_620, %broadcast_in_dim3A_642] : memref<1280x16xf32, #tpu.memory_space<vmem>>[vector<16xi32>, vector<16xi32>], vector<16xf32>,
        %broadcast_in_dim3A_644 = arith.constant 8 : i32
        %broadcast_in_dim3A_645 = vector.broadcast %broadcast_in_dim3A_644 : i32 to vector<16xi32>
        %gather3A_646 = tpu.vector_load_idx %arg13[%add3A_620, %broadcast_in_dim3A_645] : memref<1280x16xf32, #tpu.memory_space<vmem>>[vector<16xi32>, vector<16xi32>], vector<16xf32>,
        %broadcast_in_dim3A_647 = arith.constant 0 : i32
        %broadcast_in_dim3A_648 = vector.broadcast %broadcast_in_dim3A_647 : i32 to vector<16xi32>
        %gather3A_649 = tpu.vector_load_idx %arg14[%add3A_620, %broadcast_in_dim3A_648] : memref<1280x8xf32, #tpu.memory_space<vmem>>[vector<16xi32>, vector<16xi32>], vector<16xf32>,
        %broadcast_in_dim3A_650 = arith.constant 1 : i32
        %broadcast_in_dim3A_651 = vector.broadcast %broadcast_in_dim3A_650 : i32 to vector<16xi32>
        %gather3A_652 = tpu.vector_load_idx %arg14[%add3A_620, %broadcast_in_dim3A_651] : memref<1280x8xf32, #tpu.memory_space<vmem>>[vector<16xi32>, vector<16xi32>], vector<16xf32>,
        %broadcast_in_dim3A_653 = arith.constant 2 : i32
        %broadcast_in_dim3A_654 = vector.broadcast %broadcast_in_dim3A_653 : i32 to vector<16xi32>
        %gather3A_655 = tpu.vector_load_idx %arg14[%add3A_620, %broadcast_in_dim3A_654] : memref<1280x8xf32, #tpu.memory_space<vmem>>[vector<16xi32>, vector<16xi32>], vector<16xf32>,
        %broadcast_in_dim3A_656 = arith.constant 3 : i32
        %broadcast_in_dim3A_657 = vector.broadcast %broadcast_in_dim3A_656 : i32 to vector<16xi32>
        %gather3A_658 = tpu.vector_load_idx %arg14[%add3A_620, %broadcast_in_dim3A_657] : memref<1280x8xf32, #tpu.memory_space<vmem>>[vector<16xi32>, vector<16xi32>], vector<16xf32>,
        %broadcast_in_dim3A_659 = arith.constant 4 : i32
        %broadcast_in_dim3A_660 = vector.broadcast %broadcast_in_dim3A_659 : i32 to vector<16xi32>
        %gather3A_661 = tpu.vector_load_idx %arg14[%add3A_620, %broadcast_in_dim3A_660] : memref<1280x8xf32, #tpu.memory_space<vmem>>[vector<16xi32>, vector<16xi32>], vector<16xf32>,
        %broadcast_in_dim3A_662 = arith.constant 5 : i32
        %broadcast_in_dim3A_663 = vector.broadcast %broadcast_in_dim3A_662 : i32 to vector<16xi32>
        %gather3A_664 = tpu.vector_load_idx %arg14[%add3A_620, %broadcast_in_dim3A_663] : memref<1280x8xf32, #tpu.memory_space<vmem>>[vector<16xi32>, vector<16xi32>], vector<16xf32>,
        %broadcast_in_dim3A_665 = arith.constant 6 : i32
        %broadcast_in_dim3A_666 = vector.broadcast %broadcast_in_dim3A_665 : i32 to vector<16xi32>
        %gather3A_667 = tpu.vector_load_idx %arg14[%add3A_620, %broadcast_in_dim3A_666] : memref<1280x8xf32, #tpu.memory_space<vmem>>[vector<16xi32>, vector<16xi32>], vector<16xf32>,
        %mul3A_668 = arith.mulf %gather3A_649, %gather3A : vector<16xf32>
        %mul3A_669 = arith.mulf %gather3A_652, %gather3A_625 : vector<16xf32>
        %add3A_670 = arith.addf %mul3A_668, %mul3A_669 : vector<16xf32>
        %mul3A_671 = arith.mulf %gather3A_655, %gather3A_628 : vector<16xf32>
        %add3A_672 = arith.addf %add3A_670, %mul3A_671 : vector<16xf32>
        %sub3A_673 = arith.subf %add3A_672, %gather3A_631 : vector<16xf32>
        %mul3A_674 = arith.mulf %gather3A_661, %gather3A_634 : vector<16xf32>
        %mul3A_675 = arith.mulf %gather3A_664, %gather3A_637 : vector<16xf32>
        %add3A_676 = arith.addf %mul3A_674, %mul3A_675 : vector<16xf32>
        %mul3A_677 = arith.mulf %gather3A_667, %gather3A_640 : vector<16xf32>
        %add3A_678 = arith.addf %add3A_676, %mul3A_677 : vector<16xf32>
        %sub3A_679 = arith.subf %add3A_678, %gather3A_643 : vector<16xf32>
        %abs3A = math.absf %sub3A_673 : vector<16xf32>
        %lt3A = arith.constant 1.000000e+00 : f32
        %lt3A_680 = vector.broadcast %lt3A : f32 to vector<16xf32>
        %lt3A_681 = arith.cmpf olt, %abs3A, %lt3A_680 : vector<16xf32>
        %sign3A_682 = tpu.bitcast %sub3A_673 : vector<16xf32> -> vector<16xi32>
        %sign3A_683 = arith.constant -2147483648 : i32
        %sign3A_684 = vector.broadcast %sign3A_683 : i32 to vector<16xi32>
        %sign3A_685 = arith.andi %sign3A_682, %sign3A_684 : vector<16xi32>
        %sign3A_686 = arith.constant 1065353216 : i32
        %sign3A_687 = vector.broadcast %sign3A_686 : i32 to vector<16xi32>
        %sign3A_688 = arith.ori %sign3A_687, %sign3A_685 : vector<16xi32>
        %sign3A_689 = tpu.bitcast %sign3A_688 : vector<16xi32> -> vector<16xf32>
        %sign3A_690 = math.absf %sub3A_673 : vector<16xf32>
        %sign3A_691 = arith.constant 0.000000e+00 : f32
        %sign3A_692 = vector.broadcast %sign3A_691 : f32 to vector<16xf32>
        %sign3A_693 = arith.cmpf ogt, %sign3A_690, %sign3A_692 : vector<16xf32>
        %sign3A_694 = arith.select %sign3A_693, %sign3A_689, %sub3A_673 : vector<16xi1>, vector<16xf32>
        %mul3A_695 = arith.mulf %sub3A_679, %sign3A_694 : vector<16xf32>
        %sub3A_696 = arith.constant 1.000000e-01 : f32
        %sub3A_697 = vector.broadcast %sub3A_696 : f32 to vector<16xf32>
        %sub3A_698 = arith.subf %sub3A_697, %mul3A_695 : vector<16xf32>
        %max3A = arith.constant 0.000000e+00 : f32
        %max3A_699 = vector.broadcast %max3A : f32 to vector<16xf32>
        %max3A_700 = arith.maximumf %sub3A_698, %max3A_699 : vector<16xf32>
        %eq3A_701 = arith.constant 3.000000e+00 : f32
        %eq3A_702 = vector.broadcast %eq3A_701 : f32 to vector<16xf32>
        %eq3A_703 = arith.cmpf oeq, %gather3A_658, %eq3A_702 : vector<16xf32>
        %jit3A_704 = arith.constant 1.000000e+01 : f32
        %jit3A_705 = arith.constant 1.000000e+00 : f32
        %broadcast_in_dim3A_706 = vector.broadcast %jit3A_704 : f32 to vector<16xf32>
        %broadcast_in_dim3A_707 = vector.broadcast %jit3A_705 : f32 to vector<16xf32>
        %select_n3A_708 = arith.select %eq3A_703, %broadcast_in_dim3A_706, %broadcast_in_dim3A_707 : vector<16xi1>, vector<16xf32>
        %max3A_709 = arith.maximumf %gather3A_646, %select_n3A_708 : vector<16xf32>
        %mul3A_710 = arith.mulf %max3A_700, %max3A_709 : vector<16xf32>
        %add3A_711 = vector.broadcast %add3A_609 : i32 to vector<16xi32>
        %add3A_712 = arith.addi %add3A_711, %add3A_620 : vector<16xi32>
        %lt3A_713 = arith.constant 1600000 : i32
        %lt3A_714 = vector.broadcast %lt3A_713 : i32 to vector<16xi32>
        %lt3A_715 = arith.cmpi slt, %add3A_712, %lt3A_714 : vector<16xi32>
        %get3A = arith.constant 0 : index
        %get3A_716 = tpu.vector_load %arg15[%get3A] {strides = array<i32>} : memref<16xf32, #tpu.memory_space<vmem>>, vector<16xf32>,
        %and3A_717 = arith.andi %lt3A_681, %lt3A_715 : vector<16xi1>
        %mul3A_718 = arith.mulf %mul3A_710, %mul3A_710 : vector<16xf32>
        %mul3A_719 = arith.mulf %mul3A_718, %mul3A_710 : vector<16xf32>
        %jit3A_720 = arith.constant 0.000000e+00 : f32
        %broadcast_in_dim3A_721 = vector.broadcast %jit3A_720 : f32 to vector<16xf32>
        %select_n3A_722 = arith.select %and3A_717, %mul3A_719, %broadcast_in_dim3A_721 : vector<16xi1>, vector<16xf32>
        %add3A_723 = arith.addf %get3A_716, %select_n3A_722 : vector<16xf32>
        %swap3A_724 = arith.constant 0 : index
        %swap3A_725 = tpu.vector_load %arg15[%swap3A_724] {strides = array<i32>} : memref<16xf32, #tpu.memory_space<vmem>>, vector<16xf32>,
        tpu.vector_store %arg15[%swap3A_724], %add3A_723 {strides = array<i32>} : memref<16xf32, #tpu.memory_space<vmem>>, vector<16xf32>,
      }
      %scan3A_615 = arith.constant 80 : i32
    }
    %dma_wait3A_139 = arith.constant 0 : i32
    %dma_wait3A_140 = arith.constant 0 : i32
    %dma_wait3A_141 = tpu.memref_slice %arg11[%dma_wait3A_139, %dma_wait3A_140] : memref<1280x16xf32, #tpu.memory_space<vmem>> -> memref<256x16xf32, #tpu.memory_space<vmem>>
    %dma_wait3A_142 = arith.constant 0 : i32
    %dma_wait3A_143 = tpu.memref_slice %arg8[%dma_wait3A_142] : memref<1280xi32, #tpu.memory_space<vmem>> -> memref<256xi32, #tpu.memory_space<vmem>>
    %dma_wait3A_144 = arith.constant 0 : i32
    %dma_wait3A_145 = arith.constant 0 : i32
    %dma_wait3A_146 = tpu.memref_slice %arg4[%dma_wait3A_144, %dma_wait3A_145] : memref<204800x16xf32, #tpu.memory_space<hbm>> -> memref<204800x16xf32, #tpu.memory_space<hbm>>
    tpu.wait_indirect_dma semaphore(%arg18 : memref<!tpu.dma_semaphore, #tpu.memory_space<semaphore_mem>>) src(%dma_wait3A_146 : memref<204800x16xf32, #tpu.memory_space<hbm>>) dst(%dma_wait3A_141 : memref<256x16xf32, #tpu.memory_space<vmem>>)
    %dma_wait3A_147 = arith.constant 0 : i32
    %dma_wait3A_148 = arith.constant 0 : i32
    %dma_wait3A_149 = tpu.memref_slice %arg12[%dma_wait3A_147, %dma_wait3A_148] : memref<1280x8xf32, #tpu.memory_space<vmem>> -> memref<256x8xf32, #tpu.memory_space<vmem>>
    %dma_wait3A_150 = arith.constant 0 : i32
    %dma_wait3A_151 = tpu.memref_slice %arg7[%dma_wait3A_150] : memref<1280xi32, #tpu.memory_space<vmem>> -> memref<256xi32, #tpu.memory_space<vmem>>
    %dma_wait3A_152 = arith.constant 0 : i32
    %dma_wait3A_153 = arith.constant 0 : i32
    %dma_wait3A_154 = tpu.memref_slice %arg5[%dma_wait3A_152, %dma_wait3A_153] : memref<100000x8xf32, #tpu.memory_space<hbm>> -> memref<100000x8xf32, #tpu.memory_space<hbm>>
    tpu.wait_indirect_dma semaphore(%arg18 : memref<!tpu.dma_semaphore, #tpu.memory_space<semaphore_mem>>) src(%dma_wait3A_154 : memref<100000x8xf32, #tpu.memory_space<hbm>>) dst(%dma_wait3A_149 : memref<256x8xf32, #tpu.memory_space<vmem>>)
    %dma_wait3A_155 = arith.constant 256 : i32
    %dma_wait3A_156 = arith.constant 0 : i32
    %dma_wait3A_157 = tpu.memref_slice %arg11[%dma_wait3A_155, %dma_wait3A_156] : memref<1280x16xf32, #tpu.memory_space<vmem>> -> memref<256x16xf32, #tpu.memory_space<vmem>>
    %dma_wait3A_158 = arith.constant 256 : i32
    %dma_wait3A_159 = tpu.memref_slice %arg8[%dma_wait3A_158] : memref<1280xi32, #tpu.memory_space<vmem>> -> memref<256xi32, #tpu.memory_space<vmem>>
    %dma_wait3A_160 = arith.constant 0 : i32
    %dma_wait3A_161 = arith.constant 0 : i32
    %dma_wait3A_162 = tpu.memref_slice %arg4[%dma_wait3A_160, %dma_wait3A_161] : memref<204800x16xf32, #tpu.memory_space<hbm>> -> memref<204800x16xf32, #tpu.memory_space<hbm>>
    tpu.wait_indirect_dma semaphore(%arg18 : memref<!tpu.dma_semaphore, #tpu.memory_space<semaphore_mem>>) src(%dma_wait3A_162 : memref<204800x16xf32, #tpu.memory_space<hbm>>) dst(%dma_wait3A_157 : memref<256x16xf32, #tpu.memory_space<vmem>>)
    %dma_wait3A_163 = arith.constant 256 : i32
    %dma_wait3A_164 = arith.constant 0 : i32
    %dma_wait3A_165 = tpu.memref_slice %arg12[%dma_wait3A_163, %dma_wait3A_164] : memref<1280x8xf32, #tpu.memory_space<vmem>> -> memref<256x8xf32, #tpu.memory_space<vmem>>
    %dma_wait3A_166 = arith.constant 256 : i32
    %dma_wait3A_167 = tpu.memref_slice %arg7[%dma_wait3A_166] : memref<1280xi32, #tpu.memory_space<vmem>> -> memref<256xi32, #tpu.memory_space<vmem>>
    %dma_wait3A_168 = arith.constant 0 : i32
    %dma_wait3A_169 = arith.constant 0 : i32
    %dma_wait3A_170 = tpu.memref_slice %arg5[%dma_wait3A_168, %dma_wait3A_169] : memref<100000x8xf32, #tpu.memory_space<hbm>> -> memref<100000x8xf32, #tpu.memory_space<hbm>>
    tpu.wait_indirect_dma semaphore(%arg18 : memref<!tpu.dma_semaphore, #tpu.memory_space<semaphore_mem>>) src(%dma_wait3A_170 : memref<100000x8xf32, #tpu.memory_space<hbm>>) dst(%dma_wait3A_165 : memref<256x8xf32, #tpu.memory_space<vmem>>)
    %dma_wait3A_171 = arith.constant 512 : i32
    %dma_wait3A_172 = arith.constant 0 : i32
    %dma_wait3A_173 = tpu.memref_slice %arg11[%dma_wait3A_171, %dma_wait3A_172] : memref<1280x16xf32, #tpu.memory_space<vmem>> -> memref<256x16xf32, #tpu.memory_space<vmem>>
    %dma_wait3A_174 = arith.constant 512 : i32
    %dma_wait3A_175 = tpu.memref_slice %arg8[%dma_wait3A_174] : memref<1280xi32, #tpu.memory_space<vmem>> -> memref<256xi32, #tpu.memory_space<vmem>>
    %dma_wait3A_176 = arith.constant 0 : i32
    %dma_wait3A_177 = arith.constant 0 : i32
    %dma_wait3A_178 = tpu.memref_slice %arg4[%dma_wait3A_176, %dma_wait3A_177] : memref<204800x16xf32, #tpu.memory_space<hbm>> -> memref<204800x16xf32, #tpu.memory_space<hbm>>
    tpu.wait_indirect_dma semaphore(%arg18 : memref<!tpu.dma_semaphore, #tpu.memory_space<semaphore_mem>>) src(%dma_wait3A_178 : memref<204800x16xf32, #tpu.memory_space<hbm>>) dst(%dma_wait3A_173 : memref<256x16xf32, #tpu.memory_space<vmem>>)
    %dma_wait3A_179 = arith.constant 512 : i32
    %dma_wait3A_180 = arith.constant 0 : i32
    %dma_wait3A_181 = tpu.memref_slice %arg12[%dma_wait3A_179, %dma_wait3A_180] : memref<1280x8xf32, #tpu.memory_space<vmem>> -> memref<256x8xf32, #tpu.memory_space<vmem>>
    %dma_wait3A_182 = arith.constant 512 : i32
    %dma_wait3A_183 = tpu.memref_slice %arg7[%dma_wait3A_182] : memref<1280xi32, #tpu.memory_space<vmem>> -> memref<256xi32, #tpu.memory_space<vmem>>
    %dma_wait3A_184 = arith.constant 0 : i32
    %dma_wait3A_185 = arith.constant 0 : i32
    %dma_wait3A_186 = tpu.memref_slice %arg5[%dma_wait3A_184, %dma_wait3A_185] : memref<100000x8xf32, #tpu.memory_space<hbm>> -> memref<100000x8xf32, #tpu.memory_space<hbm>>
    tpu.wait_indirect_dma semaphore(%arg18 : memref<!tpu.dma_semaphore, #tpu.memory_space<semaphore_mem>>) src(%dma_wait3A_186 : memref<100000x8xf32, #tpu.memory_space<hbm>>) dst(%dma_wait3A_181 : memref<256x8xf32, #tpu.memory_space<vmem>>)
    %dma_wait3A_187 = arith.constant 768 : i32
    %dma_wait3A_188 = arith.constant 0 : i32
    %dma_wait3A_189 = tpu.memref_slice %arg11[%dma_wait3A_187, %dma_wait3A_188] : memref<1280x16xf32, #tpu.memory_space<vmem>> -> memref<256x16xf32, #tpu.memory_space<vmem>>
    %dma_wait3A_190 = arith.constant 768 : i32
    %dma_wait3A_191 = tpu.memref_slice %arg8[%dma_wait3A_190] : memref<1280xi32, #tpu.memory_space<vmem>> -> memref<256xi32, #tpu.memory_space<vmem>>
    %dma_wait3A_192 = arith.constant 0 : i32
    %dma_wait3A_193 = arith.constant 0 : i32
    %dma_wait3A_194 = tpu.memref_slice %arg4[%dma_wait3A_192, %dma_wait3A_193] : memref<204800x16xf32, #tpu.memory_space<hbm>> -> memref<204800x16xf32, #tpu.memory_space<hbm>>
    tpu.wait_indirect_dma semaphore(%arg18 : memref<!tpu.dma_semaphore, #tpu.memory_space<semaphore_mem>>) src(%dma_wait3A_194 : memref<204800x16xf32, #tpu.memory_space<hbm>>) dst(%dma_wait3A_189 : memref<256x16xf32, #tpu.memory_space<vmem>>)
    %dma_wait3A_195 = arith.constant 768 : i32
    %dma_wait3A_196 = arith.constant 0 : i32
    %dma_wait3A_197 = tpu.memref_slice %arg12[%dma_wait3A_195, %dma_wait3A_196] : memref<1280x8xf32, #tpu.memory_space<vmem>> -> memref<256x8xf32, #tpu.memory_space<vmem>>
    %dma_wait3A_198 = arith.constant 768 : i32
    %dma_wait3A_199 = tpu.memref_slice %arg7[%dma_wait3A_198] : memref<1280xi32, #tpu.memory_space<vmem>> -> memref<256xi32, #tpu.memory_space<vmem>>
    %dma_wait3A_200 = arith.constant 0 : i32
    %dma_wait3A_201 = arith.constant 0 : i32
    %dma_wait3A_202 = tpu.memref_slice %arg5[%dma_wait3A_200, %dma_wait3A_201] : memref<100000x8xf32, #tpu.memory_space<hbm>> -> memref<100000x8xf32, #tpu.memory_space<hbm>>
    tpu.wait_indirect_dma semaphore(%arg18 : memref<!tpu.dma_semaphore, #tpu.memory_space<semaphore_mem>>) src(%dma_wait3A_202 : memref<100000x8xf32, #tpu.memory_space<hbm>>) dst(%dma_wait3A_197 : memref<256x8xf32, #tpu.memory_space<vmem>>)
    %dma_wait3A_203 = arith.constant 1024 : i32
    %dma_wait3A_204 = arith.constant 0 : i32
    %dma_wait3A_205 = tpu.memref_slice %arg11[%dma_wait3A_203, %dma_wait3A_204] : memref<1280x16xf32, #tpu.memory_space<vmem>> -> memref<256x16xf32, #tpu.memory_space<vmem>>
    %dma_wait3A_206 = arith.constant 1024 : i32
    %dma_wait3A_207 = tpu.memref_slice %arg8[%dma_wait3A_206] : memref<1280xi32, #tpu.memory_space<vmem>> -> memref<256xi32, #tpu.memory_space<vmem>>
    %dma_wait3A_208 = arith.constant 0 : i32
    %dma_wait3A_209 = arith.constant 0 : i32
    %dma_wait3A_210 = tpu.memref_slice %arg4[%dma_wait3A_208, %dma_wait3A_209] : memref<204800x16xf32, #tpu.memory_space<hbm>> -> memref<204800x16xf32, #tpu.memory_space<hbm>>
    tpu.wait_indirect_dma semaphore(%arg18 : memref<!tpu.dma_semaphore, #tpu.memory_space<semaphore_mem>>) src(%dma_wait3A_210 : memref<204800x16xf32, #tpu.memory_space<hbm>>) dst(%dma_wait3A_205 : memref<256x16xf32, #tpu.memory_space<vmem>>)
    %dma_wait3A_211 = arith.constant 1024 : i32
    %dma_wait3A_212 = arith.constant 0 : i32
    %dma_wait3A_213 = tpu.memref_slice %arg12[%dma_wait3A_211, %dma_wait3A_212] : memref<1280x8xf32, #tpu.memory_space<vmem>> -> memref<256x8xf32, #tpu.memory_space<vmem>>
    %dma_wait3A_214 = arith.constant 1024 : i32
    %dma_wait3A_215 = tpu.memref_slice %arg7[%dma_wait3A_214] : memref<1280xi32, #tpu.memory_space<vmem>> -> memref<256xi32, #tpu.memory_space<vmem>>
    %dma_wait3A_216 = arith.constant 0 : i32
    %dma_wait3A_217 = arith.constant 0 : i32
    %dma_wait3A_218 = tpu.memref_slice %arg5[%dma_wait3A_216, %dma_wait3A_217] : memref<100000x8xf32, #tpu.memory_space<hbm>> -> memref<100000x8xf32, #tpu.memory_space<hbm>>
    tpu.wait_indirect_dma semaphore(%arg18 : memref<!tpu.dma_semaphore, #tpu.memory_space<semaphore_mem>>) src(%dma_wait3A_218 : memref<100000x8xf32, #tpu.memory_space<hbm>>) dst(%dma_wait3A_213 : memref<256x8xf32, #tpu.memory_space<vmem>>)
    %add3A_219 = arith.constant 0 : i32
    %add3A_220 = arith.addi %mul3A_13, %add3A_219 : i32
    %dma_wait3A_221 = tpu.memref_slice %arg2[%add3A_220] : memref<1638400xi32, #tpu.memory_space<hbm>> -> memref<1280xi32, #tpu.memory_space<hbm>>
    %dma_wait3A_222 = tpu.memref_slice %arg2[%add3A_220] : memref<1638400xi32, #tpu.memory_space<hbm>> -> memref<1280xi32, #tpu.memory_space<hbm>>
    tpu.wait_dma2 semaphore(%arg17 : memref<!tpu.dma_semaphore, #tpu.memory_space<semaphore_mem>>) src(%dma_wait3A_222 : memref<1280xi32, #tpu.memory_space<hbm>>) dst(%arg9 : memref<1280xi32, #tpu.memory_space<vmem>>)
    %dma_wait3A_223 = tpu.memref_slice %arg3[%add3A_220] : memref<1638400xi32, #tpu.memory_space<hbm>> -> memref<1280xi32, #tpu.memory_space<hbm>>
    %dma_wait3A_224 = tpu.memref_slice %arg3[%add3A_220] : memref<1638400xi32, #tpu.memory_space<hbm>> -> memref<1280xi32, #tpu.memory_space<hbm>>
    tpu.wait_dma2 semaphore(%arg17 : memref<!tpu.dma_semaphore, #tpu.memory_space<semaphore_mem>>) src(%dma_wait3A_224 : memref<1280xi32, #tpu.memory_space<hbm>>) dst(%arg10 : memref<1280xi32, #tpu.memory_space<vmem>>)
    "tpu.region"() ({
      %run_scoped3A = tpu.sem_alloc : memref<!tpu.dma_semaphore, #tpu.memory_space<semaphore_mem>>
      %dma_start3A_225 = arith.constant 0 : i32
      %dma_start3A_226 = tpu.memref_slice %arg6[%add3A, %dma_start3A_225] : memref<32x16xf32, #tpu.memory_space<hbm>> -> memref<1x16xf32, #tpu.memory_space<hbm>>
      %dma_start3A_227 = tpu.memref_squeeze %dma_start3A_226 : memref<1x16xf32, #tpu.memory_space<hbm>> -> memref<16xf32, #tpu.memory_space<hbm>>
      %dma_start3A_228 = arith.constant 0 : i32
      %dma_start3A_229 = tpu.memref_slice %arg6[%add3A, %dma_start3A_228] : memref<32x16xf32, #tpu.memory_space<hbm>> -> memref<1x16xf32, #tpu.memory_space<hbm>>
      %dma_start3A_230 = tpu.memref_squeeze %dma_start3A_229 : memref<1x16xf32, #tpu.memory_space<hbm>> -> memref<16xf32, #tpu.memory_space<hbm>>
      tpu.enqueue_dma source(%arg15 : memref<16xf32, #tpu.memory_space<vmem>>) target(%dma_start3A_230 : memref<16xf32, #tpu.memory_space<hbm>>) target_semaphore(%run_scoped3A : memref<!tpu.dma_semaphore, #tpu.memory_space<semaphore_mem>>)
      %dma_wait3A_231 = arith.constant 0 : i32
      %dma_wait3A_232 = tpu.memref_slice %arg6[%add3A, %dma_wait3A_231] : memref<32x16xf32, #tpu.memory_space<hbm>> -> memref<1x16xf32, #tpu.memory_space<hbm>>
      %dma_wait3A_233 = tpu.memref_squeeze %dma_wait3A_232 : memref<1x16xf32, #tpu.memory_space<hbm>> -> memref<16xf32, #tpu.memory_space<hbm>>
      %dma_wait3A_234 = arith.constant 0 : i32
      %dma_wait3A_235 = tpu.memref_slice %arg6[%add3A, %dma_wait3A_234] : memref<32x16xf32, #tpu.memory_space<hbm>> -> memref<1x16xf32, #tpu.memory_space<hbm>>
      %dma_wait3A_236 = tpu.memref_squeeze %dma_wait3A_235 : memref<1x16xf32, #tpu.memory_space<hbm>> -> memref<16xf32, #tpu.memory_space<hbm>>
      tpu.wait_dma2 semaphore(%run_scoped3A : memref<!tpu.dma_semaphore, #tpu.memory_space<semaphore_mem>>) src(%arg15 : memref<16xf32, #tpu.memory_space<vmem>>) dst(%dma_wait3A_236 : memref<16xf32, #tpu.memory_space<hbm>>)
      tpu.yield
    }) : () -> ()
    return
  }
}

#map = affine_map<(d0, d1) -> (0, 0)>
#map1 = affine_map<(d0, d1) -> (0)>
module attributes {stable_mosaic.version = 14 : i64} {
  func.func @_face_stage_body(%arg0: i32, %arg1: i32, %arg2: memref<100000x8xf32, #tpu.memory_space<hbm>>, %arg3: memref<204800xi32, #tpu.memory_space<hbm>>, %arg4: memref<204800xi32, #tpu.memory_space<hbm>>, %arg5: memref<204800xi32, #tpu.memory_space<hbm>>, %arg6: memref<204800x16xf32, #tpu.memory_space<hbm>>, %arg7: memref<640xi32, #tpu.memory_space<vmem>>, %arg8: memref<640xi32, #tpu.memory_space<vmem>>, %arg9: memref<640xi32, #tpu.memory_space<vmem>>, %arg10: memref<640xi32, #tpu.memory_space<vmem>>, %arg11: memref<640xi32, #tpu.memory_space<vmem>>, %arg12: memref<640xi32, #tpu.memory_space<vmem>>, %arg13: memref<640x8xf32, #tpu.memory_space<vmem>>, %arg14: memref<640x8xf32, #tpu.memory_space<vmem>>, %arg15: memref<640x8xf32, #tpu.memory_space<vmem>>, %arg16: memref<640x8xf32, #tpu.memory_space<vmem>>, %arg17: memref<640x8xf32, #tpu.memory_space<vmem>>, %arg18: memref<640x8xf32, #tpu.memory_space<vmem>>, %arg19: memref<640x16xf32, #tpu.memory_space<vmem>>, %arg20: memref<!tpu.dma_semaphore, #tpu.memory_space<semaphore_mem>>, %arg21: memref<!tpu.dma_semaphore, #tpu.memory_space<semaphore_mem>>, %arg22: memref<!tpu.dma_semaphore, #tpu.memory_space<semaphore_mem>>, %arg23: memref<!tpu.dma_semaphore, #tpu.memory_space<semaphore_mem>>) attributes {dimension_semantics = [#tpu.dimension_semantics<core_parallel>, #tpu.dimension_semantics<subcore_parallel>], iteration_bounds = array<i64: 2, 16>, scalar_prefetch = 0 : i64, scratch_operands = 17 : i64, tpu.core_type = #tpu.core_type<sc_vector_subcore>, window_params = [{transform_indices = #map}, {transform_indices = #map1}, {transform_indices = #map1}, {transform_indices = #map1}, {transform_indices = #map}]} {
    %eq3A = arith.constant 0 : i32
    %eq3A_0 = arith.cmpi eq, %arg0, %eq3A : i32
    %jit3A = arith.constant 10 : i32
    %jit3A_1 = arith.constant 10 : i32
    %select_n3A = arith.select %eq3A_0, %jit3A, %jit3A_1 : i32
    %eq3A_2 = arith.constant 0 : i32
    %eq3A_3 = arith.cmpi eq, %arg0, %eq3A_2 : i32
    %mul3A = arith.constant 10 : i32
    %mul3A_4 = arith.muli %arg1, %mul3A : i32
    %mul3A_5 = arith.constant 10 : i32
    %mul3A_6 = arith.muli %arg1, %mul3A_5 : i32
    %add3A = arith.constant 160 : i32
    %add3A_7 = arith.addi %add3A, %mul3A_6 : i32
    %select_n3A_8 = arith.select %eq3A_3, %mul3A_4, %add3A_7 : i32
    %mul3A_9 = arith.constant 640 : i32
    %mul3A_10 = arith.muli %select_n3A_8, %mul3A_9 : i32
    %iota3A = tpu.iota {dimensions = array<i32: 0>} : vector<16xi32>
    %add3A_11 = arith.constant 0 : i32
    %add3A_12 = arith.addi %mul3A_10, %add3A_11 : i32
    %dma_start3A = tpu.memref_slice %arg3[%add3A_12] : memref<204800xi32, #tpu.memory_space<hbm>> -> memref<640xi32, #tpu.memory_space<hbm>>
    %dma_start3A_13 = tpu.memref_slice %arg3[%add3A_12] : memref<204800xi32, #tpu.memory_space<hbm>> -> memref<640xi32, #tpu.memory_space<hbm>>
    tpu.enqueue_dma source(%dma_start3A_13 : memref<640xi32, #tpu.memory_space<hbm>>) target(%arg7 : memref<640xi32, #tpu.memory_space<vmem>>) target_semaphore(%arg20 : memref<!tpu.dma_semaphore, #tpu.memory_space<semaphore_mem>>)
    %dma_start3A_14 = tpu.memref_slice %arg4[%add3A_12] : memref<204800xi32, #tpu.memory_space<hbm>> -> memref<640xi32, #tpu.memory_space<hbm>>
    %dma_start3A_15 = tpu.memref_slice %arg4[%add3A_12] : memref<204800xi32, #tpu.memory_space<hbm>> -> memref<640xi32, #tpu.memory_space<hbm>>
    tpu.enqueue_dma source(%dma_start3A_15 : memref<640xi32, #tpu.memory_space<hbm>>) target(%arg8 : memref<640xi32, #tpu.memory_space<vmem>>) target_semaphore(%arg20 : memref<!tpu.dma_semaphore, #tpu.memory_space<semaphore_mem>>)
    %dma_start3A_16 = tpu.memref_slice %arg5[%add3A_12] : memref<204800xi32, #tpu.memory_space<hbm>> -> memref<640xi32, #tpu.memory_space<hbm>>
    %dma_start3A_17 = tpu.memref_slice %arg5[%add3A_12] : memref<204800xi32, #tpu.memory_space<hbm>> -> memref<640xi32, #tpu.memory_space<hbm>>
    tpu.enqueue_dma source(%dma_start3A_17 : memref<640xi32, #tpu.memory_space<hbm>>) target(%arg9 : memref<640xi32, #tpu.memory_space<vmem>>) target_semaphore(%arg20 : memref<!tpu.dma_semaphore, #tpu.memory_space<semaphore_mem>>)
    %add3A_18 = arith.constant 640 : i32
    %add3A_19 = arith.addi %mul3A_10, %add3A_18 : i32
    %dma_start3A_20 = tpu.memref_slice %arg3[%add3A_19] : memref<204800xi32, #tpu.memory_space<hbm>> -> memref<640xi32, #tpu.memory_space<hbm>>
    %dma_start3A_21 = tpu.memref_slice %arg3[%add3A_19] : memref<204800xi32, #tpu.memory_space<hbm>> -> memref<640xi32, #tpu.memory_space<hbm>>
    tpu.enqueue_dma source(%dma_start3A_21 : memref<640xi32, #tpu.memory_space<hbm>>) target(%arg10 : memref<640xi32, #tpu.memory_space<vmem>>) target_semaphore(%arg21 : memref<!tpu.dma_semaphore, #tpu.memory_space<semaphore_mem>>)
    %dma_start3A_22 = tpu.memref_slice %arg4[%add3A_19] : memref<204800xi32, #tpu.memory_space<hbm>> -> memref<640xi32, #tpu.memory_space<hbm>>
    %dma_start3A_23 = tpu.memref_slice %arg4[%add3A_19] : memref<204800xi32, #tpu.memory_space<hbm>> -> memref<640xi32, #tpu.memory_space<hbm>>
    tpu.enqueue_dma source(%dma_start3A_23 : memref<640xi32, #tpu.memory_space<hbm>>) target(%arg11 : memref<640xi32, #tpu.memory_space<vmem>>) target_semaphore(%arg21 : memref<!tpu.dma_semaphore, #tpu.memory_space<semaphore_mem>>)
    %dma_start3A_24 = tpu.memref_slice %arg5[%add3A_19] : memref<204800xi32, #tpu.memory_space<hbm>> -> memref<640xi32, #tpu.memory_space<hbm>>
    %dma_start3A_25 = tpu.memref_slice %arg5[%add3A_19] : memref<204800xi32, #tpu.memory_space<hbm>> -> memref<640xi32, #tpu.memory_space<hbm>>
    tpu.enqueue_dma source(%dma_start3A_25 : memref<640xi32, #tpu.memory_space<hbm>>) target(%arg12 : memref<640xi32, #tpu.memory_space<vmem>>) target_semaphore(%arg21 : memref<!tpu.dma_semaphore, #tpu.memory_space<semaphore_mem>>)
    %add3A_26 = arith.constant 0 : i32
    %add3A_27 = arith.addi %mul3A_10, %add3A_26 : i32
    %dma_wait3A = tpu.memref_slice %arg3[%add3A_27] : memref<204800xi32, #tpu.memory_space<hbm>> -> memref<640xi32, #tpu.memory_space<hbm>>
    %dma_wait3A_28 = tpu.memref_slice %arg3[%add3A_27] : memref<204800xi32, #tpu.memory_space<hbm>> -> memref<640xi32, #tpu.memory_space<hbm>>
    tpu.wait_dma2 semaphore(%arg20 : memref<!tpu.dma_semaphore, #tpu.memory_space<semaphore_mem>>) src(%dma_wait3A_28 : memref<640xi32, #tpu.memory_space<hbm>>) dst(%arg7 : memref<640xi32, #tpu.memory_space<vmem>>)
    %dma_wait3A_29 = tpu.memref_slice %arg4[%add3A_27] : memref<204800xi32, #tpu.memory_space<hbm>> -> memref<640xi32, #tpu.memory_space<hbm>>
    %dma_wait3A_30 = tpu.memref_slice %arg4[%add3A_27] : memref<204800xi32, #tpu.memory_space<hbm>> -> memref<640xi32, #tpu.memory_space<hbm>>
    tpu.wait_dma2 semaphore(%arg20 : memref<!tpu.dma_semaphore, #tpu.memory_space<semaphore_mem>>) src(%dma_wait3A_30 : memref<640xi32, #tpu.memory_space<hbm>>) dst(%arg8 : memref<640xi32, #tpu.memory_space<vmem>>)
    %dma_wait3A_31 = tpu.memref_slice %arg5[%add3A_27] : memref<204800xi32, #tpu.memory_space<hbm>> -> memref<640xi32, #tpu.memory_space<hbm>>
    %dma_wait3A_32 = tpu.memref_slice %arg5[%add3A_27] : memref<204800xi32, #tpu.memory_space<hbm>> -> memref<640xi32, #tpu.memory_space<hbm>>
    tpu.wait_dma2 semaphore(%arg20 : memref<!tpu.dma_semaphore, #tpu.memory_space<semaphore_mem>>) src(%dma_wait3A_32 : memref<640xi32, #tpu.memory_space<hbm>>) dst(%arg9 : memref<640xi32, #tpu.memory_space<vmem>>)
    %dma_start3A_33 = arith.constant 0 : i32
    %dma_start3A_34 = arith.constant 0 : i32
    %dma_start3A_35 = tpu.memref_slice %arg13[%dma_start3A_33, %dma_start3A_34] : memref<640x8xf32, #tpu.memory_space<vmem>> -> memref<320x8xf32, #tpu.memory_space<vmem>>
    %dma_start3A_36 = arith.constant 0 : i32
    %dma_start3A_37 = tpu.memref_slice %arg7[%dma_start3A_36] : memref<640xi32, #tpu.memory_space<vmem>> -> memref<320xi32, #tpu.memory_space<vmem>>
    %dma_start3A_38 = arith.constant 0 : i32
    %dma_start3A_39 = arith.constant 0 : i32
    %dma_start3A_40 = tpu.memref_slice %arg2[%dma_start3A_38, %dma_start3A_39] : memref<100000x8xf32, #tpu.memory_space<hbm>> -> memref<100000x8xf32, #tpu.memory_space<hbm>>
    tpu.enqueue_indirect_dma source(%dma_start3A_40 : memref<100000x8xf32, #tpu.memory_space<hbm>>) target(%dma_start3A_35 : memref<320x8xf32, #tpu.memory_space<vmem>>) offsets(%dma_start3A_37 : memref<320xi32, #tpu.memory_space<vmem>>) semaphore(%arg22 : memref<!tpu.dma_semaphore, #tpu.memory_space<semaphore_mem>>)
    %dma_start3A_41 = arith.constant 0 : i32
    %dma_start3A_42 = arith.constant 0 : i32
    %dma_start3A_43 = tpu.memref_slice %arg14[%dma_start3A_41, %dma_start3A_42] : memref<640x8xf32, #tpu.memory_space<vmem>> -> memref<320x8xf32, #tpu.memory_space<vmem>>
    %dma_start3A_44 = arith.constant 0 : i32
    %dma_start3A_45 = tpu.memref_slice %arg8[%dma_start3A_44] : memref<640xi32, #tpu.memory_space<vmem>> -> memref<320xi32, #tpu.memory_space<vmem>>
    %dma_start3A_46 = arith.constant 0 : i32
    %dma_start3A_47 = arith.constant 0 : i32
    %dma_start3A_48 = tpu.memref_slice %arg2[%dma_start3A_46, %dma_start3A_47] : memref<100000x8xf32, #tpu.memory_space<hbm>> -> memref<100000x8xf32, #tpu.memory_space<hbm>>
    tpu.enqueue_indirect_dma source(%dma_start3A_48 : memref<100000x8xf32, #tpu.memory_space<hbm>>) target(%dma_start3A_43 : memref<320x8xf32, #tpu.memory_space<vmem>>) offsets(%dma_start3A_45 : memref<320xi32, #tpu.memory_space<vmem>>) semaphore(%arg22 : memref<!tpu.dma_semaphore, #tpu.memory_space<semaphore_mem>>)
    %dma_start3A_49 = arith.constant 0 : i32
    %dma_start3A_50 = arith.constant 0 : i32
    %dma_start3A_51 = tpu.memref_slice %arg15[%dma_start3A_49, %dma_start3A_50] : memref<640x8xf32, #tpu.memory_space<vmem>> -> memref<320x8xf32, #tpu.memory_space<vmem>>
    %dma_start3A_52 = arith.constant 0 : i32
    %dma_start3A_53 = tpu.memref_slice %arg9[%dma_start3A_52] : memref<640xi32, #tpu.memory_space<vmem>> -> memref<320xi32, #tpu.memory_space<vmem>>
    %dma_start3A_54 = arith.constant 0 : i32
    %dma_start3A_55 = arith.constant 0 : i32
    %dma_start3A_56 = tpu.memref_slice %arg2[%dma_start3A_54, %dma_start3A_55] : memref<100000x8xf32, #tpu.memory_space<hbm>> -> memref<100000x8xf32, #tpu.memory_space<hbm>>
    tpu.enqueue_indirect_dma source(%dma_start3A_56 : memref<100000x8xf32, #tpu.memory_space<hbm>>) target(%dma_start3A_51 : memref<320x8xf32, #tpu.memory_space<vmem>>) offsets(%dma_start3A_53 : memref<320xi32, #tpu.memory_space<vmem>>) semaphore(%arg22 : memref<!tpu.dma_semaphore, #tpu.memory_space<semaphore_mem>>)
    %dma_start3A_57 = arith.constant 320 : i32
    %dma_start3A_58 = arith.constant 0 : i32
    %dma_start3A_59 = tpu.memref_slice %arg13[%dma_start3A_57, %dma_start3A_58] : memref<640x8xf32, #tpu.memory_space<vmem>> -> memref<320x8xf32, #tpu.memory_space<vmem>>
    %dma_start3A_60 = arith.constant 320 : i32
    %dma_start3A_61 = tpu.memref_slice %arg7[%dma_start3A_60] : memref<640xi32, #tpu.memory_space<vmem>> -> memref<320xi32, #tpu.memory_space<vmem>>
    %dma_start3A_62 = arith.constant 0 : i32
    %dma_start3A_63 = arith.constant 0 : i32
    %dma_start3A_64 = tpu.memref_slice %arg2[%dma_start3A_62, %dma_start3A_63] : memref<100000x8xf32, #tpu.memory_space<hbm>> -> memref<100000x8xf32, #tpu.memory_space<hbm>>
    tpu.enqueue_indirect_dma source(%dma_start3A_64 : memref<100000x8xf32, #tpu.memory_space<hbm>>) target(%dma_start3A_59 : memref<320x8xf32, #tpu.memory_space<vmem>>) offsets(%dma_start3A_61 : memref<320xi32, #tpu.memory_space<vmem>>) semaphore(%arg22 : memref<!tpu.dma_semaphore, #tpu.memory_space<semaphore_mem>>)
    %dma_start3A_65 = arith.constant 320 : i32
    %dma_start3A_66 = arith.constant 0 : i32
    %dma_start3A_67 = tpu.memref_slice %arg14[%dma_start3A_65, %dma_start3A_66] : memref<640x8xf32, #tpu.memory_space<vmem>> -> memref<320x8xf32, #tpu.memory_space<vmem>>
    %dma_start3A_68 = arith.constant 320 : i32
    %dma_start3A_69 = tpu.memref_slice %arg8[%dma_start3A_68] : memref<640xi32, #tpu.memory_space<vmem>> -> memref<320xi32, #tpu.memory_space<vmem>>
    %dma_start3A_70 = arith.constant 0 : i32
    %dma_start3A_71 = arith.constant 0 : i32
    %dma_start3A_72 = tpu.memref_slice %arg2[%dma_start3A_70, %dma_start3A_71] : memref<100000x8xf32, #tpu.memory_space<hbm>> -> memref<100000x8xf32, #tpu.memory_space<hbm>>
    tpu.enqueue_indirect_dma source(%dma_start3A_72 : memref<100000x8xf32, #tpu.memory_space<hbm>>) target(%dma_start3A_67 : memref<320x8xf32, #tpu.memory_space<vmem>>) offsets(%dma_start3A_69 : memref<320xi32, #tpu.memory_space<vmem>>) semaphore(%arg22 : memref<!tpu.dma_semaphore, #tpu.memory_space<semaphore_mem>>)
    %dma_start3A_73 = arith.constant 320 : i32
    %dma_start3A_74 = arith.constant 0 : i32
    %dma_start3A_75 = tpu.memref_slice %arg15[%dma_start3A_73, %dma_start3A_74] : memref<640x8xf32, #tpu.memory_space<vmem>> -> memref<320x8xf32, #tpu.memory_space<vmem>>
    %dma_start3A_76 = arith.constant 320 : i32
    %dma_start3A_77 = tpu.memref_slice %arg9[%dma_start3A_76] : memref<640xi32, #tpu.memory_space<vmem>> -> memref<320xi32, #tpu.memory_space<vmem>>
    %dma_start3A_78 = arith.constant 0 : i32
    %dma_start3A_79 = arith.constant 0 : i32
    %dma_start3A_80 = tpu.memref_slice %arg2[%dma_start3A_78, %dma_start3A_79] : memref<100000x8xf32, #tpu.memory_space<hbm>> -> memref<100000x8xf32, #tpu.memory_space<hbm>>
    tpu.enqueue_indirect_dma source(%dma_start3A_80 : memref<100000x8xf32, #tpu.memory_space<hbm>>) target(%dma_start3A_75 : memref<320x8xf32, #tpu.memory_space<vmem>>) offsets(%dma_start3A_77 : memref<320xi32, #tpu.memory_space<vmem>>) semaphore(%arg22 : memref<!tpu.dma_semaphore, #tpu.memory_space<semaphore_mem>>)
    %jit3A_81 = arith.constant 2 : i32
    %div3A = arith.divsi %select_n3A, %jit3A_81 : i32
    %sign3A = arith.constant 0 : i32
    %sign3A_82 = arith.cmpi sgt, %select_n3A, %sign3A : i32
    %sign3A_83 = arith.extui %sign3A_82 : i1 to i32
    %sign3A_84 = arith.constant 0 : i32
    %sign3A_85 = arith.cmpi slt, %select_n3A, %sign3A_84 : i32
    %sign3A_86 = arith.extui %sign3A_85 : i1 to i32
    %sign3A_87 = arith.subi %sign3A_83, %sign3A_86 : i32
    %sign3A_88 = arith.constant 0 : i32
    %sign3A_89 = arith.cmpi sgt, %jit3A_81, %sign3A_88 : i32
    %sign3A_90 = arith.extui %sign3A_89 : i1 to i32
    %sign3A_91 = arith.constant 0 : i32
    %sign3A_92 = arith.cmpi slt, %jit3A_81, %sign3A_91 : i32
    %sign3A_93 = arith.extui %sign3A_92 : i1 to i32
    %sign3A_94 = arith.subi %sign3A_90, %sign3A_93 : i32
    %ne3A = arith.cmpi ne, %sign3A_87, %sign3A_94 : i32
    %rem3A = arith.remsi %select_n3A, %jit3A_81 : i32
    %ne3A_95 = arith.constant 0 : i32
    %ne3A_96 = arith.cmpi ne, %rem3A, %ne3A_95 : i32
    %and3A = arith.andi %ne3A, %ne3A_96 : i1
    %sub3A = arith.constant 1 : i32
    %sub3A_97 = arith.subi %div3A, %sub3A : i32
    %select_n3A_98 = arith.select %and3A, %sub3A_97, %div3A : i32
    %while3A = arith.constant 0 : i32
    %while3A_99 = arith.constant 0 : i32
    %while3A_100 = arith.subi %select_n3A_98, %while3A_99 : i32
    %while3A_101 = arith.addi %while3A_99, %while3A_100 : i32
    %while3A_102 = arith.constant 1 : i32
    %while3A_103 = arith.divsi %while3A_100, %while3A_102 : i32
    %while3A_104 = arith.muli %while3A_103, %while3A_102 : i32
    %while3A_105 = arith.addi %while3A_99, %while3A_104 : i32
    %while3A_106 = arith.constant 1 : i32
    scf.for %while3A_164 = %while3A_99 to %while3A_105 step %while3A_106  : i32 {
      %mul3A_165 = arith.constant 2 : i32
      %mul3A_166 = arith.muli %while3A_164, %mul3A_165 : i32
      %add3A_167 = arith.constant 0 : i32
      %add3A_168 = arith.addi %mul3A_166, %add3A_167 : i32
      %dma_wait3A_169 = arith.constant 0 : i32
      %dma_wait3A_170 = arith.constant 0 : i32
      %dma_wait3A_171 = tpu.memref_slice %arg13[%dma_wait3A_169, %dma_wait3A_170] : memref<640x8xf32, #tpu.memory_space<vmem>> -> memref<320x8xf32, #tpu.memory_space<vmem>>
      %dma_wait3A_172 = arith.constant 0 : i32
      %dma_wait3A_173 = tpu.memref_slice %arg7[%dma_wait3A_172] : memref<640xi32, #tpu.memory_space<vmem>> -> memref<320xi32, #tpu.memory_space<vmem>>
      %dma_wait3A_174 = arith.constant 0 : i32
      %dma_wait3A_175 = arith.constant 0 : i32
      %dma_wait3A_176 = tpu.memref_slice %arg2[%dma_wait3A_174, %dma_wait3A_175] : memref<100000x8xf32, #tpu.memory_space<hbm>> -> memref<100000x8xf32, #tpu.memory_space<hbm>>
      tpu.wait_indirect_dma semaphore(%arg22 : memref<!tpu.dma_semaphore, #tpu.memory_space<semaphore_mem>>) src(%dma_wait3A_176 : memref<100000x8xf32, #tpu.memory_space<hbm>>) dst(%dma_wait3A_171 : memref<320x8xf32, #tpu.memory_space<vmem>>)
      %dma_wait3A_177 = arith.constant 0 : i32
      %dma_wait3A_178 = arith.constant 0 : i32
      %dma_wait3A_179 = tpu.memref_slice %arg14[%dma_wait3A_177, %dma_wait3A_178] : memref<640x8xf32, #tpu.memory_space<vmem>> -> memref<320x8xf32, #tpu.memory_space<vmem>>
      %dma_wait3A_180 = arith.constant 0 : i32
      %dma_wait3A_181 = tpu.memref_slice %arg8[%dma_wait3A_180] : memref<640xi32, #tpu.memory_space<vmem>> -> memref<320xi32, #tpu.memory_space<vmem>>
      %dma_wait3A_182 = arith.constant 0 : i32
      %dma_wait3A_183 = arith.constant 0 : i32
      %dma_wait3A_184 = tpu.memref_slice %arg2[%dma_wait3A_182, %dma_wait3A_183] : memref<100000x8xf32, #tpu.memory_space<hbm>> -> memref<100000x8xf32, #tpu.memory_space<hbm>>
      tpu.wait_indirect_dma semaphore(%arg22 : memref<!tpu.dma_semaphore, #tpu.memory_space<semaphore_mem>>) src(%dma_wait3A_184 : memref<100000x8xf32, #tpu.memory_space<hbm>>) dst(%dma_wait3A_179 : memref<320x8xf32, #tpu.memory_space<vmem>>)
      %dma_wait3A_185 = arith.constant 0 : i32
      %dma_wait3A_186 = arith.constant 0 : i32
      %dma_wait3A_187 = tpu.memref_slice %arg15[%dma_wait3A_185, %dma_wait3A_186] : memref<640x8xf32, #tpu.memory_space<vmem>> -> memref<320x8xf32, #tpu.memory_space<vmem>>
      %dma_wait3A_188 = arith.constant 0 : i32
      %dma_wait3A_189 = tpu.memref_slice %arg9[%dma_wait3A_188] : memref<640xi32, #tpu.memory_space<vmem>> -> memref<320xi32, #tpu.memory_space<vmem>>
      %dma_wait3A_190 = arith.constant 0 : i32
      %dma_wait3A_191 = arith.constant 0 : i32
      %dma_wait3A_192 = tpu.memref_slice %arg2[%dma_wait3A_190, %dma_wait3A_191] : memref<100000x8xf32, #tpu.memory_space<hbm>> -> memref<100000x8xf32, #tpu.memory_space<hbm>>
      tpu.wait_indirect_dma semaphore(%arg22 : memref<!tpu.dma_semaphore, #tpu.memory_space<semaphore_mem>>) src(%dma_wait3A_192 : memref<100000x8xf32, #tpu.memory_space<hbm>>) dst(%dma_wait3A_187 : memref<320x8xf32, #tpu.memory_space<vmem>>)
      %dma_wait3A_193 = arith.constant 320 : i32
      %dma_wait3A_194 = arith.constant 0 : i32
      %dma_wait3A_195 = tpu.memref_slice %arg13[%dma_wait3A_193, %dma_wait3A_194] : memref<640x8xf32, #tpu.memory_space<vmem>> -> memref<320x8xf32, #tpu.memory_space<vmem>>
      %dma_wait3A_196 = arith.constant 320 : i32
      %dma_wait3A_197 = tpu.memref_slice %arg7[%dma_wait3A_196] : memref<640xi32, #tpu.memory_space<vmem>> -> memref<320xi32, #tpu.memory_space<vmem>>
      %dma_wait3A_198 = arith.constant 0 : i32
      %dma_wait3A_199 = arith.constant 0 : i32
      %dma_wait3A_200 = tpu.memref_slice %arg2[%dma_wait3A_198, %dma_wait3A_199] : memref<100000x8xf32, #tpu.memory_space<hbm>> -> memref<100000x8xf32, #tpu.memory_space<hbm>>
      tpu.wait_indirect_dma semaphore(%arg22 : memref<!tpu.dma_semaphore, #tpu.memory_space<semaphore_mem>>) src(%dma_wait3A_200 : memref<100000x8xf32, #tpu.memory_space<hbm>>) dst(%dma_wait3A_195 : memref<320x8xf32, #tpu.memory_space<vmem>>)
      %dma_wait3A_201 = arith.constant 320 : i32
      %dma_wait3A_202 = arith.constant 0 : i32
      %dma_wait3A_203 = tpu.memref_slice %arg14[%dma_wait3A_201, %dma_wait3A_202] : memref<640x8xf32, #tpu.memory_space<vmem>> -> memref<320x8xf32, #tpu.memory_space<vmem>>
      %dma_wait3A_204 = arith.constant 320 : i32
      %dma_wait3A_205 = tpu.memref_slice %arg8[%dma_wait3A_204] : memref<640xi32, #tpu.memory_space<vmem>> -> memref<320xi32, #tpu.memory_space<vmem>>
      %dma_wait3A_206 = arith.constant 0 : i32
      %dma_wait3A_207 = arith.constant 0 : i32
      %dma_wait3A_208 = tpu.memref_slice %arg2[%dma_wait3A_206, %dma_wait3A_207] : memref<100000x8xf32, #tpu.memory_space<hbm>> -> memref<100000x8xf32, #tpu.memory_space<hbm>>
      tpu.wait_indirect_dma semaphore(%arg22 : memref<!tpu.dma_semaphore, #tpu.memory_space<semaphore_mem>>) src(%dma_wait3A_208 : memref<100000x8xf32, #tpu.memory_space<hbm>>) dst(%dma_wait3A_203 : memref<320x8xf32, #tpu.memory_space<vmem>>)
      %dma_wait3A_209 = arith.constant 320 : i32
      %dma_wait3A_210 = arith.constant 0 : i32
      %dma_wait3A_211 = tpu.memref_slice %arg15[%dma_wait3A_209, %dma_wait3A_210] : memref<640x8xf32, #tpu.memory_space<vmem>> -> memref<320x8xf32, #tpu.memory_space<vmem>>
      %dma_wait3A_212 = arith.constant 320 : i32
      %dma_wait3A_213 = tpu.memref_slice %arg9[%dma_wait3A_212] : memref<640xi32, #tpu.memory_space<vmem>> -> memref<320xi32, #tpu.memory_space<vmem>>
      %dma_wait3A_214 = arith.constant 0 : i32
      %dma_wait3A_215 = arith.constant 0 : i32
      %dma_wait3A_216 = tpu.memref_slice %arg2[%dma_wait3A_214, %dma_wait3A_215] : memref<100000x8xf32, #tpu.memory_space<hbm>> -> memref<100000x8xf32, #tpu.memory_space<hbm>>
      tpu.wait_indirect_dma semaphore(%arg22 : memref<!tpu.dma_semaphore, #tpu.memory_space<semaphore_mem>>) src(%dma_wait3A_216 : memref<100000x8xf32, #tpu.memory_space<hbm>>) dst(%dma_wait3A_211 : memref<320x8xf32, #tpu.memory_space<vmem>>)
      %add3A_217 = arith.constant 1 : i32
      %add3A_218 = arith.addi %add3A_168, %add3A_217 : i32
      %sub3A_219 = arith.constant 1 : i32
      %sub3A_220 = arith.subi %select_n3A, %sub3A_219 : i32
      %min3A = arith.minsi %add3A_218, %sub3A_220 : i32
      %mul3A_221 = arith.constant 640 : i32
      %mul3A_222 = arith.muli %min3A, %mul3A_221 : i32
      %add3A_223 = arith.addi %mul3A_10, %mul3A_222 : i32
      %dma_wait3A_224 = tpu.memref_slice %arg3[%add3A_223] : memref<204800xi32, #tpu.memory_space<hbm>> -> memref<640xi32, #tpu.memory_space<hbm>>
      %dma_wait3A_225 = tpu.memref_slice %arg3[%add3A_223] : memref<204800xi32, #tpu.memory_space<hbm>> -> memref<640xi32, #tpu.memory_space<hbm>>
      tpu.wait_dma2 semaphore(%arg21 : memref<!tpu.dma_semaphore, #tpu.memory_space<semaphore_mem>>) src(%dma_wait3A_225 : memref<640xi32, #tpu.memory_space<hbm>>) dst(%arg10 : memref<640xi32, #tpu.memory_space<vmem>>)
      %dma_wait3A_226 = tpu.memref_slice %arg4[%add3A_223] : memref<204800xi32, #tpu.memory_space<hbm>> -> memref<640xi32, #tpu.memory_space<hbm>>
      %dma_wait3A_227 = tpu.memref_slice %arg4[%add3A_223] : memref<204800xi32, #tpu.memory_space<hbm>> -> memref<640xi32, #tpu.memory_space<hbm>>
      tpu.wait_dma2 semaphore(%arg21 : memref<!tpu.dma_semaphore, #tpu.memory_space<semaphore_mem>>) src(%dma_wait3A_227 : memref<640xi32, #tpu.memory_space<hbm>>) dst(%arg11 : memref<640xi32, #tpu.memory_space<vmem>>)
      %dma_wait3A_228 = tpu.memref_slice %arg5[%add3A_223] : memref<204800xi32, #tpu.memory_space<hbm>> -> memref<640xi32, #tpu.memory_space<hbm>>
      %dma_wait3A_229 = tpu.memref_slice %arg5[%add3A_223] : memref<204800xi32, #tpu.memory_space<hbm>> -> memref<640xi32, #tpu.memory_space<hbm>>
      tpu.wait_dma2 semaphore(%arg21 : memref<!tpu.dma_semaphore, #tpu.memory_space<semaphore_mem>>) src(%dma_wait3A_229 : memref<640xi32, #tpu.memory_space<hbm>>) dst(%arg12 : memref<640xi32, #tpu.memory_space<vmem>>)
      %dma_start3A_230 = arith.constant 0 : i32
      %dma_start3A_231 = arith.constant 0 : i32
      %dma_start3A_232 = tpu.memref_slice %arg16[%dma_start3A_230, %dma_start3A_231] : memref<640x8xf32, #tpu.memory_space<vmem>> -> memref<320x8xf32, #tpu.memory_space<vmem>>
      %dma_start3A_233 = arith.constant 0 : i32
      %dma_start3A_234 = tpu.memref_slice %arg10[%dma_start3A_233] : memref<640xi32, #tpu.memory_space<vmem>> -> memref<320xi32, #tpu.memory_space<vmem>>
      %dma_start3A_235 = arith.constant 0 : i32
      %dma_start3A_236 = arith.constant 0 : i32
      %dma_start3A_237 = tpu.memref_slice %arg2[%dma_start3A_235, %dma_start3A_236] : memref<100000x8xf32, #tpu.memory_space<hbm>> -> memref<100000x8xf32, #tpu.memory_space<hbm>>
      tpu.enqueue_indirect_dma source(%dma_start3A_237 : memref<100000x8xf32, #tpu.memory_space<hbm>>) target(%dma_start3A_232 : memref<320x8xf32, #tpu.memory_space<vmem>>) offsets(%dma_start3A_234 : memref<320xi32, #tpu.memory_space<vmem>>) semaphore(%arg23 : memref<!tpu.dma_semaphore, #tpu.memory_space<semaphore_mem>>)
      %dma_start3A_238 = arith.constant 0 : i32
      %dma_start3A_239 = arith.constant 0 : i32
      %dma_start3A_240 = tpu.memref_slice %arg17[%dma_start3A_238, %dma_start3A_239] : memref<640x8xf32, #tpu.memory_space<vmem>> -> memref<320x8xf32, #tpu.memory_space<vmem>>
      %dma_start3A_241 = arith.constant 0 : i32
      %dma_start3A_242 = tpu.memref_slice %arg11[%dma_start3A_241] : memref<640xi32, #tpu.memory_space<vmem>> -> memref<320xi32, #tpu.memory_space<vmem>>
      %dma_start3A_243 = arith.constant 0 : i32
      %dma_start3A_244 = arith.constant 0 : i32
      %dma_start3A_245 = tpu.memref_slice %arg2[%dma_start3A_243, %dma_start3A_244] : memref<100000x8xf32, #tpu.memory_space<hbm>> -> memref<100000x8xf32, #tpu.memory_space<hbm>>
      tpu.enqueue_indirect_dma source(%dma_start3A_245 : memref<100000x8xf32, #tpu.memory_space<hbm>>) target(%dma_start3A_240 : memref<320x8xf32, #tpu.memory_space<vmem>>) offsets(%dma_start3A_242 : memref<320xi32, #tpu.memory_space<vmem>>) semaphore(%arg23 : memref<!tpu.dma_semaphore, #tpu.memory_space<semaphore_mem>>)
      %dma_start3A_246 = arith.constant 0 : i32
      %dma_start3A_247 = arith.constant 0 : i32
      %dma_start3A_248 = tpu.memref_slice %arg18[%dma_start3A_246, %dma_start3A_247] : memref<640x8xf32, #tpu.memory_space<vmem>> -> memref<320x8xf32, #tpu.memory_space<vmem>>
      %dma_start3A_249 = arith.constant 0 : i32
      %dma_start3A_250 = tpu.memref_slice %arg12[%dma_start3A_249] : memref<640xi32, #tpu.memory_space<vmem>> -> memref<320xi32, #tpu.memory_space<vmem>>
      %dma_start3A_251 = arith.constant 0 : i32
      %dma_start3A_252 = arith.constant 0 : i32
      %dma_start3A_253 = tpu.memref_slice %arg2[%dma_start3A_251, %dma_start3A_252] : memref<100000x8xf32, #tpu.memory_space<hbm>> -> memref<100000x8xf32, #tpu.memory_space<hbm>>
      tpu.enqueue_indirect_dma source(%dma_start3A_253 : memref<100000x8xf32, #tpu.memory_space<hbm>>) target(%dma_start3A_248 : memref<320x8xf32, #tpu.memory_space<vmem>>) offsets(%dma_start3A_250 : memref<320xi32, #tpu.memory_space<vmem>>) semaphore(%arg23 : memref<!tpu.dma_semaphore, #tpu.memory_space<semaphore_mem>>)
      %dma_start3A_254 = arith.constant 320 : i32
      %dma_start3A_255 = arith.constant 0 : i32
      %dma_start3A_256 = tpu.memref_slice %arg16[%dma_start3A_254, %dma_start3A_255] : memref<640x8xf32, #tpu.memory_space<vmem>> -> memref<320x8xf32, #tpu.memory_space<vmem>>
      %dma_start3A_257 = arith.constant 320 : i32
      %dma_start3A_258 = tpu.memref_slice %arg10[%dma_start3A_257] : memref<640xi32, #tpu.memory_space<vmem>> -> memref<320xi32, #tpu.memory_space<vmem>>
      %dma_start3A_259 = arith.constant 0 : i32
      %dma_start3A_260 = arith.constant 0 : i32
      %dma_start3A_261 = tpu.memref_slice %arg2[%dma_start3A_259, %dma_start3A_260] : memref<100000x8xf32, #tpu.memory_space<hbm>> -> memref<100000x8xf32, #tpu.memory_space<hbm>>
      tpu.enqueue_indirect_dma source(%dma_start3A_261 : memref<100000x8xf32, #tpu.memory_space<hbm>>) target(%dma_start3A_256 : memref<320x8xf32, #tpu.memory_space<vmem>>) offsets(%dma_start3A_258 : memref<320xi32, #tpu.memory_space<vmem>>) semaphore(%arg23 : memref<!tpu.dma_semaphore, #tpu.memory_space<semaphore_mem>>)
      %dma_start3A_262 = arith.constant 320 : i32
      %dma_start3A_263 = arith.constant 0 : i32
      %dma_start3A_264 = tpu.memref_slice %arg17[%dma_start3A_262, %dma_start3A_263] : memref<640x8xf32, #tpu.memory_space<vmem>> -> memref<320x8xf32, #tpu.memory_space<vmem>>
      %dma_start3A_265 = arith.constant 320 : i32
      %dma_start3A_266 = tpu.memref_slice %arg11[%dma_start3A_265] : memref<640xi32, #tpu.memory_space<vmem>> -> memref<320xi32, #tpu.memory_space<vmem>>
      %dma_start3A_267 = arith.constant 0 : i32
      %dma_start3A_268 = arith.constant 0 : i32
      %dma_start3A_269 = tpu.memref_slice %arg2[%dma_start3A_267, %dma_start3A_268] : memref<100000x8xf32, #tpu.memory_space<hbm>> -> memref<100000x8xf32, #tpu.memory_space<hbm>>
      tpu.enqueue_indirect_dma source(%dma_start3A_269 : memref<100000x8xf32, #tpu.memory_space<hbm>>) target(%dma_start3A_264 : memref<320x8xf32, #tpu.memory_space<vmem>>) offsets(%dma_start3A_266 : memref<320xi32, #tpu.memory_space<vmem>>) semaphore(%arg23 : memref<!tpu.dma_semaphore, #tpu.memory_space<semaphore_mem>>)
      %dma_start3A_270 = arith.constant 320 : i32
      %dma_start3A_271 = arith.constant 0 : i32
      %dma_start3A_272 = tpu.memref_slice %arg18[%dma_start3A_270, %dma_start3A_271] : memref<640x8xf32, #tpu.memory_space<vmem>> -> memref<320x8xf32, #tpu.memory_space<vmem>>
      %dma_start3A_273 = arith.constant 320 : i32
      %dma_start3A_274 = tpu.memref_slice %arg12[%dma_start3A_273] : memref<640xi32, #tpu.memory_space<vmem>> -> memref<320xi32, #tpu.memory_space<vmem>>
      %dma_start3A_275 = arith.constant 0 : i32
      %dma_start3A_276 = arith.constant 0 : i32
      %dma_start3A_277 = tpu.memref_slice %arg2[%dma_start3A_275, %dma_start3A_276] : memref<100000x8xf32, #tpu.memory_space<hbm>> -> memref<100000x8xf32, #tpu.memory_space<hbm>>
      tpu.enqueue_indirect_dma source(%dma_start3A_277 : memref<100000x8xf32, #tpu.memory_space<hbm>>) target(%dma_start3A_272 : memref<320x8xf32, #tpu.memory_space<vmem>>) offsets(%dma_start3A_274 : memref<320xi32, #tpu.memory_space<vmem>>) semaphore(%arg23 : memref<!tpu.dma_semaphore, #tpu.memory_space<semaphore_mem>>)
      %add3A_278 = arith.constant 2 : i32
      %add3A_279 = arith.addi %add3A_168, %add3A_278 : i32
      %sub3A_280 = arith.constant 1 : i32
      %sub3A_281 = arith.subi %select_n3A, %sub3A_280 : i32
      %min3A_282 = arith.minsi %add3A_279, %sub3A_281 : i32
      %mul3A_283 = arith.constant 640 : i32
      %mul3A_284 = arith.muli %min3A_282, %mul3A_283 : i32
      %add3A_285 = arith.addi %mul3A_10, %mul3A_284 : i32
      %dma_start3A_286 = tpu.memref_slice %arg3[%add3A_285] : memref<204800xi32, #tpu.memory_space<hbm>> -> memref<640xi32, #tpu.memory_space<hbm>>
      %dma_start3A_287 = tpu.memref_slice %arg3[%add3A_285] : memref<204800xi32, #tpu.memory_space<hbm>> -> memref<640xi32, #tpu.memory_space<hbm>>
      tpu.enqueue_dma source(%dma_start3A_287 : memref<640xi32, #tpu.memory_space<hbm>>) target(%arg7 : memref<640xi32, #tpu.memory_space<vmem>>) target_semaphore(%arg20 : memref<!tpu.dma_semaphore, #tpu.memory_space<semaphore_mem>>)
      %dma_start3A_288 = tpu.memref_slice %arg4[%add3A_285] : memref<204800xi32, #tpu.memory_space<hbm>> -> memref<640xi32, #tpu.memory_space<hbm>>
      %dma_start3A_289 = tpu.memref_slice %arg4[%add3A_285] : memref<204800xi32, #tpu.memory_space<hbm>> -> memref<640xi32, #tpu.memory_space<hbm>>
      tpu.enqueue_dma source(%dma_start3A_289 : memref<640xi32, #tpu.memory_space<hbm>>) target(%arg8 : memref<640xi32, #tpu.memory_space<vmem>>) target_semaphore(%arg20 : memref<!tpu.dma_semaphore, #tpu.memory_space<semaphore_mem>>)
      %dma_start3A_290 = tpu.memref_slice %arg5[%add3A_285] : memref<204800xi32, #tpu.memory_space<hbm>> -> memref<640xi32, #tpu.memory_space<hbm>>
      %dma_start3A_291 = tpu.memref_slice %arg5[%add3A_285] : memref<204800xi32, #tpu.memory_space<hbm>> -> memref<640xi32, #tpu.memory_space<hbm>>
      tpu.enqueue_dma source(%dma_start3A_291 : memref<640xi32, #tpu.memory_space<hbm>>) target(%arg9 : memref<640xi32, #tpu.memory_space<vmem>>) target_semaphore(%arg20 : memref<!tpu.dma_semaphore, #tpu.memory_space<semaphore_mem>>)
      %mul3A_292 = arith.constant 640 : i32
      %mul3A_293 = arith.muli %add3A_168, %mul3A_292 : i32
      %add3A_294 = arith.addi %mul3A_10, %mul3A_293 : i32
      %scan3A = arith.constant 0 : i32
      %scan3A_295 = arith.constant 0 : i32
      %scan3A_296 = arith.constant 40 : i32
      %scan3A_297 = arith.addi %scan3A_295, %scan3A_296 : i32
      %scan3A_298 = arith.constant 1 : i32
      scf.for %scan3A_435 = %scan3A_295 to %scan3A_297 step %scan3A_298  : i32 {
        %mul3A_436 = arith.constant 16 : i32
        %mul3A_437 = arith.muli %scan3A_435, %mul3A_436 : i32
        %add3A_438 = vector.broadcast %mul3A_437 : i32 to vector<16xi32>
        %add3A_439 = arith.addi %add3A_438, %iota3A : vector<16xi32>
        %broadcast_in_dim3A = arith.constant 0 : i32
        %broadcast_in_dim3A_440 = vector.broadcast %broadcast_in_dim3A : i32 to vector<16xi32>
        %gather3A = tpu.vector_load_idx %arg13[%add3A_439, %broadcast_in_dim3A_440] : memref<640x8xf32, #tpu.memory_space<vmem>>[vector<16xi32>, vector<16xi32>], vector<16xf32>,
        %broadcast_in_dim3A_441 = arith.constant 1 : i32
        %broadcast_in_dim3A_442 = vector.broadcast %broadcast_in_dim3A_441 : i32 to vector<16xi32>
        %gather3A_443 = tpu.vector_load_idx %arg13[%add3A_439, %broadcast_in_dim3A_442] : memref<640x8xf32, #tpu.memory_space<vmem>>[vector<16xi32>, vector<16xi32>], vector<16xf32>,
        %broadcast_in_dim3A_444 = arith.constant 2 : i32
        %broadcast_in_dim3A_445 = vector.broadcast %broadcast_in_dim3A_444 : i32 to vector<16xi32>
        %gather3A_446 = tpu.vector_load_idx %arg13[%add3A_439, %broadcast_in_dim3A_445] : memref<640x8xf32, #tpu.memory_space<vmem>>[vector<16xi32>, vector<16xi32>], vector<16xf32>,
        %broadcast_in_dim3A_447 = arith.constant 3 : i32
        %broadcast_in_dim3A_448 = vector.broadcast %broadcast_in_dim3A_447 : i32 to vector<16xi32>
        %gather3A_449 = tpu.vector_load_idx %arg13[%add3A_439, %broadcast_in_dim3A_448] : memref<640x8xf32, #tpu.memory_space<vmem>>[vector<16xi32>, vector<16xi32>], vector<16xf32>,
        %broadcast_in_dim3A_450 = arith.constant 4 : i32
        %broadcast_in_dim3A_451 = vector.broadcast %broadcast_in_dim3A_450 : i32 to vector<16xi32>
        %gather3A_452 = tpu.vector_load_idx %arg13[%add3A_439, %broadcast_in_dim3A_451] : memref<640x8xf32, #tpu.memory_space<vmem>>[vector<16xi32>, vector<16xi32>], vector<16xf32>,
        %broadcast_in_dim3A_453 = arith.constant 5 : i32
        %broadcast_in_dim3A_454 = vector.broadcast %broadcast_in_dim3A_453 : i32 to vector<16xi32>
        %gather3A_455 = tpu.vector_load_idx %arg13[%add3A_439, %broadcast_in_dim3A_454] : memref<640x8xf32, #tpu.memory_space<vmem>>[vector<16xi32>, vector<16xi32>], vector<16xf32>,
        %broadcast_in_dim3A_456 = arith.constant 6 : i32
        %broadcast_in_dim3A_457 = vector.broadcast %broadcast_in_dim3A_456 : i32 to vector<16xi32>
        %gather3A_458 = tpu.vector_load_idx %arg13[%add3A_439, %broadcast_in_dim3A_457] : memref<640x8xf32, #tpu.memory_space<vmem>>[vector<16xi32>, vector<16xi32>], vector<16xf32>,
        %broadcast_in_dim3A_459 = arith.constant 0 : i32
        %broadcast_in_dim3A_460 = vector.broadcast %broadcast_in_dim3A_459 : i32 to vector<16xi32>
        %gather3A_461 = tpu.vector_load_idx %arg14[%add3A_439, %broadcast_in_dim3A_460] : memref<640x8xf32, #tpu.memory_space<vmem>>[vector<16xi32>, vector<16xi32>], vector<16xf32>,
        %broadcast_in_dim3A_462 = arith.constant 1 : i32
        %broadcast_in_dim3A_463 = vector.broadcast %broadcast_in_dim3A_462 : i32 to vector<16xi32>
        %gather3A_464 = tpu.vector_load_idx %arg14[%add3A_439, %broadcast_in_dim3A_463] : memref<640x8xf32, #tpu.memory_space<vmem>>[vector<16xi32>, vector<16xi32>], vector<16xf32>,
        %broadcast_in_dim3A_465 = arith.constant 2 : i32
        %broadcast_in_dim3A_466 = vector.broadcast %broadcast_in_dim3A_465 : i32 to vector<16xi32>
        %gather3A_467 = tpu.vector_load_idx %arg14[%add3A_439, %broadcast_in_dim3A_466] : memref<640x8xf32, #tpu.memory_space<vmem>>[vector<16xi32>, vector<16xi32>], vector<16xf32>,
        %broadcast_in_dim3A_468 = arith.constant 3 : i32
        %broadcast_in_dim3A_469 = vector.broadcast %broadcast_in_dim3A_468 : i32 to vector<16xi32>
        %gather3A_470 = tpu.vector_load_idx %arg14[%add3A_439, %broadcast_in_dim3A_469] : memref<640x8xf32, #tpu.memory_space<vmem>>[vector<16xi32>, vector<16xi32>], vector<16xf32>,
        %broadcast_in_dim3A_471 = arith.constant 4 : i32
        %broadcast_in_dim3A_472 = vector.broadcast %broadcast_in_dim3A_471 : i32 to vector<16xi32>
        %gather3A_473 = tpu.vector_load_idx %arg14[%add3A_439, %broadcast_in_dim3A_472] : memref<640x8xf32, #tpu.memory_space<vmem>>[vector<16xi32>, vector<16xi32>], vector<16xf32>,
        %broadcast_in_dim3A_474 = arith.constant 5 : i32
        %broadcast_in_dim3A_475 = vector.broadcast %broadcast_in_dim3A_474 : i32 to vector<16xi32>
        %gather3A_476 = tpu.vector_load_idx %arg14[%add3A_439, %broadcast_in_dim3A_475] : memref<640x8xf32, #tpu.memory_space<vmem>>[vector<16xi32>, vector<16xi32>], vector<16xf32>,
        %broadcast_in_dim3A_477 = arith.constant 6 : i32
        %broadcast_in_dim3A_478 = vector.broadcast %broadcast_in_dim3A_477 : i32 to vector<16xi32>
        %gather3A_479 = tpu.vector_load_idx %arg14[%add3A_439, %broadcast_in_dim3A_478] : memref<640x8xf32, #tpu.memory_space<vmem>>[vector<16xi32>, vector<16xi32>], vector<16xf32>,
        %broadcast_in_dim3A_480 = arith.constant 0 : i32
        %broadcast_in_dim3A_481 = vector.broadcast %broadcast_in_dim3A_480 : i32 to vector<16xi32>
        %gather3A_482 = tpu.vector_load_idx %arg15[%add3A_439, %broadcast_in_dim3A_481] : memref<640x8xf32, #tpu.memory_space<vmem>>[vector<16xi32>, vector<16xi32>], vector<16xf32>,
        %broadcast_in_dim3A_483 = arith.constant 1 : i32
        %broadcast_in_dim3A_484 = vector.broadcast %broadcast_in_dim3A_483 : i32 to vector<16xi32>
        %gather3A_485 = tpu.vector_load_idx %arg15[%add3A_439, %broadcast_in_dim3A_484] : memref<640x8xf32, #tpu.memory_space<vmem>>[vector<16xi32>, vector<16xi32>], vector<16xf32>,
        %broadcast_in_dim3A_486 = arith.constant 2 : i32
        %broadcast_in_dim3A_487 = vector.broadcast %broadcast_in_dim3A_486 : i32 to vector<16xi32>
        %gather3A_488 = tpu.vector_load_idx %arg15[%add3A_439, %broadcast_in_dim3A_487] : memref<640x8xf32, #tpu.memory_space<vmem>>[vector<16xi32>, vector<16xi32>], vector<16xf32>,
        %broadcast_in_dim3A_489 = arith.constant 3 : i32
        %broadcast_in_dim3A_490 = vector.broadcast %broadcast_in_dim3A_489 : i32 to vector<16xi32>
        %gather3A_491 = tpu.vector_load_idx %arg15[%add3A_439, %broadcast_in_dim3A_490] : memref<640x8xf32, #tpu.memory_space<vmem>>[vector<16xi32>, vector<16xi32>], vector<16xf32>,
        %broadcast_in_dim3A_492 = arith.constant 4 : i32
        %broadcast_in_dim3A_493 = vector.broadcast %broadcast_in_dim3A_492 : i32 to vector<16xi32>
        %gather3A_494 = tpu.vector_load_idx %arg15[%add3A_439, %broadcast_in_dim3A_493] : memref<640x8xf32, #tpu.memory_space<vmem>>[vector<16xi32>, vector<16xi32>], vector<16xf32>,
        %broadcast_in_dim3A_495 = arith.constant 5 : i32
        %broadcast_in_dim3A_496 = vector.broadcast %broadcast_in_dim3A_495 : i32 to vector<16xi32>
        %gather3A_497 = tpu.vector_load_idx %arg15[%add3A_439, %broadcast_in_dim3A_496] : memref<640x8xf32, #tpu.memory_space<vmem>>[vector<16xi32>, vector<16xi32>], vector<16xf32>,
        %broadcast_in_dim3A_498 = arith.constant 6 : i32
        %broadcast_in_dim3A_499 = vector.broadcast %broadcast_in_dim3A_498 : i32 to vector<16xi32>
        %gather3A_500 = tpu.vector_load_idx %arg15[%add3A_439, %broadcast_in_dim3A_499] : memref<640x8xf32, #tpu.memory_space<vmem>>[vector<16xi32>, vector<16xi32>], vector<16xf32>,
        %sub3A_501 = arith.subf %gather3A_461, %gather3A : vector<16xf32>
        %sub3A_502 = arith.subf %gather3A_464, %gather3A_443 : vector<16xf32>
        %sub3A_503 = arith.subf %gather3A_467, %gather3A_446 : vector<16xf32>
        %sub3A_504 = arith.subf %gather3A_482, %gather3A : vector<16xf32>
        %sub3A_505 = arith.subf %gather3A_485, %gather3A_443 : vector<16xf32>
        %sub3A_506 = arith.subf %gather3A_488, %gather3A_446 : vector<16xf32>
        %mul3A_507 = arith.mulf %sub3A_502, %sub3A_506 : vector<16xf32>
        %mul3A_508 = arith.mulf %sub3A_503, %sub3A_505 : vector<16xf32>
        %sub3A_509 = arith.subf %mul3A_507, %mul3A_508 : vector<16xf32>
        %mul3A_510 = arith.mulf %sub3A_503, %sub3A_504 : vector<16xf32>
        %mul3A_511 = arith.mulf %sub3A_501, %sub3A_506 : vector<16xf32>
        %sub3A_512 = arith.subf %mul3A_510, %mul3A_511 : vector<16xf32>
        %mul3A_513 = arith.mulf %sub3A_501, %sub3A_505 : vector<16xf32>
        %mul3A_514 = arith.mulf %sub3A_502, %sub3A_504 : vector<16xf32>
        %sub3A_515 = arith.subf %mul3A_513, %mul3A_514 : vector<16xf32>
        %mul3A_516 = arith.mulf %sub3A_509, %sub3A_509 : vector<16xf32>
        %mul3A_517 = arith.mulf %sub3A_512, %sub3A_512 : vector<16xf32>
        %add3A_518 = arith.addf %mul3A_516, %mul3A_517 : vector<16xf32>
        %mul3A_519 = arith.mulf %sub3A_515, %sub3A_515 : vector<16xf32>
        %add3A_520 = arith.addf %add3A_518, %mul3A_519 : vector<16xf32>
        %max3A = arith.constant 1.000000e-30 : f32
        %max3A_521 = vector.broadcast %max3A : f32 to vector<16xf32>
        %max3A_522 = arith.maximumf %add3A_520, %max3A_521 : vector<16xf32>
        %bitcast_convert_type3A = tpu.bitcast %max3A_522 : vector<16xf32> -> vector<16xi32>
        %shift_right_arithmetic3A = arith.constant 1 : i32
        %shift_right_arithmetic3A_523 = vector.broadcast %shift_right_arithmetic3A : i32 to vector<16xi32>
        %shift_right_arithmetic3A_524 = arith.shrsi %bitcast_convert_type3A, %shift_right_arithmetic3A_523 : vector<16xi32>
        %sub3A_525 = arith.constant 1597463007 : i32
        %sub3A_526 = vector.broadcast %sub3A_525 : i32 to vector<16xi32>
        %sub3A_527 = arith.subi %sub3A_526, %shift_right_arithmetic3A_524 : vector<16xi32>
        %bitcast_convert_type3A_528 = tpu.bitcast %sub3A_527 : vector<16xi32> -> vector<16xf32>
        %mul3A_529 = arith.constant 5.000000e-01 : f32
        %mul3A_530 = vector.broadcast %mul3A_529 : f32 to vector<16xf32>
        %mul3A_531 = arith.mulf %mul3A_530, %max3A_522 : vector<16xf32>
        %mul3A_532 = arith.mulf %mul3A_531, %bitcast_convert_type3A_528 : vector<16xf32>
        %mul3A_533 = arith.mulf %mul3A_532, %bitcast_convert_type3A_528 : vector<16xf32>
        %sub3A_534 = arith.constant 1.500000e+00 : f32
        %sub3A_535 = vector.broadcast %sub3A_534 : f32 to vector<16xf32>
        %sub3A_536 = arith.subf %sub3A_535, %mul3A_533 : vector<16xf32>
        %mul3A_537 = arith.mulf %bitcast_convert_type3A_528, %sub3A_536 : vector<16xf32>
        %mul3A_538 = arith.constant 5.000000e-01 : f32
        %mul3A_539 = vector.broadcast %mul3A_538 : f32 to vector<16xf32>
        %mul3A_540 = arith.mulf %mul3A_539, %max3A_522 : vector<16xf32>
        %mul3A_541 = arith.mulf %mul3A_540, %mul3A_537 : vector<16xf32>
        %mul3A_542 = arith.mulf %mul3A_541, %mul3A_537 : vector<16xf32>
        %sub3A_543 = arith.constant 1.500000e+00 : f32
        %sub3A_544 = vector.broadcast %sub3A_543 : f32 to vector<16xf32>
        %sub3A_545 = arith.subf %sub3A_544, %mul3A_542 : vector<16xf32>
        %mul3A_546 = arith.mulf %mul3A_537, %sub3A_545 : vector<16xf32>
        %mul3A_547 = arith.constant 5.000000e-01 : f32
        %mul3A_548 = vector.broadcast %mul3A_547 : f32 to vector<16xf32>
        %mul3A_549 = arith.mulf %mul3A_548, %max3A_522 : vector<16xf32>
        %mul3A_550 = arith.mulf %mul3A_549, %mul3A_546 : vector<16xf32>
        %mul3A_551 = arith.mulf %mul3A_550, %mul3A_546 : vector<16xf32>
        %sub3A_552 = arith.constant 1.500000e+00 : f32
        %sub3A_553 = vector.broadcast %sub3A_552 : f32 to vector<16xf32>
        %sub3A_554 = arith.subf %sub3A_553, %mul3A_551 : vector<16xf32>
        %mul3A_555 = arith.mulf %mul3A_546, %sub3A_554 : vector<16xf32>
        %mul3A_556 = arith.mulf %add3A_520, %mul3A_555 : vector<16xf32>
        %add3A_557 = arith.constant 9.99999996E-13 : f32
        %add3A_558 = vector.broadcast %add3A_557 : f32 to vector<16xf32>
        %add3A_559 = arith.addf %mul3A_556, %add3A_558 : vector<16xf32>
        %div3A_560 = arith.constant 1.000000e+00 : f32
        %div3A_561 = vector.broadcast %div3A_560 : f32 to vector<16xf32>
        %div3A_562 = arith.divf %div3A_561, %add3A_559 : vector<16xf32>
        %mul3A_563 = arith.mulf %sub3A_509, %div3A_562 : vector<16xf32>
        %mul3A_564 = arith.mulf %sub3A_512, %div3A_562 : vector<16xf32>
        %mul3A_565 = arith.mulf %sub3A_515, %div3A_562 : vector<16xf32>
        %mul3A_566 = arith.mulf %gather3A, %mul3A_563 : vector<16xf32>
        %mul3A_567 = arith.mulf %gather3A_443, %mul3A_564 : vector<16xf32>
        %add3A_568 = arith.addf %mul3A_566, %mul3A_567 : vector<16xf32>
        %mul3A_569 = arith.mulf %gather3A_446, %mul3A_565 : vector<16xf32>
        %add3A_570 = arith.addf %add3A_568, %mul3A_569 : vector<16xf32>
        %sub3A_571 = arith.subf %gather3A_473, %gather3A_452 : vector<16xf32>
        %sub3A_572 = arith.subf %gather3A_476, %gather3A_455 : vector<16xf32>
        %sub3A_573 = arith.subf %gather3A_479, %gather3A_458 : vector<16xf32>
        %sub3A_574 = arith.subf %gather3A_494, %gather3A_452 : vector<16xf32>
        %sub3A_575 = arith.subf %gather3A_497, %gather3A_455 : vector<16xf32>
        %sub3A_576 = arith.subf %gather3A_500, %gather3A_458 : vector<16xf32>
        %mul3A_577 = arith.mulf %sub3A_572, %sub3A_576 : vector<16xf32>
        %mul3A_578 = arith.mulf %sub3A_573, %sub3A_575 : vector<16xf32>
        %sub3A_579 = arith.subf %mul3A_577, %mul3A_578 : vector<16xf32>
        %mul3A_580 = arith.mulf %sub3A_573, %sub3A_574 : vector<16xf32>
        %mul3A_581 = arith.mulf %sub3A_571, %sub3A_576 : vector<16xf32>
        %sub3A_582 = arith.subf %mul3A_580, %mul3A_581 : vector<16xf32>
        %mul3A_583 = arith.mulf %sub3A_571, %sub3A_575 : vector<16xf32>
        %mul3A_584 = arith.mulf %sub3A_572, %sub3A_574 : vector<16xf32>
        %sub3A_585 = arith.subf %mul3A_583, %mul3A_584 : vector<16xf32>
        %mul3A_586 = arith.mulf %sub3A_579, %sub3A_579 : vector<16xf32>
        %mul3A_587 = arith.mulf %sub3A_582, %sub3A_582 : vector<16xf32>
        %add3A_588 = arith.addf %mul3A_586, %mul3A_587 : vector<16xf32>
        %mul3A_589 = arith.mulf %sub3A_585, %sub3A_585 : vector<16xf32>
        %add3A_590 = arith.addf %add3A_588, %mul3A_589 : vector<16xf32>
        %max3A_591 = arith.constant 1.000000e-30 : f32
        %max3A_592 = vector.broadcast %max3A_591 : f32 to vector<16xf32>
        %max3A_593 = arith.maximumf %add3A_590, %max3A_592 : vector<16xf32>
        %bitcast_convert_type3A_594 = tpu.bitcast %max3A_593 : vector<16xf32> -> vector<16xi32>
        %shift_right_arithmetic3A_595 = arith.constant 1 : i32
        %shift_right_arithmetic3A_596 = vector.broadcast %shift_right_arithmetic3A_595 : i32 to vector<16xi32>
        %shift_right_arithmetic3A_597 = arith.shrsi %bitcast_convert_type3A_594, %shift_right_arithmetic3A_596 : vector<16xi32>
        %sub3A_598 = arith.constant 1597463007 : i32
        %sub3A_599 = vector.broadcast %sub3A_598 : i32 to vector<16xi32>
        %sub3A_600 = arith.subi %sub3A_599, %shift_right_arithmetic3A_597 : vector<16xi32>
        %bitcast_convert_type3A_601 = tpu.bitcast %sub3A_600 : vector<16xi32> -> vector<16xf32>
        %mul3A_602 = arith.constant 5.000000e-01 : f32
        %mul3A_603 = vector.broadcast %mul3A_602 : f32 to vector<16xf32>
        %mul3A_604 = arith.mulf %mul3A_603, %max3A_593 : vector<16xf32>
        %mul3A_605 = arith.mulf %mul3A_604, %bitcast_convert_type3A_601 : vector<16xf32>
        %mul3A_606 = arith.mulf %mul3A_605, %bitcast_convert_type3A_601 : vector<16xf32>
        %sub3A_607 = arith.constant 1.500000e+00 : f32
        %sub3A_608 = vector.broadcast %sub3A_607 : f32 to vector<16xf32>
        %sub3A_609 = arith.subf %sub3A_608, %mul3A_606 : vector<16xf32>
        %mul3A_610 = arith.mulf %bitcast_convert_type3A_601, %sub3A_609 : vector<16xf32>
        %mul3A_611 = arith.constant 5.000000e-01 : f32
        %mul3A_612 = vector.broadcast %mul3A_611 : f32 to vector<16xf32>
        %mul3A_613 = arith.mulf %mul3A_612, %max3A_593 : vector<16xf32>
        %mul3A_614 = arith.mulf %mul3A_613, %mul3A_610 : vector<16xf32>
        %mul3A_615 = arith.mulf %mul3A_614, %mul3A_610 : vector<16xf32>
        %sub3A_616 = arith.constant 1.500000e+00 : f32
        %sub3A_617 = vector.broadcast %sub3A_616 : f32 to vector<16xf32>
        %sub3A_618 = arith.subf %sub3A_617, %mul3A_615 : vector<16xf32>
        %mul3A_619 = arith.mulf %mul3A_610, %sub3A_618 : vector<16xf32>
        %mul3A_620 = arith.constant 5.000000e-01 : f32
        %mul3A_621 = vector.broadcast %mul3A_620 : f32 to vector<16xf32>
        %mul3A_622 = arith.mulf %mul3A_621, %max3A_593 : vector<16xf32>
        %mul3A_623 = arith.mulf %mul3A_622, %mul3A_619 : vector<16xf32>
        %mul3A_624 = arith.mulf %mul3A_623, %mul3A_619 : vector<16xf32>
        %sub3A_625 = arith.constant 1.500000e+00 : f32
        %sub3A_626 = vector.broadcast %sub3A_625 : f32 to vector<16xf32>
        %sub3A_627 = arith.subf %sub3A_626, %mul3A_624 : vector<16xf32>
        %mul3A_628 = arith.mulf %mul3A_619, %sub3A_627 : vector<16xf32>
        %mul3A_629 = arith.mulf %add3A_590, %mul3A_628 : vector<16xf32>
        %add3A_630 = arith.constant 9.99999996E-13 : f32
        %add3A_631 = vector.broadcast %add3A_630 : f32 to vector<16xf32>
        %add3A_632 = arith.addf %mul3A_629, %add3A_631 : vector<16xf32>
        %div3A_633 = arith.constant 1.000000e+00 : f32
        %div3A_634 = vector.broadcast %div3A_633 : f32 to vector<16xf32>
        %div3A_635 = arith.divf %div3A_634, %add3A_632 : vector<16xf32>
        %mul3A_636 = arith.mulf %sub3A_579, %div3A_635 : vector<16xf32>
        %mul3A_637 = arith.mulf %sub3A_582, %div3A_635 : vector<16xf32>
        %mul3A_638 = arith.mulf %sub3A_585, %div3A_635 : vector<16xf32>
        %mul3A_639 = arith.mulf %gather3A_452, %mul3A_636 : vector<16xf32>
        %mul3A_640 = arith.mulf %gather3A_455, %mul3A_637 : vector<16xf32>
        %add3A_641 = arith.addf %mul3A_639, %mul3A_640 : vector<16xf32>
        %mul3A_642 = arith.mulf %gather3A_458, %mul3A_638 : vector<16xf32>
        %add3A_643 = arith.addf %add3A_641, %mul3A_642 : vector<16xf32>
        %eq3A_644 = arith.constant 3.000000e+00 : f32
        %eq3A_645 = vector.broadcast %eq3A_644 : f32 to vector<16xf32>
        %eq3A_646 = arith.cmpf oeq, %gather3A_449, %eq3A_645 : vector<16xf32>
        %eq3A_647 = arith.constant 3.000000e+00 : f32
        %eq3A_648 = vector.broadcast %eq3A_647 : f32 to vector<16xf32>
        %eq3A_649 = arith.cmpf oeq, %gather3A_470, %eq3A_648 : vector<16xf32>
        %or3A = arith.ori %eq3A_646, %eq3A_649 : vector<16xi1>
        %eq3A_650 = arith.constant 3.000000e+00 : f32
        %eq3A_651 = vector.broadcast %eq3A_650 : f32 to vector<16xf32>
        %eq3A_652 = arith.cmpf oeq, %gather3A_491, %eq3A_651 : vector<16xf32>
        %or3A_653 = arith.ori %or3A, %eq3A_652 : vector<16xi1>
        %jit3A_654 = arith.constant 1.000000e+01 : f32
        %jit3A_655 = arith.constant 1.000000e+00 : f32
        %broadcast_in_dim3A_656 = vector.broadcast %jit3A_654 : f32 to vector<16xf32>
        %broadcast_in_dim3A_657 = vector.broadcast %jit3A_655 : f32 to vector<16xf32>
        %select_n3A_658 = arith.select %or3A_653, %broadcast_in_dim3A_656, %broadcast_in_dim3A_657 : vector<16xi1>, vector<16xf32>
        %broadcast_in_dim3A_659 = arith.constant 0 : i32
        %broadcast_in_dim3A_660 = vector.broadcast %broadcast_in_dim3A_659 : i32 to vector<16xi32>
        tpu.vector_store_idx %arg19[%add3A_439, %broadcast_in_dim3A_660], %mul3A_563 : memref<640x16xf32, #tpu.memory_space<vmem>>[vector<16xi32>, vector<16xi32>], vector<16xf32>,
        %broadcast_in_dim3A_661 = arith.constant 1 : i32
        %broadcast_in_dim3A_662 = vector.broadcast %broadcast_in_dim3A_661 : i32 to vector<16xi32>
        tpu.vector_store_idx %arg19[%add3A_439, %broadcast_in_dim3A_662], %mul3A_564 : memref<640x16xf32, #tpu.memory_space<vmem>>[vector<16xi32>, vector<16xi32>], vector<16xf32>,
        %broadcast_in_dim3A_663 = arith.constant 2 : i32
        %broadcast_in_dim3A_664 = vector.broadcast %broadcast_in_dim3A_663 : i32 to vector<16xi32>
        tpu.vector_store_idx %arg19[%add3A_439, %broadcast_in_dim3A_664], %mul3A_565 : memref<640x16xf32, #tpu.memory_space<vmem>>[vector<16xi32>, vector<16xi32>], vector<16xf32>,
        %broadcast_in_dim3A_665 = arith.constant 3 : i32
        %broadcast_in_dim3A_666 = vector.broadcast %broadcast_in_dim3A_665 : i32 to vector<16xi32>
        tpu.vector_store_idx %arg19[%add3A_439, %broadcast_in_dim3A_666], %add3A_570 : memref<640x16xf32, #tpu.memory_space<vmem>>[vector<16xi32>, vector<16xi32>], vector<16xf32>,
        %broadcast_in_dim3A_667 = arith.constant 4 : i32
        %broadcast_in_dim3A_668 = vector.broadcast %broadcast_in_dim3A_667 : i32 to vector<16xi32>
        tpu.vector_store_idx %arg19[%add3A_439, %broadcast_in_dim3A_668], %mul3A_636 : memref<640x16xf32, #tpu.memory_space<vmem>>[vector<16xi32>, vector<16xi32>], vector<16xf32>,
        %broadcast_in_dim3A_669 = arith.constant 5 : i32
        %broadcast_in_dim3A_670 = vector.broadcast %broadcast_in_dim3A_669 : i32 to vector<16xi32>
        tpu.vector_store_idx %arg19[%add3A_439, %broadcast_in_dim3A_670], %mul3A_637 : memref<640x16xf32, #tpu.memory_space<vmem>>[vector<16xi32>, vector<16xi32>], vector<16xf32>,
        %broadcast_in_dim3A_671 = arith.constant 6 : i32
        %broadcast_in_dim3A_672 = vector.broadcast %broadcast_in_dim3A_671 : i32 to vector<16xi32>
        tpu.vector_store_idx %arg19[%add3A_439, %broadcast_in_dim3A_672], %mul3A_638 : memref<640x16xf32, #tpu.memory_space<vmem>>[vector<16xi32>, vector<16xi32>], vector<16xf32>,
        %broadcast_in_dim3A_673 = arith.constant 7 : i32
        %broadcast_in_dim3A_674 = vector.broadcast %broadcast_in_dim3A_673 : i32 to vector<16xi32>
        tpu.vector_store_idx %arg19[%add3A_439, %broadcast_in_dim3A_674], %add3A_643 : memref<640x16xf32, #tpu.memory_space<vmem>>[vector<16xi32>, vector<16xi32>], vector<16xf32>,
        %broadcast_in_dim3A_675 = arith.constant 8 : i32
        %broadcast_in_dim3A_676 = vector.broadcast %broadcast_in_dim3A_675 : i32 to vector<16xi32>
        tpu.vector_store_idx %arg19[%add3A_439, %broadcast_in_dim3A_676], %select_n3A_658 : memref<640x16xf32, #tpu.memory_space<vmem>>[vector<16xi32>, vector<16xi32>], vector<16xf32>,
      }
      %scan3A_299 = arith.constant 40 : i32
      "tpu.region"() ({
        %run_scoped3A = tpu.sem_alloc : memref<!tpu.dma_semaphore, #tpu.memory_space<semaphore_mem>>
        %dma_start3A_435 = arith.constant 0 : i32
        %dma_start3A_436 = tpu.memref_slice %arg6[%add3A_294, %dma_start3A_435] : memref<204800x16xf32, #tpu.memory_space<hbm>> -> memref<640x16xf32, #tpu.memory_space<hbm>>
        %dma_start3A_437 = arith.constant 0 : i32
        %dma_start3A_438 = tpu.memref_slice %arg6[%add3A_294, %dma_start3A_437] : memref<204800x16xf32, #tpu.memory_space<hbm>> -> memref<640x16xf32, #tpu.memory_space<hbm>>
        tpu.enqueue_dma source(%arg19 : memref<640x16xf32, #tpu.memory_space<vmem>>) target(%dma_start3A_438 : memref<640x16xf32, #tpu.memory_space<hbm>>) target_semaphore(%run_scoped3A : memref<!tpu.dma_semaphore, #tpu.memory_space<semaphore_mem>>)
        %dma_wait3A_439 = arith.constant 0 : i32
        %dma_wait3A_440 = tpu.memref_slice %arg6[%add3A_294, %dma_wait3A_439] : memref<204800x16xf32, #tpu.memory_space<hbm>> -> memref<640x16xf32, #tpu.memory_space<hbm>>
        %dma_wait3A_441 = arith.constant 0 : i32
        %dma_wait3A_442 = tpu.memref_slice %arg6[%add3A_294, %dma_wait3A_441] : memref<204800x16xf32, #tpu.memory_space<hbm>> -> memref<640x16xf32, #tpu.memory_space<hbm>>
        tpu.wait_dma2 semaphore(%run_scoped3A : memref<!tpu.dma_semaphore, #tpu.memory_space<semaphore_mem>>) src(%arg19 : memref<640x16xf32, #tpu.memory_space<vmem>>) dst(%dma_wait3A_442 : memref<640x16xf32, #tpu.memory_space<hbm>>)
        tpu.yield
      }) : () -> ()
      %add3A_300 = arith.constant 1 : i32
      %add3A_301 = arith.addi %mul3A_166, %add3A_300 : i32
      %dma_wait3A_302 = arith.constant 0 : i32
      %dma_wait3A_303 = arith.constant 0 : i32
      %dma_wait3A_304 = tpu.memref_slice %arg16[%dma_wait3A_302, %dma_wait3A_303] : memref<640x8xf32, #tpu.memory_space<vmem>> -> memref<320x8xf32, #tpu.memory_space<vmem>>
      %dma_wait3A_305 = arith.constant 0 : i32
      %dma_wait3A_306 = tpu.memref_slice %arg10[%dma_wait3A_305] : memref<640xi32, #tpu.memory_space<vmem>> -> memref<320xi32, #tpu.memory_space<vmem>>
      %dma_wait3A_307 = arith.constant 0 : i32
      %dma_wait3A_308 = arith.constant 0 : i32
      %dma_wait3A_309 = tpu.memref_slice %arg2[%dma_wait3A_307, %dma_wait3A_308] : memref<100000x8xf32, #tpu.memory_space<hbm>> -> memref<100000x8xf32, #tpu.memory_space<hbm>>
      tpu.wait_indirect_dma semaphore(%arg23 : memref<!tpu.dma_semaphore, #tpu.memory_space<semaphore_mem>>) src(%dma_wait3A_309 : memref<100000x8xf32, #tpu.memory_space<hbm>>) dst(%dma_wait3A_304 : memref<320x8xf32, #tpu.memory_space<vmem>>)
      %dma_wait3A_310 = arith.constant 0 : i32
      %dma_wait3A_311 = arith.constant 0 : i32
      %dma_wait3A_312 = tpu.memref_slice %arg17[%dma_wait3A_310, %dma_wait3A_311] : memref<640x8xf32, #tpu.memory_space<vmem>> -> memref<320x8xf32, #tpu.memory_space<vmem>>
      %dma_wait3A_313 = arith.constant 0 : i32
      %dma_wait3A_314 = tpu.memref_slice %arg11[%dma_wait3A_313] : memref<640xi32, #tpu.memory_space<vmem>> -> memref<320xi32, #tpu.memory_space<vmem>>
      %dma_wait3A_315 = arith.constant 0 : i32
      %dma_wait3A_316 = arith.constant 0 : i32
      %dma_wait3A_317 = tpu.memref_slice %arg2[%dma_wait3A_315, %dma_wait3A_316] : memref<100000x8xf32, #tpu.memory_space<hbm>> -> memref<100000x8xf32, #tpu.memory_space<hbm>>
      tpu.wait_indirect_dma semaphore(%arg23 : memref<!tpu.dma_semaphore, #tpu.memory_space<semaphore_mem>>) src(%dma_wait3A_317 : memref<100000x8xf32, #tpu.memory_space<hbm>>) dst(%dma_wait3A_312 : memref<320x8xf32, #tpu.memory_space<vmem>>)
      %dma_wait3A_318 = arith.constant 0 : i32
      %dma_wait3A_319 = arith.constant 0 : i32
      %dma_wait3A_320 = tpu.memref_slice %arg18[%dma_wait3A_318, %dma_wait3A_319] : memref<640x8xf32, #tpu.memory_space<vmem>> -> memref<320x8xf32, #tpu.memory_space<vmem>>
      %dma_wait3A_321 = arith.constant 0 : i32
      %dma_wait3A_322 = tpu.memref_slice %arg12[%dma_wait3A_321] : memref<640xi32, #tpu.memory_space<vmem>> -> memref<320xi32, #tpu.memory_space<vmem>>
      %dma_wait3A_323 = arith.constant 0 : i32
      %dma_wait3A_324 = arith.constant 0 : i32
      %dma_wait3A_325 = tpu.memref_slice %arg2[%dma_wait3A_323, %dma_wait3A_324] : memref<100000x8xf32, #tpu.memory_space<hbm>> -> memref<100000x8xf32, #tpu.memory_space<hbm>>
      tpu.wait_indirect_dma semaphore(%arg23 : memref<!tpu.dma_semaphore, #tpu.memory_space<semaphore_mem>>) src(%dma_wait3A_325 : memref<100000x8xf32, #tpu.memory_space<hbm>>) dst(%dma_wait3A_320 : memref<320x8xf32, #tpu.memory_space<vmem>>)
      %dma_wait3A_326 = arith.constant 320 : i32
      %dma_wait3A_327 = arith.constant 0 : i32
      %dma_wait3A_328 = tpu.memref_slice %arg16[%dma_wait3A_326, %dma_wait3A_327] : memref<640x8xf32, #tpu.memory_space<vmem>> -> memref<320x8xf32, #tpu.memory_space<vmem>>
      %dma_wait3A_329 = arith.constant 320 : i32
      %dma_wait3A_330 = tpu.memref_slice %arg10[%dma_wait3A_329] : memref<640xi32, #tpu.memory_space<vmem>> -> memref<320xi32, #tpu.memory_space<vmem>>
      %dma_wait3A_331 = arith.constant 0 : i32
      %dma_wait3A_332 = arith.constant 0 : i32
      %dma_wait3A_333 = tpu.memref_slice %arg2[%dma_wait3A_331, %dma_wait3A_332] : memref<100000x8xf32, #tpu.memory_space<hbm>> -> memref<100000x8xf32, #tpu.memory_space<hbm>>
      tpu.wait_indirect_dma semaphore(%arg23 : memref<!tpu.dma_semaphore, #tpu.memory_space<semaphore_mem>>) src(%dma_wait3A_333 : memref<100000x8xf32, #tpu.memory_space<hbm>>) dst(%dma_wait3A_328 : memref<320x8xf32, #tpu.memory_space<vmem>>)
      %dma_wait3A_334 = arith.constant 320 : i32
      %dma_wait3A_335 = arith.constant 0 : i32
      %dma_wait3A_336 = tpu.memref_slice %arg17[%dma_wait3A_334, %dma_wait3A_335] : memref<640x8xf32, #tpu.memory_space<vmem>> -> memref<320x8xf32, #tpu.memory_space<vmem>>
      %dma_wait3A_337 = arith.constant 320 : i32
      %dma_wait3A_338 = tpu.memref_slice %arg11[%dma_wait3A_337] : memref<640xi32, #tpu.memory_space<vmem>> -> memref<320xi32, #tpu.memory_space<vmem>>
      %dma_wait3A_339 = arith.constant 0 : i32
      %dma_wait3A_340 = arith.constant 0 : i32
      %dma_wait3A_341 = tpu.memref_slice %arg2[%dma_wait3A_339, %dma_wait3A_340] : memref<100000x8xf32, #tpu.memory_space<hbm>> -> memref<100000x8xf32, #tpu.memory_space<hbm>>
      tpu.wait_indirect_dma semaphore(%arg23 : memref<!tpu.dma_semaphore, #tpu.memory_space<semaphore_mem>>) src(%dma_wait3A_341 : memref<100000x8xf32, #tpu.memory_space<hbm>>) dst(%dma_wait3A_336 : memref<320x8xf32, #tpu.memory_space<vmem>>)
      %dma_wait3A_342 = arith.constant 320 : i32
      %dma_wait3A_343 = arith.constant 0 : i32
      %dma_wait3A_344 = tpu.memref_slice %arg18[%dma_wait3A_342, %dma_wait3A_343] : memref<640x8xf32, #tpu.memory_space<vmem>> -> memref<320x8xf32, #tpu.memory_space<vmem>>
      %dma_wait3A_345 = arith.constant 320 : i32
      %dma_wait3A_346 = tpu.memref_slice %arg12[%dma_wait3A_345] : memref<640xi32, #tpu.memory_space<vmem>> -> memref<320xi32, #tpu.memory_space<vmem>>
      %dma_wait3A_347 = arith.constant 0 : i32
      %dma_wait3A_348 = arith.constant 0 : i32
      %dma_wait3A_349 = tpu.memref_slice %arg2[%dma_wait3A_347, %dma_wait3A_348] : memref<100000x8xf32, #tpu.memory_space<hbm>> -> memref<100000x8xf32, #tpu.memory_space<hbm>>
      tpu.wait_indirect_dma semaphore(%arg23 : memref<!tpu.dma_semaphore, #tpu.memory_space<semaphore_mem>>) src(%dma_wait3A_349 : memref<100000x8xf32, #tpu.memory_space<hbm>>) dst(%dma_wait3A_344 : memref<320x8xf32, #tpu.memory_space<vmem>>)
      %add3A_350 = arith.constant 1 : i32
      %add3A_351 = arith.addi %add3A_301, %add3A_350 : i32
      %sub3A_352 = arith.constant 1 : i32
      %sub3A_353 = arith.subi %select_n3A, %sub3A_352 : i32
      %min3A_354 = arith.minsi %add3A_351, %sub3A_353 : i32
      %mul3A_355 = arith.constant 640 : i32
      %mul3A_356 = arith.muli %min3A_354, %mul3A_355 : i32
      %add3A_357 = arith.addi %mul3A_10, %mul3A_356 : i32
      %dma_wait3A_358 = tpu.memref_slice %arg3[%add3A_357] : memref<204800xi32, #tpu.memory_space<hbm>> -> memref<640xi32, #tpu.memory_space<hbm>>
      %dma_wait3A_359 = tpu.memref_slice %arg3[%add3A_357] : memref<204800xi32, #tpu.memory_space<hbm>> -> memref<640xi32, #tpu.memory_space<hbm>>
      tpu.wait_dma2 semaphore(%arg20 : memref<!tpu.dma_semaphore, #tpu.memory_space<semaphore_mem>>) src(%dma_wait3A_359 : memref<640xi32, #tpu.memory_space<hbm>>) dst(%arg7 : memref<640xi32, #tpu.memory_space<vmem>>)
      %dma_wait3A_360 = tpu.memref_slice %arg4[%add3A_357] : memref<204800xi32, #tpu.memory_space<hbm>> -> memref<640xi32, #tpu.memory_space<hbm>>
      %dma_wait3A_361 = tpu.memref_slice %arg4[%add3A_357] : memref<204800xi32, #tpu.memory_space<hbm>> -> memref<640xi32, #tpu.memory_space<hbm>>
      tpu.wait_dma2 semaphore(%arg20 : memref<!tpu.dma_semaphore, #tpu.memory_space<semaphore_mem>>) src(%dma_wait3A_361 : memref<640xi32, #tpu.memory_space<hbm>>) dst(%arg8 : memref<640xi32, #tpu.memory_space<vmem>>)
      %dma_wait3A_362 = tpu.memref_slice %arg5[%add3A_357] : memref<204800xi32, #tpu.memory_space<hbm>> -> memref<640xi32, #tpu.memory_space<hbm>>
      %dma_wait3A_363 = tpu.memref_slice %arg5[%add3A_357] : memref<204800xi32, #tpu.memory_space<hbm>> -> memref<640xi32, #tpu.memory_space<hbm>>
      tpu.wait_dma2 semaphore(%arg20 : memref<!tpu.dma_semaphore, #tpu.memory_space<semaphore_mem>>) src(%dma_wait3A_363 : memref<640xi32, #tpu.memory_space<hbm>>) dst(%arg9 : memref<640xi32, #tpu.memory_space<vmem>>)
      %dma_start3A_364 = arith.constant 0 : i32
      %dma_start3A_365 = arith.constant 0 : i32
      %dma_start3A_366 = tpu.memref_slice %arg13[%dma_start3A_364, %dma_start3A_365] : memref<640x8xf32, #tpu.memory_space<vmem>> -> memref<320x8xf32, #tpu.memory_space<vmem>>
      %dma_start3A_367 = arith.constant 0 : i32
      %dma_start3A_368 = tpu.memref_slice %arg7[%dma_start3A_367] : memref<640xi32, #tpu.memory_space<vmem>> -> memref<320xi32, #tpu.memory_space<vmem>>
      %dma_start3A_369 = arith.constant 0 : i32
      %dma_start3A_370 = arith.constant 0 : i32
      %dma_start3A_371 = tpu.memref_slice %arg2[%dma_start3A_369, %dma_start3A_370] : memref<100000x8xf32, #tpu.memory_space<hbm>> -> memref<100000x8xf32, #tpu.memory_space<hbm>>
      tpu.enqueue_indirect_dma source(%dma_start3A_371 : memref<100000x8xf32, #tpu.memory_space<hbm>>) target(%dma_start3A_366 : memref<320x8xf32, #tpu.memory_space<vmem>>) offsets(%dma_start3A_368 : memref<320xi32, #tpu.memory_space<vmem>>) semaphore(%arg22 : memref<!tpu.dma_semaphore, #tpu.memory_space<semaphore_mem>>)
      %dma_start3A_372 = arith.constant 0 : i32
      %dma_start3A_373 = arith.constant 0 : i32
      %dma_start3A_374 = tpu.memref_slice %arg14[%dma_start3A_372, %dma_start3A_373] : memref<640x8xf32, #tpu.memory_space<vmem>> -> memref<320x8xf32, #tpu.memory_space<vmem>>
      %dma_start3A_375 = arith.constant 0 : i32
      %dma_start3A_376 = tpu.memref_slice %arg8[%dma_start3A_375] : memref<640xi32, #tpu.memory_space<vmem>> -> memref<320xi32, #tpu.memory_space<vmem>>
      %dma_start3A_377 = arith.constant 0 : i32
      %dma_start3A_378 = arith.constant 0 : i32
      %dma_start3A_379 = tpu.memref_slice %arg2[%dma_start3A_377, %dma_start3A_378] : memref<100000x8xf32, #tpu.memory_space<hbm>> -> memref<100000x8xf32, #tpu.memory_space<hbm>>
      tpu.enqueue_indirect_dma source(%dma_start3A_379 : memref<100000x8xf32, #tpu.memory_space<hbm>>) target(%dma_start3A_374 : memref<320x8xf32, #tpu.memory_space<vmem>>) offsets(%dma_start3A_376 : memref<320xi32, #tpu.memory_space<vmem>>) semaphore(%arg22 : memref<!tpu.dma_semaphore, #tpu.memory_space<semaphore_mem>>)
      %dma_start3A_380 = arith.constant 0 : i32
      %dma_start3A_381 = arith.constant 0 : i32
      %dma_start3A_382 = tpu.memref_slice %arg15[%dma_start3A_380, %dma_start3A_381] : memref<640x8xf32, #tpu.memory_space<vmem>> -> memref<320x8xf32, #tpu.memory_space<vmem>>
      %dma_start3A_383 = arith.constant 0 : i32
      %dma_start3A_384 = tpu.memref_slice %arg9[%dma_start3A_383] : memref<640xi32, #tpu.memory_space<vmem>> -> memref<320xi32, #tpu.memory_space<vmem>>
      %dma_start3A_385 = arith.constant 0 : i32
      %dma_start3A_386 = arith.constant 0 : i32
      %dma_start3A_387 = tpu.memref_slice %arg2[%dma_start3A_385, %dma_start3A_386] : memref<100000x8xf32, #tpu.memory_space<hbm>> -> memref<100000x8xf32, #tpu.memory_space<hbm>>
      tpu.enqueue_indirect_dma source(%dma_start3A_387 : memref<100000x8xf32, #tpu.memory_space<hbm>>) target(%dma_start3A_382 : memref<320x8xf32, #tpu.memory_space<vmem>>) offsets(%dma_start3A_384 : memref<320xi32, #tpu.memory_space<vmem>>) semaphore(%arg22 : memref<!tpu.dma_semaphore, #tpu.memory_space<semaphore_mem>>)
      %dma_start3A_388 = arith.constant 320 : i32
      %dma_start3A_389 = arith.constant 0 : i32
      %dma_start3A_390 = tpu.memref_slice %arg13[%dma_start3A_388, %dma_start3A_389] : memref<640x8xf32, #tpu.memory_space<vmem>> -> memref<320x8xf32, #tpu.memory_space<vmem>>
      %dma_start3A_391 = arith.constant 320 : i32
      %dma_start3A_392 = tpu.memref_slice %arg7[%dma_start3A_391] : memref<640xi32, #tpu.memory_space<vmem>> -> memref<320xi32, #tpu.memory_space<vmem>>
      %dma_start3A_393 = arith.constant 0 : i32
      %dma_start3A_394 = arith.constant 0 : i32
      %dma_start3A_395 = tpu.memref_slice %arg2[%dma_start3A_393, %dma_start3A_394] : memref<100000x8xf32, #tpu.memory_space<hbm>> -> memref<100000x8xf32, #tpu.memory_space<hbm>>
      tpu.enqueue_indirect_dma source(%dma_start3A_395 : memref<100000x8xf32, #tpu.memory_space<hbm>>) target(%dma_start3A_390 : memref<320x8xf32, #tpu.memory_space<vmem>>) offsets(%dma_start3A_392 : memref<320xi32, #tpu.memory_space<vmem>>) semaphore(%arg22 : memref<!tpu.dma_semaphore, #tpu.memory_space<semaphore_mem>>)
      %dma_start3A_396 = arith.constant 320 : i32
      %dma_start3A_397 = arith.constant 0 : i32
      %dma_start3A_398 = tpu.memref_slice %arg14[%dma_start3A_396, %dma_start3A_397] : memref<640x8xf32, #tpu.memory_space<vmem>> -> memref<320x8xf32, #tpu.memory_space<vmem>>
      %dma_start3A_399 = arith.constant 320 : i32
      %dma_start3A_400 = tpu.memref_slice %arg8[%dma_start3A_399] : memref<640xi32, #tpu.memory_space<vmem>> -> memref<320xi32, #tpu.memory_space<vmem>>
      %dma_start3A_401 = arith.constant 0 : i32
      %dma_start3A_402 = arith.constant 0 : i32
      %dma_start3A_403 = tpu.memref_slice %arg2[%dma_start3A_401, %dma_start3A_402] : memref<100000x8xf32, #tpu.memory_space<hbm>> -> memref<100000x8xf32, #tpu.memory_space<hbm>>
      tpu.enqueue_indirect_dma source(%dma_start3A_403 : memref<100000x8xf32, #tpu.memory_space<hbm>>) target(%dma_start3A_398 : memref<320x8xf32, #tpu.memory_space<vmem>>) offsets(%dma_start3A_400 : memref<320xi32, #tpu.memory_space<vmem>>) semaphore(%arg22 : memref<!tpu.dma_semaphore, #tpu.memory_space<semaphore_mem>>)
      %dma_start3A_404 = arith.constant 320 : i32
      %dma_start3A_405 = arith.constant 0 : i32
      %dma_start3A_406 = tpu.memref_slice %arg15[%dma_start3A_404, %dma_start3A_405] : memref<640x8xf32, #tpu.memory_space<vmem>> -> memref<320x8xf32, #tpu.memory_space<vmem>>
      %dma_start3A_407 = arith.constant 320 : i32
      %dma_start3A_408 = tpu.memref_slice %arg9[%dma_start3A_407] : memref<640xi32, #tpu.memory_space<vmem>> -> memref<320xi32, #tpu.memory_space<vmem>>
      %dma_start3A_409 = arith.constant 0 : i32
      %dma_start3A_410 = arith.constant 0 : i32
      %dma_start3A_411 = tpu.memref_slice %arg2[%dma_start3A_409, %dma_start3A_410] : memref<100000x8xf32, #tpu.memory_space<hbm>> -> memref<100000x8xf32, #tpu.memory_space<hbm>>
      tpu.enqueue_indirect_dma source(%dma_start3A_411 : memref<100000x8xf32, #tpu.memory_space<hbm>>) target(%dma_start3A_406 : memref<320x8xf32, #tpu.memory_space<vmem>>) offsets(%dma_start3A_408 : memref<320xi32, #tpu.memory_space<vmem>>) semaphore(%arg22 : memref<!tpu.dma_semaphore, #tpu.memory_space<semaphore_mem>>)
      %add3A_412 = arith.constant 2 : i32
      %add3A_413 = arith.addi %add3A_301, %add3A_412 : i32
      %sub3A_414 = arith.constant 1 : i32
      %sub3A_415 = arith.subi %select_n3A, %sub3A_414 : i32
      %min3A_416 = arith.minsi %add3A_413, %sub3A_415 : i32
      %mul3A_417 = arith.constant 640 : i32
      %mul3A_418 = arith.muli %min3A_416, %mul3A_417 : i32
      %add3A_419 = arith.addi %mul3A_10, %mul3A_418 : i32
      %dma_start3A_420 = tpu.memref_slice %arg3[%add3A_419] : memref<204800xi32, #tpu.memory_space<hbm>> -> memref<640xi32, #tpu.memory_space<hbm>>
      %dma_start3A_421 = tpu.memref_slice %arg3[%add3A_419] : memref<204800xi32, #tpu.memory_space<hbm>> -> memref<640xi32, #tpu.memory_space<hbm>>
      tpu.enqueue_dma source(%dma_start3A_421 : memref<640xi32, #tpu.memory_space<hbm>>) target(%arg10 : memref<640xi32, #tpu.memory_space<vmem>>) target_semaphore(%arg21 : memref<!tpu.dma_semaphore, #tpu.memory_space<semaphore_mem>>)
      %dma_start3A_422 = tpu.memref_slice %arg4[%add3A_419] : memref<204800xi32, #tpu.memory_space<hbm>> -> memref<640xi32, #tpu.memory_space<hbm>>
      %dma_start3A_423 = tpu.memref_slice %arg4[%add3A_419] : memref<204800xi32, #tpu.memory_space<hbm>> -> memref<640xi32, #tpu.memory_space<hbm>>
      tpu.enqueue_dma source(%dma_start3A_423 : memref<640xi32, #tpu.memory_space<hbm>>) target(%arg11 : memref<640xi32, #tpu.memory_space<vmem>>) target_semaphore(%arg21 : memref<!tpu.dma_semaphore, #tpu.memory_space<semaphore_mem>>)
      %dma_start3A_424 = tpu.memref_slice %arg5[%add3A_419] : memref<204800xi32, #tpu.memory_space<hbm>> -> memref<640xi32, #tpu.memory_space<hbm>>
      %dma_start3A_425 = tpu.memref_slice %arg5[%add3A_419] : memref<204800xi32, #tpu.memory_space<hbm>> -> memref<640xi32, #tpu.memory_space<hbm>>
      tpu.enqueue_dma source(%dma_start3A_425 : memref<640xi32, #tpu.memory_space<hbm>>) target(%arg12 : memref<640xi32, #tpu.memory_space<vmem>>) target_semaphore(%arg21 : memref<!tpu.dma_semaphore, #tpu.memory_space<semaphore_mem>>)
      %mul3A_426 = arith.constant 640 : i32
      %mul3A_427 = arith.muli %add3A_301, %mul3A_426 : i32
      %add3A_428 = arith.addi %mul3A_10, %mul3A_427 : i32
      %scan3A_429 = arith.constant 0 : i32
      %scan3A_430 = arith.constant 0 : i32
      %scan3A_431 = arith.constant 40 : i32
      %scan3A_432 = arith.addi %scan3A_430, %scan3A_431 : i32
      %scan3A_433 = arith.constant 1 : i32
      scf.for %scan3A_435 = %scan3A_430 to %scan3A_432 step %scan3A_433  : i32 {
        %mul3A_436 = arith.constant 16 : i32
        %mul3A_437 = arith.muli %scan3A_435, %mul3A_436 : i32
        %add3A_438 = vector.broadcast %mul3A_437 : i32 to vector<16xi32>
        %add3A_439 = arith.addi %add3A_438, %iota3A : vector<16xi32>
        %broadcast_in_dim3A = arith.constant 0 : i32
        %broadcast_in_dim3A_440 = vector.broadcast %broadcast_in_dim3A : i32 to vector<16xi32>
        %gather3A = tpu.vector_load_idx %arg16[%add3A_439, %broadcast_in_dim3A_440] : memref<640x8xf32, #tpu.memory_space<vmem>>[vector<16xi32>, vector<16xi32>], vector<16xf32>,
        %broadcast_in_dim3A_441 = arith.constant 1 : i32
        %broadcast_in_dim3A_442 = vector.broadcast %broadcast_in_dim3A_441 : i32 to vector<16xi32>
        %gather3A_443 = tpu.vector_load_idx %arg16[%add3A_439, %broadcast_in_dim3A_442] : memref<640x8xf32, #tpu.memory_space<vmem>>[vector<16xi32>, vector<16xi32>], vector<16xf32>,
        %broadcast_in_dim3A_444 = arith.constant 2 : i32
        %broadcast_in_dim3A_445 = vector.broadcast %broadcast_in_dim3A_444 : i32 to vector<16xi32>
        %gather3A_446 = tpu.vector_load_idx %arg16[%add3A_439, %broadcast_in_dim3A_445] : memref<640x8xf32, #tpu.memory_space<vmem>>[vector<16xi32>, vector<16xi32>], vector<16xf32>,
        %broadcast_in_dim3A_447 = arith.constant 3 : i32
        %broadcast_in_dim3A_448 = vector.broadcast %broadcast_in_dim3A_447 : i32 to vector<16xi32>
        %gather3A_449 = tpu.vector_load_idx %arg16[%add3A_439, %broadcast_in_dim3A_448] : memref<640x8xf32, #tpu.memory_space<vmem>>[vector<16xi32>, vector<16xi32>], vector<16xf32>,
        %broadcast_in_dim3A_450 = arith.constant 4 : i32
        %broadcast_in_dim3A_451 = vector.broadcast %broadcast_in_dim3A_450 : i32 to vector<16xi32>
        %gather3A_452 = tpu.vector_load_idx %arg16[%add3A_439, %broadcast_in_dim3A_451] : memref<640x8xf32, #tpu.memory_space<vmem>>[vector<16xi32>, vector<16xi32>], vector<16xf32>,
        %broadcast_in_dim3A_453 = arith.constant 5 : i32
        %broadcast_in_dim3A_454 = vector.broadcast %broadcast_in_dim3A_453 : i32 to vector<16xi32>
        %gather3A_455 = tpu.vector_load_idx %arg16[%add3A_439, %broadcast_in_dim3A_454] : memref<640x8xf32, #tpu.memory_space<vmem>>[vector<16xi32>, vector<16xi32>], vector<16xf32>,
        %broadcast_in_dim3A_456 = arith.constant 6 : i32
        %broadcast_in_dim3A_457 = vector.broadcast %broadcast_in_dim3A_456 : i32 to vector<16xi32>
        %gather3A_458 = tpu.vector_load_idx %arg16[%add3A_439, %broadcast_in_dim3A_457] : memref<640x8xf32, #tpu.memory_space<vmem>>[vector<16xi32>, vector<16xi32>], vector<16xf32>,
        %broadcast_in_dim3A_459 = arith.constant 0 : i32
        %broadcast_in_dim3A_460 = vector.broadcast %broadcast_in_dim3A_459 : i32 to vector<16xi32>
        %gather3A_461 = tpu.vector_load_idx %arg17[%add3A_439, %broadcast_in_dim3A_460] : memref<640x8xf32, #tpu.memory_space<vmem>>[vector<16xi32>, vector<16xi32>], vector<16xf32>,
        %broadcast_in_dim3A_462 = arith.constant 1 : i32
        %broadcast_in_dim3A_463 = vector.broadcast %broadcast_in_dim3A_462 : i32 to vector<16xi32>
        %gather3A_464 = tpu.vector_load_idx %arg17[%add3A_439, %broadcast_in_dim3A_463] : memref<640x8xf32, #tpu.memory_space<vmem>>[vector<16xi32>, vector<16xi32>], vector<16xf32>,
        %broadcast_in_dim3A_465 = arith.constant 2 : i32
        %broadcast_in_dim3A_466 = vector.broadcast %broadcast_in_dim3A_465 : i32 to vector<16xi32>
        %gather3A_467 = tpu.vector_load_idx %arg17[%add3A_439, %broadcast_in_dim3A_466] : memref<640x8xf32, #tpu.memory_space<vmem>>[vector<16xi32>, vector<16xi32>], vector<16xf32>,
        %broadcast_in_dim3A_468 = arith.constant 3 : i32
        %broadcast_in_dim3A_469 = vector.broadcast %broadcast_in_dim3A_468 : i32 to vector<16xi32>
        %gather3A_470 = tpu.vector_load_idx %arg17[%add3A_439, %broadcast_in_dim3A_469] : memref<640x8xf32, #tpu.memory_space<vmem>>[vector<16xi32>, vector<16xi32>], vector<16xf32>,
        %broadcast_in_dim3A_471 = arith.constant 4 : i32
        %broadcast_in_dim3A_472 = vector.broadcast %broadcast_in_dim3A_471 : i32 to vector<16xi32>
        %gather3A_473 = tpu.vector_load_idx %arg17[%add3A_439, %broadcast_in_dim3A_472] : memref<640x8xf32, #tpu.memory_space<vmem>>[vector<16xi32>, vector<16xi32>], vector<16xf32>,
        %broadcast_in_dim3A_474 = arith.constant 5 : i32
        %broadcast_in_dim3A_475 = vector.broadcast %broadcast_in_dim3A_474 : i32 to vector<16xi32>
        %gather3A_476 = tpu.vector_load_idx %arg17[%add3A_439, %broadcast_in_dim3A_475] : memref<640x8xf32, #tpu.memory_space<vmem>>[vector<16xi32>, vector<16xi32>], vector<16xf32>,
        %broadcast_in_dim3A_477 = arith.constant 6 : i32
        %broadcast_in_dim3A_478 = vector.broadcast %broadcast_in_dim3A_477 : i32 to vector<16xi32>
        %gather3A_479 = tpu.vector_load_idx %arg17[%add3A_439, %broadcast_in_dim3A_478] : memref<640x8xf32, #tpu.memory_space<vmem>>[vector<16xi32>, vector<16xi32>], vector<16xf32>,
        %broadcast_in_dim3A_480 = arith.constant 0 : i32
        %broadcast_in_dim3A_481 = vector.broadcast %broadcast_in_dim3A_480 : i32 to vector<16xi32>
        %gather3A_482 = tpu.vector_load_idx %arg18[%add3A_439, %broadcast_in_dim3A_481] : memref<640x8xf32, #tpu.memory_space<vmem>>[vector<16xi32>, vector<16xi32>], vector<16xf32>,
        %broadcast_in_dim3A_483 = arith.constant 1 : i32
        %broadcast_in_dim3A_484 = vector.broadcast %broadcast_in_dim3A_483 : i32 to vector<16xi32>
        %gather3A_485 = tpu.vector_load_idx %arg18[%add3A_439, %broadcast_in_dim3A_484] : memref<640x8xf32, #tpu.memory_space<vmem>>[vector<16xi32>, vector<16xi32>], vector<16xf32>,
        %broadcast_in_dim3A_486 = arith.constant 2 : i32
        %broadcast_in_dim3A_487 = vector.broadcast %broadcast_in_dim3A_486 : i32 to vector<16xi32>
        %gather3A_488 = tpu.vector_load_idx %arg18[%add3A_439, %broadcast_in_dim3A_487] : memref<640x8xf32, #tpu.memory_space<vmem>>[vector<16xi32>, vector<16xi32>], vector<16xf32>,
        %broadcast_in_dim3A_489 = arith.constant 3 : i32
        %broadcast_in_dim3A_490 = vector.broadcast %broadcast_in_dim3A_489 : i32 to vector<16xi32>
        %gather3A_491 = tpu.vector_load_idx %arg18[%add3A_439, %broadcast_in_dim3A_490] : memref<640x8xf32, #tpu.memory_space<vmem>>[vector<16xi32>, vector<16xi32>], vector<16xf32>,
        %broadcast_in_dim3A_492 = arith.constant 4 : i32
        %broadcast_in_dim3A_493 = vector.broadcast %broadcast_in_dim3A_492 : i32 to vector<16xi32>
        %gather3A_494 = tpu.vector_load_idx %arg18[%add3A_439, %broadcast_in_dim3A_493] : memref<640x8xf32, #tpu.memory_space<vmem>>[vector<16xi32>, vector<16xi32>], vector<16xf32>,
        %broadcast_in_dim3A_495 = arith.constant 5 : i32
        %broadcast_in_dim3A_496 = vector.broadcast %broadcast_in_dim3A_495 : i32 to vector<16xi32>
        %gather3A_497 = tpu.vector_load_idx %arg18[%add3A_439, %broadcast_in_dim3A_496] : memref<640x8xf32, #tpu.memory_space<vmem>>[vector<16xi32>, vector<16xi32>], vector<16xf32>,
        %broadcast_in_dim3A_498 = arith.constant 6 : i32
        %broadcast_in_dim3A_499 = vector.broadcast %broadcast_in_dim3A_498 : i32 to vector<16xi32>
        %gather3A_500 = tpu.vector_load_idx %arg18[%add3A_439, %broadcast_in_dim3A_499] : memref<640x8xf32, #tpu.memory_space<vmem>>[vector<16xi32>, vector<16xi32>], vector<16xf32>,
        %sub3A_501 = arith.subf %gather3A_461, %gather3A : vector<16xf32>
        %sub3A_502 = arith.subf %gather3A_464, %gather3A_443 : vector<16xf32>
        %sub3A_503 = arith.subf %gather3A_467, %gather3A_446 : vector<16xf32>
        %sub3A_504 = arith.subf %gather3A_482, %gather3A : vector<16xf32>
        %sub3A_505 = arith.subf %gather3A_485, %gather3A_443 : vector<16xf32>
        %sub3A_506 = arith.subf %gather3A_488, %gather3A_446 : vector<16xf32>
        %mul3A_507 = arith.mulf %sub3A_502, %sub3A_506 : vector<16xf32>
        %mul3A_508 = arith.mulf %sub3A_503, %sub3A_505 : vector<16xf32>
        %sub3A_509 = arith.subf %mul3A_507, %mul3A_508 : vector<16xf32>
        %mul3A_510 = arith.mulf %sub3A_503, %sub3A_504 : vector<16xf32>
        %mul3A_511 = arith.mulf %sub3A_501, %sub3A_506 : vector<16xf32>
        %sub3A_512 = arith.subf %mul3A_510, %mul3A_511 : vector<16xf32>
        %mul3A_513 = arith.mulf %sub3A_501, %sub3A_505 : vector<16xf32>
        %mul3A_514 = arith.mulf %sub3A_502, %sub3A_504 : vector<16xf32>
        %sub3A_515 = arith.subf %mul3A_513, %mul3A_514 : vector<16xf32>
        %mul3A_516 = arith.mulf %sub3A_509, %sub3A_509 : vector<16xf32>
        %mul3A_517 = arith.mulf %sub3A_512, %sub3A_512 : vector<16xf32>
        %add3A_518 = arith.addf %mul3A_516, %mul3A_517 : vector<16xf32>
        %mul3A_519 = arith.mulf %sub3A_515, %sub3A_515 : vector<16xf32>
        %add3A_520 = arith.addf %add3A_518, %mul3A_519 : vector<16xf32>
        %max3A = arith.constant 1.000000e-30 : f32
        %max3A_521 = vector.broadcast %max3A : f32 to vector<16xf32>
        %max3A_522 = arith.maximumf %add3A_520, %max3A_521 : vector<16xf32>
        %bitcast_convert_type3A = tpu.bitcast %max3A_522 : vector<16xf32> -> vector<16xi32>
        %shift_right_arithmetic3A = arith.constant 1 : i32
        %shift_right_arithmetic3A_523 = vector.broadcast %shift_right_arithmetic3A : i32 to vector<16xi32>
        %shift_right_arithmetic3A_524 = arith.shrsi %bitcast_convert_type3A, %shift_right_arithmetic3A_523 : vector<16xi32>
        %sub3A_525 = arith.constant 1597463007 : i32
        %sub3A_526 = vector.broadcast %sub3A_525 : i32 to vector<16xi32>
        %sub3A_527 = arith.subi %sub3A_526, %shift_right_arithmetic3A_524 : vector<16xi32>
        %bitcast_convert_type3A_528 = tpu.bitcast %sub3A_527 : vector<16xi32> -> vector<16xf32>
        %mul3A_529 = arith.constant 5.000000e-01 : f32
        %mul3A_530 = vector.broadcast %mul3A_529 : f32 to vector<16xf32>
        %mul3A_531 = arith.mulf %mul3A_530, %max3A_522 : vector<16xf32>
        %mul3A_532 = arith.mulf %mul3A_531, %bitcast_convert_type3A_528 : vector<16xf32>
        %mul3A_533 = arith.mulf %mul3A_532, %bitcast_convert_type3A_528 : vector<16xf32>
        %sub3A_534 = arith.constant 1.500000e+00 : f32
        %sub3A_535 = vector.broadcast %sub3A_534 : f32 to vector<16xf32>
        %sub3A_536 = arith.subf %sub3A_535, %mul3A_533 : vector<16xf32>
        %mul3A_537 = arith.mulf %bitcast_convert_type3A_528, %sub3A_536 : vector<16xf32>
        %mul3A_538 = arith.constant 5.000000e-01 : f32
        %mul3A_539 = vector.broadcast %mul3A_538 : f32 to vector<16xf32>
        %mul3A_540 = arith.mulf %mul3A_539, %max3A_522 : vector<16xf32>
        %mul3A_541 = arith.mulf %mul3A_540, %mul3A_537 : vector<16xf32>
        %mul3A_542 = arith.mulf %mul3A_541, %mul3A_537 : vector<16xf32>
        %sub3A_543 = arith.constant 1.500000e+00 : f32
        %sub3A_544 = vector.broadcast %sub3A_543 : f32 to vector<16xf32>
        %sub3A_545 = arith.subf %sub3A_544, %mul3A_542 : vector<16xf32>
        %mul3A_546 = arith.mulf %mul3A_537, %sub3A_545 : vector<16xf32>
        %mul3A_547 = arith.constant 5.000000e-01 : f32
        %mul3A_548 = vector.broadcast %mul3A_547 : f32 to vector<16xf32>
        %mul3A_549 = arith.mulf %mul3A_548, %max3A_522 : vector<16xf32>
        %mul3A_550 = arith.mulf %mul3A_549, %mul3A_546 : vector<16xf32>
        %mul3A_551 = arith.mulf %mul3A_550, %mul3A_546 : vector<16xf32>
        %sub3A_552 = arith.constant 1.500000e+00 : f32
        %sub3A_553 = vector.broadcast %sub3A_552 : f32 to vector<16xf32>
        %sub3A_554 = arith.subf %sub3A_553, %mul3A_551 : vector<16xf32>
        %mul3A_555 = arith.mulf %mul3A_546, %sub3A_554 : vector<16xf32>
        %mul3A_556 = arith.mulf %add3A_520, %mul3A_555 : vector<16xf32>
        %add3A_557 = arith.constant 9.99999996E-13 : f32
        %add3A_558 = vector.broadcast %add3A_557 : f32 to vector<16xf32>
        %add3A_559 = arith.addf %mul3A_556, %add3A_558 : vector<16xf32>
        %div3A_560 = arith.constant 1.000000e+00 : f32
        %div3A_561 = vector.broadcast %div3A_560 : f32 to vector<16xf32>
        %div3A_562 = arith.divf %div3A_561, %add3A_559 : vector<16xf32>
        %mul3A_563 = arith.mulf %sub3A_509, %div3A_562 : vector<16xf32>
        %mul3A_564 = arith.mulf %sub3A_512, %div3A_562 : vector<16xf32>
        %mul3A_565 = arith.mulf %sub3A_515, %div3A_562 : vector<16xf32>
        %mul3A_566 = arith.mulf %gather3A, %mul3A_563 : vector<16xf32>
        %mul3A_567 = arith.mulf %gather3A_443, %mul3A_564 : vector<16xf32>
        %add3A_568 = arith.addf %mul3A_566, %mul3A_567 : vector<16xf32>
        %mul3A_569 = arith.mulf %gather3A_446, %mul3A_565 : vector<16xf32>
        %add3A_570 = arith.addf %add3A_568, %mul3A_569 : vector<16xf32>
        %sub3A_571 = arith.subf %gather3A_473, %gather3A_452 : vector<16xf32>
        %sub3A_572 = arith.subf %gather3A_476, %gather3A_455 : vector<16xf32>
        %sub3A_573 = arith.subf %gather3A_479, %gather3A_458 : vector<16xf32>
        %sub3A_574 = arith.subf %gather3A_494, %gather3A_452 : vector<16xf32>
        %sub3A_575 = arith.subf %gather3A_497, %gather3A_455 : vector<16xf32>
        %sub3A_576 = arith.subf %gather3A_500, %gather3A_458 : vector<16xf32>
        %mul3A_577 = arith.mulf %sub3A_572, %sub3A_576 : vector<16xf32>
        %mul3A_578 = arith.mulf %sub3A_573, %sub3A_575 : vector<16xf32>
        %sub3A_579 = arith.subf %mul3A_577, %mul3A_578 : vector<16xf32>
        %mul3A_580 = arith.mulf %sub3A_573, %sub3A_574 : vector<16xf32>
        %mul3A_581 = arith.mulf %sub3A_571, %sub3A_576 : vector<16xf32>
        %sub3A_582 = arith.subf %mul3A_580, %mul3A_581 : vector<16xf32>
        %mul3A_583 = arith.mulf %sub3A_571, %sub3A_575 : vector<16xf32>
        %mul3A_584 = arith.mulf %sub3A_572, %sub3A_574 : vector<16xf32>
        %sub3A_585 = arith.subf %mul3A_583, %mul3A_584 : vector<16xf32>
        %mul3A_586 = arith.mulf %sub3A_579, %sub3A_579 : vector<16xf32>
        %mul3A_587 = arith.mulf %sub3A_582, %sub3A_582 : vector<16xf32>
        %add3A_588 = arith.addf %mul3A_586, %mul3A_587 : vector<16xf32>
        %mul3A_589 = arith.mulf %sub3A_585, %sub3A_585 : vector<16xf32>
        %add3A_590 = arith.addf %add3A_588, %mul3A_589 : vector<16xf32>
        %max3A_591 = arith.constant 1.000000e-30 : f32
        %max3A_592 = vector.broadcast %max3A_591 : f32 to vector<16xf32>
        %max3A_593 = arith.maximumf %add3A_590, %max3A_592 : vector<16xf32>
        %bitcast_convert_type3A_594 = tpu.bitcast %max3A_593 : vector<16xf32> -> vector<16xi32>
        %shift_right_arithmetic3A_595 = arith.constant 1 : i32
        %shift_right_arithmetic3A_596 = vector.broadcast %shift_right_arithmetic3A_595 : i32 to vector<16xi32>
        %shift_right_arithmetic3A_597 = arith.shrsi %bitcast_convert_type3A_594, %shift_right_arithmetic3A_596 : vector<16xi32>
        %sub3A_598 = arith.constant 1597463007 : i32
        %sub3A_599 = vector.broadcast %sub3A_598 : i32 to vector<16xi32>
        %sub3A_600 = arith.subi %sub3A_599, %shift_right_arithmetic3A_597 : vector<16xi32>
        %bitcast_convert_type3A_601 = tpu.bitcast %sub3A_600 : vector<16xi32> -> vector<16xf32>
        %mul3A_602 = arith.constant 5.000000e-01 : f32
        %mul3A_603 = vector.broadcast %mul3A_602 : f32 to vector<16xf32>
        %mul3A_604 = arith.mulf %mul3A_603, %max3A_593 : vector<16xf32>
        %mul3A_605 = arith.mulf %mul3A_604, %bitcast_convert_type3A_601 : vector<16xf32>
        %mul3A_606 = arith.mulf %mul3A_605, %bitcast_convert_type3A_601 : vector<16xf32>
        %sub3A_607 = arith.constant 1.500000e+00 : f32
        %sub3A_608 = vector.broadcast %sub3A_607 : f32 to vector<16xf32>
        %sub3A_609 = arith.subf %sub3A_608, %mul3A_606 : vector<16xf32>
        %mul3A_610 = arith.mulf %bitcast_convert_type3A_601, %sub3A_609 : vector<16xf32>
        %mul3A_611 = arith.constant 5.000000e-01 : f32
        %mul3A_612 = vector.broadcast %mul3A_611 : f32 to vector<16xf32>
        %mul3A_613 = arith.mulf %mul3A_612, %max3A_593 : vector<16xf32>
        %mul3A_614 = arith.mulf %mul3A_613, %mul3A_610 : vector<16xf32>
        %mul3A_615 = arith.mulf %mul3A_614, %mul3A_610 : vector<16xf32>
        %sub3A_616 = arith.constant 1.500000e+00 : f32
        %sub3A_617 = vector.broadcast %sub3A_616 : f32 to vector<16xf32>
        %sub3A_618 = arith.subf %sub3A_617, %mul3A_615 : vector<16xf32>
        %mul3A_619 = arith.mulf %mul3A_610, %sub3A_618 : vector<16xf32>
        %mul3A_620 = arith.constant 5.000000e-01 : f32
        %mul3A_621 = vector.broadcast %mul3A_620 : f32 to vector<16xf32>
        %mul3A_622 = arith.mulf %mul3A_621, %max3A_593 : vector<16xf32>
        %mul3A_623 = arith.mulf %mul3A_622, %mul3A_619 : vector<16xf32>
        %mul3A_624 = arith.mulf %mul3A_623, %mul3A_619 : vector<16xf32>
        %sub3A_625 = arith.constant 1.500000e+00 : f32
        %sub3A_626 = vector.broadcast %sub3A_625 : f32 to vector<16xf32>
        %sub3A_627 = arith.subf %sub3A_626, %mul3A_624 : vector<16xf32>
        %mul3A_628 = arith.mulf %mul3A_619, %sub3A_627 : vector<16xf32>
        %mul3A_629 = arith.mulf %add3A_590, %mul3A_628 : vector<16xf32>
        %add3A_630 = arith.constant 9.99999996E-13 : f32
        %add3A_631 = vector.broadcast %add3A_630 : f32 to vector<16xf32>
        %add3A_632 = arith.addf %mul3A_629, %add3A_631 : vector<16xf32>
        %div3A_633 = arith.constant 1.000000e+00 : f32
        %div3A_634 = vector.broadcast %div3A_633 : f32 to vector<16xf32>
        %div3A_635 = arith.divf %div3A_634, %add3A_632 : vector<16xf32>
        %mul3A_636 = arith.mulf %sub3A_579, %div3A_635 : vector<16xf32>
        %mul3A_637 = arith.mulf %sub3A_582, %div3A_635 : vector<16xf32>
        %mul3A_638 = arith.mulf %sub3A_585, %div3A_635 : vector<16xf32>
        %mul3A_639 = arith.mulf %gather3A_452, %mul3A_636 : vector<16xf32>
        %mul3A_640 = arith.mulf %gather3A_455, %mul3A_637 : vector<16xf32>
        %add3A_641 = arith.addf %mul3A_639, %mul3A_640 : vector<16xf32>
        %mul3A_642 = arith.mulf %gather3A_458, %mul3A_638 : vector<16xf32>
        %add3A_643 = arith.addf %add3A_641, %mul3A_642 : vector<16xf32>
        %eq3A_644 = arith.constant 3.000000e+00 : f32
        %eq3A_645 = vector.broadcast %eq3A_644 : f32 to vector<16xf32>
        %eq3A_646 = arith.cmpf oeq, %gather3A_449, %eq3A_645 : vector<16xf32>
        %eq3A_647 = arith.constant 3.000000e+00 : f32
        %eq3A_648 = vector.broadcast %eq3A_647 : f32 to vector<16xf32>
        %eq3A_649 = arith.cmpf oeq, %gather3A_470, %eq3A_648 : vector<16xf32>
        %or3A = arith.ori %eq3A_646, %eq3A_649 : vector<16xi1>
        %eq3A_650 = arith.constant 3.000000e+00 : f32
        %eq3A_651 = vector.broadcast %eq3A_650 : f32 to vector<16xf32>
        %eq3A_652 = arith.cmpf oeq, %gather3A_491, %eq3A_651 : vector<16xf32>
        %or3A_653 = arith.ori %or3A, %eq3A_652 : vector<16xi1>
        %jit3A_654 = arith.constant 1.000000e+01 : f32
        %jit3A_655 = arith.constant 1.000000e+00 : f32
        %broadcast_in_dim3A_656 = vector.broadcast %jit3A_654 : f32 to vector<16xf32>
        %broadcast_in_dim3A_657 = vector.broadcast %jit3A_655 : f32 to vector<16xf32>
        %select_n3A_658 = arith.select %or3A_653, %broadcast_in_dim3A_656, %broadcast_in_dim3A_657 : vector<16xi1>, vector<16xf32>
        %broadcast_in_dim3A_659 = arith.constant 0 : i32
        %broadcast_in_dim3A_660 = vector.broadcast %broadcast_in_dim3A_659 : i32 to vector<16xi32>
        tpu.vector_store_idx %arg19[%add3A_439, %broadcast_in_dim3A_660], %mul3A_563 : memref<640x16xf32, #tpu.memory_space<vmem>>[vector<16xi32>, vector<16xi32>], vector<16xf32>,
        %broadcast_in_dim3A_661 = arith.constant 1 : i32
        %broadcast_in_dim3A_662 = vector.broadcast %broadcast_in_dim3A_661 : i32 to vector<16xi32>
        tpu.vector_store_idx %arg19[%add3A_439, %broadcast_in_dim3A_662], %mul3A_564 : memref<640x16xf32, #tpu.memory_space<vmem>>[vector<16xi32>, vector<16xi32>], vector<16xf32>,
        %broadcast_in_dim3A_663 = arith.constant 2 : i32
        %broadcast_in_dim3A_664 = vector.broadcast %broadcast_in_dim3A_663 : i32 to vector<16xi32>
        tpu.vector_store_idx %arg19[%add3A_439, %broadcast_in_dim3A_664], %mul3A_565 : memref<640x16xf32, #tpu.memory_space<vmem>>[vector<16xi32>, vector<16xi32>], vector<16xf32>,
        %broadcast_in_dim3A_665 = arith.constant 3 : i32
        %broadcast_in_dim3A_666 = vector.broadcast %broadcast_in_dim3A_665 : i32 to vector<16xi32>
        tpu.vector_store_idx %arg19[%add3A_439, %broadcast_in_dim3A_666], %add3A_570 : memref<640x16xf32, #tpu.memory_space<vmem>>[vector<16xi32>, vector<16xi32>], vector<16xf32>,
        %broadcast_in_dim3A_667 = arith.constant 4 : i32
        %broadcast_in_dim3A_668 = vector.broadcast %broadcast_in_dim3A_667 : i32 to vector<16xi32>
        tpu.vector_store_idx %arg19[%add3A_439, %broadcast_in_dim3A_668], %mul3A_636 : memref<640x16xf32, #tpu.memory_space<vmem>>[vector<16xi32>, vector<16xi32>], vector<16xf32>,
        %broadcast_in_dim3A_669 = arith.constant 5 : i32
        %broadcast_in_dim3A_670 = vector.broadcast %broadcast_in_dim3A_669 : i32 to vector<16xi32>
        tpu.vector_store_idx %arg19[%add3A_439, %broadcast_in_dim3A_670], %mul3A_637 : memref<640x16xf32, #tpu.memory_space<vmem>>[vector<16xi32>, vector<16xi32>], vector<16xf32>,
        %broadcast_in_dim3A_671 = arith.constant 6 : i32
        %broadcast_in_dim3A_672 = vector.broadcast %broadcast_in_dim3A_671 : i32 to vector<16xi32>
        tpu.vector_store_idx %arg19[%add3A_439, %broadcast_in_dim3A_672], %mul3A_638 : memref<640x16xf32, #tpu.memory_space<vmem>>[vector<16xi32>, vector<16xi32>], vector<16xf32>,
        %broadcast_in_dim3A_673 = arith.constant 7 : i32
        %broadcast_in_dim3A_674 = vector.broadcast %broadcast_in_dim3A_673 : i32 to vector<16xi32>
        tpu.vector_store_idx %arg19[%add3A_439, %broadcast_in_dim3A_674], %add3A_643 : memref<640x16xf32, #tpu.memory_space<vmem>>[vector<16xi32>, vector<16xi32>], vector<16xf32>,
        %broadcast_in_dim3A_675 = arith.constant 8 : i32
        %broadcast_in_dim3A_676 = vector.broadcast %broadcast_in_dim3A_675 : i32 to vector<16xi32>
        tpu.vector_store_idx %arg19[%add3A_439, %broadcast_in_dim3A_676], %select_n3A_658 : memref<640x16xf32, #tpu.memory_space<vmem>>[vector<16xi32>, vector<16xi32>], vector<16xf32>,
      }
      %scan3A_434 = arith.constant 40 : i32
      "tpu.region"() ({
        %run_scoped3A = tpu.sem_alloc : memref<!tpu.dma_semaphore, #tpu.memory_space<semaphore_mem>>
        %dma_start3A_435 = arith.constant 0 : i32
        %dma_start3A_436 = tpu.memref_slice %arg6[%add3A_428, %dma_start3A_435] : memref<204800x16xf32, #tpu.memory_space<hbm>> -> memref<640x16xf32, #tpu.memory_space<hbm>>
        %dma_start3A_437 = arith.constant 0 : i32
        %dma_start3A_438 = tpu.memref_slice %arg6[%add3A_428, %dma_start3A_437] : memref<204800x16xf32, #tpu.memory_space<hbm>> -> memref<640x16xf32, #tpu.memory_space<hbm>>
        tpu.enqueue_dma source(%arg19 : memref<640x16xf32, #tpu.memory_space<vmem>>) target(%dma_start3A_438 : memref<640x16xf32, #tpu.memory_space<hbm>>) target_semaphore(%run_scoped3A : memref<!tpu.dma_semaphore, #tpu.memory_space<semaphore_mem>>)
        %dma_wait3A_439 = arith.constant 0 : i32
        %dma_wait3A_440 = tpu.memref_slice %arg6[%add3A_428, %dma_wait3A_439] : memref<204800x16xf32, #tpu.memory_space<hbm>> -> memref<640x16xf32, #tpu.memory_space<hbm>>
        %dma_wait3A_441 = arith.constant 0 : i32
        %dma_wait3A_442 = tpu.memref_slice %arg6[%add3A_428, %dma_wait3A_441] : memref<204800x16xf32, #tpu.memory_space<hbm>> -> memref<640x16xf32, #tpu.memory_space<hbm>>
        tpu.wait_dma2 semaphore(%run_scoped3A : memref<!tpu.dma_semaphore, #tpu.memory_space<semaphore_mem>>) src(%arg19 : memref<640x16xf32, #tpu.memory_space<vmem>>) dst(%dma_wait3A_442 : memref<640x16xf32, #tpu.memory_space<hbm>>)
        tpu.yield
      }) : () -> ()
    }
    %while3A_107 = arith.constant 1 : i32
    scf.for %while3A_164 = %while3A_105 to %while3A_101 step %while3A_107  : i32 {
      %mul3A_165 = arith.constant 2 : i32
      %mul3A_166 = arith.muli %while3A_164, %mul3A_165 : i32
      %add3A_167 = arith.constant 0 : i32
      %add3A_168 = arith.addi %mul3A_166, %add3A_167 : i32
      %dma_wait3A_169 = arith.constant 0 : i32
      %dma_wait3A_170 = arith.constant 0 : i32
      %dma_wait3A_171 = tpu.memref_slice %arg13[%dma_wait3A_169, %dma_wait3A_170] : memref<640x8xf32, #tpu.memory_space<vmem>> -> memref<320x8xf32, #tpu.memory_space<vmem>>
      %dma_wait3A_172 = arith.constant 0 : i32
      %dma_wait3A_173 = tpu.memref_slice %arg7[%dma_wait3A_172] : memref<640xi32, #tpu.memory_space<vmem>> -> memref<320xi32, #tpu.memory_space<vmem>>
      %dma_wait3A_174 = arith.constant 0 : i32
      %dma_wait3A_175 = arith.constant 0 : i32
      %dma_wait3A_176 = tpu.memref_slice %arg2[%dma_wait3A_174, %dma_wait3A_175] : memref<100000x8xf32, #tpu.memory_space<hbm>> -> memref<100000x8xf32, #tpu.memory_space<hbm>>
      tpu.wait_indirect_dma semaphore(%arg22 : memref<!tpu.dma_semaphore, #tpu.memory_space<semaphore_mem>>) src(%dma_wait3A_176 : memref<100000x8xf32, #tpu.memory_space<hbm>>) dst(%dma_wait3A_171 : memref<320x8xf32, #tpu.memory_space<vmem>>)
      %dma_wait3A_177 = arith.constant 0 : i32
      %dma_wait3A_178 = arith.constant 0 : i32
      %dma_wait3A_179 = tpu.memref_slice %arg14[%dma_wait3A_177, %dma_wait3A_178] : memref<640x8xf32, #tpu.memory_space<vmem>> -> memref<320x8xf32, #tpu.memory_space<vmem>>
      %dma_wait3A_180 = arith.constant 0 : i32
      %dma_wait3A_181 = tpu.memref_slice %arg8[%dma_wait3A_180] : memref<640xi32, #tpu.memory_space<vmem>> -> memref<320xi32, #tpu.memory_space<vmem>>
      %dma_wait3A_182 = arith.constant 0 : i32
      %dma_wait3A_183 = arith.constant 0 : i32
      %dma_wait3A_184 = tpu.memref_slice %arg2[%dma_wait3A_182, %dma_wait3A_183] : memref<100000x8xf32, #tpu.memory_space<hbm>> -> memref<100000x8xf32, #tpu.memory_space<hbm>>
      tpu.wait_indirect_dma semaphore(%arg22 : memref<!tpu.dma_semaphore, #tpu.memory_space<semaphore_mem>>) src(%dma_wait3A_184 : memref<100000x8xf32, #tpu.memory_space<hbm>>) dst(%dma_wait3A_179 : memref<320x8xf32, #tpu.memory_space<vmem>>)
      %dma_wait3A_185 = arith.constant 0 : i32
      %dma_wait3A_186 = arith.constant 0 : i32
      %dma_wait3A_187 = tpu.memref_slice %arg15[%dma_wait3A_185, %dma_wait3A_186] : memref<640x8xf32, #tpu.memory_space<vmem>> -> memref<320x8xf32, #tpu.memory_space<vmem>>
      %dma_wait3A_188 = arith.constant 0 : i32
      %dma_wait3A_189 = tpu.memref_slice %arg9[%dma_wait3A_188] : memref<640xi32, #tpu.memory_space<vmem>> -> memref<320xi32, #tpu.memory_space<vmem>>
      %dma_wait3A_190 = arith.constant 0 : i32
      %dma_wait3A_191 = arith.constant 0 : i32
      %dma_wait3A_192 = tpu.memref_slice %arg2[%dma_wait3A_190, %dma_wait3A_191] : memref<100000x8xf32, #tpu.memory_space<hbm>> -> memref<100000x8xf32, #tpu.memory_space<hbm>>
      tpu.wait_indirect_dma semaphore(%arg22 : memref<!tpu.dma_semaphore, #tpu.memory_space<semaphore_mem>>) src(%dma_wait3A_192 : memref<100000x8xf32, #tpu.memory_space<hbm>>) dst(%dma_wait3A_187 : memref<320x8xf32, #tpu.memory_space<vmem>>)
      %dma_wait3A_193 = arith.constant 320 : i32
      %dma_wait3A_194 = arith.constant 0 : i32
      %dma_wait3A_195 = tpu.memref_slice %arg13[%dma_wait3A_193, %dma_wait3A_194] : memref<640x8xf32, #tpu.memory_space<vmem>> -> memref<320x8xf32, #tpu.memory_space<vmem>>
      %dma_wait3A_196 = arith.constant 320 : i32
      %dma_wait3A_197 = tpu.memref_slice %arg7[%dma_wait3A_196] : memref<640xi32, #tpu.memory_space<vmem>> -> memref<320xi32, #tpu.memory_space<vmem>>
      %dma_wait3A_198 = arith.constant 0 : i32
      %dma_wait3A_199 = arith.constant 0 : i32
      %dma_wait3A_200 = tpu.memref_slice %arg2[%dma_wait3A_198, %dma_wait3A_199] : memref<100000x8xf32, #tpu.memory_space<hbm>> -> memref<100000x8xf32, #tpu.memory_space<hbm>>
      tpu.wait_indirect_dma semaphore(%arg22 : memref<!tpu.dma_semaphore, #tpu.memory_space<semaphore_mem>>) src(%dma_wait3A_200 : memref<100000x8xf32, #tpu.memory_space<hbm>>) dst(%dma_wait3A_195 : memref<320x8xf32, #tpu.memory_space<vmem>>)
      %dma_wait3A_201 = arith.constant 320 : i32
      %dma_wait3A_202 = arith.constant 0 : i32
      %dma_wait3A_203 = tpu.memref_slice %arg14[%dma_wait3A_201, %dma_wait3A_202] : memref<640x8xf32, #tpu.memory_space<vmem>> -> memref<320x8xf32, #tpu.memory_space<vmem>>
      %dma_wait3A_204 = arith.constant 320 : i32
      %dma_wait3A_205 = tpu.memref_slice %arg8[%dma_wait3A_204] : memref<640xi32, #tpu.memory_space<vmem>> -> memref<320xi32, #tpu.memory_space<vmem>>
      %dma_wait3A_206 = arith.constant 0 : i32
      %dma_wait3A_207 = arith.constant 0 : i32
      %dma_wait3A_208 = tpu.memref_slice %arg2[%dma_wait3A_206, %dma_wait3A_207] : memref<100000x8xf32, #tpu.memory_space<hbm>> -> memref<100000x8xf32, #tpu.memory_space<hbm>>
      tpu.wait_indirect_dma semaphore(%arg22 : memref<!tpu.dma_semaphore, #tpu.memory_space<semaphore_mem>>) src(%dma_wait3A_208 : memref<100000x8xf32, #tpu.memory_space<hbm>>) dst(%dma_wait3A_203 : memref<320x8xf32, #tpu.memory_space<vmem>>)
      %dma_wait3A_209 = arith.constant 320 : i32
      %dma_wait3A_210 = arith.constant 0 : i32
      %dma_wait3A_211 = tpu.memref_slice %arg15[%dma_wait3A_209, %dma_wait3A_210] : memref<640x8xf32, #tpu.memory_space<vmem>> -> memref<320x8xf32, #tpu.memory_space<vmem>>
      %dma_wait3A_212 = arith.constant 320 : i32
      %dma_wait3A_213 = tpu.memref_slice %arg9[%dma_wait3A_212] : memref<640xi32, #tpu.memory_space<vmem>> -> memref<320xi32, #tpu.memory_space<vmem>>
      %dma_wait3A_214 = arith.constant 0 : i32
      %dma_wait3A_215 = arith.constant 0 : i32
      %dma_wait3A_216 = tpu.memref_slice %arg2[%dma_wait3A_214, %dma_wait3A_215] : memref<100000x8xf32, #tpu.memory_space<hbm>> -> memref<100000x8xf32, #tpu.memory_space<hbm>>
      tpu.wait_indirect_dma semaphore(%arg22 : memref<!tpu.dma_semaphore, #tpu.memory_space<semaphore_mem>>) src(%dma_wait3A_216 : memref<100000x8xf32, #tpu.memory_space<hbm>>) dst(%dma_wait3A_211 : memref<320x8xf32, #tpu.memory_space<vmem>>)
      %add3A_217 = arith.constant 1 : i32
      %add3A_218 = arith.addi %add3A_168, %add3A_217 : i32
      %sub3A_219 = arith.constant 1 : i32
      %sub3A_220 = arith.subi %select_n3A, %sub3A_219 : i32
      %min3A = arith.minsi %add3A_218, %sub3A_220 : i32
      %mul3A_221 = arith.constant 640 : i32
      %mul3A_222 = arith.muli %min3A, %mul3A_221 : i32
      %add3A_223 = arith.addi %mul3A_10, %mul3A_222 : i32
      %dma_wait3A_224 = tpu.memref_slice %arg3[%add3A_223] : memref<204800xi32, #tpu.memory_space<hbm>> -> memref<640xi32, #tpu.memory_space<hbm>>
      %dma_wait3A_225 = tpu.memref_slice %arg3[%add3A_223] : memref<204800xi32, #tpu.memory_space<hbm>> -> memref<640xi32, #tpu.memory_space<hbm>>
      tpu.wait_dma2 semaphore(%arg21 : memref<!tpu.dma_semaphore, #tpu.memory_space<semaphore_mem>>) src(%dma_wait3A_225 : memref<640xi32, #tpu.memory_space<hbm>>) dst(%arg10 : memref<640xi32, #tpu.memory_space<vmem>>)
      %dma_wait3A_226 = tpu.memref_slice %arg4[%add3A_223] : memref<204800xi32, #tpu.memory_space<hbm>> -> memref<640xi32, #tpu.memory_space<hbm>>
      %dma_wait3A_227 = tpu.memref_slice %arg4[%add3A_223] : memref<204800xi32, #tpu.memory_space<hbm>> -> memref<640xi32, #tpu.memory_space<hbm>>
      tpu.wait_dma2 semaphore(%arg21 : memref<!tpu.dma_semaphore, #tpu.memory_space<semaphore_mem>>) src(%dma_wait3A_227 : memref<640xi32, #tpu.memory_space<hbm>>) dst(%arg11 : memref<640xi32, #tpu.memory_space<vmem>>)
      %dma_wait3A_228 = tpu.memref_slice %arg5[%add3A_223] : memref<204800xi32, #tpu.memory_space<hbm>> -> memref<640xi32, #tpu.memory_space<hbm>>
      %dma_wait3A_229 = tpu.memref_slice %arg5[%add3A_223] : memref<204800xi32, #tpu.memory_space<hbm>> -> memref<640xi32, #tpu.memory_space<hbm>>
      tpu.wait_dma2 semaphore(%arg21 : memref<!tpu.dma_semaphore, #tpu.memory_space<semaphore_mem>>) src(%dma_wait3A_229 : memref<640xi32, #tpu.memory_space<hbm>>) dst(%arg12 : memref<640xi32, #tpu.memory_space<vmem>>)
      %dma_start3A_230 = arith.constant 0 : i32
      %dma_start3A_231 = arith.constant 0 : i32
      %dma_start3A_232 = tpu.memref_slice %arg16[%dma_start3A_230, %dma_start3A_231] : memref<640x8xf32, #tpu.memory_space<vmem>> -> memref<320x8xf32, #tpu.memory_space<vmem>>
      %dma_start3A_233 = arith.constant 0 : i32
      %dma_start3A_234 = tpu.memref_slice %arg10[%dma_start3A_233] : memref<640xi32, #tpu.memory_space<vmem>> -> memref<320xi32, #tpu.memory_space<vmem>>
      %dma_start3A_235 = arith.constant 0 : i32
      %dma_start3A_236 = arith.constant 0 : i32
      %dma_start3A_237 = tpu.memref_slice %arg2[%dma_start3A_235, %dma_start3A_236] : memref<100000x8xf32, #tpu.memory_space<hbm>> -> memref<100000x8xf32, #tpu.memory_space<hbm>>
      tpu.enqueue_indirect_dma source(%dma_start3A_237 : memref<100000x8xf32, #tpu.memory_space<hbm>>) target(%dma_start3A_232 : memref<320x8xf32, #tpu.memory_space<vmem>>) offsets(%dma_start3A_234 : memref<320xi32, #tpu.memory_space<vmem>>) semaphore(%arg23 : memref<!tpu.dma_semaphore, #tpu.memory_space<semaphore_mem>>)
      %dma_start3A_238 = arith.constant 0 : i32
      %dma_start3A_239 = arith.constant 0 : i32
      %dma_start3A_240 = tpu.memref_slice %arg17[%dma_start3A_238, %dma_start3A_239] : memref<640x8xf32, #tpu.memory_space<vmem>> -> memref<320x8xf32, #tpu.memory_space<vmem>>
      %dma_start3A_241 = arith.constant 0 : i32
      %dma_start3A_242 = tpu.memref_slice %arg11[%dma_start3A_241] : memref<640xi32, #tpu.memory_space<vmem>> -> memref<320xi32, #tpu.memory_space<vmem>>
      %dma_start3A_243 = arith.constant 0 : i32
      %dma_start3A_244 = arith.constant 0 : i32
      %dma_start3A_245 = tpu.memref_slice %arg2[%dma_start3A_243, %dma_start3A_244] : memref<100000x8xf32, #tpu.memory_space<hbm>> -> memref<100000x8xf32, #tpu.memory_space<hbm>>
      tpu.enqueue_indirect_dma source(%dma_start3A_245 : memref<100000x8xf32, #tpu.memory_space<hbm>>) target(%dma_start3A_240 : memref<320x8xf32, #tpu.memory_space<vmem>>) offsets(%dma_start3A_242 : memref<320xi32, #tpu.memory_space<vmem>>) semaphore(%arg23 : memref<!tpu.dma_semaphore, #tpu.memory_space<semaphore_mem>>)
      %dma_start3A_246 = arith.constant 0 : i32
      %dma_start3A_247 = arith.constant 0 : i32
      %dma_start3A_248 = tpu.memref_slice %arg18[%dma_start3A_246, %dma_start3A_247] : memref<640x8xf32, #tpu.memory_space<vmem>> -> memref<320x8xf32, #tpu.memory_space<vmem>>
      %dma_start3A_249 = arith.constant 0 : i32
      %dma_start3A_250 = tpu.memref_slice %arg12[%dma_start3A_249] : memref<640xi32, #tpu.memory_space<vmem>> -> memref<320xi32, #tpu.memory_space<vmem>>
      %dma_start3A_251 = arith.constant 0 : i32
      %dma_start3A_252 = arith.constant 0 : i32
      %dma_start3A_253 = tpu.memref_slice %arg2[%dma_start3A_251, %dma_start3A_252] : memref<100000x8xf32, #tpu.memory_space<hbm>> -> memref<100000x8xf32, #tpu.memory_space<hbm>>
      tpu.enqueue_indirect_dma source(%dma_start3A_253 : memref<100000x8xf32, #tpu.memory_space<hbm>>) target(%dma_start3A_248 : memref<320x8xf32, #tpu.memory_space<vmem>>) offsets(%dma_start3A_250 : memref<320xi32, #tpu.memory_space<vmem>>) semaphore(%arg23 : memref<!tpu.dma_semaphore, #tpu.memory_space<semaphore_mem>>)
      %dma_start3A_254 = arith.constant 320 : i32
      %dma_start3A_255 = arith.constant 0 : i32
      %dma_start3A_256 = tpu.memref_slice %arg16[%dma_start3A_254, %dma_start3A_255] : memref<640x8xf32, #tpu.memory_space<vmem>> -> memref<320x8xf32, #tpu.memory_space<vmem>>
      %dma_start3A_257 = arith.constant 320 : i32
      %dma_start3A_258 = tpu.memref_slice %arg10[%dma_start3A_257] : memref<640xi32, #tpu.memory_space<vmem>> -> memref<320xi32, #tpu.memory_space<vmem>>
      %dma_start3A_259 = arith.constant 0 : i32
      %dma_start3A_260 = arith.constant 0 : i32
      %dma_start3A_261 = tpu.memref_slice %arg2[%dma_start3A_259, %dma_start3A_260] : memref<100000x8xf32, #tpu.memory_space<hbm>> -> memref<100000x8xf32, #tpu.memory_space<hbm>>
      tpu.enqueue_indirect_dma source(%dma_start3A_261 : memref<100000x8xf32, #tpu.memory_space<hbm>>) target(%dma_start3A_256 : memref<320x8xf32, #tpu.memory_space<vmem>>) offsets(%dma_start3A_258 : memref<320xi32, #tpu.memory_space<vmem>>) semaphore(%arg23 : memref<!tpu.dma_semaphore, #tpu.memory_space<semaphore_mem>>)
      %dma_start3A_262 = arith.constant 320 : i32
      %dma_start3A_263 = arith.constant 0 : i32
      %dma_start3A_264 = tpu.memref_slice %arg17[%dma_start3A_262, %dma_start3A_263] : memref<640x8xf32, #tpu.memory_space<vmem>> -> memref<320x8xf32, #tpu.memory_space<vmem>>
      %dma_start3A_265 = arith.constant 320 : i32
      %dma_start3A_266 = tpu.memref_slice %arg11[%dma_start3A_265] : memref<640xi32, #tpu.memory_space<vmem>> -> memref<320xi32, #tpu.memory_space<vmem>>
      %dma_start3A_267 = arith.constant 0 : i32
      %dma_start3A_268 = arith.constant 0 : i32
      %dma_start3A_269 = tpu.memref_slice %arg2[%dma_start3A_267, %dma_start3A_268] : memref<100000x8xf32, #tpu.memory_space<hbm>> -> memref<100000x8xf32, #tpu.memory_space<hbm>>
      tpu.enqueue_indirect_dma source(%dma_start3A_269 : memref<100000x8xf32, #tpu.memory_space<hbm>>) target(%dma_start3A_264 : memref<320x8xf32, #tpu.memory_space<vmem>>) offsets(%dma_start3A_266 : memref<320xi32, #tpu.memory_space<vmem>>) semaphore(%arg23 : memref<!tpu.dma_semaphore, #tpu.memory_space<semaphore_mem>>)
      %dma_start3A_270 = arith.constant 320 : i32
      %dma_start3A_271 = arith.constant 0 : i32
      %dma_start3A_272 = tpu.memref_slice %arg18[%dma_start3A_270, %dma_start3A_271] : memref<640x8xf32, #tpu.memory_space<vmem>> -> memref<320x8xf32, #tpu.memory_space<vmem>>
      %dma_start3A_273 = arith.constant 320 : i32
      %dma_start3A_274 = tpu.memref_slice %arg12[%dma_start3A_273] : memref<640xi32, #tpu.memory_space<vmem>> -> memref<320xi32, #tpu.memory_space<vmem>>
      %dma_start3A_275 = arith.constant 0 : i32
      %dma_start3A_276 = arith.constant 0 : i32
      %dma_start3A_277 = tpu.memref_slice %arg2[%dma_start3A_275, %dma_start3A_276] : memref<100000x8xf32, #tpu.memory_space<hbm>> -> memref<100000x8xf32, #tpu.memory_space<hbm>>
      tpu.enqueue_indirect_dma source(%dma_start3A_277 : memref<100000x8xf32, #tpu.memory_space<hbm>>) target(%dma_start3A_272 : memref<320x8xf32, #tpu.memory_space<vmem>>) offsets(%dma_start3A_274 : memref<320xi32, #tpu.memory_space<vmem>>) semaphore(%arg23 : memref<!tpu.dma_semaphore, #tpu.memory_space<semaphore_mem>>)
      %add3A_278 = arith.constant 2 : i32
      %add3A_279 = arith.addi %add3A_168, %add3A_278 : i32
      %sub3A_280 = arith.constant 1 : i32
      %sub3A_281 = arith.subi %select_n3A, %sub3A_280 : i32
      %min3A_282 = arith.minsi %add3A_279, %sub3A_281 : i32
      %mul3A_283 = arith.constant 640 : i32
      %mul3A_284 = arith.muli %min3A_282, %mul3A_283 : i32
      %add3A_285 = arith.addi %mul3A_10, %mul3A_284 : i32
      %dma_start3A_286 = tpu.memref_slice %arg3[%add3A_285] : memref<204800xi32, #tpu.memory_space<hbm>> -> memref<640xi32, #tpu.memory_space<hbm>>
      %dma_start3A_287 = tpu.memref_slice %arg3[%add3A_285] : memref<204800xi32, #tpu.memory_space<hbm>> -> memref<640xi32, #tpu.memory_space<hbm>>
      tpu.enqueue_dma source(%dma_start3A_287 : memref<640xi32, #tpu.memory_space<hbm>>) target(%arg7 : memref<640xi32, #tpu.memory_space<vmem>>) target_semaphore(%arg20 : memref<!tpu.dma_semaphore, #tpu.memory_space<semaphore_mem>>)
      %dma_start3A_288 = tpu.memref_slice %arg4[%add3A_285] : memref<204800xi32, #tpu.memory_space<hbm>> -> memref<640xi32, #tpu.memory_space<hbm>>
      %dma_start3A_289 = tpu.memref_slice %arg4[%add3A_285] : memref<204800xi32, #tpu.memory_space<hbm>> -> memref<640xi32, #tpu.memory_space<hbm>>
      tpu.enqueue_dma source(%dma_start3A_289 : memref<640xi32, #tpu.memory_space<hbm>>) target(%arg8 : memref<640xi32, #tpu.memory_space<vmem>>) target_semaphore(%arg20 : memref<!tpu.dma_semaphore, #tpu.memory_space<semaphore_mem>>)
      %dma_start3A_290 = tpu.memref_slice %arg5[%add3A_285] : memref<204800xi32, #tpu.memory_space<hbm>> -> memref<640xi32, #tpu.memory_space<hbm>>
      %dma_start3A_291 = tpu.memref_slice %arg5[%add3A_285] : memref<204800xi32, #tpu.memory_space<hbm>> -> memref<640xi32, #tpu.memory_space<hbm>>
      tpu.enqueue_dma source(%dma_start3A_291 : memref<640xi32, #tpu.memory_space<hbm>>) target(%arg9 : memref<640xi32, #tpu.memory_space<vmem>>) target_semaphore(%arg20 : memref<!tpu.dma_semaphore, #tpu.memory_space<semaphore_mem>>)
      %mul3A_292 = arith.constant 640 : i32
      %mul3A_293 = arith.muli %add3A_168, %mul3A_292 : i32
      %add3A_294 = arith.addi %mul3A_10, %mul3A_293 : i32
      %scan3A = arith.constant 0 : i32
      %scan3A_295 = arith.constant 0 : i32
      %scan3A_296 = arith.constant 40 : i32
      %scan3A_297 = arith.addi %scan3A_295, %scan3A_296 : i32
      %scan3A_298 = arith.constant 1 : i32
      scf.for %scan3A_435 = %scan3A_295 to %scan3A_297 step %scan3A_298  : i32 {
        %mul3A_436 = arith.constant 16 : i32
        %mul3A_437 = arith.muli %scan3A_435, %mul3A_436 : i32
        %add3A_438 = vector.broadcast %mul3A_437 : i32 to vector<16xi32>
        %add3A_439 = arith.addi %add3A_438, %iota3A : vector<16xi32>
        %broadcast_in_dim3A = arith.constant 0 : i32
        %broadcast_in_dim3A_440 = vector.broadcast %broadcast_in_dim3A : i32 to vector<16xi32>
        %gather3A = tpu.vector_load_idx %arg13[%add3A_439, %broadcast_in_dim3A_440] : memref<640x8xf32, #tpu.memory_space<vmem>>[vector<16xi32>, vector<16xi32>], vector<16xf32>,
        %broadcast_in_dim3A_441 = arith.constant 1 : i32
        %broadcast_in_dim3A_442 = vector.broadcast %broadcast_in_dim3A_441 : i32 to vector<16xi32>
        %gather3A_443 = tpu.vector_load_idx %arg13[%add3A_439, %broadcast_in_dim3A_442] : memref<640x8xf32, #tpu.memory_space<vmem>>[vector<16xi32>, vector<16xi32>], vector<16xf32>,
        %broadcast_in_dim3A_444 = arith.constant 2 : i32
        %broadcast_in_dim3A_445 = vector.broadcast %broadcast_in_dim3A_444 : i32 to vector<16xi32>
        %gather3A_446 = tpu.vector_load_idx %arg13[%add3A_439, %broadcast_in_dim3A_445] : memref<640x8xf32, #tpu.memory_space<vmem>>[vector<16xi32>, vector<16xi32>], vector<16xf32>,
        %broadcast_in_dim3A_447 = arith.constant 3 : i32
        %broadcast_in_dim3A_448 = vector.broadcast %broadcast_in_dim3A_447 : i32 to vector<16xi32>
        %gather3A_449 = tpu.vector_load_idx %arg13[%add3A_439, %broadcast_in_dim3A_448] : memref<640x8xf32, #tpu.memory_space<vmem>>[vector<16xi32>, vector<16xi32>], vector<16xf32>,
        %broadcast_in_dim3A_450 = arith.constant 4 : i32
        %broadcast_in_dim3A_451 = vector.broadcast %broadcast_in_dim3A_450 : i32 to vector<16xi32>
        %gather3A_452 = tpu.vector_load_idx %arg13[%add3A_439, %broadcast_in_dim3A_451] : memref<640x8xf32, #tpu.memory_space<vmem>>[vector<16xi32>, vector<16xi32>], vector<16xf32>,
        %broadcast_in_dim3A_453 = arith.constant 5 : i32
        %broadcast_in_dim3A_454 = vector.broadcast %broadcast_in_dim3A_453 : i32 to vector<16xi32>
        %gather3A_455 = tpu.vector_load_idx %arg13[%add3A_439, %broadcast_in_dim3A_454] : memref<640x8xf32, #tpu.memory_space<vmem>>[vector<16xi32>, vector<16xi32>], vector<16xf32>,
        %broadcast_in_dim3A_456 = arith.constant 6 : i32
        %broadcast_in_dim3A_457 = vector.broadcast %broadcast_in_dim3A_456 : i32 to vector<16xi32>
        %gather3A_458 = tpu.vector_load_idx %arg13[%add3A_439, %broadcast_in_dim3A_457] : memref<640x8xf32, #tpu.memory_space<vmem>>[vector<16xi32>, vector<16xi32>], vector<16xf32>,
        %broadcast_in_dim3A_459 = arith.constant 0 : i32
        %broadcast_in_dim3A_460 = vector.broadcast %broadcast_in_dim3A_459 : i32 to vector<16xi32>
        %gather3A_461 = tpu.vector_load_idx %arg14[%add3A_439, %broadcast_in_dim3A_460] : memref<640x8xf32, #tpu.memory_space<vmem>>[vector<16xi32>, vector<16xi32>], vector<16xf32>,
        %broadcast_in_dim3A_462 = arith.constant 1 : i32
        %broadcast_in_dim3A_463 = vector.broadcast %broadcast_in_dim3A_462 : i32 to vector<16xi32>
        %gather3A_464 = tpu.vector_load_idx %arg14[%add3A_439, %broadcast_in_dim3A_463] : memref<640x8xf32, #tpu.memory_space<vmem>>[vector<16xi32>, vector<16xi32>], vector<16xf32>,
        %broadcast_in_dim3A_465 = arith.constant 2 : i32
        %broadcast_in_dim3A_466 = vector.broadcast %broadcast_in_dim3A_465 : i32 to vector<16xi32>
        %gather3A_467 = tpu.vector_load_idx %arg14[%add3A_439, %broadcast_in_dim3A_466] : memref<640x8xf32, #tpu.memory_space<vmem>>[vector<16xi32>, vector<16xi32>], vector<16xf32>,
        %broadcast_in_dim3A_468 = arith.constant 3 : i32
        %broadcast_in_dim3A_469 = vector.broadcast %broadcast_in_dim3A_468 : i32 to vector<16xi32>
        %gather3A_470 = tpu.vector_load_idx %arg14[%add3A_439, %broadcast_in_dim3A_469] : memref<640x8xf32, #tpu.memory_space<vmem>>[vector<16xi32>, vector<16xi32>], vector<16xf32>,
        %broadcast_in_dim3A_471 = arith.constant 4 : i32
        %broadcast_in_dim3A_472 = vector.broadcast %broadcast_in_dim3A_471 : i32 to vector<16xi32>
        %gather3A_473 = tpu.vector_load_idx %arg14[%add3A_439, %broadcast_in_dim3A_472] : memref<640x8xf32, #tpu.memory_space<vmem>>[vector<16xi32>, vector<16xi32>], vector<16xf32>,
        %broadcast_in_dim3A_474 = arith.constant 5 : i32
        %broadcast_in_dim3A_475 = vector.broadcast %broadcast_in_dim3A_474 : i32 to vector<16xi32>
        %gather3A_476 = tpu.vector_load_idx %arg14[%add3A_439, %broadcast_in_dim3A_475] : memref<640x8xf32, #tpu.memory_space<vmem>>[vector<16xi32>, vector<16xi32>], vector<16xf32>,
        %broadcast_in_dim3A_477 = arith.constant 6 : i32
        %broadcast_in_dim3A_478 = vector.broadcast %broadcast_in_dim3A_477 : i32 to vector<16xi32>
        %gather3A_479 = tpu.vector_load_idx %arg14[%add3A_439, %broadcast_in_dim3A_478] : memref<640x8xf32, #tpu.memory_space<vmem>>[vector<16xi32>, vector<16xi32>], vector<16xf32>,
        %broadcast_in_dim3A_480 = arith.constant 0 : i32
        %broadcast_in_dim3A_481 = vector.broadcast %broadcast_in_dim3A_480 : i32 to vector<16xi32>
        %gather3A_482 = tpu.vector_load_idx %arg15[%add3A_439, %broadcast_in_dim3A_481] : memref<640x8xf32, #tpu.memory_space<vmem>>[vector<16xi32>, vector<16xi32>], vector<16xf32>,
        %broadcast_in_dim3A_483 = arith.constant 1 : i32
        %broadcast_in_dim3A_484 = vector.broadcast %broadcast_in_dim3A_483 : i32 to vector<16xi32>
        %gather3A_485 = tpu.vector_load_idx %arg15[%add3A_439, %broadcast_in_dim3A_484] : memref<640x8xf32, #tpu.memory_space<vmem>>[vector<16xi32>, vector<16xi32>], vector<16xf32>,
        %broadcast_in_dim3A_486 = arith.constant 2 : i32
        %broadcast_in_dim3A_487 = vector.broadcast %broadcast_in_dim3A_486 : i32 to vector<16xi32>
        %gather3A_488 = tpu.vector_load_idx %arg15[%add3A_439, %broadcast_in_dim3A_487] : memref<640x8xf32, #tpu.memory_space<vmem>>[vector<16xi32>, vector<16xi32>], vector<16xf32>,
        %broadcast_in_dim3A_489 = arith.constant 3 : i32
        %broadcast_in_dim3A_490 = vector.broadcast %broadcast_in_dim3A_489 : i32 to vector<16xi32>
        %gather3A_491 = tpu.vector_load_idx %arg15[%add3A_439, %broadcast_in_dim3A_490] : memref<640x8xf32, #tpu.memory_space<vmem>>[vector<16xi32>, vector<16xi32>], vector<16xf32>,
        %broadcast_in_dim3A_492 = arith.constant 4 : i32
        %broadcast_in_dim3A_493 = vector.broadcast %broadcast_in_dim3A_492 : i32 to vector<16xi32>
        %gather3A_494 = tpu.vector_load_idx %arg15[%add3A_439, %broadcast_in_dim3A_493] : memref<640x8xf32, #tpu.memory_space<vmem>>[vector<16xi32>, vector<16xi32>], vector<16xf32>,
        %broadcast_in_dim3A_495 = arith.constant 5 : i32
        %broadcast_in_dim3A_496 = vector.broadcast %broadcast_in_dim3A_495 : i32 to vector<16xi32>
        %gather3A_497 = tpu.vector_load_idx %arg15[%add3A_439, %broadcast_in_dim3A_496] : memref<640x8xf32, #tpu.memory_space<vmem>>[vector<16xi32>, vector<16xi32>], vector<16xf32>,
        %broadcast_in_dim3A_498 = arith.constant 6 : i32
        %broadcast_in_dim3A_499 = vector.broadcast %broadcast_in_dim3A_498 : i32 to vector<16xi32>
        %gather3A_500 = tpu.vector_load_idx %arg15[%add3A_439, %broadcast_in_dim3A_499] : memref<640x8xf32, #tpu.memory_space<vmem>>[vector<16xi32>, vector<16xi32>], vector<16xf32>,
        %sub3A_501 = arith.subf %gather3A_461, %gather3A : vector<16xf32>
        %sub3A_502 = arith.subf %gather3A_464, %gather3A_443 : vector<16xf32>
        %sub3A_503 = arith.subf %gather3A_467, %gather3A_446 : vector<16xf32>
        %sub3A_504 = arith.subf %gather3A_482, %gather3A : vector<16xf32>
        %sub3A_505 = arith.subf %gather3A_485, %gather3A_443 : vector<16xf32>
        %sub3A_506 = arith.subf %gather3A_488, %gather3A_446 : vector<16xf32>
        %mul3A_507 = arith.mulf %sub3A_502, %sub3A_506 : vector<16xf32>
        %mul3A_508 = arith.mulf %sub3A_503, %sub3A_505 : vector<16xf32>
        %sub3A_509 = arith.subf %mul3A_507, %mul3A_508 : vector<16xf32>
        %mul3A_510 = arith.mulf %sub3A_503, %sub3A_504 : vector<16xf32>
        %mul3A_511 = arith.mulf %sub3A_501, %sub3A_506 : vector<16xf32>
        %sub3A_512 = arith.subf %mul3A_510, %mul3A_511 : vector<16xf32>
        %mul3A_513 = arith.mulf %sub3A_501, %sub3A_505 : vector<16xf32>
        %mul3A_514 = arith.mulf %sub3A_502, %sub3A_504 : vector<16xf32>
        %sub3A_515 = arith.subf %mul3A_513, %mul3A_514 : vector<16xf32>
        %mul3A_516 = arith.mulf %sub3A_509, %sub3A_509 : vector<16xf32>
        %mul3A_517 = arith.mulf %sub3A_512, %sub3A_512 : vector<16xf32>
        %add3A_518 = arith.addf %mul3A_516, %mul3A_517 : vector<16xf32>
        %mul3A_519 = arith.mulf %sub3A_515, %sub3A_515 : vector<16xf32>
        %add3A_520 = arith.addf %add3A_518, %mul3A_519 : vector<16xf32>
        %max3A = arith.constant 1.000000e-30 : f32
        %max3A_521 = vector.broadcast %max3A : f32 to vector<16xf32>
        %max3A_522 = arith.maximumf %add3A_520, %max3A_521 : vector<16xf32>
        %bitcast_convert_type3A = tpu.bitcast %max3A_522 : vector<16xf32> -> vector<16xi32>
        %shift_right_arithmetic3A = arith.constant 1 : i32
        %shift_right_arithmetic3A_523 = vector.broadcast %shift_right_arithmetic3A : i32 to vector<16xi32>
        %shift_right_arithmetic3A_524 = arith.shrsi %bitcast_convert_type3A, %shift_right_arithmetic3A_523 : vector<16xi32>
        %sub3A_525 = arith.constant 1597463007 : i32
        %sub3A_526 = vector.broadcast %sub3A_525 : i32 to vector<16xi32>
        %sub3A_527 = arith.subi %sub3A_526, %shift_right_arithmetic3A_524 : vector<16xi32>
        %bitcast_convert_type3A_528 = tpu.bitcast %sub3A_527 : vector<16xi32> -> vector<16xf32>
        %mul3A_529 = arith.constant 5.000000e-01 : f32
        %mul3A_530 = vector.broadcast %mul3A_529 : f32 to vector<16xf32>
        %mul3A_531 = arith.mulf %mul3A_530, %max3A_522 : vector<16xf32>
        %mul3A_532 = arith.mulf %mul3A_531, %bitcast_convert_type3A_528 : vector<16xf32>
        %mul3A_533 = arith.mulf %mul3A_532, %bitcast_convert_type3A_528 : vector<16xf32>
        %sub3A_534 = arith.constant 1.500000e+00 : f32
        %sub3A_535 = vector.broadcast %sub3A_534 : f32 to vector<16xf32>
        %sub3A_536 = arith.subf %sub3A_535, %mul3A_533 : vector<16xf32>
        %mul3A_537 = arith.mulf %bitcast_convert_type3A_528, %sub3A_536 : vector<16xf32>
        %mul3A_538 = arith.constant 5.000000e-01 : f32
        %mul3A_539 = vector.broadcast %mul3A_538 : f32 to vector<16xf32>
        %mul3A_540 = arith.mulf %mul3A_539, %max3A_522 : vector<16xf32>
        %mul3A_541 = arith.mulf %mul3A_540, %mul3A_537 : vector<16xf32>
        %mul3A_542 = arith.mulf %mul3A_541, %mul3A_537 : vector<16xf32>
        %sub3A_543 = arith.constant 1.500000e+00 : f32
        %sub3A_544 = vector.broadcast %sub3A_543 : f32 to vector<16xf32>
        %sub3A_545 = arith.subf %sub3A_544, %mul3A_542 : vector<16xf32>
        %mul3A_546 = arith.mulf %mul3A_537, %sub3A_545 : vector<16xf32>
        %mul3A_547 = arith.constant 5.000000e-01 : f32
        %mul3A_548 = vector.broadcast %mul3A_547 : f32 to vector<16xf32>
        %mul3A_549 = arith.mulf %mul3A_548, %max3A_522 : vector<16xf32>
        %mul3A_550 = arith.mulf %mul3A_549, %mul3A_546 : vector<16xf32>
        %mul3A_551 = arith.mulf %mul3A_550, %mul3A_546 : vector<16xf32>
        %sub3A_552 = arith.constant 1.500000e+00 : f32
        %sub3A_553 = vector.broadcast %sub3A_552 : f32 to vector<16xf32>
        %sub3A_554 = arith.subf %sub3A_553, %mul3A_551 : vector<16xf32>
        %mul3A_555 = arith.mulf %mul3A_546, %sub3A_554 : vector<16xf32>
        %mul3A_556 = arith.mulf %add3A_520, %mul3A_555 : vector<16xf32>
        %add3A_557 = arith.constant 9.99999996E-13 : f32
        %add3A_558 = vector.broadcast %add3A_557 : f32 to vector<16xf32>
        %add3A_559 = arith.addf %mul3A_556, %add3A_558 : vector<16xf32>
        %div3A_560 = arith.constant 1.000000e+00 : f32
        %div3A_561 = vector.broadcast %div3A_560 : f32 to vector<16xf32>
        %div3A_562 = arith.divf %div3A_561, %add3A_559 : vector<16xf32>
        %mul3A_563 = arith.mulf %sub3A_509, %div3A_562 : vector<16xf32>
        %mul3A_564 = arith.mulf %sub3A_512, %div3A_562 : vector<16xf32>
        %mul3A_565 = arith.mulf %sub3A_515, %div3A_562 : vector<16xf32>
        %mul3A_566 = arith.mulf %gather3A, %mul3A_563 : vector<16xf32>
        %mul3A_567 = arith.mulf %gather3A_443, %mul3A_564 : vector<16xf32>
        %add3A_568 = arith.addf %mul3A_566, %mul3A_567 : vector<16xf32>
        %mul3A_569 = arith.mulf %gather3A_446, %mul3A_565 : vector<16xf32>
        %add3A_570 = arith.addf %add3A_568, %mul3A_569 : vector<16xf32>
        %sub3A_571 = arith.subf %gather3A_473, %gather3A_452 : vector<16xf32>
        %sub3A_572 = arith.subf %gather3A_476, %gather3A_455 : vector<16xf32>
        %sub3A_573 = arith.subf %gather3A_479, %gather3A_458 : vector<16xf32>
        %sub3A_574 = arith.subf %gather3A_494, %gather3A_452 : vector<16xf32>
        %sub3A_575 = arith.subf %gather3A_497, %gather3A_455 : vector<16xf32>
        %sub3A_576 = arith.subf %gather3A_500, %gather3A_458 : vector<16xf32>
        %mul3A_577 = arith.mulf %sub3A_572, %sub3A_576 : vector<16xf32>
        %mul3A_578 = arith.mulf %sub3A_573, %sub3A_575 : vector<16xf32>
        %sub3A_579 = arith.subf %mul3A_577, %mul3A_578 : vector<16xf32>
        %mul3A_580 = arith.mulf %sub3A_573, %sub3A_574 : vector<16xf32>
        %mul3A_581 = arith.mulf %sub3A_571, %sub3A_576 : vector<16xf32>
        %sub3A_582 = arith.subf %mul3A_580, %mul3A_581 : vector<16xf32>
        %mul3A_583 = arith.mulf %sub3A_571, %sub3A_575 : vector<16xf32>
        %mul3A_584 = arith.mulf %sub3A_572, %sub3A_574 : vector<16xf32>
        %sub3A_585 = arith.subf %mul3A_583, %mul3A_584 : vector<16xf32>
        %mul3A_586 = arith.mulf %sub3A_579, %sub3A_579 : vector<16xf32>
        %mul3A_587 = arith.mulf %sub3A_582, %sub3A_582 : vector<16xf32>
        %add3A_588 = arith.addf %mul3A_586, %mul3A_587 : vector<16xf32>
        %mul3A_589 = arith.mulf %sub3A_585, %sub3A_585 : vector<16xf32>
        %add3A_590 = arith.addf %add3A_588, %mul3A_589 : vector<16xf32>
        %max3A_591 = arith.constant 1.000000e-30 : f32
        %max3A_592 = vector.broadcast %max3A_591 : f32 to vector<16xf32>
        %max3A_593 = arith.maximumf %add3A_590, %max3A_592 : vector<16xf32>
        %bitcast_convert_type3A_594 = tpu.bitcast %max3A_593 : vector<16xf32> -> vector<16xi32>
        %shift_right_arithmetic3A_595 = arith.constant 1 : i32
        %shift_right_arithmetic3A_596 = vector.broadcast %shift_right_arithmetic3A_595 : i32 to vector<16xi32>
        %shift_right_arithmetic3A_597 = arith.shrsi %bitcast_convert_type3A_594, %shift_right_arithmetic3A_596 : vector<16xi32>
        %sub3A_598 = arith.constant 1597463007 : i32
        %sub3A_599 = vector.broadcast %sub3A_598 : i32 to vector<16xi32>
        %sub3A_600 = arith.subi %sub3A_599, %shift_right_arithmetic3A_597 : vector<16xi32>
        %bitcast_convert_type3A_601 = tpu.bitcast %sub3A_600 : vector<16xi32> -> vector<16xf32>
        %mul3A_602 = arith.constant 5.000000e-01 : f32
        %mul3A_603 = vector.broadcast %mul3A_602 : f32 to vector<16xf32>
        %mul3A_604 = arith.mulf %mul3A_603, %max3A_593 : vector<16xf32>
        %mul3A_605 = arith.mulf %mul3A_604, %bitcast_convert_type3A_601 : vector<16xf32>
        %mul3A_606 = arith.mulf %mul3A_605, %bitcast_convert_type3A_601 : vector<16xf32>
        %sub3A_607 = arith.constant 1.500000e+00 : f32
        %sub3A_608 = vector.broadcast %sub3A_607 : f32 to vector<16xf32>
        %sub3A_609 = arith.subf %sub3A_608, %mul3A_606 : vector<16xf32>
        %mul3A_610 = arith.mulf %bitcast_convert_type3A_601, %sub3A_609 : vector<16xf32>
        %mul3A_611 = arith.constant 5.000000e-01 : f32
        %mul3A_612 = vector.broadcast %mul3A_611 : f32 to vector<16xf32>
        %mul3A_613 = arith.mulf %mul3A_612, %max3A_593 : vector<16xf32>
        %mul3A_614 = arith.mulf %mul3A_613, %mul3A_610 : vector<16xf32>
        %mul3A_615 = arith.mulf %mul3A_614, %mul3A_610 : vector<16xf32>
        %sub3A_616 = arith.constant 1.500000e+00 : f32
        %sub3A_617 = vector.broadcast %sub3A_616 : f32 to vector<16xf32>
        %sub3A_618 = arith.subf %sub3A_617, %mul3A_615 : vector<16xf32>
        %mul3A_619 = arith.mulf %mul3A_610, %sub3A_618 : vector<16xf32>
        %mul3A_620 = arith.constant 5.000000e-01 : f32
        %mul3A_621 = vector.broadcast %mul3A_620 : f32 to vector<16xf32>
        %mul3A_622 = arith.mulf %mul3A_621, %max3A_593 : vector<16xf32>
        %mul3A_623 = arith.mulf %mul3A_622, %mul3A_619 : vector<16xf32>
        %mul3A_624 = arith.mulf %mul3A_623, %mul3A_619 : vector<16xf32>
        %sub3A_625 = arith.constant 1.500000e+00 : f32
        %sub3A_626 = vector.broadcast %sub3A_625 : f32 to vector<16xf32>
        %sub3A_627 = arith.subf %sub3A_626, %mul3A_624 : vector<16xf32>
        %mul3A_628 = arith.mulf %mul3A_619, %sub3A_627 : vector<16xf32>
        %mul3A_629 = arith.mulf %add3A_590, %mul3A_628 : vector<16xf32>
        %add3A_630 = arith.constant 9.99999996E-13 : f32
        %add3A_631 = vector.broadcast %add3A_630 : f32 to vector<16xf32>
        %add3A_632 = arith.addf %mul3A_629, %add3A_631 : vector<16xf32>
        %div3A_633 = arith.constant 1.000000e+00 : f32
        %div3A_634 = vector.broadcast %div3A_633 : f32 to vector<16xf32>
        %div3A_635 = arith.divf %div3A_634, %add3A_632 : vector<16xf32>
        %mul3A_636 = arith.mulf %sub3A_579, %div3A_635 : vector<16xf32>
        %mul3A_637 = arith.mulf %sub3A_582, %div3A_635 : vector<16xf32>
        %mul3A_638 = arith.mulf %sub3A_585, %div3A_635 : vector<16xf32>
        %mul3A_639 = arith.mulf %gather3A_452, %mul3A_636 : vector<16xf32>
        %mul3A_640 = arith.mulf %gather3A_455, %mul3A_637 : vector<16xf32>
        %add3A_641 = arith.addf %mul3A_639, %mul3A_640 : vector<16xf32>
        %mul3A_642 = arith.mulf %gather3A_458, %mul3A_638 : vector<16xf32>
        %add3A_643 = arith.addf %add3A_641, %mul3A_642 : vector<16xf32>
        %eq3A_644 = arith.constant 3.000000e+00 : f32
        %eq3A_645 = vector.broadcast %eq3A_644 : f32 to vector<16xf32>
        %eq3A_646 = arith.cmpf oeq, %gather3A_449, %eq3A_645 : vector<16xf32>
        %eq3A_647 = arith.constant 3.000000e+00 : f32
        %eq3A_648 = vector.broadcast %eq3A_647 : f32 to vector<16xf32>
        %eq3A_649 = arith.cmpf oeq, %gather3A_470, %eq3A_648 : vector<16xf32>
        %or3A = arith.ori %eq3A_646, %eq3A_649 : vector<16xi1>
        %eq3A_650 = arith.constant 3.000000e+00 : f32
        %eq3A_651 = vector.broadcast %eq3A_650 : f32 to vector<16xf32>
        %eq3A_652 = arith.cmpf oeq, %gather3A_491, %eq3A_651 : vector<16xf32>
        %or3A_653 = arith.ori %or3A, %eq3A_652 : vector<16xi1>
        %jit3A_654 = arith.constant 1.000000e+01 : f32
        %jit3A_655 = arith.constant 1.000000e+00 : f32
        %broadcast_in_dim3A_656 = vector.broadcast %jit3A_654 : f32 to vector<16xf32>
        %broadcast_in_dim3A_657 = vector.broadcast %jit3A_655 : f32 to vector<16xf32>
        %select_n3A_658 = arith.select %or3A_653, %broadcast_in_dim3A_656, %broadcast_in_dim3A_657 : vector<16xi1>, vector<16xf32>
        %broadcast_in_dim3A_659 = arith.constant 0 : i32
        %broadcast_in_dim3A_660 = vector.broadcast %broadcast_in_dim3A_659 : i32 to vector<16xi32>
        tpu.vector_store_idx %arg19[%add3A_439, %broadcast_in_dim3A_660], %mul3A_563 : memref<640x16xf32, #tpu.memory_space<vmem>>[vector<16xi32>, vector<16xi32>], vector<16xf32>,
        %broadcast_in_dim3A_661 = arith.constant 1 : i32
        %broadcast_in_dim3A_662 = vector.broadcast %broadcast_in_dim3A_661 : i32 to vector<16xi32>
        tpu.vector_store_idx %arg19[%add3A_439, %broadcast_in_dim3A_662], %mul3A_564 : memref<640x16xf32, #tpu.memory_space<vmem>>[vector<16xi32>, vector<16xi32>], vector<16xf32>,
        %broadcast_in_dim3A_663 = arith.constant 2 : i32
        %broadcast_in_dim3A_664 = vector.broadcast %broadcast_in_dim3A_663 : i32 to vector<16xi32>
        tpu.vector_store_idx %arg19[%add3A_439, %broadcast_in_dim3A_664], %mul3A_565 : memref<640x16xf32, #tpu.memory_space<vmem>>[vector<16xi32>, vector<16xi32>], vector<16xf32>,
        %broadcast_in_dim3A_665 = arith.constant 3 : i32
        %broadcast_in_dim3A_666 = vector.broadcast %broadcast_in_dim3A_665 : i32 to vector<16xi32>
        tpu.vector_store_idx %arg19[%add3A_439, %broadcast_in_dim3A_666], %add3A_570 : memref<640x16xf32, #tpu.memory_space<vmem>>[vector<16xi32>, vector<16xi32>], vector<16xf32>,
        %broadcast_in_dim3A_667 = arith.constant 4 : i32
        %broadcast_in_dim3A_668 = vector.broadcast %broadcast_in_dim3A_667 : i32 to vector<16xi32>
        tpu.vector_store_idx %arg19[%add3A_439, %broadcast_in_dim3A_668], %mul3A_636 : memref<640x16xf32, #tpu.memory_space<vmem>>[vector<16xi32>, vector<16xi32>], vector<16xf32>,
        %broadcast_in_dim3A_669 = arith.constant 5 : i32
        %broadcast_in_dim3A_670 = vector.broadcast %broadcast_in_dim3A_669 : i32 to vector<16xi32>
        tpu.vector_store_idx %arg19[%add3A_439, %broadcast_in_dim3A_670], %mul3A_637 : memref<640x16xf32, #tpu.memory_space<vmem>>[vector<16xi32>, vector<16xi32>], vector<16xf32>,
        %broadcast_in_dim3A_671 = arith.constant 6 : i32
        %broadcast_in_dim3A_672 = vector.broadcast %broadcast_in_dim3A_671 : i32 to vector<16xi32>
        tpu.vector_store_idx %arg19[%add3A_439, %broadcast_in_dim3A_672], %mul3A_638 : memref<640x16xf32, #tpu.memory_space<vmem>>[vector<16xi32>, vector<16xi32>], vector<16xf32>,
        %broadcast_in_dim3A_673 = arith.constant 7 : i32
        %broadcast_in_dim3A_674 = vector.broadcast %broadcast_in_dim3A_673 : i32 to vector<16xi32>
        tpu.vector_store_idx %arg19[%add3A_439, %broadcast_in_dim3A_674], %add3A_643 : memref<640x16xf32, #tpu.memory_space<vmem>>[vector<16xi32>, vector<16xi32>], vector<16xf32>,
        %broadcast_in_dim3A_675 = arith.constant 8 : i32
        %broadcast_in_dim3A_676 = vector.broadcast %broadcast_in_dim3A_675 : i32 to vector<16xi32>
        tpu.vector_store_idx %arg19[%add3A_439, %broadcast_in_dim3A_676], %select_n3A_658 : memref<640x16xf32, #tpu.memory_space<vmem>>[vector<16xi32>, vector<16xi32>], vector<16xf32>,
      }
      %scan3A_299 = arith.constant 40 : i32
      "tpu.region"() ({
        %run_scoped3A = tpu.sem_alloc : memref<!tpu.dma_semaphore, #tpu.memory_space<semaphore_mem>>
        %dma_start3A_435 = arith.constant 0 : i32
        %dma_start3A_436 = tpu.memref_slice %arg6[%add3A_294, %dma_start3A_435] : memref<204800x16xf32, #tpu.memory_space<hbm>> -> memref<640x16xf32, #tpu.memory_space<hbm>>
        %dma_start3A_437 = arith.constant 0 : i32
        %dma_start3A_438 = tpu.memref_slice %arg6[%add3A_294, %dma_start3A_437] : memref<204800x16xf32, #tpu.memory_space<hbm>> -> memref<640x16xf32, #tpu.memory_space<hbm>>
        tpu.enqueue_dma source(%arg19 : memref<640x16xf32, #tpu.memory_space<vmem>>) target(%dma_start3A_438 : memref<640x16xf32, #tpu.memory_space<hbm>>) target_semaphore(%run_scoped3A : memref<!tpu.dma_semaphore, #tpu.memory_space<semaphore_mem>>)
        %dma_wait3A_439 = arith.constant 0 : i32
        %dma_wait3A_440 = tpu.memref_slice %arg6[%add3A_294, %dma_wait3A_439] : memref<204800x16xf32, #tpu.memory_space<hbm>> -> memref<640x16xf32, #tpu.memory_space<hbm>>
        %dma_wait3A_441 = arith.constant 0 : i32
        %dma_wait3A_442 = tpu.memref_slice %arg6[%add3A_294, %dma_wait3A_441] : memref<204800x16xf32, #tpu.memory_space<hbm>> -> memref<640x16xf32, #tpu.memory_space<hbm>>
        tpu.wait_dma2 semaphore(%run_scoped3A : memref<!tpu.dma_semaphore, #tpu.memory_space<semaphore_mem>>) src(%arg19 : memref<640x16xf32, #tpu.memory_space<vmem>>) dst(%dma_wait3A_442 : memref<640x16xf32, #tpu.memory_space<hbm>>)
        tpu.yield
      }) : () -> ()
      %add3A_300 = arith.constant 1 : i32
      %add3A_301 = arith.addi %mul3A_166, %add3A_300 : i32
      %dma_wait3A_302 = arith.constant 0 : i32
      %dma_wait3A_303 = arith.constant 0 : i32
      %dma_wait3A_304 = tpu.memref_slice %arg16[%dma_wait3A_302, %dma_wait3A_303] : memref<640x8xf32, #tpu.memory_space<vmem>> -> memref<320x8xf32, #tpu.memory_space<vmem>>
      %dma_wait3A_305 = arith.constant 0 : i32
      %dma_wait3A_306 = tpu.memref_slice %arg10[%dma_wait3A_305] : memref<640xi32, #tpu.memory_space<vmem>> -> memref<320xi32, #tpu.memory_space<vmem>>
      %dma_wait3A_307 = arith.constant 0 : i32
      %dma_wait3A_308 = arith.constant 0 : i32
      %dma_wait3A_309 = tpu.memref_slice %arg2[%dma_wait3A_307, %dma_wait3A_308] : memref<100000x8xf32, #tpu.memory_space<hbm>> -> memref<100000x8xf32, #tpu.memory_space<hbm>>
      tpu.wait_indirect_dma semaphore(%arg23 : memref<!tpu.dma_semaphore, #tpu.memory_space<semaphore_mem>>) src(%dma_wait3A_309 : memref<100000x8xf32, #tpu.memory_space<hbm>>) dst(%dma_wait3A_304 : memref<320x8xf32, #tpu.memory_space<vmem>>)
      %dma_wait3A_310 = arith.constant 0 : i32
      %dma_wait3A_311 = arith.constant 0 : i32
      %dma_wait3A_312 = tpu.memref_slice %arg17[%dma_wait3A_310, %dma_wait3A_311] : memref<640x8xf32, #tpu.memory_space<vmem>> -> memref<320x8xf32, #tpu.memory_space<vmem>>
      %dma_wait3A_313 = arith.constant 0 : i32
      %dma_wait3A_314 = tpu.memref_slice %arg11[%dma_wait3A_313] : memref<640xi32, #tpu.memory_space<vmem>> -> memref<320xi32, #tpu.memory_space<vmem>>
      %dma_wait3A_315 = arith.constant 0 : i32
      %dma_wait3A_316 = arith.constant 0 : i32
      %dma_wait3A_317 = tpu.memref_slice %arg2[%dma_wait3A_315, %dma_wait3A_316] : memref<100000x8xf32, #tpu.memory_space<hbm>> -> memref<100000x8xf32, #tpu.memory_space<hbm>>
      tpu.wait_indirect_dma semaphore(%arg23 : memref<!tpu.dma_semaphore, #tpu.memory_space<semaphore_mem>>) src(%dma_wait3A_317 : memref<100000x8xf32, #tpu.memory_space<hbm>>) dst(%dma_wait3A_312 : memref<320x8xf32, #tpu.memory_space<vmem>>)
      %dma_wait3A_318 = arith.constant 0 : i32
      %dma_wait3A_319 = arith.constant 0 : i32
      %dma_wait3A_320 = tpu.memref_slice %arg18[%dma_wait3A_318, %dma_wait3A_319] : memref<640x8xf32, #tpu.memory_space<vmem>> -> memref<320x8xf32, #tpu.memory_space<vmem>>
      %dma_wait3A_321 = arith.constant 0 : i32
      %dma_wait3A_322 = tpu.memref_slice %arg12[%dma_wait3A_321] : memref<640xi32, #tpu.memory_space<vmem>> -> memref<320xi32, #tpu.memory_space<vmem>>
      %dma_wait3A_323 = arith.constant 0 : i32
      %dma_wait3A_324 = arith.constant 0 : i32
      %dma_wait3A_325 = tpu.memref_slice %arg2[%dma_wait3A_323, %dma_wait3A_324] : memref<100000x8xf32, #tpu.memory_space<hbm>> -> memref<100000x8xf32, #tpu.memory_space<hbm>>
      tpu.wait_indirect_dma semaphore(%arg23 : memref<!tpu.dma_semaphore, #tpu.memory_space<semaphore_mem>>) src(%dma_wait3A_325 : memref<100000x8xf32, #tpu.memory_space<hbm>>) dst(%dma_wait3A_320 : memref<320x8xf32, #tpu.memory_space<vmem>>)
      %dma_wait3A_326 = arith.constant 320 : i32
      %dma_wait3A_327 = arith.constant 0 : i32
      %dma_wait3A_328 = tpu.memref_slice %arg16[%dma_wait3A_326, %dma_wait3A_327] : memref<640x8xf32, #tpu.memory_space<vmem>> -> memref<320x8xf32, #tpu.memory_space<vmem>>
      %dma_wait3A_329 = arith.constant 320 : i32
      %dma_wait3A_330 = tpu.memref_slice %arg10[%dma_wait3A_329] : memref<640xi32, #tpu.memory_space<vmem>> -> memref<320xi32, #tpu.memory_space<vmem>>
      %dma_wait3A_331 = arith.constant 0 : i32
      %dma_wait3A_332 = arith.constant 0 : i32
      %dma_wait3A_333 = tpu.memref_slice %arg2[%dma_wait3A_331, %dma_wait3A_332] : memref<100000x8xf32, #tpu.memory_space<hbm>> -> memref<100000x8xf32, #tpu.memory_space<hbm>>
      tpu.wait_indirect_dma semaphore(%arg23 : memref<!tpu.dma_semaphore, #tpu.memory_space<semaphore_mem>>) src(%dma_wait3A_333 : memref<100000x8xf32, #tpu.memory_space<hbm>>) dst(%dma_wait3A_328 : memref<320x8xf32, #tpu.memory_space<vmem>>)
      %dma_wait3A_334 = arith.constant 320 : i32
      %dma_wait3A_335 = arith.constant 0 : i32
      %dma_wait3A_336 = tpu.memref_slice %arg17[%dma_wait3A_334, %dma_wait3A_335] : memref<640x8xf32, #tpu.memory_space<vmem>> -> memref<320x8xf32, #tpu.memory_space<vmem>>
      %dma_wait3A_337 = arith.constant 320 : i32
      %dma_wait3A_338 = tpu.memref_slice %arg11[%dma_wait3A_337] : memref<640xi32, #tpu.memory_space<vmem>> -> memref<320xi32, #tpu.memory_space<vmem>>
      %dma_wait3A_339 = arith.constant 0 : i32
      %dma_wait3A_340 = arith.constant 0 : i32
      %dma_wait3A_341 = tpu.memref_slice %arg2[%dma_wait3A_339, %dma_wait3A_340] : memref<100000x8xf32, #tpu.memory_space<hbm>> -> memref<100000x8xf32, #tpu.memory_space<hbm>>
      tpu.wait_indirect_dma semaphore(%arg23 : memref<!tpu.dma_semaphore, #tpu.memory_space<semaphore_mem>>) src(%dma_wait3A_341 : memref<100000x8xf32, #tpu.memory_space<hbm>>) dst(%dma_wait3A_336 : memref<320x8xf32, #tpu.memory_space<vmem>>)
      %dma_wait3A_342 = arith.constant 320 : i32
      %dma_wait3A_343 = arith.constant 0 : i32
      %dma_wait3A_344 = tpu.memref_slice %arg18[%dma_wait3A_342, %dma_wait3A_343] : memref<640x8xf32, #tpu.memory_space<vmem>> -> memref<320x8xf32, #tpu.memory_space<vmem>>
      %dma_wait3A_345 = arith.constant 320 : i32
      %dma_wait3A_346 = tpu.memref_slice %arg12[%dma_wait3A_345] : memref<640xi32, #tpu.memory_space<vmem>> -> memref<320xi32, #tpu.memory_space<vmem>>
      %dma_wait3A_347 = arith.constant 0 : i32
      %dma_wait3A_348 = arith.constant 0 : i32
      %dma_wait3A_349 = tpu.memref_slice %arg2[%dma_wait3A_347, %dma_wait3A_348] : memref<100000x8xf32, #tpu.memory_space<hbm>> -> memref<100000x8xf32, #tpu.memory_space<hbm>>
      tpu.wait_indirect_dma semaphore(%arg23 : memref<!tpu.dma_semaphore, #tpu.memory_space<semaphore_mem>>) src(%dma_wait3A_349 : memref<100000x8xf32, #tpu.memory_space<hbm>>) dst(%dma_wait3A_344 : memref<320x8xf32, #tpu.memory_space<vmem>>)
      %add3A_350 = arith.constant 1 : i32
      %add3A_351 = arith.addi %add3A_301, %add3A_350 : i32
      %sub3A_352 = arith.constant 1 : i32
      %sub3A_353 = arith.subi %select_n3A, %sub3A_352 : i32
      %min3A_354 = arith.minsi %add3A_351, %sub3A_353 : i32
      %mul3A_355 = arith.constant 640 : i32
      %mul3A_356 = arith.muli %min3A_354, %mul3A_355 : i32
      %add3A_357 = arith.addi %mul3A_10, %mul3A_356 : i32
      %dma_wait3A_358 = tpu.memref_slice %arg3[%add3A_357] : memref<204800xi32, #tpu.memory_space<hbm>> -> memref<640xi32, #tpu.memory_space<hbm>>
      %dma_wait3A_359 = tpu.memref_slice %arg3[%add3A_357] : memref<204800xi32, #tpu.memory_space<hbm>> -> memref<640xi32, #tpu.memory_space<hbm>>
      tpu.wait_dma2 semaphore(%arg20 : memref<!tpu.dma_semaphore, #tpu.memory_space<semaphore_mem>>) src(%dma_wait3A_359 : memref<640xi32, #tpu.memory_space<hbm>>) dst(%arg7 : memref<640xi32, #tpu.memory_space<vmem>>)
      %dma_wait3A_360 = tpu.memref_slice %arg4[%add3A_357] : memref<204800xi32, #tpu.memory_space<hbm>> -> memref<640xi32, #tpu.memory_space<hbm>>
      %dma_wait3A_361 = tpu.memref_slice %arg4[%add3A_357] : memref<204800xi32, #tpu.memory_space<hbm>> -> memref<640xi32, #tpu.memory_space<hbm>>
      tpu.wait_dma2 semaphore(%arg20 : memref<!tpu.dma_semaphore, #tpu.memory_space<semaphore_mem>>) src(%dma_wait3A_361 : memref<640xi32, #tpu.memory_space<hbm>>) dst(%arg8 : memref<640xi32, #tpu.memory_space<vmem>>)
      %dma_wait3A_362 = tpu.memref_slice %arg5[%add3A_357] : memref<204800xi32, #tpu.memory_space<hbm>> -> memref<640xi32, #tpu.memory_space<hbm>>
      %dma_wait3A_363 = tpu.memref_slice %arg5[%add3A_357] : memref<204800xi32, #tpu.memory_space<hbm>> -> memref<640xi32, #tpu.memory_space<hbm>>
      tpu.wait_dma2 semaphore(%arg20 : memref<!tpu.dma_semaphore, #tpu.memory_space<semaphore_mem>>) src(%dma_wait3A_363 : memref<640xi32, #tpu.memory_space<hbm>>) dst(%arg9 : memref<640xi32, #tpu.memory_space<vmem>>)
      %dma_start3A_364 = arith.constant 0 : i32
      %dma_start3A_365 = arith.constant 0 : i32
      %dma_start3A_366 = tpu.memref_slice %arg13[%dma_start3A_364, %dma_start3A_365] : memref<640x8xf32, #tpu.memory_space<vmem>> -> memref<320x8xf32, #tpu.memory_space<vmem>>
      %dma_start3A_367 = arith.constant 0 : i32
      %dma_start3A_368 = tpu.memref_slice %arg7[%dma_start3A_367] : memref<640xi32, #tpu.memory_space<vmem>> -> memref<320xi32, #tpu.memory_space<vmem>>
      %dma_start3A_369 = arith.constant 0 : i32
      %dma_start3A_370 = arith.constant 0 : i32
      %dma_start3A_371 = tpu.memref_slice %arg2[%dma_start3A_369, %dma_start3A_370] : memref<100000x8xf32, #tpu.memory_space<hbm>> -> memref<100000x8xf32, #tpu.memory_space<hbm>>
      tpu.enqueue_indirect_dma source(%dma_start3A_371 : memref<100000x8xf32, #tpu.memory_space<hbm>>) target(%dma_start3A_366 : memref<320x8xf32, #tpu.memory_space<vmem>>) offsets(%dma_start3A_368 : memref<320xi32, #tpu.memory_space<vmem>>) semaphore(%arg22 : memref<!tpu.dma_semaphore, #tpu.memory_space<semaphore_mem>>)
      %dma_start3A_372 = arith.constant 0 : i32
      %dma_start3A_373 = arith.constant 0 : i32
      %dma_start3A_374 = tpu.memref_slice %arg14[%dma_start3A_372, %dma_start3A_373] : memref<640x8xf32, #tpu.memory_space<vmem>> -> memref<320x8xf32, #tpu.memory_space<vmem>>
      %dma_start3A_375 = arith.constant 0 : i32
      %dma_start3A_376 = tpu.memref_slice %arg8[%dma_start3A_375] : memref<640xi32, #tpu.memory_space<vmem>> -> memref<320xi32, #tpu.memory_space<vmem>>
      %dma_start3A_377 = arith.constant 0 : i32
      %dma_start3A_378 = arith.constant 0 : i32
      %dma_start3A_379 = tpu.memref_slice %arg2[%dma_start3A_377, %dma_start3A_378] : memref<100000x8xf32, #tpu.memory_space<hbm>> -> memref<100000x8xf32, #tpu.memory_space<hbm>>
      tpu.enqueue_indirect_dma source(%dma_start3A_379 : memref<100000x8xf32, #tpu.memory_space<hbm>>) target(%dma_start3A_374 : memref<320x8xf32, #tpu.memory_space<vmem>>) offsets(%dma_start3A_376 : memref<320xi32, #tpu.memory_space<vmem>>) semaphore(%arg22 : memref<!tpu.dma_semaphore, #tpu.memory_space<semaphore_mem>>)
      %dma_start3A_380 = arith.constant 0 : i32
      %dma_start3A_381 = arith.constant 0 : i32
      %dma_start3A_382 = tpu.memref_slice %arg15[%dma_start3A_380, %dma_start3A_381] : memref<640x8xf32, #tpu.memory_space<vmem>> -> memref<320x8xf32, #tpu.memory_space<vmem>>
      %dma_start3A_383 = arith.constant 0 : i32
      %dma_start3A_384 = tpu.memref_slice %arg9[%dma_start3A_383] : memref<640xi32, #tpu.memory_space<vmem>> -> memref<320xi32, #tpu.memory_space<vmem>>
      %dma_start3A_385 = arith.constant 0 : i32
      %dma_start3A_386 = arith.constant 0 : i32
      %dma_start3A_387 = tpu.memref_slice %arg2[%dma_start3A_385, %dma_start3A_386] : memref<100000x8xf32, #tpu.memory_space<hbm>> -> memref<100000x8xf32, #tpu.memory_space<hbm>>
      tpu.enqueue_indirect_dma source(%dma_start3A_387 : memref<100000x8xf32, #tpu.memory_space<hbm>>) target(%dma_start3A_382 : memref<320x8xf32, #tpu.memory_space<vmem>>) offsets(%dma_start3A_384 : memref<320xi32, #tpu.memory_space<vmem>>) semaphore(%arg22 : memref<!tpu.dma_semaphore, #tpu.memory_space<semaphore_mem>>)
      %dma_start3A_388 = arith.constant 320 : i32
      %dma_start3A_389 = arith.constant 0 : i32
      %dma_start3A_390 = tpu.memref_slice %arg13[%dma_start3A_388, %dma_start3A_389] : memref<640x8xf32, #tpu.memory_space<vmem>> -> memref<320x8xf32, #tpu.memory_space<vmem>>
      %dma_start3A_391 = arith.constant 320 : i32
      %dma_start3A_392 = tpu.memref_slice %arg7[%dma_start3A_391] : memref<640xi32, #tpu.memory_space<vmem>> -> memref<320xi32, #tpu.memory_space<vmem>>
      %dma_start3A_393 = arith.constant 0 : i32
      %dma_start3A_394 = arith.constant 0 : i32
      %dma_start3A_395 = tpu.memref_slice %arg2[%dma_start3A_393, %dma_start3A_394] : memref<100000x8xf32, #tpu.memory_space<hbm>> -> memref<100000x8xf32, #tpu.memory_space<hbm>>
      tpu.enqueue_indirect_dma source(%dma_start3A_395 : memref<100000x8xf32, #tpu.memory_space<hbm>>) target(%dma_start3A_390 : memref<320x8xf32, #tpu.memory_space<vmem>>) offsets(%dma_start3A_392 : memref<320xi32, #tpu.memory_space<vmem>>) semaphore(%arg22 : memref<!tpu.dma_semaphore, #tpu.memory_space<semaphore_mem>>)
      %dma_start3A_396 = arith.constant 320 : i32
      %dma_start3A_397 = arith.constant 0 : i32
      %dma_start3A_398 = tpu.memref_slice %arg14[%dma_start3A_396, %dma_start3A_397] : memref<640x8xf32, #tpu.memory_space<vmem>> -> memref<320x8xf32, #tpu.memory_space<vmem>>
      %dma_start3A_399 = arith.constant 320 : i32
      %dma_start3A_400 = tpu.memref_slice %arg8[%dma_start3A_399] : memref<640xi32, #tpu.memory_space<vmem>> -> memref<320xi32, #tpu.memory_space<vmem>>
      %dma_start3A_401 = arith.constant 0 : i32
      %dma_start3A_402 = arith.constant 0 : i32
      %dma_start3A_403 = tpu.memref_slice %arg2[%dma_start3A_401, %dma_start3A_402] : memref<100000x8xf32, #tpu.memory_space<hbm>> -> memref<100000x8xf32, #tpu.memory_space<hbm>>
      tpu.enqueue_indirect_dma source(%dma_start3A_403 : memref<100000x8xf32, #tpu.memory_space<hbm>>) target(%dma_start3A_398 : memref<320x8xf32, #tpu.memory_space<vmem>>) offsets(%dma_start3A_400 : memref<320xi32, #tpu.memory_space<vmem>>) semaphore(%arg22 : memref<!tpu.dma_semaphore, #tpu.memory_space<semaphore_mem>>)
      %dma_start3A_404 = arith.constant 320 : i32
      %dma_start3A_405 = arith.constant 0 : i32
      %dma_start3A_406 = tpu.memref_slice %arg15[%dma_start3A_404, %dma_start3A_405] : memref<640x8xf32, #tpu.memory_space<vmem>> -> memref<320x8xf32, #tpu.memory_space<vmem>>
      %dma_start3A_407 = arith.constant 320 : i32
      %dma_start3A_408 = tpu.memref_slice %arg9[%dma_start3A_407] : memref<640xi32, #tpu.memory_space<vmem>> -> memref<320xi32, #tpu.memory_space<vmem>>
      %dma_start3A_409 = arith.constant 0 : i32
      %dma_start3A_410 = arith.constant 0 : i32
      %dma_start3A_411 = tpu.memref_slice %arg2[%dma_start3A_409, %dma_start3A_410] : memref<100000x8xf32, #tpu.memory_space<hbm>> -> memref<100000x8xf32, #tpu.memory_space<hbm>>
      tpu.enqueue_indirect_dma source(%dma_start3A_411 : memref<100000x8xf32, #tpu.memory_space<hbm>>) target(%dma_start3A_406 : memref<320x8xf32, #tpu.memory_space<vmem>>) offsets(%dma_start3A_408 : memref<320xi32, #tpu.memory_space<vmem>>) semaphore(%arg22 : memref<!tpu.dma_semaphore, #tpu.memory_space<semaphore_mem>>)
      %add3A_412 = arith.constant 2 : i32
      %add3A_413 = arith.addi %add3A_301, %add3A_412 : i32
      %sub3A_414 = arith.constant 1 : i32
      %sub3A_415 = arith.subi %select_n3A, %sub3A_414 : i32
      %min3A_416 = arith.minsi %add3A_413, %sub3A_415 : i32
      %mul3A_417 = arith.constant 640 : i32
      %mul3A_418 = arith.muli %min3A_416, %mul3A_417 : i32
      %add3A_419 = arith.addi %mul3A_10, %mul3A_418 : i32
      %dma_start3A_420 = tpu.memref_slice %arg3[%add3A_419] : memref<204800xi32, #tpu.memory_space<hbm>> -> memref<640xi32, #tpu.memory_space<hbm>>
      %dma_start3A_421 = tpu.memref_slice %arg3[%add3A_419] : memref<204800xi32, #tpu.memory_space<hbm>> -> memref<640xi32, #tpu.memory_space<hbm>>
      tpu.enqueue_dma source(%dma_start3A_421 : memref<640xi32, #tpu.memory_space<hbm>>) target(%arg10 : memref<640xi32, #tpu.memory_space<vmem>>) target_semaphore(%arg21 : memref<!tpu.dma_semaphore, #tpu.memory_space<semaphore_mem>>)
      %dma_start3A_422 = tpu.memref_slice %arg4[%add3A_419] : memref<204800xi32, #tpu.memory_space<hbm>> -> memref<640xi32, #tpu.memory_space<hbm>>
      %dma_start3A_423 = tpu.memref_slice %arg4[%add3A_419] : memref<204800xi32, #tpu.memory_space<hbm>> -> memref<640xi32, #tpu.memory_space<hbm>>
      tpu.enqueue_dma source(%dma_start3A_423 : memref<640xi32, #tpu.memory_space<hbm>>) target(%arg11 : memref<640xi32, #tpu.memory_space<vmem>>) target_semaphore(%arg21 : memref<!tpu.dma_semaphore, #tpu.memory_space<semaphore_mem>>)
      %dma_start3A_424 = tpu.memref_slice %arg5[%add3A_419] : memref<204800xi32, #tpu.memory_space<hbm>> -> memref<640xi32, #tpu.memory_space<hbm>>
      %dma_start3A_425 = tpu.memref_slice %arg5[%add3A_419] : memref<204800xi32, #tpu.memory_space<hbm>> -> memref<640xi32, #tpu.memory_space<hbm>>
      tpu.enqueue_dma source(%dma_start3A_425 : memref<640xi32, #tpu.memory_space<hbm>>) target(%arg12 : memref<640xi32, #tpu.memory_space<vmem>>) target_semaphore(%arg21 : memref<!tpu.dma_semaphore, #tpu.memory_space<semaphore_mem>>)
      %mul3A_426 = arith.constant 640 : i32
      %mul3A_427 = arith.muli %add3A_301, %mul3A_426 : i32
      %add3A_428 = arith.addi %mul3A_10, %mul3A_427 : i32
      %scan3A_429 = arith.constant 0 : i32
      %scan3A_430 = arith.constant 0 : i32
      %scan3A_431 = arith.constant 40 : i32
      %scan3A_432 = arith.addi %scan3A_430, %scan3A_431 : i32
      %scan3A_433 = arith.constant 1 : i32
      scf.for %scan3A_435 = %scan3A_430 to %scan3A_432 step %scan3A_433  : i32 {
        %mul3A_436 = arith.constant 16 : i32
        %mul3A_437 = arith.muli %scan3A_435, %mul3A_436 : i32
        %add3A_438 = vector.broadcast %mul3A_437 : i32 to vector<16xi32>
        %add3A_439 = arith.addi %add3A_438, %iota3A : vector<16xi32>
        %broadcast_in_dim3A = arith.constant 0 : i32
        %broadcast_in_dim3A_440 = vector.broadcast %broadcast_in_dim3A : i32 to vector<16xi32>
        %gather3A = tpu.vector_load_idx %arg16[%add3A_439, %broadcast_in_dim3A_440] : memref<640x8xf32, #tpu.memory_space<vmem>>[vector<16xi32>, vector<16xi32>], vector<16xf32>,
        %broadcast_in_dim3A_441 = arith.constant 1 : i32
        %broadcast_in_dim3A_442 = vector.broadcast %broadcast_in_dim3A_441 : i32 to vector<16xi32>
        %gather3A_443 = tpu.vector_load_idx %arg16[%add3A_439, %broadcast_in_dim3A_442] : memref<640x8xf32, #tpu.memory_space<vmem>>[vector<16xi32>, vector<16xi32>], vector<16xf32>,
        %broadcast_in_dim3A_444 = arith.constant 2 : i32
        %broadcast_in_dim3A_445 = vector.broadcast %broadcast_in_dim3A_444 : i32 to vector<16xi32>
        %gather3A_446 = tpu.vector_load_idx %arg16[%add3A_439, %broadcast_in_dim3A_445] : memref<640x8xf32, #tpu.memory_space<vmem>>[vector<16xi32>, vector<16xi32>], vector<16xf32>,
        %broadcast_in_dim3A_447 = arith.constant 3 : i32
        %broadcast_in_dim3A_448 = vector.broadcast %broadcast_in_dim3A_447 : i32 to vector<16xi32>
        %gather3A_449 = tpu.vector_load_idx %arg16[%add3A_439, %broadcast_in_dim3A_448] : memref<640x8xf32, #tpu.memory_space<vmem>>[vector<16xi32>, vector<16xi32>], vector<16xf32>,
        %broadcast_in_dim3A_450 = arith.constant 4 : i32
        %broadcast_in_dim3A_451 = vector.broadcast %broadcast_in_dim3A_450 : i32 to vector<16xi32>
        %gather3A_452 = tpu.vector_load_idx %arg16[%add3A_439, %broadcast_in_dim3A_451] : memref<640x8xf32, #tpu.memory_space<vmem>>[vector<16xi32>, vector<16xi32>], vector<16xf32>,
        %broadcast_in_dim3A_453 = arith.constant 5 : i32
        %broadcast_in_dim3A_454 = vector.broadcast %broadcast_in_dim3A_453 : i32 to vector<16xi32>
        %gather3A_455 = tpu.vector_load_idx %arg16[%add3A_439, %broadcast_in_dim3A_454] : memref<640x8xf32, #tpu.memory_space<vmem>>[vector<16xi32>, vector<16xi32>], vector<16xf32>,
        %broadcast_in_dim3A_456 = arith.constant 6 : i32
        %broadcast_in_dim3A_457 = vector.broadcast %broadcast_in_dim3A_456 : i32 to vector<16xi32>
        %gather3A_458 = tpu.vector_load_idx %arg16[%add3A_439, %broadcast_in_dim3A_457] : memref<640x8xf32, #tpu.memory_space<vmem>>[vector<16xi32>, vector<16xi32>], vector<16xf32>,
        %broadcast_in_dim3A_459 = arith.constant 0 : i32
        %broadcast_in_dim3A_460 = vector.broadcast %broadcast_in_dim3A_459 : i32 to vector<16xi32>
        %gather3A_461 = tpu.vector_load_idx %arg17[%add3A_439, %broadcast_in_dim3A_460] : memref<640x8xf32, #tpu.memory_space<vmem>>[vector<16xi32>, vector<16xi32>], vector<16xf32>,
        %broadcast_in_dim3A_462 = arith.constant 1 : i32
        %broadcast_in_dim3A_463 = vector.broadcast %broadcast_in_dim3A_462 : i32 to vector<16xi32>
        %gather3A_464 = tpu.vector_load_idx %arg17[%add3A_439, %broadcast_in_dim3A_463] : memref<640x8xf32, #tpu.memory_space<vmem>>[vector<16xi32>, vector<16xi32>], vector<16xf32>,
        %broadcast_in_dim3A_465 = arith.constant 2 : i32
        %broadcast_in_dim3A_466 = vector.broadcast %broadcast_in_dim3A_465 : i32 to vector<16xi32>
        %gather3A_467 = tpu.vector_load_idx %arg17[%add3A_439, %broadcast_in_dim3A_466] : memref<640x8xf32, #tpu.memory_space<vmem>>[vector<16xi32>, vector<16xi32>], vector<16xf32>,
        %broadcast_in_dim3A_468 = arith.constant 3 : i32
        %broadcast_in_dim3A_469 = vector.broadcast %broadcast_in_dim3A_468 : i32 to vector<16xi32>
        %gather3A_470 = tpu.vector_load_idx %arg17[%add3A_439, %broadcast_in_dim3A_469] : memref<640x8xf32, #tpu.memory_space<vmem>>[vector<16xi32>, vector<16xi32>], vector<16xf32>,
        %broadcast_in_dim3A_471 = arith.constant 4 : i32
        %broadcast_in_dim3A_472 = vector.broadcast %broadcast_in_dim3A_471 : i32 to vector<16xi32>
        %gather3A_473 = tpu.vector_load_idx %arg17[%add3A_439, %broadcast_in_dim3A_472] : memref<640x8xf32, #tpu.memory_space<vmem>>[vector<16xi32>, vector<16xi32>], vector<16xf32>,
        %broadcast_in_dim3A_474 = arith.constant 5 : i32
        %broadcast_in_dim3A_475 = vector.broadcast %broadcast_in_dim3A_474 : i32 to vector<16xi32>
        %gather3A_476 = tpu.vector_load_idx %arg17[%add3A_439, %broadcast_in_dim3A_475] : memref<640x8xf32, #tpu.memory_space<vmem>>[vector<16xi32>, vector<16xi32>], vector<16xf32>,
        %broadcast_in_dim3A_477 = arith.constant 6 : i32
        %broadcast_in_dim3A_478 = vector.broadcast %broadcast_in_dim3A_477 : i32 to vector<16xi32>
        %gather3A_479 = tpu.vector_load_idx %arg17[%add3A_439, %broadcast_in_dim3A_478] : memref<640x8xf32, #tpu.memory_space<vmem>>[vector<16xi32>, vector<16xi32>], vector<16xf32>,
        %broadcast_in_dim3A_480 = arith.constant 0 : i32
        %broadcast_in_dim3A_481 = vector.broadcast %broadcast_in_dim3A_480 : i32 to vector<16xi32>
        %gather3A_482 = tpu.vector_load_idx %arg18[%add3A_439, %broadcast_in_dim3A_481] : memref<640x8xf32, #tpu.memory_space<vmem>>[vector<16xi32>, vector<16xi32>], vector<16xf32>,
        %broadcast_in_dim3A_483 = arith.constant 1 : i32
        %broadcast_in_dim3A_484 = vector.broadcast %broadcast_in_dim3A_483 : i32 to vector<16xi32>
        %gather3A_485 = tpu.vector_load_idx %arg18[%add3A_439, %broadcast_in_dim3A_484] : memref<640x8xf32, #tpu.memory_space<vmem>>[vector<16xi32>, vector<16xi32>], vector<16xf32>,
        %broadcast_in_dim3A_486 = arith.constant 2 : i32
        %broadcast_in_dim3A_487 = vector.broadcast %broadcast_in_dim3A_486 : i32 to vector<16xi32>
        %gather3A_488 = tpu.vector_load_idx %arg18[%add3A_439, %broadcast_in_dim3A_487] : memref<640x8xf32, #tpu.memory_space<vmem>>[vector<16xi32>, vector<16xi32>], vector<16xf32>,
        %broadcast_in_dim3A_489 = arith.constant 3 : i32
        %broadcast_in_dim3A_490 = vector.broadcast %broadcast_in_dim3A_489 : i32 to vector<16xi32>
        %gather3A_491 = tpu.vector_load_idx %arg18[%add3A_439, %broadcast_in_dim3A_490] : memref<640x8xf32, #tpu.memory_space<vmem>>[vector<16xi32>, vector<16xi32>], vector<16xf32>,
        %broadcast_in_dim3A_492 = arith.constant 4 : i32
        %broadcast_in_dim3A_493 = vector.broadcast %broadcast_in_dim3A_492 : i32 to vector<16xi32>
        %gather3A_494 = tpu.vector_load_idx %arg18[%add3A_439, %broadcast_in_dim3A_493] : memref<640x8xf32, #tpu.memory_space<vmem>>[vector<16xi32>, vector<16xi32>], vector<16xf32>,
        %broadcast_in_dim3A_495 = arith.constant 5 : i32
        %broadcast_in_dim3A_496 = vector.broadcast %broadcast_in_dim3A_495 : i32 to vector<16xi32>
        %gather3A_497 = tpu.vector_load_idx %arg18[%add3A_439, %broadcast_in_dim3A_496] : memref<640x8xf32, #tpu.memory_space<vmem>>[vector<16xi32>, vector<16xi32>], vector<16xf32>,
        %broadcast_in_dim3A_498 = arith.constant 6 : i32
        %broadcast_in_dim3A_499 = vector.broadcast %broadcast_in_dim3A_498 : i32 to vector<16xi32>
        %gather3A_500 = tpu.vector_load_idx %arg18[%add3A_439, %broadcast_in_dim3A_499] : memref<640x8xf32, #tpu.memory_space<vmem>>[vector<16xi32>, vector<16xi32>], vector<16xf32>,
        %sub3A_501 = arith.subf %gather3A_461, %gather3A : vector<16xf32>
        %sub3A_502 = arith.subf %gather3A_464, %gather3A_443 : vector<16xf32>
        %sub3A_503 = arith.subf %gather3A_467, %gather3A_446 : vector<16xf32>
        %sub3A_504 = arith.subf %gather3A_482, %gather3A : vector<16xf32>
        %sub3A_505 = arith.subf %gather3A_485, %gather3A_443 : vector<16xf32>
        %sub3A_506 = arith.subf %gather3A_488, %gather3A_446 : vector<16xf32>
        %mul3A_507 = arith.mulf %sub3A_502, %sub3A_506 : vector<16xf32>
        %mul3A_508 = arith.mulf %sub3A_503, %sub3A_505 : vector<16xf32>
        %sub3A_509 = arith.subf %mul3A_507, %mul3A_508 : vector<16xf32>
        %mul3A_510 = arith.mulf %sub3A_503, %sub3A_504 : vector<16xf32>
        %mul3A_511 = arith.mulf %sub3A_501, %sub3A_506 : vector<16xf32>
        %sub3A_512 = arith.subf %mul3A_510, %mul3A_511 : vector<16xf32>
        %mul3A_513 = arith.mulf %sub3A_501, %sub3A_505 : vector<16xf32>
        %mul3A_514 = arith.mulf %sub3A_502, %sub3A_504 : vector<16xf32>
        %sub3A_515 = arith.subf %mul3A_513, %mul3A_514 : vector<16xf32>
        %mul3A_516 = arith.mulf %sub3A_509, %sub3A_509 : vector<16xf32>
        %mul3A_517 = arith.mulf %sub3A_512, %sub3A_512 : vector<16xf32>
        %add3A_518 = arith.addf %mul3A_516, %mul3A_517 : vector<16xf32>
        %mul3A_519 = arith.mulf %sub3A_515, %sub3A_515 : vector<16xf32>
        %add3A_520 = arith.addf %add3A_518, %mul3A_519 : vector<16xf32>
        %max3A = arith.constant 1.000000e-30 : f32
        %max3A_521 = vector.broadcast %max3A : f32 to vector<16xf32>
        %max3A_522 = arith.maximumf %add3A_520, %max3A_521 : vector<16xf32>
        %bitcast_convert_type3A = tpu.bitcast %max3A_522 : vector<16xf32> -> vector<16xi32>
        %shift_right_arithmetic3A = arith.constant 1 : i32
        %shift_right_arithmetic3A_523 = vector.broadcast %shift_right_arithmetic3A : i32 to vector<16xi32>
        %shift_right_arithmetic3A_524 = arith.shrsi %bitcast_convert_type3A, %shift_right_arithmetic3A_523 : vector<16xi32>
        %sub3A_525 = arith.constant 1597463007 : i32
        %sub3A_526 = vector.broadcast %sub3A_525 : i32 to vector<16xi32>
        %sub3A_527 = arith.subi %sub3A_526, %shift_right_arithmetic3A_524 : vector<16xi32>
        %bitcast_convert_type3A_528 = tpu.bitcast %sub3A_527 : vector<16xi32> -> vector<16xf32>
        %mul3A_529 = arith.constant 5.000000e-01 : f32
        %mul3A_530 = vector.broadcast %mul3A_529 : f32 to vector<16xf32>
        %mul3A_531 = arith.mulf %mul3A_530, %max3A_522 : vector<16xf32>
        %mul3A_532 = arith.mulf %mul3A_531, %bitcast_convert_type3A_528 : vector<16xf32>
        %mul3A_533 = arith.mulf %mul3A_532, %bitcast_convert_type3A_528 : vector<16xf32>
        %sub3A_534 = arith.constant 1.500000e+00 : f32
        %sub3A_535 = vector.broadcast %sub3A_534 : f32 to vector<16xf32>
        %sub3A_536 = arith.subf %sub3A_535, %mul3A_533 : vector<16xf32>
        %mul3A_537 = arith.mulf %bitcast_convert_type3A_528, %sub3A_536 : vector<16xf32>
        %mul3A_538 = arith.constant 5.000000e-01 : f32
        %mul3A_539 = vector.broadcast %mul3A_538 : f32 to vector<16xf32>
        %mul3A_540 = arith.mulf %mul3A_539, %max3A_522 : vector<16xf32>
        %mul3A_541 = arith.mulf %mul3A_540, %mul3A_537 : vector<16xf32>
        %mul3A_542 = arith.mulf %mul3A_541, %mul3A_537 : vector<16xf32>
        %sub3A_543 = arith.constant 1.500000e+00 : f32
        %sub3A_544 = vector.broadcast %sub3A_543 : f32 to vector<16xf32>
        %sub3A_545 = arith.subf %sub3A_544, %mul3A_542 : vector<16xf32>
        %mul3A_546 = arith.mulf %mul3A_537, %sub3A_545 : vector<16xf32>
        %mul3A_547 = arith.constant 5.000000e-01 : f32
        %mul3A_548 = vector.broadcast %mul3A_547 : f32 to vector<16xf32>
        %mul3A_549 = arith.mulf %mul3A_548, %max3A_522 : vector<16xf32>
        %mul3A_550 = arith.mulf %mul3A_549, %mul3A_546 : vector<16xf32>
        %mul3A_551 = arith.mulf %mul3A_550, %mul3A_546 : vector<16xf32>
        %sub3A_552 = arith.constant 1.500000e+00 : f32
        %sub3A_553 = vector.broadcast %sub3A_552 : f32 to vector<16xf32>
        %sub3A_554 = arith.subf %sub3A_553, %mul3A_551 : vector<16xf32>
        %mul3A_555 = arith.mulf %mul3A_546, %sub3A_554 : vector<16xf32>
        %mul3A_556 = arith.mulf %add3A_520, %mul3A_555 : vector<16xf32>
        %add3A_557 = arith.constant 9.99999996E-13 : f32
        %add3A_558 = vector.broadcast %add3A_557 : f32 to vector<16xf32>
        %add3A_559 = arith.addf %mul3A_556, %add3A_558 : vector<16xf32>
        %div3A_560 = arith.constant 1.000000e+00 : f32
        %div3A_561 = vector.broadcast %div3A_560 : f32 to vector<16xf32>
        %div3A_562 = arith.divf %div3A_561, %add3A_559 : vector<16xf32>
        %mul3A_563 = arith.mulf %sub3A_509, %div3A_562 : vector<16xf32>
        %mul3A_564 = arith.mulf %sub3A_512, %div3A_562 : vector<16xf32>
        %mul3A_565 = arith.mulf %sub3A_515, %div3A_562 : vector<16xf32>
        %mul3A_566 = arith.mulf %gather3A, %mul3A_563 : vector<16xf32>
        %mul3A_567 = arith.mulf %gather3A_443, %mul3A_564 : vector<16xf32>
        %add3A_568 = arith.addf %mul3A_566, %mul3A_567 : vector<16xf32>
        %mul3A_569 = arith.mulf %gather3A_446, %mul3A_565 : vector<16xf32>
        %add3A_570 = arith.addf %add3A_568, %mul3A_569 : vector<16xf32>
        %sub3A_571 = arith.subf %gather3A_473, %gather3A_452 : vector<16xf32>
        %sub3A_572 = arith.subf %gather3A_476, %gather3A_455 : vector<16xf32>
        %sub3A_573 = arith.subf %gather3A_479, %gather3A_458 : vector<16xf32>
        %sub3A_574 = arith.subf %gather3A_494, %gather3A_452 : vector<16xf32>
        %sub3A_575 = arith.subf %gather3A_497, %gather3A_455 : vector<16xf32>
        %sub3A_576 = arith.subf %gather3A_500, %gather3A_458 : vector<16xf32>
        %mul3A_577 = arith.mulf %sub3A_572, %sub3A_576 : vector<16xf32>
        %mul3A_578 = arith.mulf %sub3A_573, %sub3A_575 : vector<16xf32>
        %sub3A_579 = arith.subf %mul3A_577, %mul3A_578 : vector<16xf32>
        %mul3A_580 = arith.mulf %sub3A_573, %sub3A_574 : vector<16xf32>
        %mul3A_581 = arith.mulf %sub3A_571, %sub3A_576 : vector<16xf32>
        %sub3A_582 = arith.subf %mul3A_580, %mul3A_581 : vector<16xf32>
        %mul3A_583 = arith.mulf %sub3A_571, %sub3A_575 : vector<16xf32>
        %mul3A_584 = arith.mulf %sub3A_572, %sub3A_574 : vector<16xf32>
        %sub3A_585 = arith.subf %mul3A_583, %mul3A_584 : vector<16xf32>
        %mul3A_586 = arith.mulf %sub3A_579, %sub3A_579 : vector<16xf32>
        %mul3A_587 = arith.mulf %sub3A_582, %sub3A_582 : vector<16xf32>
        %add3A_588 = arith.addf %mul3A_586, %mul3A_587 : vector<16xf32>
        %mul3A_589 = arith.mulf %sub3A_585, %sub3A_585 : vector<16xf32>
        %add3A_590 = arith.addf %add3A_588, %mul3A_589 : vector<16xf32>
        %max3A_591 = arith.constant 1.000000e-30 : f32
        %max3A_592 = vector.broadcast %max3A_591 : f32 to vector<16xf32>
        %max3A_593 = arith.maximumf %add3A_590, %max3A_592 : vector<16xf32>
        %bitcast_convert_type3A_594 = tpu.bitcast %max3A_593 : vector<16xf32> -> vector<16xi32>
        %shift_right_arithmetic3A_595 = arith.constant 1 : i32
        %shift_right_arithmetic3A_596 = vector.broadcast %shift_right_arithmetic3A_595 : i32 to vector<16xi32>
        %shift_right_arithmetic3A_597 = arith.shrsi %bitcast_convert_type3A_594, %shift_right_arithmetic3A_596 : vector<16xi32>
        %sub3A_598 = arith.constant 1597463007 : i32
        %sub3A_599 = vector.broadcast %sub3A_598 : i32 to vector<16xi32>
        %sub3A_600 = arith.subi %sub3A_599, %shift_right_arithmetic3A_597 : vector<16xi32>
        %bitcast_convert_type3A_601 = tpu.bitcast %sub3A_600 : vector<16xi32> -> vector<16xf32>
        %mul3A_602 = arith.constant 5.000000e-01 : f32
        %mul3A_603 = vector.broadcast %mul3A_602 : f32 to vector<16xf32>
        %mul3A_604 = arith.mulf %mul3A_603, %max3A_593 : vector<16xf32>
        %mul3A_605 = arith.mulf %mul3A_604, %bitcast_convert_type3A_601 : vector<16xf32>
        %mul3A_606 = arith.mulf %mul3A_605, %bitcast_convert_type3A_601 : vector<16xf32>
        %sub3A_607 = arith.constant 1.500000e+00 : f32
        %sub3A_608 = vector.broadcast %sub3A_607 : f32 to vector<16xf32>
        %sub3A_609 = arith.subf %sub3A_608, %mul3A_606 : vector<16xf32>
        %mul3A_610 = arith.mulf %bitcast_convert_type3A_601, %sub3A_609 : vector<16xf32>
        %mul3A_611 = arith.constant 5.000000e-01 : f32
        %mul3A_612 = vector.broadcast %mul3A_611 : f32 to vector<16xf32>
        %mul3A_613 = arith.mulf %mul3A_612, %max3A_593 : vector<16xf32>
        %mul3A_614 = arith.mulf %mul3A_613, %mul3A_610 : vector<16xf32>
        %mul3A_615 = arith.mulf %mul3A_614, %mul3A_610 : vector<16xf32>
        %sub3A_616 = arith.constant 1.500000e+00 : f32
        %sub3A_617 = vector.broadcast %sub3A_616 : f32 to vector<16xf32>
        %sub3A_618 = arith.subf %sub3A_617, %mul3A_615 : vector<16xf32>
        %mul3A_619 = arith.mulf %mul3A_610, %sub3A_618 : vector<16xf32>
        %mul3A_620 = arith.constant 5.000000e-01 : f32
        %mul3A_621 = vector.broadcast %mul3A_620 : f32 to vector<16xf32>
        %mul3A_622 = arith.mulf %mul3A_621, %max3A_593 : vector<16xf32>
        %mul3A_623 = arith.mulf %mul3A_622, %mul3A_619 : vector<16xf32>
        %mul3A_624 = arith.mulf %mul3A_623, %mul3A_619 : vector<16xf32>
        %sub3A_625 = arith.constant 1.500000e+00 : f32
        %sub3A_626 = vector.broadcast %sub3A_625 : f32 to vector<16xf32>
        %sub3A_627 = arith.subf %sub3A_626, %mul3A_624 : vector<16xf32>
        %mul3A_628 = arith.mulf %mul3A_619, %sub3A_627 : vector<16xf32>
        %mul3A_629 = arith.mulf %add3A_590, %mul3A_628 : vector<16xf32>
        %add3A_630 = arith.constant 9.99999996E-13 : f32
        %add3A_631 = vector.broadcast %add3A_630 : f32 to vector<16xf32>
        %add3A_632 = arith.addf %mul3A_629, %add3A_631 : vector<16xf32>
        %div3A_633 = arith.constant 1.000000e+00 : f32
        %div3A_634 = vector.broadcast %div3A_633 : f32 to vector<16xf32>
        %div3A_635 = arith.divf %div3A_634, %add3A_632 : vector<16xf32>
        %mul3A_636 = arith.mulf %sub3A_579, %div3A_635 : vector<16xf32>
        %mul3A_637 = arith.mulf %sub3A_582, %div3A_635 : vector<16xf32>
        %mul3A_638 = arith.mulf %sub3A_585, %div3A_635 : vector<16xf32>
        %mul3A_639 = arith.mulf %gather3A_452, %mul3A_636 : vector<16xf32>
        %mul3A_640 = arith.mulf %gather3A_455, %mul3A_637 : vector<16xf32>
        %add3A_641 = arith.addf %mul3A_639, %mul3A_640 : vector<16xf32>
        %mul3A_642 = arith.mulf %gather3A_458, %mul3A_638 : vector<16xf32>
        %add3A_643 = arith.addf %add3A_641, %mul3A_642 : vector<16xf32>
        %eq3A_644 = arith.constant 3.000000e+00 : f32
        %eq3A_645 = vector.broadcast %eq3A_644 : f32 to vector<16xf32>
        %eq3A_646 = arith.cmpf oeq, %gather3A_449, %eq3A_645 : vector<16xf32>
        %eq3A_647 = arith.constant 3.000000e+00 : f32
        %eq3A_648 = vector.broadcast %eq3A_647 : f32 to vector<16xf32>
        %eq3A_649 = arith.cmpf oeq, %gather3A_470, %eq3A_648 : vector<16xf32>
        %or3A = arith.ori %eq3A_646, %eq3A_649 : vector<16xi1>
        %eq3A_650 = arith.constant 3.000000e+00 : f32
        %eq3A_651 = vector.broadcast %eq3A_650 : f32 to vector<16xf32>
        %eq3A_652 = arith.cmpf oeq, %gather3A_491, %eq3A_651 : vector<16xf32>
        %or3A_653 = arith.ori %or3A, %eq3A_652 : vector<16xi1>
        %jit3A_654 = arith.constant 1.000000e+01 : f32
        %jit3A_655 = arith.constant 1.000000e+00 : f32
        %broadcast_in_dim3A_656 = vector.broadcast %jit3A_654 : f32 to vector<16xf32>
        %broadcast_in_dim3A_657 = vector.broadcast %jit3A_655 : f32 to vector<16xf32>
        %select_n3A_658 = arith.select %or3A_653, %broadcast_in_dim3A_656, %broadcast_in_dim3A_657 : vector<16xi1>, vector<16xf32>
        %broadcast_in_dim3A_659 = arith.constant 0 : i32
        %broadcast_in_dim3A_660 = vector.broadcast %broadcast_in_dim3A_659 : i32 to vector<16xi32>
        tpu.vector_store_idx %arg19[%add3A_439, %broadcast_in_dim3A_660], %mul3A_563 : memref<640x16xf32, #tpu.memory_space<vmem>>[vector<16xi32>, vector<16xi32>], vector<16xf32>,
        %broadcast_in_dim3A_661 = arith.constant 1 : i32
        %broadcast_in_dim3A_662 = vector.broadcast %broadcast_in_dim3A_661 : i32 to vector<16xi32>
        tpu.vector_store_idx %arg19[%add3A_439, %broadcast_in_dim3A_662], %mul3A_564 : memref<640x16xf32, #tpu.memory_space<vmem>>[vector<16xi32>, vector<16xi32>], vector<16xf32>,
        %broadcast_in_dim3A_663 = arith.constant 2 : i32
        %broadcast_in_dim3A_664 = vector.broadcast %broadcast_in_dim3A_663 : i32 to vector<16xi32>
        tpu.vector_store_idx %arg19[%add3A_439, %broadcast_in_dim3A_664], %mul3A_565 : memref<640x16xf32, #tpu.memory_space<vmem>>[vector<16xi32>, vector<16xi32>], vector<16xf32>,
        %broadcast_in_dim3A_665 = arith.constant 3 : i32
        %broadcast_in_dim3A_666 = vector.broadcast %broadcast_in_dim3A_665 : i32 to vector<16xi32>
        tpu.vector_store_idx %arg19[%add3A_439, %broadcast_in_dim3A_666], %add3A_570 : memref<640x16xf32, #tpu.memory_space<vmem>>[vector<16xi32>, vector<16xi32>], vector<16xf32>,
        %broadcast_in_dim3A_667 = arith.constant 4 : i32
        %broadcast_in_dim3A_668 = vector.broadcast %broadcast_in_dim3A_667 : i32 to vector<16xi32>
        tpu.vector_store_idx %arg19[%add3A_439, %broadcast_in_dim3A_668], %mul3A_636 : memref<640x16xf32, #tpu.memory_space<vmem>>[vector<16xi32>, vector<16xi32>], vector<16xf32>,
        %broadcast_in_dim3A_669 = arith.constant 5 : i32
        %broadcast_in_dim3A_670 = vector.broadcast %broadcast_in_dim3A_669 : i32 to vector<16xi32>
        tpu.vector_store_idx %arg19[%add3A_439, %broadcast_in_dim3A_670], %mul3A_637 : memref<640x16xf32, #tpu.memory_space<vmem>>[vector<16xi32>, vector<16xi32>], vector<16xf32>,
        %broadcast_in_dim3A_671 = arith.constant 6 : i32
        %broadcast_in_dim3A_672 = vector.broadcast %broadcast_in_dim3A_671 : i32 to vector<16xi32>
        tpu.vector_store_idx %arg19[%add3A_439, %broadcast_in_dim3A_672], %mul3A_638 : memref<640x16xf32, #tpu.memory_space<vmem>>[vector<16xi32>, vector<16xi32>], vector<16xf32>,
        %broadcast_in_dim3A_673 = arith.constant 7 : i32
        %broadcast_in_dim3A_674 = vector.broadcast %broadcast_in_dim3A_673 : i32 to vector<16xi32>
        tpu.vector_store_idx %arg19[%add3A_439, %broadcast_in_dim3A_674], %add3A_643 : memref<640x16xf32, #tpu.memory_space<vmem>>[vector<16xi32>, vector<16xi32>], vector<16xf32>,
        %broadcast_in_dim3A_675 = arith.constant 8 : i32
        %broadcast_in_dim3A_676 = vector.broadcast %broadcast_in_dim3A_675 : i32 to vector<16xi32>
        tpu.vector_store_idx %arg19[%add3A_439, %broadcast_in_dim3A_676], %select_n3A_658 : memref<640x16xf32, #tpu.memory_space<vmem>>[vector<16xi32>, vector<16xi32>], vector<16xf32>,
      }
      %scan3A_434 = arith.constant 40 : i32
      "tpu.region"() ({
        %run_scoped3A = tpu.sem_alloc : memref<!tpu.dma_semaphore, #tpu.memory_space<semaphore_mem>>
        %dma_start3A_435 = arith.constant 0 : i32
        %dma_start3A_436 = tpu.memref_slice %arg6[%add3A_428, %dma_start3A_435] : memref<204800x16xf32, #tpu.memory_space<hbm>> -> memref<640x16xf32, #tpu.memory_space<hbm>>
        %dma_start3A_437 = arith.constant 0 : i32
        %dma_start3A_438 = tpu.memref_slice %arg6[%add3A_428, %dma_start3A_437] : memref<204800x16xf32, #tpu.memory_space<hbm>> -> memref<640x16xf32, #tpu.memory_space<hbm>>
        tpu.enqueue_dma source(%arg19 : memref<640x16xf32, #tpu.memory_space<vmem>>) target(%dma_start3A_438 : memref<640x16xf32, #tpu.memory_space<hbm>>) target_semaphore(%run_scoped3A : memref<!tpu.dma_semaphore, #tpu.memory_space<semaphore_mem>>)
        %dma_wait3A_439 = arith.constant 0 : i32
        %dma_wait3A_440 = tpu.memref_slice %arg6[%add3A_428, %dma_wait3A_439] : memref<204800x16xf32, #tpu.memory_space<hbm>> -> memref<640x16xf32, #tpu.memory_space<hbm>>
        %dma_wait3A_441 = arith.constant 0 : i32
        %dma_wait3A_442 = tpu.memref_slice %arg6[%add3A_428, %dma_wait3A_441] : memref<204800x16xf32, #tpu.memory_space<hbm>> -> memref<640x16xf32, #tpu.memory_space<hbm>>
        tpu.wait_dma2 semaphore(%run_scoped3A : memref<!tpu.dma_semaphore, #tpu.memory_space<semaphore_mem>>) src(%arg19 : memref<640x16xf32, #tpu.memory_space<vmem>>) dst(%dma_wait3A_442 : memref<640x16xf32, #tpu.memory_space<hbm>>)
        tpu.yield
      }) : () -> ()
    }
    %dma_wait3A_108 = arith.constant 0 : i32
    %dma_wait3A_109 = arith.constant 0 : i32
    %dma_wait3A_110 = tpu.memref_slice %arg13[%dma_wait3A_108, %dma_wait3A_109] : memref<640x8xf32, #tpu.memory_space<vmem>> -> memref<320x8xf32, #tpu.memory_space<vmem>>
    %dma_wait3A_111 = arith.constant 0 : i32
    %dma_wait3A_112 = tpu.memref_slice %arg7[%dma_wait3A_111] : memref<640xi32, #tpu.memory_space<vmem>> -> memref<320xi32, #tpu.memory_space<vmem>>
    %dma_wait3A_113 = arith.constant 0 : i32
    %dma_wait3A_114 = arith.constant 0 : i32
    %dma_wait3A_115 = tpu.memref_slice %arg2[%dma_wait3A_113, %dma_wait3A_114] : memref<100000x8xf32, #tpu.memory_space<hbm>> -> memref<100000x8xf32, #tpu.memory_space<hbm>>
    tpu.wait_indirect_dma semaphore(%arg22 : memref<!tpu.dma_semaphore, #tpu.memory_space<semaphore_mem>>) src(%dma_wait3A_115 : memref<100000x8xf32, #tpu.memory_space<hbm>>) dst(%dma_wait3A_110 : memref<320x8xf32, #tpu.memory_space<vmem>>)
    %dma_wait3A_116 = arith.constant 0 : i32
    %dma_wait3A_117 = arith.constant 0 : i32
    %dma_wait3A_118 = tpu.memref_slice %arg14[%dma_wait3A_116, %dma_wait3A_117] : memref<640x8xf32, #tpu.memory_space<vmem>> -> memref<320x8xf32, #tpu.memory_space<vmem>>
    %dma_wait3A_119 = arith.constant 0 : i32
    %dma_wait3A_120 = tpu.memref_slice %arg8[%dma_wait3A_119] : memref<640xi32, #tpu.memory_space<vmem>> -> memref<320xi32, #tpu.memory_space<vmem>>
    %dma_wait3A_121 = arith.constant 0 : i32
    %dma_wait3A_122 = arith.constant 0 : i32
    %dma_wait3A_123 = tpu.memref_slice %arg2[%dma_wait3A_121, %dma_wait3A_122] : memref<100000x8xf32, #tpu.memory_space<hbm>> -> memref<100000x8xf32, #tpu.memory_space<hbm>>
    tpu.wait_indirect_dma semaphore(%arg22 : memref<!tpu.dma_semaphore, #tpu.memory_space<semaphore_mem>>) src(%dma_wait3A_123 : memref<100000x8xf32, #tpu.memory_space<hbm>>) dst(%dma_wait3A_118 : memref<320x8xf32, #tpu.memory_space<vmem>>)
    %dma_wait3A_124 = arith.constant 0 : i32
    %dma_wait3A_125 = arith.constant 0 : i32
    %dma_wait3A_126 = tpu.memref_slice %arg15[%dma_wait3A_124, %dma_wait3A_125] : memref<640x8xf32, #tpu.memory_space<vmem>> -> memref<320x8xf32, #tpu.memory_space<vmem>>
    %dma_wait3A_127 = arith.constant 0 : i32
    %dma_wait3A_128 = tpu.memref_slice %arg9[%dma_wait3A_127] : memref<640xi32, #tpu.memory_space<vmem>> -> memref<320xi32, #tpu.memory_space<vmem>>
    %dma_wait3A_129 = arith.constant 0 : i32
    %dma_wait3A_130 = arith.constant 0 : i32
    %dma_wait3A_131 = tpu.memref_slice %arg2[%dma_wait3A_129, %dma_wait3A_130] : memref<100000x8xf32, #tpu.memory_space<hbm>> -> memref<100000x8xf32, #tpu.memory_space<hbm>>
    tpu.wait_indirect_dma semaphore(%arg22 : memref<!tpu.dma_semaphore, #tpu.memory_space<semaphore_mem>>) src(%dma_wait3A_131 : memref<100000x8xf32, #tpu.memory_space<hbm>>) dst(%dma_wait3A_126 : memref<320x8xf32, #tpu.memory_space<vmem>>)
    %dma_wait3A_132 = arith.constant 320 : i32
    %dma_wait3A_133 = arith.constant 0 : i32
    %dma_wait3A_134 = tpu.memref_slice %arg13[%dma_wait3A_132, %dma_wait3A_133] : memref<640x8xf32, #tpu.memory_space<vmem>> -> memref<320x8xf32, #tpu.memory_space<vmem>>
    %dma_wait3A_135 = arith.constant 320 : i32
    %dma_wait3A_136 = tpu.memref_slice %arg7[%dma_wait3A_135] : memref<640xi32, #tpu.memory_space<vmem>> -> memref<320xi32, #tpu.memory_space<vmem>>
    %dma_wait3A_137 = arith.constant 0 : i32
    %dma_wait3A_138 = arith.constant 0 : i32
    %dma_wait3A_139 = tpu.memref_slice %arg2[%dma_wait3A_137, %dma_wait3A_138] : memref<100000x8xf32, #tpu.memory_space<hbm>> -> memref<100000x8xf32, #tpu.memory_space<hbm>>
    tpu.wait_indirect_dma semaphore(%arg22 : memref<!tpu.dma_semaphore, #tpu.memory_space<semaphore_mem>>) src(%dma_wait3A_139 : memref<100000x8xf32, #tpu.memory_space<hbm>>) dst(%dma_wait3A_134 : memref<320x8xf32, #tpu.memory_space<vmem>>)
    %dma_wait3A_140 = arith.constant 320 : i32
    %dma_wait3A_141 = arith.constant 0 : i32
    %dma_wait3A_142 = tpu.memref_slice %arg14[%dma_wait3A_140, %dma_wait3A_141] : memref<640x8xf32, #tpu.memory_space<vmem>> -> memref<320x8xf32, #tpu.memory_space<vmem>>
    %dma_wait3A_143 = arith.constant 320 : i32
    %dma_wait3A_144 = tpu.memref_slice %arg8[%dma_wait3A_143] : memref<640xi32, #tpu.memory_space<vmem>> -> memref<320xi32, #tpu.memory_space<vmem>>
    %dma_wait3A_145 = arith.constant 0 : i32
    %dma_wait3A_146 = arith.constant 0 : i32
    %dma_wait3A_147 = tpu.memref_slice %arg2[%dma_wait3A_145, %dma_wait3A_146] : memref<100000x8xf32, #tpu.memory_space<hbm>> -> memref<100000x8xf32, #tpu.memory_space<hbm>>
    tpu.wait_indirect_dma semaphore(%arg22 : memref<!tpu.dma_semaphore, #tpu.memory_space<semaphore_mem>>) src(%dma_wait3A_147 : memref<100000x8xf32, #tpu.memory_space<hbm>>) dst(%dma_wait3A_142 : memref<320x8xf32, #tpu.memory_space<vmem>>)
    %dma_wait3A_148 = arith.constant 320 : i32
    %dma_wait3A_149 = arith.constant 0 : i32
    %dma_wait3A_150 = tpu.memref_slice %arg15[%dma_wait3A_148, %dma_wait3A_149] : memref<640x8xf32, #tpu.memory_space<vmem>> -> memref<320x8xf32, #tpu.memory_space<vmem>>
    %dma_wait3A_151 = arith.constant 320 : i32
    %dma_wait3A_152 = tpu.memref_slice %arg9[%dma_wait3A_151] : memref<640xi32, #tpu.memory_space<vmem>> -> memref<320xi32, #tpu.memory_space<vmem>>
    %dma_wait3A_153 = arith.constant 0 : i32
    %dma_wait3A_154 = arith.constant 0 : i32
    %dma_wait3A_155 = tpu.memref_slice %arg2[%dma_wait3A_153, %dma_wait3A_154] : memref<100000x8xf32, #tpu.memory_space<hbm>> -> memref<100000x8xf32, #tpu.memory_space<hbm>>
    tpu.wait_indirect_dma semaphore(%arg22 : memref<!tpu.dma_semaphore, #tpu.memory_space<semaphore_mem>>) src(%dma_wait3A_155 : memref<100000x8xf32, #tpu.memory_space<hbm>>) dst(%dma_wait3A_150 : memref<320x8xf32, #tpu.memory_space<vmem>>)
    %add3A_156 = arith.constant 0 : i32
    %add3A_157 = arith.addi %mul3A_10, %add3A_156 : i32
    %dma_wait3A_158 = tpu.memref_slice %arg3[%add3A_157] : memref<204800xi32, #tpu.memory_space<hbm>> -> memref<640xi32, #tpu.memory_space<hbm>>
    %dma_wait3A_159 = tpu.memref_slice %arg3[%add3A_157] : memref<204800xi32, #tpu.memory_space<hbm>> -> memref<640xi32, #tpu.memory_space<hbm>>
    tpu.wait_dma2 semaphore(%arg21 : memref<!tpu.dma_semaphore, #tpu.memory_space<semaphore_mem>>) src(%dma_wait3A_159 : memref<640xi32, #tpu.memory_space<hbm>>) dst(%arg10 : memref<640xi32, #tpu.memory_space<vmem>>)
    %dma_wait3A_160 = tpu.memref_slice %arg4[%add3A_157] : memref<204800xi32, #tpu.memory_space<hbm>> -> memref<640xi32, #tpu.memory_space<hbm>>
    %dma_wait3A_161 = tpu.memref_slice %arg4[%add3A_157] : memref<204800xi32, #tpu.memory_space<hbm>> -> memref<640xi32, #tpu.memory_space<hbm>>
    tpu.wait_dma2 semaphore(%arg21 : memref<!tpu.dma_semaphore, #tpu.memory_space<semaphore_mem>>) src(%dma_wait3A_161 : memref<640xi32, #tpu.memory_space<hbm>>) dst(%arg11 : memref<640xi32, #tpu.memory_space<vmem>>)
    %dma_wait3A_162 = tpu.memref_slice %arg5[%add3A_157] : memref<204800xi32, #tpu.memory_space<hbm>> -> memref<640xi32, #tpu.memory_space<hbm>>
    %dma_wait3A_163 = tpu.memref_slice %arg5[%add3A_157] : memref<204800xi32, #tpu.memory_space<hbm>> -> memref<640xi32, #tpu.memory_space<hbm>>
    tpu.wait_dma2 semaphore(%arg21 : memref<!tpu.dma_semaphore, #tpu.memory_space<semaphore_mem>>) src(%dma_wait3A_163 : memref<640xi32, #tpu.memory_space<hbm>>) dst(%arg12 : memref<640xi32, #tpu.memory_space<vmem>>)
    return
  }
}

</mosaic_0001>

<sc_bundles>
// kernel: kernel.4.cloned.1.call-start
scs
__scs_entry_jumppad:
0x0: {  	(pc) =	sbr.rel $0x88, $3  }
0x1: {  	(tag) =	ssettag $0x0;
	lr =	simm.s32 $0x1  }
0x2: {  	[smem:$0x3F9A] =	sst lr;
	_ =	strace $0xD0000000  }
0x3: {  	_ = 	snop  }
0x4: {  	_ = 	snop  }
0x5: {  	_ = 	snop  }
0x6: {  	_ = 	snop  }
0x7: {  	_ = 	snop  }
__scs_overlays_trampoline_lowered:
0x8: {  	[smem:$0x3FA9] =	sst s0  }
0x9: {  	[smem:$0x3FAA] =	sst s1  }
0xa: {  	[smem:$0x3FAB] =	sst s2  }
0xb: {  	[smem:$0x3FAC] =	sst s3  }
0xc: {  	[smem:$0x3FAD] =	sst s4  }
0xd: {  	[smem:$0x3FAE] =	sst s5  }
0xe: {  	[smem:$0x3FAF] =	sst s6  }
0xf: {  	[smem:$0x3FB0] =	sst s7  }
0x10: {  	[smem:$0x3FB1] =	sst s8  }
0x11: {  	[smem:$0x3FB2] =	sst s9;
	s0 =	simm.s32 @!p0 $0x0  }
0x12: {  	s1 =	sld [smem:$0x3F98];
	s0 =	simm.s32 @p0 $0x1  }
0x13: {  	[smem:$0x3FB3] =	sst s0;
	s0 =	simm.s32 @!p1 $0x0  }
0x14: {  	s2 =	sld [smem:$0x3F97];
	s0 =	simm.s32 @p1 $0x1  }
0x15: {  	[smem:$0x3FB4] =	sst s0;
	s0 =	simm.s32 @!p2 $0x0  }
0x16: {  	s3 =	sld [smem:$0x3FDB];
	s0 =	simm.s32 @p2 $0x1  }
0x17: {  	s4 =	simm.s32 $0x1BF5;
	[smem:$0x3FB6] =	sst s0  }
0x18: {  	s0 =	sld [smem:$0x3F99];
	_ =	swait.ge [sflag:s4], $0x0  }
0x19: {  	s7 =	sld [smem:$0x3F9A]  }
0x1a: {  	s8 =	sadd.s32 $0xFFFFE003, lr  }
0x1b: {  	s9 =	sadd.s32 $0xFFFFFEF7, lr;
	s5 =	simm.s32 $0xFFFFFFFF;
	p2 =	slt.u32 s8, $0xFFFFF086  }
0x1c: {  	p1 =	slt.u32 s9, $0xF7A;
	s5 =	simm.s32 @!p2 $0x0  }
0x1d: {  	s5 =	simm.s32 @p1 $0x1;
	p0 =	seq.s32 s7, s2  }
0x1e: {  	s7 =	smul.u32 @!p0 $0xF7A, s2;
	p2 =	seq.s32 @!p0 s5, $0x0  }
0x1f: {  	s9 =	smul.u32 $0xF7A, s1;
	s8 =	simm.s32 @!p0 $0x1BF5;
	p2 =	por !p2, p0  }
0x20: {  	[sflag:s8] =	ssyncset.s32 @!p0 $0xFFFFF086;
	s6 =	sadd.s32 @!p0 s3, s7;
	s7 =	simm.s32 @!p0 $0x108  }
0x21: {  	s3 =	sadd.s32 s3, s9;
	s6 =	sadd.s32 @!p0 $0x88, s6;
	s7 =	simm.s32 @p2 $0x1082  }
0x22: {  	[simem:s7], [sflag:s8] =	dma.local @!p0 [hbm:s6], $0xF7A  }
0x23: {  	s9 =	sor.u32 $0xD0000000, s2;
	s6 =	simm.s32 $0x108;
	_ =	swait.ge @!p0 [sflag:s8], $0x0  }
0x24: {  	s3 =	sadd.s32 $0x88, s3;
	s6 =	simm.s32 @!p1 $0x1082;
	[sflag:s4] =	ssyncset.s32 $0xFFFFF086  }
0x25: {  	[simem:s6], [sflag:s4] =	dma.local [hbm:s3], $0xF7A  }
0x26: {  	[smem:$0x3F9A] =	sst s1;
	(tag) =	ssettag s2;
	_ =	strace s9  }
0x27: {  	s1 =	sld [smem:$0x3FAA]  }
0x28: {  	s2 =	sld [smem:$0x3FAB]  }
0x29: {  	s4 =	sld [smem:$0x3FAD]  }
0x2a: {  	p0 =	seq.s32 s5, $0x0;
	s5 =	sld [smem:$0x3FAE]  }
0x2b: {  	s6 =	sld [smem:$0x3FAF]  }
0x2c: {  	s7 =	sld [smem:$0x3FB0]  }
0x2d: {  	s3 =	simm.s32 $0x108;
	s8 =	sld [smem:$0x3FB1]  }
0x2e: {  	s3 =	simm.s32 @!p0 $0x1082;
	s9 =	sld [smem:$0x3FB2]  }
0x2f: {  	lr =	sadd.s32 s0, s3;
	s0 =	sld [smem:$0x3FA9]  }
0x30: {  	s3 =	sld [smem:$0x3FAC]  }
0x31: {  	[smem:$0x3FB5] =	sst s10  }
0x32: {  	s10 =	sld [smem:$0x3FB3];
	_ =	sdelay $0x3  }
0x33: {  	p0 =	seq.s32 s10, $0x1;
	s10 =	sld [smem:$0x3FB5];
	_ =	sdelay $0x3  }
0x34: {  	[smem:$0x3FB5] =	sst s10  }
0x35: {  	s10 =	sld [smem:$0x3FB4];
	_ =	sdelay $0x3  }
0x36: {  	p1 =	seq.s32 s10, $0x1;
	s10 =	sld [smem:$0x3FB5];
	_ =	sdelay $0x3  }
0x37: {  	[smem:$0x3FB5] =	sst s10  }
0x38: {  	s10 =	sld [smem:$0x3FB6]  }
0x39: {  	_ = 	snop;
	(pc) =	sbr.ind lr, $3  }
0x3a: {  	_ = 	snop  }
0x3b: {  	_ = 	snop  }
0x3c: {  	p2 =	seq.s32 s10, $0x1;
	s10 =	sld [smem:$0x3FB5]  }
0x3d: {  	_ =	shalt  }
0x3e: {  	_ =	shalt  }
0x3f: {  	_ =	shalt  }
0x40: {  	_ =	shalt  }
0x41: {  	_ =	shalt  }
0x42: {  	_ =	shalt  }
0x43: {  	_ =	shalt  }
0x44: {  	_ =	shalt  }
0x45: {  	_ =	shalt  }
0x46: {  	_ =	shalt  }
0x47: {  	_ =	shalt  }
0x48: {  	_ =	shalt  }
0x49: {  	_ =	shalt  }
0x4a: {  	_ =	shalt  }
0x4b: {  	_ =	shalt  }
0x4c: {  	_ =	shalt  }
0x4d: {  	_ =	shalt  }
0x4e: {  	_ =	shalt  }
0x4f: {  	_ =	shalt  }
0x50: {  	_ =	shalt  }
0x51: {  	_ =	shalt  }
0x52: {  	_ =	shalt  }
0x53: {  	_ =	shalt  }
0x54: {  	_ =	shalt  }
0x55: {  	_ =	shalt  }
0x56: {  	_ =	shalt  }
0x57: {  	_ =	shalt  }
0x58: {  	_ =	shalt  }
0x59: {  	_ =	shalt  }
0x5a: {  	_ =	shalt  }
0x5b: {  	_ =	shalt  }
0x5c: {  	_ =	shalt  }
0x5d: {  	_ =	shalt  }
0x5e: {  	_ =	shalt  }
0x5f: {  	_ =	shalt  }
0x60: {  	_ =	shalt  }
0x61: {  	_ =	shalt  }
0x62: {  	_ =	shalt  }
0x63: {  	_ =	shalt  }
0x64: {  	_ =	shalt  }
0x65: {  	_ =	shalt  }
0x66: {  	_ =	shalt  }
0x67: {  	_ =	shalt  }
0x68: {  	_ =	shalt  }
0x69: {  	_ =	shalt  }
0x6a: {  	_ =	shalt  }
0x6b: {  	_ =	shalt  }
0x6c: {  	_ =	shalt  }
0x6d: {  	_ =	shalt  }
0x6e: {  	_ =	shalt  }
0x6f: {  	_ =	shalt  }
0x70: {  	_ =	shalt  }
0x71: {  	_ =	shalt  }
0x72: {  	_ =	shalt  }
0x73: {  	_ =	shalt  }
0x74: {  	_ =	shalt  }
0x75: {  	_ =	shalt  }
0x76: {  	_ =	shalt  }
0x77: {  	_ =	shalt  }
0x78: {  	_ =	shalt  }
0x79: {  	_ =	shalt  }
0x7a: {  	_ =	shalt  }
0x7b: {  	_ =	shalt  }
0x7c: {  	_ =	shalt  }
0x7d: {  	_ =	shalt  }
0x7e: {  	_ =	shalt  }
0x7f: {  	_ =	shalt  }
0x80: {  	_ =	shalt  }
0x81: {  	_ =	shalt  }
0x82: {  	_ =	shalt  }
0x83: {  	_ =	shalt  }
0x84: {  	_ =	shalt  }
0x85: {  	_ =	shalt  }
0x86: {  	_ =	shalt  }
0x87: {  	_ =	shalt  }
.Lfunc_end0:
.L_simem_size_0:
called_computation_lowered:
.L_overlay_start_0:
0x88: {  	s2 =	sld [smem:$0x3FD9]  }
0x89: {  	s3 =	sld [smem:$0x3FFE];
	_ =	sdelay $0x1  }
0x8a: {  	s1 =	srdreg.scid  }
0x8b: {  	s0 =	sand.u32 $0x1, s1  }
0x8c: {  	s16 =	sshll.u32 s0, $0xA;
	s2 =	sadd.s32 s3, s2  }
0x8d: {  	s2 =	sadd.s32 s2, s16  }
0x8e: {  	[smem:$0x3FC1] =	sst s2  }
0x8f: {  	_ = 	snop  }
0x90: {  	(tm) =	ssettm $0x1  }
0x91: {  	s17 =	sld [smem:$0x3FFB];
	_ =	sdelay $0x3  }
0x92: {  	_ =	strace s17  }
0x93: {  	s2 =	sld [smem:$0x3FFC];
	_ =	sdelay $0x3  }
0x94: {  	_ =	strace s2  }
0x95: {  	s2 =	sld [smem:$0x3FFD];
	_ =	sdelay $0x3  }
0x96: {  	_ =	strace s2  }
0x97: {  	_ =	strace $0x8FFFFFFF  }
0x98: {  	s18 =	sld [smem:$0x3FDB];
	_ =	sdelay $0x1  }
0x99: {  	s19 =	simm.s32 $_scs_section_size  }
0x9a: {  	s4 =	simm.s32 $_size__tile_overlayer_lowered;
	s5 =	simm.s32 $_tile_overlayer_lowered  }
0x9b: {  	s22 =	simm.s32 $0x1BFF;
	s21 =	sshll.u32 s5, $0x1;
	s2 =	sadd.s32 s19, s18  }
0x9c: {  	s6 =	simm.s32 $0x0;
	s20 =	sshll.u32 s4, $0x1;
	s4 =	sadd.s32 s21, s2  }
0x9d: {  	[timem:s6], [sflag:s22] =	dma.local [hbm:s4], s20  }
0x9e: {  	_ =	swait.ge [sflag:s22], s20  }
0x9f: {  	s3 =	ssub.s32 $0x0, s20;
	[sflag:s22] =	ssyncset.done $0x0  }
0xa0: {  	[sflag:s22] =	ssyncadd.s32 s3;
	_ =	sdelay $0x1  }
0xa1: {  	s23 =	simm.s32 $0x1B8B  }
0xa2: {  	_ =	swait.ge [sflag:s23], $0x1  }
0xa3: {  	[sflag:s23] =	ssyncset.done $0x0  }
0xa4: {  	s25 =	simm.s32 $0x1B8E;
	s24 =	sld [smem:$0x3FFE];
	[sflag:s23] =	ssyncadd.s32 $0xFFFFFFFF  }
0xa5: {  	s26 =	simm.s32 $execute0_lowered;
	[smem:$0x3FD2] =	sst s25  }
0xa6: {  	s4 =	sshll.u32 s26, $0x1;
	_ =	strace $0x80000046;
	[dreg:$0x1] =	wrdreg $0xFFFFFFFF  }
0xa7: {  	s28 =	simm.s32 $_size_execute0_lowered;
	s2 =	sadd.s32 s2, s4;
	[dreg:$0x0] =	wrdreg $0x0  }
0xa8: {  	s4 =	sshll.u32 s28, $0x1;
	[dreg:$0x2] =	wrdreg s2  }
0xa9: {  	[dreg:$0x3] =	wrdreg s4  }
0xaa: {  	[dreg:$0x4] =	wrdreg $0xC0  }
0xab: {  	_ =	task [dreg:s6], $0x5FFFF  }
0xac: {  	[dreg:$0x1] =	wrdreg $0xFFFFFFFF  }
0xad: {  	[dreg:$0x0] =	wrdreg $0x60  }
0xae: {  	[dreg:$0x2] =	wrdreg s24  }
0xaf: {  	[dreg:$0x3] =	wrdreg $0x9  }
0xb0: {  	_ =	task.clear_ibuf [dreg:s6], $0x4FFFF;
	_ =	strace $0x90000046  }
0xb1: {  	s29 =	simm.s32 $0x9;
	_ =	strace $0x80000048  }
0xb2: {  	_ =	swait.ge [sflag:s29], $0x1  }
0xb3: {  	[sflag:s29] =	ssyncadd.s32 $0xFFFFFFFF  }
0xb4: {  	_ =	strace $0x90000048  }
0xb5: {  	_ =	sfence  }
0xb6: {  	s30 =	sld [smem:$0x0];
	_ =	sdelay $0x2  }
0xb7: {  	s31 =	sshll.u32 s1, $0xD;
	s1 =	sshrl.u32 s1, $0x2  }
0xb8: {  	s3 =	sand.u32 $0x4000, s31;
	s1 =	sadd.s32 s1, s30  }
0xb9: {  	s0 =	sor.u32 s3, s0;
	s1 =	sshll.u32 s1, $0x11  }
0xba: {  	s0 =	sor.u32 s1, s0  }
0xbb: {  	s0 =	sadd.s32 $0x8F2B, s0  }
0xbc: {  	[sflag:s0] =	ssyncadd.remote.s32 $0x1  }
0xbd: {  	_ =	sfence.sel $0xFFFF  }
0xbe: {  	[dreg:$0x0] =	wrdreg $0xFFFFFFFF;
	(pc) =	sbr.abs _section_cstart, $3  }
0xbf: {  	[dreg:$0x1] =	wrdreg $0xFFFFFFFF  }
0xc0: {  	_ =	task.clear_ibuf [dreg:s6], $0x2FFFF;
	_ =	strace $0x9FFFFFFF  }
0xc1: {  	(tm) =	ssettm $0x7FFFFFFF  }
tec
execute0_lowered:
.L_overlay_start_1:
0x0: {  	(tag) =	ssettag $0x1  }
0x1: {  	s2 =	rddreg [dreg:$0x0];
	s1 =	stileid.u32  }
0x2: {  	s0 =	srdreg.scid;
	s3 =	simm.s32 $0x0;
	s28 =	simm.s32 $0x2300  }
0x3: {  	s29 =	simm.s32 $0x3700;
	s12 =	simm.s32 $0x2;
	s13 =	simm.s32 $0x4B00  }
0x4: {  	s14 =	simm.s32 $0x5F00;
	s15 =	simm.s32 $0x7300;
	s30 =	simm.s32 $0x5  }
0x5: {  	s31 =	simm.s32 $0x4;
	s1 =	smul.u32 $0xA, s1;
	s0 =	sand.u32 $0x1, s0  }
0x6: {  	[smem:$0x7FF] =	sst s3;
	s4 =	sadd.s32 $0x199600, s2;
	s6 =	sadd.s32 $0xC800, s2  }
0x7: {  	s7 =	sadd.s32 $0x6400, s2;
	p0 =	seq.s32 s0, $0x0;
	s9 =	sadd.s32 $0xA0, s1  }
0x8: {  	s8 =	sadd.s32 $0x12C00, s2;
	s0 =	ssub.s32 $0x2, s0;
	s9 =	smov.u32 @p0 s1  }
0x9: {  	_ =	strace $0x80000047;
	s18 =	sshrl.u32 s0, $0x1;
	s25 =	sadd.s32 $0x2, s9  }
0xa: {  	s0 =	ssub.s32 s0, s18;
	s26 =	sadd.s32 $0x3, s9;
	[dreg:$0x8] =	wrdreg s25  }
0xb: {  	s17 =	smul.u32 $0x280, s9;
	s0 =	smax.u32 s0, $0x1;
	[dreg:$0xa] =	wrdreg s26  }
0xc: {  	s5 =	smov.u32 s2;
	s18 =	simm.s32 $0x8700;
	[dreg:$0x9] =	wrdreg s0  }
0xd: {  	s25 =	simm.s32 $0x140;
	s26 =	simm.s32 $0xF00;
	s11 =	sshrl.u32 s17, $0x3  }
0xe: {  	s10 =	smov.u32 s17;
	s20 =	sadd.s32 $0x280, s17;
	s19 =	sadd.s32 s6, s11  }
0xf: {  	s21 =	sadd.s32 s7, s11;
	s22 =	sadd.s32 s2, s11;
	[dreg:$0x2] =	wrdreg s19  }
0x10: {  	s16 =	smov.u32 s20;
	s1 =	sshrl.u32 s20, $0x3;
	[dreg:$0x3] =	wrdreg s21  }
0x11: {  	s20 =	simm.s32 $0x500;
	[dreg:$0x4] =	wrdreg s22;
	s23 =	sadd.s32 s6, s1  }
0x12: {  	s11 =	simm.s32 $0x3;
	s24 =	sadd.s32 s7, s1;
	[dreg:$0x5] =	wrdreg s23  }
0x13: {  	s1 =	sadd.s32 s2, s1;
	s19 =	simm.s32 $0x280;
	[dreg:$0x6] =	wrdreg s24  }
0x14: {  	s21 =	simm.s32 $0x780;
	s22 =	simm.s32 $0xA00;
	[dreg:$0x7] =	wrdreg s1  }
0x15: {  	v0 =	vlaneseq.u32;
	v1 =	vimm.f32 $1.000000000e+00;
	s23 =	simm.s32 $0xC80;
	s24 =	simm.s32 $0x1;
	s1 =	simm.s32 $0x0  }
.LBB2_1:
0x16: {  	[dreg:$0xb] =	wrdreg s1  }
0x17: {  	s0 =	simm.s32 $0x0;
	s9 =	rddreg [dreg:$0x2]  }
0x18: {  	[tilespmem:s0], [sflag:$0x1] =	stream.linear.gather [hbm4b:s9+s0], $0x280, $0x38;
	[tilespmem:$0xAF00] =	vst v63  }
0x19: {  	s17 =	rddreg [dreg:$0x3]  }
0x1a: {  	[tilespmem:s19], [sflag:$0x1] =	stream.linear.gather [hbm4b:s17+s0], $0x280, $0x38;
	[tilespmem:$0xAF00] =	vst v63  }
0x1b: {  	s2 =	rddreg [dreg:$0x4]  }
0x1c: {  	[tilespmem:s20], [sflag:$0x1] =	stream.linear.gather [hbm4b:s2+s0], $0x280, $0x38;
	[tilespmem:$0xAF00] =	vst v63  }
0x1d: {  	s3 =	rddreg [dreg:$0x5]  }
0x1e: {  	[tilespmem:s21], [sflag:$0x2] =	stream.linear.gather [hbm4b:s3+s0], $0x280, $0x38;
	[tilespmem:$0xAF00] =	vst v63  }
0x1f: {  	s9 =	rddreg [dreg:$0x6]  }
0x20: {  	[tilespmem:s22], [sflag:$0x2] =	stream.linear.gather [hbm4b:s9+s0], $0x280, $0x38;
	[tilespmem:$0xAF00] =	vst v63  }
0x21: {  	s17 =	rddreg [dreg:$0x7]  }
0x22: {  	[tilespmem:s23], [sflag:$0x2] =	stream.linear.gather [hbm4b:s17+s0], $0x280, $0x38;
	[tilespmem:$0xAF00] =	vst v63  }
0x23: {  	_ =	swait.ge [sflag:s24], $0x280  }
0x24: {  	[sflag:s24] =	ssyncset.done $0x0  }
0x25: {  	[sflag:s24] =	ssyncadd.s32 $0xFFFFFD80  }
0x26: {  	_ =	swait.ge [sflag:s24], $0x280  }
0x27: {  	[sflag:s24] =	ssyncset.done $0x0  }
0x28: {  	[sflag:s24] =	ssyncadd.s32 $0xFFFFFD80  }
0x29: {  	_ =	swait.ge [sflag:s24], $0x280  }
0x2a: {  	[sflag:s24] =	ssyncset.done $0x0  }
0x2b: {  	[sflag:s24] =	ssyncadd.s32 $0xFFFFFD80  }
0x2c: {  	[tilespmem:s26], [sflag:$0x3] =	stream.indirect.gather [hbm4b:s4+s25], $0x8, s0, s25, $0xb8;
	[tilespmem:$0xAF00] =	vst v63  }
0x2d: {  	_ = 	snop  }
0x2e: {  	[tilespmem:s28], [sflag:$0x3] =	stream.indirect.gather [hbm4b:s4+s25], $0x8, s19, s25, $0xb8;
	[tilespmem:$0xAF00] =	vst v63  }
0x2f: {  	_ = 	snop  }
0x30: {  	[tilespmem:s29], [sflag:$0x3] =	stream.indirect.gather [hbm4b:s4+s25], $0x8, s20, s25, $0xb8;
	[tilespmem:$0xAF00] =	vst v63  }
0x31: {  	s1 =	simm.s32 $0x1900  }
0x32: {  	[tilespmem:s1], [sflag:$0x3] =	stream.indirect.gather [hbm4b:s4+s25], $0x8, s25, s25, $0xb8;
	[tilespmem:$0xAF00] =	vst v63  }
0x33: {  	s2 =	simm.s32 $0x3C0;
	s3 =	simm.s32 $0x2D00  }
0x34: {  	[tilespmem:s3], [sflag:$0x3] =	stream.indirect.gather [hbm4b:s4+s25], $0x8, s2, s25, $0xb8;
	[tilespmem:$0xAF00] =	vst v63  }
0x35: {  	s9 =	simm.s32 $0x640;
	s17 =	simm.s32 $0x4100;
	s1 =	simm.s32 $0x0  }
0x36: {  	[tilespmem:s17], [sflag:$0x3] =	stream.indirect.gather [hbm4b:s4+s25], $0x8, s9, s25, $0xb8;
	[tilespmem:$0xAF00] =	vst v63  }
.LBB2_2:
0x37: {  	_ =	swait.ge [sflag:s11], $0xA00  }
0x38: {  	[sflag:s11] =	ssyncset.done $0x0  }
0x39: {  	[sflag:s11] =	ssyncadd.s32 $0xFFFFF600  }
0x3a: {  	_ =	swait.ge [sflag:s11], $0xA00  }
0x3b: {  	[sflag:s11] =	ssyncset.done $0x0  }
0x3c: {  	[sflag:s11] =	ssyncadd.s32 $0xFFFFF600  }
0x3d: {  	_ =	swait.ge [sflag:s11], $0xA00  }
0x3e: {  	[sflag:s11] =	ssyncset.done $0x0  }
0x3f: {  	[sflag:s11] =	ssyncadd.s32 $0xFFFFF600  }
0x40: {  	_ =	swait.ge [sflag:s11], $0xA00  }
0x41: {  	[sflag:s11] =	ssyncset.done $0x0  }
0x42: {  	[sflag:s11] =	ssyncadd.s32 $0xFFFFF600  }
0x43: {  	_ =	swait.ge [sflag:s11], $0xA00  }
0x44: {  	[sflag:s11] =	ssyncset.done $0x0  }
0x45: {  	[sflag:s11] =	ssyncadd.s32 $0xFFFFF600  }
0x46: {  	_ =	swait.ge [sflag:s11], $0xA00  }
0x47: {  	[sflag:s11] =	ssyncset.done $0x0  }
0x48: {  	[sflag:s11] =	ssyncadd.s32 $0xFFFFF600  }
0x49: {  	_ =	swait.ge [sflag:s12], $0x280  }
0x4a: {  	[sflag:s12] =	ssyncset.done $0x0  }
0x4b: {  	[sflag:s12] =	ssyncadd.s32 $0xFFFFFD80  }
0x4c: {  	_ =	swait.ge [sflag:s12], $0x280  }
0x4d: {  	[sflag:s12] =	ssyncset.done $0x0  }
0x4e: {  	[sflag:s12] =	ssyncadd.s32 $0xFFFFFD80  }
0x4f: {  	_ =	swait.ge [sflag:s12], $0x280  }
0x50: {  	[sflag:s12] =	ssyncset.done $0x0  }
0x51: {  	[sflag:s12] =	ssyncadd.s32 $0xFFFFFD80  }
0x52: {  	[tilespmem:s13], [sflag:$0x4] =	stream.indirect.gather [hbm4b:s4+s25], $0x8, s21, s25, $0xb8;
	[tilespmem:$0xAF00] =	vst v63  }
0x53: {  	_ = 	snop  }
0x54: {  	[tilespmem:s14], [sflag:$0x4] =	stream.indirect.gather [hbm4b:s4+s25], $0x8, s22, s25, $0xb8;
	[tilespmem:$0xAF00] =	vst v63  }
0x55: {  	_ = 	snop  }
0x56: {  	[tilespmem:s15], [sflag:$0x4] =	stream.indirect.gather [hbm4b:s4+s25], $0x8, s23, s25, $0xb8;
	[tilespmem:$0xAF00] =	vst v63  }
0x57: {  	s0 =	simm.s32 $0x8C0;
	s2 =	simm.s32 $0x5500  }
0x58: {  	[tilespmem:s2], [sflag:$0x4] =	stream.indirect.gather [hbm4b:s4+s25], $0x8, s0, s25, $0xb8;
	[tilespmem:$0xAF00] =	vst v63  }
0x59: {  	s9 =	sshll.u32 s1, $0x1;
	s3 =	simm.s32 $0xB40;
	s17 =	simm.s32 $0x6900  }
0x5a: {  	[tilespmem:s17], [sflag:$0x4] =	stream.indirect.gather [hbm4b:s4+s25], $0x8, s3, s25, $0xb8;
	[tilespmem:$0xAF00] =	vst v63  }
0x5b: {  	s2 =	smin.u32 s9, $0x7;
	s3 =	rddreg [dreg:$0x8]  }
0x5c: {  	s17 =	simm.s32 $0x7D00;
	s0 =	sadd.s32 s2, s3  }
0x5d: {  	s3 =	simm.s32 $0x0;
	s2 =	simm.s32 $0xDC0;
	s0 =	smul.u32 $0x50, s0  }
0x5e: {  	[tilespmem:s17], [sflag:$0x4] =	stream.indirect.gather [hbm4b:s4+s25], $0x8, s2, s25, $0xb8;
	v2 =	vor.u32 s3, v0;
	[tilespmem:$0xAF00] =	vst v63  }
0x5f: {  	v3 =	vshll.u32 v2, $0x3;
	s17 =	sadd.s32 s6, s0  }
0x60: {  	v7 =	vor.u32 $0x2, v3;
	[tilespmem:s3], [sflag:$0x1] =	stream.linear.gather [hbm4b:s17+s3], $0x280, $0x38;
	[tilespmem:$0xAF00] =	vst v63  }
0x61: {  	v4 =	vor.u32 $0x1, v3;
	s17 =	sadd.s32 s7, s0  }
0x62: {  	[tilespmem:s19], [sflag:$0x1] =	stream.linear.gather [hbm4b:s17+s3], $0x280, $0x38;
	[tilespmem:$0xAF00] =	vst v63  }
0x63: {  	s0 =	sadd.s32 s5, s0  }
0x64: {  	v10 =	vor.u32 $0x5, v3;
	[tilespmem:s20], [sflag:$0x1] =	stream.linear.gather [hbm4b:s0+s3], $0x280, $0x38;
	[tilespmem:$0xAF00] =	vst v63  }
0x65: {  	v5 =	vor.u32 $0x6, v3;
	v11 =	vld.idx.msk [tilespmem:v7+s28+$0x0], $0xffff  }
0x66: {  	v12 =	vld.idx.msk [tilespmem:v4+s28+$0x0], $0xffff  }
0x67: {  	v6 =	vld.idx.msk [tilespmem:v4+s26+$0x0], $0xffff  }
0x68: {  	v13 =	vld.idx.msk [tilespmem:v7+s29+$0x0], $0xffff  }
0x69: {  	v14 =	vld.idx.msk [tilespmem:v10+s28+$0x0], $0xffff  }
0x6a: {  	v15 =	vld.idx.msk [tilespmem:v5+s29+$0x0], $0xffff  }
0x6b: {  	v16 =	vld.idx.msk [tilespmem:v4+s29+$0x0], $0xffff  }
0x6c: {  	v17 =	vld.idx.msk [tilespmem:v5+s28+$0x0], $0xffff  }
0x6d: {  	v18 =	vld.idx.msk [tilespmem:v3+s29+$0x0], $0xffff  }
0x6e: {  	v19 =	vor.u32 $0x4, v3;
	v4 =	vld.idx.msk [tilespmem:v5+s26+$0x0], $0xffff  }
0x6f: {  	v5 =	vld.idx.msk [tilespmem:v10+s26+$0x0], $0xffff  }
0x70: {  	v8 =	vld.idx.msk [tilespmem:v7+s26+$0x0], $0xffff  }
0x71: {  	v9 =	vld.idx.msk [tilespmem:v3+s26+$0x0], $0xffff  }
0x72: {  	v20 =	vld.idx.msk [tilespmem:v3+s28+$0x0], $0xffff  }
0x73: {  	v21 =	vld.idx.msk [tilespmem:v19+s29+$0x0], $0xffff  }
0x74: {  	v10 =	vld.idx.msk [tilespmem:v10+s29+$0x0], $0xffff;
	v16 =	vsub.f32 v16, v6;
	v12 =	vsub.f32 v12, v6  }
0x75: {  	v7 =	vld.idx.msk [tilespmem:v19+s26+$0x0], $0xffff;
	v22 =	vsub.f32 v14, v5;
	v11 =	vsub.f32 v11, v8  }
0x76: {  	v14 =	vld.idx.msk [tilespmem:v19+s28+$0x0], $0xffff;
	v18 =	vsub.f32 v18, v9;
	v15 =	vsub.f32 v15, v4  }
0x77: {  	v13 =	vsub.f32 v13, v8;
	v19 =	vsub.f32 v20, v9  }
0x78: {  	v17 =	vsub.f32 v17, v4;
	v20 =	vmul.f32 v16, v11;
	v23 =	vmul.f32 v18, v12  }
0x79: {  	v10 =	vsub.f32 v10, v5;
	v24 =	vmul.f32 v15, v22;
	v12 =	vmul.f32 v13, v12  }
0x7a: {  	v11 =	vmul.f32 v18, v11;
	v13 =	vmul.f32 v13, v19;
	v18 =	vsub.f32 v21, v7  }
0x7b: {  	v16 =	vmul.f32 v16, v19;
	v12 =	vsub.f32 v12, v20;
	v19 =	vsub.f32 v14, v7  }
0x7c: {  	v14 =	vsub.f32 v11, v13;
	v11 =	vmul.f32 v10, v17;
	v13 =	vmul.f32 v18, v17  }
0x7d: {  	v18 =	vmul.f32 v18, v22;
	v17 =	vmul.f32 v15, v19  }
0x7e: {  	v15 =	vsub.f32 v16, v23;
	v16 =	vmul.f32 v12, v12;
	v20 =	vmul.f32 v14, v14  }
0x7f: {  	v11 =	vsub.f32 v24, v11;
	v10 =	vmul.f32 v10, v19;
	v13 =	vsub.f32 v13, v17  }
0x80: {  	v16 =	vadd.f32 v20, v16;
	v17 =	vmul.f32 v15, v15  }
0x81: {  	v10 =	vsub.f32 v10, v18;
	v18 =	vmul.f32 v11, v11;
	v19 =	vmul.f32 v13, v13  }
0x82: {  	v16 =	vadd.f32 v16, v17  }
0x83: {  	v17 =	vadd.f32 v19, v18;
	v19 =	vmul.f32 v10, v10  }
0x84: {  	v18 =	vmax.f32 v16, $1.000000000e-30  }
0x85: {  	v20 =	vshra.s32 v18, $0x1;
	v18 =	vmul.f32 $5.000000000e-01, v18;
	v17 =	vadd.f32 v17, v19  }
0x86: {  	v20 =	vsub.s32 $0x5F3759DF, v20  }
0x87: {  	v21 =	vmul.f32 v20, v18;
	v19 =	vmax.f32 v17, $1.000000000e-30  }
0x88: {  	v22 =	vshra.s32 v19, $0x1;
	v19 =	vmul.f32 $5.000000000e-01, v19  }
0x89: {  	v21 =	vmul.f32 v20, v21;
	v22 =	vsub.s32 $0x5F3759DF, v22  }
0x8a: {  	v23 =	vmul.f32 v22, v19  }
0x8b: {  	v21 =	vsub.f32 $1.500000000e+00, v21  }
0x8c: {  	v23 =	vmul.f32 v22, v23  }
0x8d: {  	v21 =	vmul.f32 v20, v21  }
0x8e: {  	v20 =	vsub.f32 $1.500000000e+00, v23  }
0x8f: {  	v23 =	vmul.f32 v21, v18  }
0x90: {  	v20 =	vmul.f32 v22, v20  }
0x91: {  	v22 =	vmul.f32 v23, v21  }
0x92: {  	v23 =	vmul.f32 v20, v19  }
0x93: {  	s0 =	simm.s32 $0x10;
	v22 =	vsub.f32 $1.500000000e+00, v22  }
.LBB2_3:
0x94: {  	p0 =	sne.s32 s0, $0x270;
	v23 =	vmul.f32 v23, v20;
	s2 =	smov.u32 s0;
	s0 =	sadd.s32 $0x10, s0  }
0x95: {  	v21 =	vmul.f32 v22, v21  }
0x96: {  	v22 =	vsub.f32 $1.500000000e+00, v23  }
0x97: {  	v18 =	vmul.f32 v21, v18  }
0x98: {  	v20 =	vmul.f32 v22, v20  }
0x99: {  	v18 =	vmul.f32 v18, v21  }
0x9a: {  	v19 =	vmul.f32 v20, v19  }
0x9b: {  	v18 =	vsub.f32 $1.500000000e+00, v18  }
0x9c: {  	v22 =	vor.u32 s2, v0;
	v19 =	vmul.f32 v19, v20  }
0x9d: {  	v23 =	vshll.u32 v22, $0x3;
	v18 =	vmul.f32 v18, v21  }
0x9e: {  	v24 =	vor.u32 $0x2, v23;
	v21 =	vor.u32 $0x1, v23;
	v19 =	vsub.f32 $1.500000000e+00, v19  }
0x9f: {  	v25 =	vor.u32 $0x5, v23;
	v26 =	vor.u32 $0x6, v23;
	v16 =	vmul.f32 v18, v16  }
0xa0: {  	v18 =	vor.u32 $0x4, v23;
	v19 =	vmul.f32 v19, v20  }
0xa1: {  	v16 =	vadd.f32 $9.999999960e-13, v16  }
0xa2: {  	v17 =	vmul.f32 v19, v17  }
0xa3: {  	(erf) = vrcp.f32 v16  }
0xa4: {  	v16 =	vadd.f32 $9.999999960e-13, v17;
	_ =	sdelay $0x1  }
0xa5: {  	(erf) = vrcp.f32 v16  }
0xa6: {  	v16 =	vor.u32 $0x3, v3;
	v3 =	vmov v23;
	_ =	sdelay $0x2  }
0xa7: {  	v17 =	vshll.u32 v2, $0x4;
	v2 =	vmov v22  }
0xa8: {  	v19 =	vor.u32 $0x1, v17  }
0xa9: {  	v22 =	vor.u32 $0x2, v17;
	v20 =	vld.idx.msk [tilespmem:v16+s29+$0x0], $0xffff;
	v23 =	vpop (erf)  }
0xaa: {  	v27 =	vld.idx.msk [tilespmem:v16+s28+$0x0], $0xffff;
	v12 =	vmul.f32 v23, v12;
	v14 =	vmul.f32 v23, v14  }
0xab: {  	v15 =	vmul.f32 v23, v15;
	v23 =	vor.u32 $0x8, v17;
	v16 =	vld.idx.msk [tilespmem:v16+s26+$0x0], $0xffff  }
0xac: {  	v9 =	vmul.f32 v12, v9;
	v6 =	vmul.f32 v14, v6;
	[tilespmem:v17+s18+$0x0] =	vst.idx.msk $0xffff, v12;
	v12 =	vor.u32 $0x7, v17;
	v28 =	vpop (erf)  }
0xad: {  	v8 =	vmul.f32 v15, v8;
	v13 =	vmul.f32 v28, v13;
	[tilespmem:v19+s18+$0x0] =	vst.idx.msk $0xffff, v14;
	v14 =	vor.u32 $0x3, v17  }
0xae: {  	v6 =	vadd.f32 v6, v9;
	v9 =	vmul.f32 v28, v11;
	[tilespmem:v22+s18+$0x0] =	vst.idx.msk $0xffff, v15;
	v11 =	vor.u32 $0x4, v17  }
0xaf: {  	v15 =	vor.u32 $0x5, v17;
	v17 =	vor.u32 $0x6, v17;
	v5 =	vmul.f32 v13, v5  }
0xb0: {  	v6 =	vadd.f32 v6, v8;
	v8 =	vmul.f32 v28, v10;
	v7 =	vmul.f32 v9, v7  }
0xb1: {  	vm2 =	veq.f32 v20, $3.000000000e+00;
	vm1 =	veq.f32 v27, $3.000000000e+00;
	vm0 =	veq.f32 v16, $3.000000000e+00  }
0xb2: {  	vm0 =	vmor vm0, vm1;
	v5 =	vadd.f32 v5, v7;
	v4 =	vmul.f32 v8, v4;
	[tilespmem:v14+s18+$0x0] =	vst.idx.msk $0xffff, v6  }
0xb3: {  	vm0 =	vmor vm0, vm2;
	[tilespmem:v11+s18+$0x0] =	vst.idx.msk $0xffff, v9  }
0xb4: {  	v4 =	vadd.f32 v5, v4;
	[tilespmem:v15+s18+$0x0] =	vst.idx.msk $0xffff, v13  }
0xb5: {  	[tilespmem:v17+s18+$0x0] =	vst.idx.msk $0xffff, v8  }
0xb6: {  	v5 =	vsel vm0, $0x41200000, v1;
	[tilespmem:v12+s18+$0x0] =	vst.idx.msk $0xffff, v4  }
0xb7: {  	[tilespmem:v23+s18+$0x0] =	vst.idx.msk $0xffff, v5  }
0xb8: {  	v10 =	vld.idx.msk [tilespmem:v24+s28+$0x0], $0xffff  }
0xb9: {  	v11 =	vld.idx.msk [tilespmem:v21+s28+$0x0], $0xffff  }
0xba: {  	v6 =	vld.idx.msk [tilespmem:v21+s26+$0x0], $0xffff  }
0xbb: {  	v12 =	vld.idx.msk [tilespmem:v24+s29+$0x0], $0xffff  }
0xbc: {  	v13 =	vld.idx.msk [tilespmem:v25+s28+$0x0], $0xffff  }
0xbd: {  	v14 =	vld.idx.msk [tilespmem:v26+s29+$0x0], $0xffff  }
0xbe: {  	v15 =	vld.idx.msk [tilespmem:v21+s29+$0x0], $0xffff  }
0xbf: {  	v16 =	vld.idx.msk [tilespmem:v26+s28+$0x0], $0xffff  }
0xc0: {  	v17 =	vld.idx.msk [tilespmem:v3+s29+$0x0], $0xffff  }
0xc1: {  	v4 =	vld.idx.msk [tilespmem:v26+s26+$0x0], $0xffff  }
0xc2: {  	v5 =	vld.idx.msk [tilespmem:v25+s26+$0x0], $0xffff  }
0xc3: {  	v8 =	vld.idx.msk [tilespmem:v24+s26+$0x0], $0xffff  }
0xc4: {  	v9 =	vld.idx.msk [tilespmem:v3+s26+$0x0], $0xffff  }
0xc5: {  	v19 =	vld.idx.msk [tilespmem:v3+s28+$0x0], $0xffff  }
0xc6: {  	v20 =	vld.idx.msk [tilespmem:v18+s29+$0x0], $0xffff  }
0xc7: {  	v15 =	vsub.f32 v15, v6;
	v7 =	vld.idx.msk [tilespmem:v18+s26+$0x0], $0xffff  }
0xc8: {  	v11 =	vsub.f32 v11, v6;
	v13 =	vsub.f32 v13, v5;
	v21 =	vld.idx.msk [tilespmem:v25+s29+$0x0], $0xffff  }
0xc9: {  	v16 =	vsub.f32 v16, v4;
	v10 =	vsub.f32 v10, v8;
	v18 =	vld.idx.msk [tilespmem:v18+s28+$0x0], $0xffff  }
0xca: {  	v22 =	vsub.f32 v14, v4;
	v17 =	vsub.f32 v17, v9  }
0xcb: {  	v12 =	vsub.f32 v12, v8;
	v14 =	vsub.f32 v19, v9;
	v19 =	vmul.f32 v15, v10  }
0xcc: {  	v24 =	vmul.f32 v22, v13;
	v23 =	vmul.f32 v17, v11  }
0xcd: {  	v11 =	vmul.f32 v12, v11;
	v15 =	vmul.f32 v15, v14;
	v20 =	vsub.f32 v20, v7  }
0xce: {  	v10 =	vmul.f32 v17, v10;
	v14 =	vmul.f32 v12, v14;
	v17 =	vsub.f32 v21, v5  }
0xcf: {  	v12 =	vsub.f32 v11, v19;
	v18 =	vsub.f32 v18, v7;
	v19 =	vmul.f32 v20, v13  }
0xd0: {  	v14 =	vsub.f32 v10, v14;
	v15 =	vsub.f32 v15, v23;
	v10 =	vmul.f32 v17, v16  }
0xd1: {  	v13 =	vmul.f32 v20, v16;
	v16 =	vmul.f32 v22, v18  }
0xd2: {  	v20 =	vmul.f32 v12, v12;
	v21 =	vmul.f32 v14, v14  }
0xd3: {  	v11 =	vsub.f32 v24, v10;
	v10 =	vmul.f32 v17, v18;
	v13 =	vsub.f32 v13, v16  }
0xd4: {  	v17 =	vmul.f32 v15, v15;
	v16 =	vadd.f32 v21, v20  }
0xd5: {  	v10 =	vsub.f32 v10, v19;
	v18 =	vmul.f32 v11, v11;
	v19 =	vmul.f32 v13, v13  }
0xd6: {  	v16 =	vadd.f32 v16, v17  }
0xd7: {  	v17 =	vadd.f32 v19, v18;
	v19 =	vmul.f32 v10, v10  }
0xd8: {  	v18 =	vmax.f32 v16, $1.000000000e-30  }
0xd9: {  	v20 =	vshra.s32 v18, $0x1;
	v18 =	vmul.f32 $5.000000000e-01, v18;
	v17 =	vadd.f32 v17, v19  }
0xda: {  	v20 =	vsub.s32 $0x5F3759DF, v20  }
0xdb: {  	v21 =	vmul.f32 v20, v18;
	v19 =	vmax.f32 v17, $1.000000000e-30  }
0xdc: {  	v22 =	vshra.s32 v19, $0x1;
	v19 =	vmul.f32 $5.000000000e-01, v19  }
0xdd: {  	v21 =	vmul.f32 v20, v21;
	v22 =	vsub.s32 $0x5F3759DF, v22  }
0xde: {  	v23 =	vmul.f32 v22, v19  }
0xdf: {  	v21 =	vsub.f32 $1.500000000e+00, v21  }
0xe0: {  	v23 =	vmul.f32 v22, v23  }
0xe1: {  	v21 =	vmul.f32 v20, v21  }
0xe2: {  	v20 =	vsub.f32 $1.500000000e+00, v23  }
.Ltmp0:
0xe3: {  	v23 =	vmul.f32 v21, v18;
	(pc) =	sbr.rel @p0 .LBB2_3-.Ltmp0, $4  }
0xe4: {  	v20 =	vmul.f32 v22, v20  }
0xe5: {  	v22 =	vmul.f32 v23, v21  }
0xe6: {  	v23 =	vmul.f32 v20, v19  }
0xe7: {  	v22 =	vsub.f32 $1.500000000e+00, v22  }
0xe8: {  	v23 =	vmul.f32 v23, v20  }
0xe9: {  	v21 =	vmul.f32 v22, v21  }
0xea: {  	v22 =	vsub.f32 $1.500000000e+00, v23  }
0xeb: {  	v18 =	vmul.f32 v21, v18  }
0xec: {  	v20 =	vmul.f32 v22, v20  }
0xed: {  	v18 =	vmul.f32 v18, v21  }
0xee: {  	v19 =	vmul.f32 v20, v19  }
0xef: {  	v18 =	vsub.f32 $1.500000000e+00, v18  }
0xf0: {  	v19 =	vmul.f32 v19, v20  }
0xf1: {  	v18 =	vmul.f32 v18, v21  }
0xf2: {  	v19 =	vsub.f32 $1.500000000e+00, v19  }
0xf3: {  	v16 =	vmul.f32 v18, v16  }
0xf4: {  	v18 =	vmul.f32 v19, v20  }
0xf5: {  	v16 =	vadd.f32 $9.999999960e-13, v16  }
0xf6: {  	v17 =	vmul.f32 v18, v17  }
0xf7: {  	(erf) = vrcp.f32 v16  }
0xf8: {  	v16 =	vadd.f32 $9.999999960e-13, v17;
	_ =	sdelay $0x1  }
0xf9: {  	(erf) = vrcp.f32 v16;
	_ =	sdelay $0x2  }
0xfa: {  	v3 =	vor.u32 $0x3, v3;
	_ =	sdelay $0x2  }
0xfb: {  	v2 =	vshll.u32 v2, $0x4;
	v16 =	vpop (erf)  }
0xfc: {  	v17 =	vor.u32 $0x1, v2;
	v12 =	vmul.f32 v16, v12;
	v14 =	vmul.f32 v16, v14  }
0xfd: {  	v19 =	vld.idx.msk [tilespmem:v3+s28+$0x0], $0xffff;
	v15 =	vmul.f32 v16, v15  }
0xfe: {  	v18 =	vld.idx.msk [tilespmem:v3+s29+$0x0], $0xffff;
	v16 =	vor.u32 $0x2, v2;
	v9 =	vmul.f32 v12, v9;
	v6 =	vmul.f32 v14, v6;
	v20 =	vpop (erf)  }
0xff: {  	v21 =	vor.u32 $0x3, v2;
	v3 =	vld.idx.msk [tilespmem:v3+s26+$0x0], $0xffff;
	v8 =	vmul.f32 v15, v8;
	v13 =	vmul.f32 v20, v13  }
0x100: {  	[tilespmem:v2+s18+$0x0] =	vst.idx.msk $0xffff, v12;
	v6 =	vadd.f32 v6, v9;
	v9 =	vmul.f32 v20, v11;
	v11 =	vor.u32 $0x4, v2  }
0x101: {  	v12 =	vor.u32 $0x5, v2;
	[tilespmem:v17+s18+$0x0] =	vst.idx.msk $0xffff, v14;
	v14 =	vor.u32 $0x6, v2;
	v5 =	vmul.f32 v13, v5  }
0x102: {  	v6 =	vadd.f32 v6, v8;
	v8 =	vmul.f32 v20, v10;
	v7 =	vmul.f32 v9, v7  }
0x103: {  	[tilespmem:v16+s18+$0x0] =	vst.idx.msk $0xffff, v15;
	v10 =	vor.u32 $0x7, v2  }
0x104: {  	v2 =	vor.u32 $0x8, v2;
	v5 =	vadd.f32 v5, v7;
	v4 =	vmul.f32 v8, v4;
	[tilespmem:v21+s18+$0x0] =	vst.idx.msk $0xffff, v6  }
0x105: {  	s0 =	smul.u32 $0x500, s1;
	vm1 =	veq.f32 v19, $3.000000000e+00;
	vm0 =	veq.f32 v3, $3.000000000e+00;
	[tilespmem:v11+s18+$0x0] =	vst.idx.msk $0xffff, v9  }
0x106: {  	vm2 =	veq.f32 v18, $3.000000000e+00;
	vm0 =	vmor vm0, vm1;
	v3 =	vadd.f32 v5, v4;
	[tilespmem:v12+s18+$0x0] =	vst.idx.msk $0xffff, v13  }
0x107: {  	s2 =	sadd.s32 s10, s0;
	vm0 =	vmor vm0, vm2;
	[tilespmem:v14+s18+$0x0] =	vst.idx.msk $0xffff, v8  }
0x108: {  	s2 =	sshll.u32 s2, $0x1;
	v4 =	vsel vm0, $0x41200000, v1;
	[tilespmem:v10+s18+$0x0] =	vst.idx.msk $0xffff, v3  }
0x109: {  	s3 =	simm.s32 $0x0;
	s2 =	sadd.s32 s8, s2;
	[tilespmem:v2+s18+$0x0] =	vst.idx.msk $0xffff, v4  }
0x10a: {  	[hbm4b:s2+s3] =	stream.linear.scatter [tilespmem:s18], [sflag:$0x5], $0x2800, $0x38;
	[tilespmem:$0xAF00] =	vst v63  }
0x10b: {  	_ =	swait.ge [sflag:s30], $0x2800  }
0x10c: {  	[sflag:s30] =	ssyncset.done $0x0  }
0x10d: {  	[sflag:s30] =	ssyncadd.s32 $0xFFFFD800  }
0x10e: {  	_ =	swait.ge [sflag:s31], $0xA00  }
0x10f: {  	[sflag:s31] =	ssyncset.done $0x0  }
0x110: {  	[sflag:s31] =	ssyncadd.s32 $0xFFFFF600  }
0x111: {  	_ =	swait.ge [sflag:s31], $0xA00  }
0x112: {  	[sflag:s31] =	ssyncset.done $0x0  }
0x113: {  	[sflag:s31] =	ssyncadd.s32 $0xFFFFF600  }
0x114: {  	_ =	swait.ge [sflag:s31], $0xA00  }
0x115: {  	[sflag:s31] =	ssyncset.done $0x0  }
0x116: {  	[sflag:s31] =	ssyncadd.s32 $0xFFFFF600  }
0x117: {  	_ =	swait.ge [sflag:s31], $0xA00  }
0x118: {  	[sflag:s31] =	ssyncset.done $0x0  }
0x119: {  	[sflag:s31] =	ssyncadd.s32 $0xFFFFF600  }
0x11a: {  	_ =	swait.ge [sflag:s31], $0xA00  }
0x11b: {  	[sflag:s31] =	ssyncset.done $0x0  }
0x11c: {  	[sflag:s31] =	ssyncadd.s32 $0xFFFFF600  }
0x11d: {  	_ =	swait.ge [sflag:s31], $0xA00  }
0x11e: {  	[sflag:s31] =	ssyncset.done $0x0  }
0x11f: {  	[sflag:s31] =	ssyncadd.s32 $0xFFFFF600  }
0x120: {  	_ =	swait.ge [sflag:s24], $0x280  }
0x121: {  	[sflag:s24] =	ssyncset.done $0x0  }
0x122: {  	[sflag:s24] =	ssyncadd.s32 $0xFFFFFD80  }
0x123: {  	_ =	swait.ge [sflag:s24], $0x280  }
0x124: {  	[sflag:s24] =	ssyncset.done $0x0  }
0x125: {  	[sflag:s24] =	ssyncadd.s32 $0xFFFFFD80  }
0x126: {  	_ =	swait.ge [sflag:s24], $0x280  }
0x127: {  	[sflag:s24] =	ssyncset.done $0x0  }
0x128: {  	[sflag:s24] =	ssyncadd.s32 $0xFFFFFD80  }
0x129: {  	[tilespmem:s26], [sflag:$0x3] =	stream.indirect.gather [hbm4b:s4+s25], $0x8, s3, s25, $0xb8;
	[tilespmem:$0xAF00] =	vst v63  }
0x12a: {  	_ = 	snop  }
0x12b: {  	[tilespmem:s28], [sflag:$0x3] =	stream.indirect.gather [hbm4b:s4+s25], $0x8, s19, s25, $0xb8;
	[tilespmem:$0xAF00] =	vst v63  }
0x12c: {  	_ = 	snop  }
0x12d: {  	[tilespmem:s29], [sflag:$0x3] =	stream.indirect.gather [hbm4b:s4+s25], $0x8, s20, s25, $0xb8;
	[tilespmem:$0xAF00] =	vst v63  }
0x12e: {  	s17 =	simm.s32 $0x1900  }
0x12f: {  	[tilespmem:s17], [sflag:$0x3] =	stream.indirect.gather [hbm4b:s4+s25], $0x8, s25, s25, $0xb8;
	[tilespmem:$0xAF00] =	vst v63  }
0x130: {  	s2 =	simm.s32 $0x3C0;
	s17 =	simm.s32 $0x2D00  }
0x131: {  	[tilespmem:s17], [sflag:$0x3] =	stream.indirect.gather [hbm4b:s4+s25], $0x8, s2, s25, $0xb8;
	[tilespmem:$0xAF00] =	vst v63  }
0x132: {  	s9 =	smin.u32 s9, $0x6;
	s17 =	rddreg [dreg:$0xa]  }
0x133: {  	s2 =	sadd.s32 s9, s17  }
0x134: {  	s9 =	simm.s32 $0x640;
	s17 =	simm.s32 $0x4100;
	s2 =	smul.u32 $0x50, s2  }
0x135: {  	v2 =	vor.u32 s3, v0;
	[tilespmem:s17], [sflag:$0x3] =	stream.indirect.gather [hbm4b:s4+s25], $0x8, s9, s25, $0xb8;
	[tilespmem:$0xAF00] =	vst v63  }
0x136: {  	v3 =	vshll.u32 v2, $0x3;
	s17 =	sadd.s32 s6, s2  }
0x137: {  	v7 =	vor.u32 $0x2, v3;
	[tilespmem:s21], [sflag:$0x2] =	stream.linear.gather [hbm4b:s17+s3], $0x280, $0x38;
	[tilespmem:$0xAF00] =	vst v63  }
0x138: {  	v4 =	vor.u32 $0x1, v3;
	s17 =	sadd.s32 s7, s2  }
0x139: {  	[tilespmem:s22], [sflag:$0x2] =	stream.linear.gather [hbm4b:s17+s3], $0x280, $0x38;
	[tilespmem:$0xAF00] =	vst v63  }
0x13a: {  	s2 =	sadd.s32 s5, s2  }
0x13b: {  	v10 =	vor.u32 $0x5, v3;
	[tilespmem:s23], [sflag:$0x2] =	stream.linear.gather [hbm4b:s2+s3], $0x280, $0x38;
	[tilespmem:$0xAF00] =	vst v63  }
0x13c: {  	v5 =	vor.u32 $0x6, v3;
	v11 =	vld.idx.msk [tilespmem:v7+s14+$0x0], $0xffff  }
0x13d: {  	v12 =	vld.idx.msk [tilespmem:v4+s14+$0x0], $0xffff  }
0x13e: {  	v6 =	vld.idx.msk [tilespmem:v4+s13+$0x0], $0xffff  }
0x13f: {  	v13 =	vld.idx.msk [tilespmem:v7+s15+$0x0], $0xffff  }
0x140: {  	v14 =	vld.idx.msk [tilespmem:v10+s14+$0x0], $0xffff  }
0x141: {  	v15 =	vld.idx.msk [tilespmem:v5+s15+$0x0], $0xffff  }
0x142: {  	v16 =	vld.idx.msk [tilespmem:v4+s15+$0x0], $0xffff  }
0x143: {  	v17 =	vld.idx.msk [tilespmem:v5+s14+$0x0], $0xffff  }
0x144: {  	v18 =	vld.idx.msk [tilespmem:v3+s15+$0x0], $0xffff  }
0x145: {  	v19 =	vor.u32 $0x4, v3;
	v4 =	vld.idx.msk [tilespmem:v5+s13+$0x0], $0xffff  }
0x146: {  	v5 =	vld.idx.msk [tilespmem:v10+s13+$0x0], $0xffff  }
0x147: {  	v8 =	vld.idx.msk [tilespmem:v7+s13+$0x0], $0xffff  }
0x148: {  	v9 =	vld.idx.msk [tilespmem:v3+s13+$0x0], $0xffff  }
0x149: {  	v20 =	vld.idx.msk [tilespmem:v3+s14+$0x0], $0xffff  }
0x14a: {  	v21 =	vld.idx.msk [tilespmem:v19+s15+$0x0], $0xffff  }
0x14b: {  	v10 =	vld.idx.msk [tilespmem:v10+s15+$0x0], $0xffff;
	v16 =	vsub.f32 v16, v6;
	v12 =	vsub.f32 v12, v6  }
0x14c: {  	v7 =	vld.idx.msk [tilespmem:v19+s13+$0x0], $0xffff;
	v22 =	vsub.f32 v14, v5;
	v11 =	vsub.f32 v11, v8  }
0x14d: {  	v14 =	vld.idx.msk [tilespmem:v19+s14+$0x0], $0xffff;
	v18 =	vsub.f32 v18, v9;
	v15 =	vsub.f32 v15, v4  }
0x14e: {  	v13 =	vsub.f32 v13, v8;
	v19 =	vsub.f32 v20, v9  }
0x14f: {  	v17 =	vsub.f32 v17, v4;
	v20 =	vmul.f32 v16, v11;
	v23 =	vmul.f32 v18, v12  }
0x150: {  	v10 =	vsub.f32 v10, v5;
	v24 =	vmul.f32 v15, v22;
	v12 =	vmul.f32 v13, v12  }
0x151: {  	v11 =	vmul.f32 v18, v11;
	v13 =	vmul.f32 v13, v19;
	v18 =	vsub.f32 v21, v7  }
0x152: {  	v16 =	vmul.f32 v16, v19;
	v12 =	vsub.f32 v12, v20;
	v19 =	vsub.f32 v14, v7  }
0x153: {  	v14 =	vsub.f32 v11, v13;
	v11 =	vmul.f32 v10, v17;
	v13 =	vmul.f32 v18, v17  }
0x154: {  	v18 =	vmul.f32 v18, v22;
	v17 =	vmul.f32 v15, v19  }
0x155: {  	v15 =	vsub.f32 v16, v23;
	v16 =	vmul.f32 v12, v12;
	v20 =	vmul.f32 v14, v14  }
0x156: {  	v11 =	vsub.f32 v24, v11;
	v10 =	vmul.f32 v10, v19;
	v13 =	vsub.f32 v13, v17  }
0x157: {  	v16 =	vadd.f32 v20, v16;
	v17 =	vmul.f32 v15, v15  }
0x158: {  	v10 =	vsub.f32 v10, v18;
	v18 =	vmul.f32 v11, v11;
	v19 =	vmul.f32 v13, v13  }
0x159: {  	v16 =	vadd.f32 v16, v17  }
0x15a: {  	v17 =	vadd.f32 v19, v18;
	v19 =	vmul.f32 v10, v10  }
0x15b: {  	v18 =	vmax.f32 v16, $1.000000000e-30  }
0x15c: {  	v20 =	vshra.s32 v18, $0x1;
	v18 =	vmul.f32 $5.000000000e-01, v18;
	v17 =	vadd.f32 v17, v19  }
0x15d: {  	v20 =	vsub.s32 $0x5F3759DF, v20  }
0x15e: {  	v21 =	vmul.f32 v20, v18;
	v19 =	vmax.f32 v17, $1.000000000e-30  }
0x15f: {  	v22 =	vshra.s32 v19, $0x1;
	v19 =	vmul.f32 $5.000000000e-01, v19  }
0x160: {  	v21 =	vmul.f32 v20, v21;
	v22 =	vsub.s32 $0x5F3759DF, v22  }
0x161: {  	v23 =	vmul.f32 v22, v19  }
0x162: {  	v21 =	vsub.f32 $1.500000000e+00, v21  }
0x163: {  	v23 =	vmul.f32 v22, v23  }
0x164: {  	v21 =	vmul.f32 v20, v21  }
0x165: {  	v20 =	vsub.f32 $1.500000000e+00, v23  }
0x166: {  	v23 =	vmul.f32 v21, v18  }
0x167: {  	v20 =	vmul.f32 v22, v20  }
0x168: {  	v22 =	vmul.f32 v23, v21  }
0x169: {  	v23 =	vmul.f32 v20, v19  }
0x16a: {  	s9 =	simm.s32 $0x10;
	v22 =	vsub.f32 $1.500000000e+00, v22  }
.LBB2_5:
0x16b: {  	p0 =	sne.s32 s9, $0x270;
	v23 =	vmul.f32 v23, v20;
	s2 =	smov.u32 s9;
	s9 =	sadd.s32 $0x10, s9  }
0x16c: {  	v21 =	vmul.f32 v22, v21  }
0x16d: {  	v22 =	vsub.f32 $1.500000000e+00, v23  }
0x16e: {  	v18 =	vmul.f32 v21, v18  }
0x16f: {  	v20 =	vmul.f32 v22, v20  }
0x170: {  	v18 =	vmul.f32 v18, v21  }
0x171: {  	v19 =	vmul.f32 v20, v19  }
0x172: {  	v18 =	vsub.f32 $1.500000000e+00, v18  }
0x173: {  	v22 =	vor.u32 s2, v0;
	v19 =	vmul.f32 v19, v20  }
0x174: {  	v23 =	vshll.u32 v22, $0x3;
	v18 =	vmul.f32 v18, v21  }
0x175: {  	v24 =	vor.u32 $0x2, v23;
	v21 =	vor.u32 $0x1, v23;
	v19 =	vsub.f32 $1.500000000e+00, v19  }
0x176: {  	v25 =	vor.u32 $0x5, v23;
	v26 =	vor.u32 $0x6, v23;
	v16 =	vmul.f32 v18, v16  }
0x177: {  	v18 =	vor.u32 $0x4, v23;
	v19 =	vmul.f32 v19, v20  }
0x178: {  	v16 =	vadd.f32 $9.999999960e-13, v16  }
0x179: {  	v17 =	vmul.f32 v19, v17  }
0x17a: {  	(erf) = vrcp.f32 v16  }
0x17b: {  	v16 =	vadd.f32 $9.999999960e-13, v17;
	_ =	sdelay $0x1  }
0x17c: {  	(erf) = vrcp.f32 v16  }
0x17d: {  	v16 =	vor.u32 $0x3, v3;
	v3 =	vmov v23;
	_ =	sdelay $0x2  }
0x17e: {  	v17 =	vshll.u32 v2, $0x4;
	v2 =	vmov v22  }
0x17f: {  	v19 =	vor.u32 $0x1, v17  }
0x180: {  	v22 =	vor.u32 $0x2, v17;
	v20 =	vld.idx.msk [tilespmem:v16+s15+$0x0], $0xffff;
	v23 =	vpop (erf)  }
0x181: {  	v27 =	vld.idx.msk [tilespmem:v16+s14+$0x0], $0xffff;
	v12 =	vmul.f32 v23, v12;
	v14 =	vmul.f32 v23, v14  }
0x182: {  	v15 =	vmul.f32 v23, v15;
	v23 =	vor.u32 $0x8, v17;
	v16 =	vld.idx.msk [tilespmem:v16+s13+$0x0], $0xffff  }
0x183: {  	v9 =	vmul.f32 v12, v9;
	v6 =	vmul.f32 v14, v6;
	[tilespmem:v17+s18+$0x0] =	vst.idx.msk $0xffff, v12;
	v12 =	vor.u32 $0x7, v17;
	v28 =	vpop (erf)  }
0x184: {  	v8 =	vmul.f32 v15, v8;
	v13 =	vmul.f32 v28, v13;
	[tilespmem:v19+s18+$0x0] =	vst.idx.msk $0xffff, v14;
	v14 =	vor.u32 $0x3, v17  }
0x185: {  	v6 =	vadd.f32 v6, v9;
	v9 =	vmul.f32 v28, v11;
	[tilespmem:v22+s18+$0x0] =	vst.idx.msk $0xffff, v15;
	v11 =	vor.u32 $0x4, v17  }
0x186: {  	v15 =	vor.u32 $0x5, v17;
	v17 =	vor.u32 $0x6, v17;
	v5 =	vmul.f32 v13, v5  }
0x187: {  	v6 =	vadd.f32 v6, v8;
	v8 =	vmul.f32 v28, v10;
	v7 =	vmul.f32 v9, v7  }
0x188: {  	vm2 =	veq.f32 v20, $3.000000000e+00;
	vm1 =	veq.f32 v27, $3.000000000e+00;
	vm0 =	veq.f32 v16, $3.000000000e+00  }
0x189: {  	vm0 =	vmor vm0, vm1;
	v5 =	vadd.f32 v5, v7;
	v4 =	vmul.f32 v8, v4;
	[tilespmem:v14+s18+$0x0] =	vst.idx.msk $0xffff, v6  }
0x18a: {  	vm0 =	vmor vm0, vm2;
	[tilespmem:v11+s18+$0x0] =	vst.idx.msk $0xffff, v9  }
0x18b: {  	v4 =	vadd.f32 v5, v4;
	[tilespmem:v15+s18+$0x0] =	vst.idx.msk $0xffff, v13  }
0x18c: {  	[tilespmem:v17+s18+$0x0] =	vst.idx.msk $0xffff, v8  }
0x18d: {  	v5 =	vsel vm0, $0x41200000, v1;
	[tilespmem:v12+s18+$0x0] =	vst.idx.msk $0xffff, v4  }
0x18e: {  	[tilespmem:v23+s18+$0x0] =	vst.idx.msk $0xffff, v5  }
0x18f: {  	v10 =	vld.idx.msk [tilespmem:v24+s14+$0x0], $0xffff  }
0x190: {  	v11 =	vld.idx.msk [tilespmem:v21+s14+$0x0], $0xffff  }
0x191: {  	v6 =	vld.idx.msk [tilespmem:v21+s13+$0x0], $0xffff  }
0x192: {  	v12 =	vld.idx.msk [tilespmem:v24+s15+$0x0], $0xffff  }
0x193: {  	v13 =	vld.idx.msk [tilespmem:v25+s14+$0x0], $0xffff  }
0x194: {  	v14 =	vld.idx.msk [tilespmem:v26+s15+$0x0], $0xffff  }
0x195: {  	v15 =	vld.idx.msk [tilespmem:v21+s15+$0x0], $0xffff  }
0x196: {  	v16 =	vld.idx.msk [tilespmem:v26+s14+$0x0], $0xffff  }
0x197: {  	v17 =	vld.idx.msk [tilespmem:v3+s15+$0x0], $0xffff  }
0x198: {  	v4 =	vld.idx.msk [tilespmem:v26+s13+$0x0], $0xffff  }
0x199: {  	v5 =	vld.idx.msk [tilespmem:v25+s13+$0x0], $0xffff  }
0x19a: {  	v8 =	vld.idx.msk [tilespmem:v24+s13+$0x0], $0xffff  }
0x19b: {  	v9 =	vld.idx.msk [tilespmem:v3+s13+$0x0], $0xffff  }
0x19c: {  	v19 =	vld.idx.msk [tilespmem:v3+s14+$0x0], $0xffff  }
0x19d: {  	v20 =	vld.idx.msk [tilespmem:v18+s15+$0x0], $0xffff  }
0x19e: {  	v15 =	vsub.f32 v15, v6;
	v7 =	vld.idx.msk [tilespmem:v18+s13+$0x0], $0xffff  }
0x19f: {  	v11 =	vsub.f32 v11, v6;
	v13 =	vsub.f32 v13, v5;
	v21 =	vld.idx.msk [tilespmem:v25+s15+$0x0], $0xffff  }
0x1a0: {  	v16 =	vsub.f32 v16, v4;
	v10 =	vsub.f32 v10, v8;
	v18 =	vld.idx.msk [tilespmem:v18+s14+$0x0], $0xffff  }
0x1a1: {  	v22 =	vsub.f32 v14, v4;
	v17 =	vsub.f32 v17, v9  }
0x1a2: {  	v12 =	vsub.f32 v12, v8;
	v14 =	vsub.f32 v19, v9;
	v19 =	vmul.f32 v15, v10  }
0x1a3: {  	v24 =	vmul.f32 v22, v13;
	v23 =	vmul.f32 v17, v11  }
0x1a4: {  	v11 =	vmul.f32 v12, v11;
	v15 =	vmul.f32 v15, v14;
	v20 =	vsub.f32 v20, v7  }
0x1a5: {  	v10 =	vmul.f32 v17, v10;
	v14 =	vmul.f32 v12, v14;
	v17 =	vsub.f32 v21, v5  }
0x1a6: {  	v12 =	vsub.f32 v11, v19;
	v18 =	vsub.f32 v18, v7;
	v19 =	vmul.f32 v20, v13  }
0x1a7: {  	v14 =	vsub.f32 v10, v14;
	v15 =	vsub.f32 v15, v23;
	v10 =	vmul.f32 v17, v16  }
0x1a8: {  	v13 =	vmul.f32 v20, v16;
	v16 =	vmul.f32 v22, v18  }
0x1a9: {  	v20 =	vmul.f32 v12, v12;
	v21 =	vmul.f32 v14, v14  }
0x1aa: {  	v11 =	vsub.f32 v24, v10;
	v10 =	vmul.f32 v17, v18;
	v13 =	vsub.f32 v13, v16  }
0x1ab: {  	v17 =	vmul.f32 v15, v15;
	v16 =	vadd.f32 v21, v20  }
0x1ac: {  	v10 =	vsub.f32 v10, v19;
	v18 =	vmul.f32 v11, v11;
	v19 =	vmul.f32 v13, v13  }
0x1ad: {  	v16 =	vadd.f32 v16, v17  }
0x1ae: {  	v17 =	vadd.f32 v19, v18;
	v19 =	vmul.f32 v10, v10  }
0x1af: {  	v18 =	vmax.f32 v16, $1.000000000e-30  }
0x1b0: {  	v20 =	vshra.s32 v18, $0x1;
	v18 =	vmul.f32 $5.000000000e-01, v18;
	v17 =	vadd.f32 v17, v19  }
0x1b1: {  	v20 =	vsub.s32 $0x5F3759DF, v20  }
0x1b2: {  	v21 =	vmul.f32 v20, v18;
	v19 =	vmax.f32 v17, $1.000000000e-30  }
0x1b3: {  	v22 =	vshra.s32 v19, $0x1;
	v19 =	vmul.f32 $5.000000000e-01, v19  }
0x1b4: {  	v21 =	vmul.f32 v20, v21;
	v22 =	vsub.s32 $0x5F3759DF, v22  }
0x1b5: {  	v23 =	vmul.f32 v22, v19  }
0x1b6: {  	v21 =	vsub.f32 $1.500000000e+00, v21  }
0x1b7: {  	v23 =	vmul.f32 v22, v23  }
0x1b8: {  	v21 =	vmul.f32 v20, v21  }
0x1b9: {  	v20 =	vsub.f32 $1.500000000e+00, v23  }
.Ltmp1:
0x1ba: {  	v23 =	vmul.f32 v21, v18;
	(pc) =	sbr.rel @p0 .LBB2_5-.Ltmp1, $4  }
0x1bb: {  	v20 =	vmul.f32 v22, v20  }
0x1bc: {  	v22 =	vmul.f32 v23, v21  }
0x1bd: {  	v23 =	vmul.f32 v20, v19  }
0x1be: {  	v22 =	vsub.f32 $1.500000000e+00, v22  }
0x1bf: {  	_ = 	snop  }
0x1c0: {  	v23 =	vmul.f32 v23, v20;
	v21 =	vmul.f32 v22, v21;
	_ =	sdelay $0x1  }
0x1c1: {  	v46 =	vsub.f32 $1.500000000e+00, v23;
	v18 =	vmul.f32 v21, v18;
	_ =	sdelay $0x1  }
0x1c2: {  	v47 =	vmul.f32 v46, v20;
	v18 =	vmul.f32 v18, v21;
	_ =	sdelay $0x1  }
0x1c3: {  	v19 =	vmul.f32 v47, v19;
	v18 =	vsub.f32 $1.500000000e+00, v18;
	_ =	sdelay $0x1  }
0x1c4: {  	v19 =	vmul.f32 v19, v47;
	v18 =	vmul.f32 v18, v21;
	_ =	sdelay $0x1  }
0x1c5: {  	v19 =	vsub.f32 $1.500000000e+00, v19;
	v16 =	vmul.f32 v18, v16;
	_ =	sdelay $0x1  }
0x1c6: {  	v48 =	vmul.f32 v19, v47;
	v16 =	vadd.f32 $9.999999960e-13, v16;
	_ =	sdelay $0x1  }
0x1c7: {  	v17 =	vmul.f32 v48, v17;
	(erf) = vrcp.f32 v16;
	_ =	sdelay $0x1  }
0x1c8: {  	v49 =	vadd.f32 $9.999999960e-13, v17;
	_ =	sdelay $0x1  }
0x1c9: {  	(erf) = vrcp.f32 v49;
	_ =	sdelay $0x1  }
0x1ca: {  	v3 =	vor.u32 $0x3, v3;
	_ =	sdelay $0x1  }
0x1cb: {  	v2 =	vshll.u32 v2, $0x4  }
0x1cc: {  	v50 =	vpop (erf)  }
0x1cd: {  	v51 =	vor.u32 $0x1, v2;
	v12 =	vmul.f32 v50, v12;
	v14 =	vmul.f32 v50, v14  }
0x1ce: {  	v52 =	vld.idx.msk [tilespmem:v3+s15+$0x0], $0xffff;
	v15 =	vmul.f32 v50, v15  }
0x1cf: {  	v53 =	vor.u32 $0x2, v2;
	v54 =	vld.idx.msk [tilespmem:v3+s14+$0x0], $0xffff;
	v9 =	vmul.f32 v12, v9;
	v6 =	vmul.f32 v14, v6  }
0x1d0: {  	v56 =	vor.u32 $0x3, v2;
	v58 =	vor.u32 $0x4, v2;
	v3 =	vld.idx.msk [tilespmem:v3+s13+$0x0], $0xffff;
	v55 =	vpop (erf);
	v8 =	vmul.f32 v15, v8;
	[tilespmem:v2+s18+$0x0] =	vst.idx.msk $0xffff, v12  }
0x1d1: {  	v13 =	vmul.f32 v55, v13;
	v57 =	vmul.f32 v55, v11;
	v6 =	vadd.f32 v6, v9  }
0x1d2: {  	v59 =	vor.u32 $0x5, v2;
	v60 =	vor.u32 $0x6, v2;
	[tilespmem:v51+s18+$0x0] =	vst.idx.msk $0xffff, v14;
	v61 =	vmul.f32 v55, v10  }
0x1d3: {  	v5 =	vmul.f32 v13, v5;
	v7 =	vmul.f32 v57, v7;
	v6 =	vadd.f32 v6, v8  }
0x1d4: {  	v62 =	vor.u32 $0x7, v2;
	[tilespmem:v53+s18+$0x0] =	vst.idx.msk $0xffff, v15  }
0x1d5: {  	v2 =	vor.u32 $0x8, v2;
	v4 =	vmul.f32 v61, v4;
	v5 =	vadd.f32 v5, v7;
	[tilespmem:v56+s18+$0x0] =	vst.idx.msk $0xffff, v6  }
0x1d6: {  	vm0 =	veq.f32 v3, $3.000000000e+00;
	vm1 =	veq.f32 v54, $3.000000000e+00;
	[tilespmem:v58+s18+$0x0] =	vst.idx.msk $0xffff, v57  }
0x1d7: {  	vm2 =	veq.f32 v52, $3.000000000e+00;
	vm0 =	vmor vm0, vm1;
	v3 =	vadd.f32 v5, v4;
	[tilespmem:v59+s18+$0x0] =	vst.idx.msk $0xffff, v13  }
0x1d8: {  	s0 =	sadd.s32 s0, s16;
	s1 =	sadd.s32 $0x1, s1;
	vm0 =	vmor vm0, vm2;
	[tilespmem:v60+s18+$0x0] =	vst.idx.msk $0xffff, v61  }
0x1d9: {  	s0 =	sshll.u32 s0, $0x1;
	p0 =	sne.s32 s1, $0x5;
	v63 =	vsel vm0, $0x41200000, v1;
	[tilespmem:v62+s18+$0x0] =	vst.idx.msk $0xffff, v3  }
.Ltmp2:
0x1da: {  	s2 =	simm.s32 $0x0;
	s0 =	sadd.s32 s8, s0;
	[tilespmem:v2+s18+$0x0] =	vst.idx.msk $0xffff, v63;
	(pc) =	sbr.rel @p0 .LBB2_2-.Ltmp2, $4  }
0x1db: {  	[hbm4b:s0+s2] =	stream.linear.scatter [tilespmem:s18], [sflag:$0x5], $0x2800, $0x38;
	[tilespmem:$0xAF00] =	vst v63  }
0x1dc: {  	_ =	swait.ge [sflag:s30], $0x2800  }
0x1dd: {  	[sflag:s30] =	ssyncset.done $0x0  }
0x1de: {  	[sflag:s30] =	ssyncadd.s32 $0xFFFFD800  }
0x1df: {  	_ =	swait.ge [sflag:s11], $0xA00  }
0x1e0: {  	[sflag:s11] =	ssyncset.done $0x0  }
0x1e1: {  	[sflag:s11] =	ssyncadd.s32 $0xFFFFF600  }
0x1e2: {  	_ =	swait.ge [sflag:s11], $0xA00  }
0x1e3: {  	[sflag:s11] =	ssyncset.done $0x0  }
0x1e4: {  	[sflag:s11] =	ssyncadd.s32 $0xFFFFF600  }
0x1e5: {  	_ =	swait.ge [sflag:s11], $0xA00  }
0x1e6: {  	[sflag:s11] =	ssyncset.done $0x0  }
0x1e7: {  	[sflag:s11] =	ssyncadd.s32 $0xFFFFF600  }
0x1e8: {  	_ =	swait.ge [sflag:s11], $0xA00  }
0x1e9: {  	[sflag:s11] =	ssyncset.done $0x0  }
0x1ea: {  	[sflag:s11] =	ssyncadd.s32 $0xFFFFF600  }
0x1eb: {  	_ =	swait.ge [sflag:s11], $0xA00  }
0x1ec: {  	[sflag:s11] =	ssyncset.done $0x0  }
0x1ed: {  	[sflag:s11] =	ssyncadd.s32 $0xFFFFF600  }
0x1ee: {  	_ =	swait.ge [sflag:s11], $0xA00  }
0x1ef: {  	[sflag:s11] =	ssyncset.done $0x0  }
0x1f0: {  	[sflag:s11] =	ssyncadd.s32 $0xFFFFF600  }
0x1f1: {  	_ =	swait.ge [sflag:s12], $0x280  }
0x1f2: {  	[sflag:s12] =	ssyncset.done $0x0  }
0x1f3: {  	[sflag:s12] =	ssyncadd.s32 $0xFFFFFD80  }
0x1f4: {  	_ =	swait.ge [sflag:s12], $0x280  }
0x1f5: {  	[sflag:s12] =	ssyncset.done $0x0  }
0x1f6: {  	[sflag:s12] =	ssyncadd.s32 $0xFFFFFD80  }
0x1f7: {  	_ =	swait.ge [sflag:s12], $0x280  }
0x1f8: {  	s1 =	rddreg [dreg:$0xb]  }
0x1f9: {  	s0 =	rddreg [dreg:$0x9];
	s1 =	sadd.s32 $0x1, s1  }
0x1fa: {  	p0 =	sne.s32 s1, s0  }
.Ltmp3:
0x1fb: {  	_ = 	snop;
	(pc) =	sbr.rel @p0 .LBB2_1-.Ltmp3, $3  }
0x1fc: {  	_ =	sdelay $0x1  }
0x1fd: {  	[sflag:s12] =	ssyncset.done $0x0  }
0x1fe: {  	[sflag:s12] =	ssyncadd.s32 $0xFFFFFD80  }
0x1ff: {  	_ =	sfence.sel $0x180000  }
0x200: {  	[bflag:$0x0] =	sbarrier.arrive $0xFFFF  }
0x201: {  	_ =	strace $0x90000047  }
0x202: {  	s0 =	stileid.u32;
	[bflag:$0x2] =	sbarrier.arrive $0xFFFF  }
0x203: {  	p0 =	sne.s32 s0, $0x0;
	s0 =	rddreg [dreg:$0x1]  }
0x204: {  	s0 =	sadd.s32 @!p0 $0x100000, s0  }
0x205: {  	[sflag:s0] =	ssyncadd.tile.s32 @!p0 $0x1;
	_ =	shalt  }
.Lfunc_end2:
_tile_overlayer_lowered:
.L_overlay_start_2:
0x206: {  	(tag) =	ssettag $0x2  }
0x207: {  	s0 =	rddreg [dreg:$0x0];
	s2 =	stileid.u32  }
0x208: {  	s1 =	rddreg [dreg:$0x1];
	p0 =	sne.s32 s2, $0x0  }
0x209: {  	s3 =	rddreg [dreg:$0x2];
	[bflag:$0x3] =	sbarrier.arrive $0xFFFF;
	s2 =	simm.s32 @!p0 $0x1C05  }
0x20a: {  	[timem:s3], [sflag:s2] =	dma.local @!p0 [hbm:s0], s1  }
0x20b: {  	s0 =	simm.s32 @!p0 $0x5  }
0x20c: {  	_ =	swait.ge @!p0 [sflag:s0], s1  }
0x20d: {  	s1 =	ssub.s32 @!p0 $0x0, s1;
	[sflag:s0] =	ssyncset.done @!p0 $0x0  }
0x20e: {  	[sflag:s0] =	ssyncadd.s32 @!p0 s1  }
0x20f: {  	[bflag:$0x3] =	sbarrier.arrive $0xFFFF  }
0x210: {  	_ =	shalt  }

// kernel: kernel.7.cloned.1.call-start
scs
__scs_entry_jumppad:
0x0: {  	(pc) =	sbr.rel $0x88, $3  }
0x1: {  	(tag) =	ssettag $0x0;
	lr =	simm.s32 $0x1  }
0x2: {  	[smem:$0x3F9A] =	sst lr;
	_ =	strace $0xD0000000  }
0x3: {  	_ = 	snop  }
0x4: {  	_ = 	snop  }
0x5: {  	_ = 	snop  }
0x6: {  	_ = 	snop  }
0x7: {  	_ = 	snop  }
__scs_overlays_trampoline_lowered:
0x8: {  	[smem:$0x3FA9] =	sst s0  }
0x9: {  	[smem:$0x3FAA] =	sst s1  }
0xa: {  	[smem:$0x3FAB] =	sst s2  }
0xb: {  	[smem:$0x3FAC] =	sst s3  }
0xc: {  	[smem:$0x3FAD] =	sst s4  }
0xd: {  	[smem:$0x3FAE] =	sst s5  }
0xe: {  	[smem:$0x3FAF] =	sst s6  }
0xf: {  	[smem:$0x3FB0] =	sst s7  }
0x10: {  	[smem:$0x3FB1] =	sst s8  }
0x11: {  	[smem:$0x3FB2] =	sst s9;
	s0 =	simm.s32 @!p0 $0x0  }
0x12: {  	s1 =	sld [smem:$0x3F98];
	s0 =	simm.s32 @p0 $0x1  }
0x13: {  	[smem:$0x3FB3] =	sst s0;
	s0 =	simm.s32 @!p1 $0x0  }
0x14: {  	s2 =	sld [smem:$0x3F97];
	s0 =	simm.s32 @p1 $0x1  }
0x15: {  	[smem:$0x3FB4] =	sst s0;
	s0 =	simm.s32 @!p2 $0x0  }
0x16: {  	s3 =	sld [smem:$0x3FDB];
	s0 =	simm.s32 @p2 $0x1  }
0x17: {  	s4 =	simm.s32 $0x1BF5;
	[smem:$0x3FB6] =	sst s0  }
0x18: {  	s0 =	sld [smem:$0x3F99];
	_ =	swait.ge [sflag:s4], $0x0  }
0x19: {  	s7 =	sld [smem:$0x3F9A]  }
0x1a: {  	s8 =	sadd.s32 $0xFFFFE003, lr  }
0x1b: {  	s9 =	sadd.s32 $0xFFFFFEF7, lr;
	s5 =	simm.s32 $0xFFFFFFFF;
	p2 =	slt.u32 s8, $0xFFFFF086  }
0x1c: {  	p1 =	slt.u32 s9, $0xF7A;
	s5 =	simm.s32 @!p2 $0x0  }
0x1d: {  	s5 =	simm.s32 @p1 $0x1;
	p0 =	seq.s32 s7, s2  }
0x1e: {  	s7 =	smul.u32 @!p0 $0xF7A, s2;
	p2 =	seq.s32 @!p0 s5, $0x0  }
0x1f: {  	s9 =	smul.u32 $0xF7A, s1;
	s8 =	simm.s32 @!p0 $0x1BF5;
	p2 =	por !p2, p0  }
0x20: {  	[sflag:s8] =	ssyncset.s32 @!p0 $0xFFFFF086;
	s6 =	sadd.s32 @!p0 s3, s7;
	s7 =	simm.s32 @!p0 $0x108  }
0x21: {  	s3 =	sadd.s32 s3, s9;
	s6 =	sadd.s32 @!p0 $0x88, s6;
	s7 =	simm.s32 @p2 $0x1082  }
0x22: {  	[simem:s7], [sflag:s8] =	dma.local @!p0 [hbm:s6], $0xF7A  }
0x23: {  	s9 =	sor.u32 $0xD0000000, s2;
	s6 =	simm.s32 $0x108;
	_ =	swait.ge @!p0 [sflag:s8], $0x0  }
0x24: {  	s3 =	sadd.s32 $0x88, s3;
	s6 =	simm.s32 @!p1 $0x1082;
	[sflag:s4] =	ssyncset.s32 $0xFFFFF086  }
0x25: {  	[simem:s6], [sflag:s4] =	dma.local [hbm:s3], $0xF7A  }
0x26: {  	[smem:$0x3F9A] =	sst s1;
	(tag) =	ssettag s2;
	_ =	strace s9  }
0x27: {  	s1 =	sld [smem:$0x3FAA]  }
0x28: {  	s2 =	sld [smem:$0x3FAB]  }
0x29: {  	s4 =	sld [smem:$0x3FAD]  }
0x2a: {  	p0 =	seq.s32 s5, $0x0;
	s5 =	sld [smem:$0x3FAE]  }
0x2b: {  	s6 =	sld [smem:$0x3FAF]  }
0x2c: {  	s7 =	sld [smem:$0x3FB0]  }
0x2d: {  	s3 =	simm.s32 $0x108;
	s8 =	sld [smem:$0x3FB1]  }
0x2e: {  	s3 =	simm.s32 @!p0 $0x1082;
	s9 =	sld [smem:$0x3FB2]  }
0x2f: {  	lr =	sadd.s32 s0, s3;
	s0 =	sld [smem:$0x3FA9]  }
0x30: {  	s3 =	sld [smem:$0x3FAC]  }
0x31: {  	[smem:$0x3FB5] =	sst s10  }
0x32: {  	s10 =	sld [smem:$0x3FB3];
	_ =	sdelay $0x3  }
0x33: {  	p0 =	seq.s32 s10, $0x1;
	s10 =	sld [smem:$0x3FB5];
	_ =	sdelay $0x3  }
0x34: {  	[smem:$0x3FB5] =	sst s10  }
0x35: {  	s10 =	sld [smem:$0x3FB4];
	_ =	sdelay $0x3  }
0x36: {  	p1 =	seq.s32 s10, $0x1;
	s10 =	sld [smem:$0x3FB5];
	_ =	sdelay $0x3  }
0x37: {  	[smem:$0x3FB5] =	sst s10  }
0x38: {  	s10 =	sld [smem:$0x3FB6]  }
0x39: {  	_ = 	snop;
	(pc) =	sbr.ind lr, $3  }
0x3a: {  	_ = 	snop  }
0x3b: {  	_ = 	snop  }
0x3c: {  	p2 =	seq.s32 s10, $0x1;
	s10 =	sld [smem:$0x3FB5]  }
0x3d: {  	_ =	shalt  }
0x3e: {  	_ =	shalt  }
0x3f: {  	_ =	shalt  }
0x40: {  	_ =	shalt  }
0x41: {  	_ =	shalt  }
0x42: {  	_ =	shalt  }
0x43: {  	_ =	shalt  }
0x44: {  	_ =	shalt  }
0x45: {  	_ =	shalt  }
0x46: {  	_ =	shalt  }
0x47: {  	_ =	shalt  }
0x48: {  	_ =	shalt  }
0x49: {  	_ =	shalt  }
0x4a: {  	_ =	shalt  }
0x4b: {  	_ =	shalt  }
0x4c: {  	_ =	shalt  }
0x4d: {  	_ =	shalt  }
0x4e: {  	_ =	shalt  }
0x4f: {  	_ =	shalt  }
0x50: {  	_ =	shalt  }
0x51: {  	_ =	shalt  }
0x52: {  	_ =	shalt  }
0x53: {  	_ =	shalt  }
0x54: {  	_ =	shalt  }
0x55: {  	_ =	shalt  }
0x56: {  	_ =	shalt  }
0x57: {  	_ =	shalt  }
0x58: {  	_ =	shalt  }
0x59: {  	_ =	shalt  }
0x5a: {  	_ =	shalt  }
0x5b: {  	_ =	shalt  }
0x5c: {  	_ =	shalt  }
0x5d: {  	_ =	shalt  }
0x5e: {  	_ =	shalt  }
0x5f: {  	_ =	shalt  }
0x60: {  	_ =	shalt  }
0x61: {  	_ =	shalt  }
0x62: {  	_ =	shalt  }
0x63: {  	_ =	shalt  }
0x64: {  	_ =	shalt  }
0x65: {  	_ =	shalt  }
0x66: {  	_ =	shalt  }
0x67: {  	_ =	shalt  }
0x68: {  	_ =	shalt  }
0x69: {  	_ =	shalt  }
0x6a: {  	_ =	shalt  }
0x6b: {  	_ =	shalt  }
0x6c: {  	_ =	shalt  }
0x6d: {  	_ =	shalt  }
0x6e: {  	_ =	shalt  }
0x6f: {  	_ =	shalt  }
0x70: {  	_ =	shalt  }
0x71: {  	_ =	shalt  }
0x72: {  	_ =	shalt  }
0x73: {  	_ =	shalt  }
0x74: {  	_ =	shalt  }
0x75: {  	_ =	shalt  }
0x76: {  	_ =	shalt  }
0x77: {  	_ =	shalt  }
0x78: {  	_ =	shalt  }
0x79: {  	_ =	shalt  }
0x7a: {  	_ =	shalt  }
0x7b: {  	_ =	shalt  }
0x7c: {  	_ =	shalt  }
0x7d: {  	_ =	shalt  }
0x7e: {  	_ =	shalt  }
0x7f: {  	_ =	shalt  }
0x80: {  	_ =	shalt  }
0x81: {  	_ =	shalt  }
0x82: {  	_ =	shalt  }
0x83: {  	_ =	shalt  }
0x84: {  	_ =	shalt  }
0x85: {  	_ =	shalt  }
0x86: {  	_ =	shalt  }
0x87: {  	_ =	shalt  }
.Lfunc_end0:
.L_simem_size_0:
called_computation.1_lowered:
.L_overlay_start_0:
0x88: {  	s2 =	sld [smem:$0x3FD9]  }
0x89: {  	s3 =	sld [smem:$0x3FFE];
	_ =	sdelay $0x1  }
0x8a: {  	s1 =	srdreg.scid  }
0x8b: {  	s0 =	sand.u32 $0x1, s1  }
0x8c: {  	s16 =	sshll.u32 s0, $0xA;
	s2 =	sadd.s32 s3, s2  }
0x8d: {  	s2 =	sadd.s32 s2, s16  }
0x8e: {  	[smem:$0x3FC1] =	sst s2  }
0x8f: {  	_ = 	snop  }
0x90: {  	(tm) =	ssettm $0x1  }
0x91: {  	s17 =	sld [smem:$0x3FFB];
	_ =	sdelay $0x3  }
0x92: {  	_ =	strace s17  }
0x93: {  	s2 =	sld [smem:$0x3FFC];
	_ =	sdelay $0x3  }
0x94: {  	_ =	strace s2  }
0x95: {  	s2 =	sld [smem:$0x3FFD];
	_ =	sdelay $0x3  }
0x96: {  	_ =	strace s2  }
0x97: {  	_ =	strace $0x8FFFFFFF  }
0x98: {  	s18 =	sld [smem:$0x3FDB];
	_ =	sdelay $0x1  }
0x99: {  	s19 =	simm.s32 $_scs_section_size  }
0x9a: {  	s4 =	simm.s32 $_size__tile_overlayer_lowered;
	s5 =	simm.s32 $_tile_overlayer_lowered  }
0x9b: {  	s22 =	simm.s32 $0x1BFF;
	s21 =	sshll.u32 s5, $0x1;
	s2 =	sadd.s32 s19, s18  }
0x9c: {  	s6 =	simm.s32 $0x0;
	s20 =	sshll.u32 s4, $0x1;
	s4 =	sadd.s32 s21, s2  }
0x9d: {  	[timem:s6], [sflag:s22] =	dma.local [hbm:s4], s20  }
0x9e: {  	_ =	swait.ge [sflag:s22], s20  }
0x9f: {  	s3 =	ssub.s32 $0x0, s20;
	[sflag:s22] =	ssyncset.done $0x0  }
0xa0: {  	[sflag:s22] =	ssyncadd.s32 s3;
	_ =	sdelay $0x1  }
0xa1: {  	s23 =	simm.s32 $0x1B8B  }
0xa2: {  	_ =	swait.ge [sflag:s23], $0x1  }
0xa3: {  	[sflag:s23] =	ssyncset.done $0x0  }
0xa4: {  	s25 =	simm.s32 $0x1B8E;
	s24 =	sld [smem:$0x3FFE];
	[sflag:s23] =	ssyncadd.s32 $0xFFFFFFFF  }
0xa5: {  	s26 =	simm.s32 $execute0_lowered;
	[smem:$0x3FD2] =	sst s25  }
0xa6: {  	s4 =	sshll.u32 s26, $0x1;
	_ =	strace $0x80000049;
	[dreg:$0x1] =	wrdreg $0xFFFFFFFF  }
0xa7: {  	s28 =	simm.s32 $_size_execute0_lowered;
	s2 =	sadd.s32 s2, s4;
	[dreg:$0x0] =	wrdreg $0x0  }
0xa8: {  	s4 =	sshll.u32 s28, $0x1;
	[dreg:$0x2] =	wrdreg s2  }
0xa9: {  	[dreg:$0x3] =	wrdreg s4  }
0xaa: {  	[dreg:$0x4] =	wrdreg $0xC0  }
0xab: {  	_ =	task [dreg:s6], $0x5FFFF  }
0xac: {  	[dreg:$0x1] =	wrdreg $0xFFFFFFFF  }
0xad: {  	[dreg:$0x0] =	wrdreg $0x60  }
0xae: {  	[dreg:$0x2] =	wrdreg s24  }
0xaf: {  	[dreg:$0x3] =	wrdreg $0x9  }
0xb0: {  	_ =	task.clear_ibuf [dreg:s6], $0x4FFFF;
	_ =	strace $0x90000049  }
0xb1: {  	s29 =	simm.s32 $0x9;
	_ =	strace $0x8000004B  }
0xb2: {  	_ =	swait.ge [sflag:s29], $0x1  }
0xb3: {  	[sflag:s29] =	ssyncadd.s32 $0xFFFFFFFF  }
0xb4: {  	_ =	strace $0x9000004B  }
0xb5: {  	_ =	sfence  }
0xb6: {  	s30 =	sld [smem:$0x0];
	_ =	sdelay $0x2  }
0xb7: {  	s31 =	sshll.u32 s1, $0xD;
	s1 =	sshrl.u32 s1, $0x2  }
0xb8: {  	s3 =	sand.u32 $0x4000, s31;
	s1 =	sadd.s32 s1, s30  }
0xb9: {  	s0 =	sor.u32 s3, s0;
	s1 =	sshll.u32 s1, $0x11  }
0xba: {  	s0 =	sor.u32 s1, s0  }
0xbb: {  	s0 =	sadd.s32 $0x8F2B, s0  }
0xbc: {  	[sflag:s0] =	ssyncadd.remote.s32 $0x1  }
0xbd: {  	_ =	sfence.sel $0xFFFF  }
0xbe: {  	[dreg:$0x0] =	wrdreg $0xFFFFFFFF;
	(pc) =	sbr.abs _section_cstart, $3  }
0xbf: {  	[dreg:$0x1] =	wrdreg $0xFFFFFFFF  }
0xc0: {  	_ =	task.clear_ibuf [dreg:s6], $0x2FFFF;
	_ =	strace $0x9FFFFFFF  }
0xc1: {  	(tm) =	ssettm $0x7FFFFFFF  }
tec
execute0_lowered:
.L_overlay_start_1:
0x0: {  	(tag) =	ssettag $0x1  }
0x1: {  	s0 =	rddreg [dreg:$0x0]  }
0x2: {  	s11 =	stileid.u32;
	s1 =	srdreg.scid  }
0x3: {  	s28 =	simm.s32 $0x0;
	s17 =	simm.s32 $0x500;
	s18 =	simm.s32 $0xA00  }
0x4: {  	s19 =	simm.s32 $0xF00;
	s20 =	simm.s32 $0x1;
	s21 =	simm.s32 $0x100  }
0x5: {  	s15 =	simm.s32 $0x400;
	s16 =	simm.s32 $0x8400;
	s29 =	simm.s32 $0xE00  }
0x6: {  	s31 =	simm.s32 $0x4;
	s2 =	smul.u32 $0x28, s11;
	s1 =	sand.u32 $0x1, s1  }
0x7: {  	[smem:$0x7FF] =	sst s28;
	s3 =	sadd.s32 $0xA8C00, s0;
	s5 =	sadd.s32 $0x76C00, s0  }
0x8: {  	s6 =	sadd.s32 $0x12C00, s0;
	s7 =	sadd.s32 $0x199600, s0;
	s26 =	sshll.u32 s11, $0x2  }
0x9: {  	p0 =	seq.s32 s1, $0x0;
	_ =	strace $0x8000004A;
	s22 =	ssub.s32 $0x2, s1  }
0xa: {  	s1 =	sshll.u32 s1, $0x1;
	s8 =	sadd.s32 $0x280, s2;
	s9 =	sshrl.u32 s22, $0x1  }
0xb: {  	s0 =	sadd.s32 s0, s1;
	s8 =	smov.u32 @p0 s2;
	s2 =	ssub.s32 s22, s9  }
0xc: {  	s0 =	sadd.s32 s26, s0;
	s22 =	simm.s32 $0x1400;
	s26 =	simm.s32 $0xDC00  }
0xd: {  	s4 =	smul.u32 $0x500, s8;
	s12 =	sor.u32 $0x2, s8;
	s13 =	sor.u32 $0x3, s8  }
0xe: {  	[dreg:$0x6] =	wrdreg s0;
	s30 =	smax.u32 s2, $0x1;
	s2 =	simm.s32 $0x3  }
0xf: {  	s0 =	simm.s32 $0xCC00;
	s8 =	simm.s32 $0xFC00;
	s10 =	sshrl.u32 s4, $0x3  }
0x10: {  	[dreg:$0x7] =	wrdreg s30;
	s14 =	sor.u32 $0x500, s4;
	s23 =	sadd.s32 s3, s10  }
0x11: {  	s24 =	sor.u32 $0xA0, s10;
	s10 =	sadd.s32 s5, s10;
	[dreg:$0x2] =	wrdreg s23  }
0x12: {  	[dreg:$0x3] =	wrdreg s10;
	s25 =	sadd.s32 s3, s24;
	s9 =	sadd.s32 s5, s24  }
0x13: {  	v0 =	vimm.f32 $1.000000000e+00;
	s23 =	simm.s32 $0x6400;
	s24 =	simm.s32 $0x2;
	[dreg:$0x4] =	wrdreg s25  }
0x14: {  	v1 =	vimm.f32 $0.0e+00;
	v2 =	vlaneseq.u32;
	v3 =	vand.u32 $0x7FFFFFFF, v0;
	s10 =	simm.s32 $0x0;
	[dreg:$0x5] =	wrdreg s9;
	s25 =	simm.s32 $0x8C00  }
.LBB2_1:
0x15: {  	[dreg:$0x8] =	wrdreg s10  }
0x16: {  	[tilespmem:$0x10400] =	vst v1;
	s1 =	rddreg [dreg:$0x2]  }
0x17: {  	[tilespmem:s28], [sflag:$0x1] =	stream.linear.gather [hbm4b:s1+s28], $0x500, $0x38;
	[tilespmem:$0x10410] =	vst v63  }
0x18: {  	s11 =	rddreg [dreg:$0x3]  }
0x19: {  	[tilespmem:s17], [sflag:$0x1] =	stream.linear.gather [hbm4b:s11+s28], $0x500, $0x38;
	[tilespmem:$0x10410] =	vst v63  }
0x1a: {  	s30 =	rddreg [dreg:$0x4]  }
0x1b: {  	[tilespmem:s18], [sflag:$0x2] =	stream.linear.gather [hbm4b:s30+s28], $0x500, $0x38;
	[tilespmem:$0x10410] =	vst v63  }
0x1c: {  	s9 =	rddreg [dreg:$0x5]  }
0x1d: {  	[tilespmem:s19], [sflag:$0x2] =	stream.linear.gather [hbm4b:s9+s28], $0x500, $0x38;
	[tilespmem:$0x10410] =	vst v63  }
0x1e: {  	_ =	swait.ge [sflag:s20], $0x500  }
0x1f: {  	[sflag:s20] =	ssyncset.done $0x0  }
0x20: {  	[sflag:s20] =	ssyncadd.s32 $0xFFFFFB00  }
0x21: {  	_ =	swait.ge [sflag:s20], $0x500  }
0x22: {  	[sflag:s20] =	ssyncset.done $0x0  }
0x23: {  	[sflag:s20] =	ssyncadd.s32 $0xFFFFFB00  }
0x24: {  	[tilespmem:s22], [sflag:$0x3] =	stream.indirect.gather [hbm4b:s6+s21], $0x10, s17, s21, $0xb8;
	[tilespmem:$0x10410] =	vst v63  }
0x25: {  	_ = 	snop  }
0x26: {  	[tilespmem:s23], [sflag:$0x3] =	stream.indirect.gather [hbm4b:s7+s21], $0x8, s28, s21, $0xb8;
	[tilespmem:$0x10410] =	vst v63  }
0x27: {  	s10 =	simm.s32 $0x600;
	s9 =	simm.s32 $0x2400  }
0x28: {  	[tilespmem:s9], [sflag:$0x3] =	stream.indirect.gather [hbm4b:s6+s21], $0x10, s10, s21, $0xb8;
	[tilespmem:$0x10410] =	vst v63  }
0x29: {  	s11 =	simm.s32 $0x6C00  }
0x2a: {  	[tilespmem:s11], [sflag:$0x3] =	stream.indirect.gather [hbm4b:s7+s21], $0x8, s21, s21, $0xb8;
	[tilespmem:$0x10410] =	vst v63  }
0x2b: {  	s30 =	simm.s32 $0x3400;
	s28 =	simm.s32 $0x700  }
0x2c: {  	[tilespmem:s30], [sflag:$0x3] =	stream.indirect.gather [hbm4b:s6+s21], $0x10, s28, s21, $0xb8;
	[tilespmem:$0x10410] =	vst v63  }
0x2d: {  	s10 =	simm.s32 $0x200;
	s11 =	simm.s32 $0x7400  }
0x2e: {  	[tilespmem:s11], [sflag:$0x3] =	stream.indirect.gather [hbm4b:s7+s21], $0x8, s10, s21, $0xb8;
	[tilespmem:$0x10410] =	vst v63  }
0x2f: {  	s28 =	simm.s32 $0x800;
	s30 =	simm.s32 $0x4400  }
0x30: {  	[tilespmem:s30], [sflag:$0x3] =	stream.indirect.gather [hbm4b:s6+s21], $0x10, s28, s21, $0xb8;
	[tilespmem:$0x10410] =	vst v63  }
0x31: {  	s10 =	simm.s32 $0x300;
	s11 =	simm.s32 $0x7C00  }
0x32: {  	[tilespmem:s11], [sflag:$0x3] =	stream.indirect.gather [hbm4b:s7+s21], $0x8, s10, s21, $0xb8;
	[tilespmem:$0x10410] =	vst v63  }
0x33: {  	s28 =	simm.s32 $0x900;
	s30 =	simm.s32 $0x5400  }
0x34: {  	[tilespmem:s30], [sflag:$0x3] =	stream.indirect.gather [hbm4b:s6+s21], $0x10, s28, s21, $0xb8;
	[tilespmem:$0x10410] =	vst v63  }
0x35: {  	s9 =	simm.s32 $0x0  }
0x36: {  	[tilespmem:s16], [sflag:$0x3] =	stream.indirect.gather [hbm4b:s7+s21], $0x8, s15, s21, $0xb8;
	[tilespmem:$0x10410] =	vst v63  }
.LBB2_2:
0x37: {  	_ =	swait.ge [sflag:s2], $0x1000  }
0x38: {  	[sflag:s2] =	ssyncset.done $0x0  }
0x39: {  	[sflag:s2] =	ssyncadd.s32 $0xFFFFF000  }
0x3a: {  	_ =	swait.ge [sflag:s2], $0x800  }
0x3b: {  	[sflag:s2] =	ssyncset.done $0x0  }
0x3c: {  	[sflag:s2] =	ssyncadd.s32 $0xFFFFF800  }
0x3d: {  	_ =	swait.ge [sflag:s2], $0x1000  }
0x3e: {  	[sflag:s2] =	ssyncset.done $0x0  }
0x3f: {  	[sflag:s2] =	ssyncadd.s32 $0xFFFFF000  }
0x40: {  	_ =	swait.ge [sflag:s2], $0x800  }
0x41: {  	[sflag:s2] =	ssyncset.done $0x0  }
0x42: {  	[sflag:s2] =	ssyncadd.s32 $0xFFFFF800  }
0x43: {  	_ =	swait.ge [sflag:s2], $0x1000  }
0x44: {  	[sflag:s2] =	ssyncset.done $0x0  }
0x45: {  	[sflag:s2] =	ssyncadd.s32 $0xFFFFF000  }
0x46: {  	_ =	swait.ge [sflag:s2], $0x800  }
0x47: {  	[sflag:s2] =	ssyncset.done $0x0  }
0x48: {  	[sflag:s2] =	ssyncadd.s32 $0xFFFFF800  }
0x49: {  	_ =	swait.ge [sflag:s2], $0x1000  }
0x4a: {  	[sflag:s2] =	ssyncset.done $0x0  }
0x4b: {  	[sflag:s2] =	ssyncadd.s32 $0xFFFFF000  }
0x4c: {  	_ =	swait.ge [sflag:s2], $0x800  }
0x4d: {  	[sflag:s2] =	ssyncset.done $0x0  }
0x4e: {  	[sflag:s2] =	ssyncadd.s32 $0xFFFFF800  }
0x4f: {  	_ =	swait.ge [sflag:s2], $0x1000  }
0x50: {  	[sflag:s2] =	ssyncset.done $0x0  }
0x51: {  	[sflag:s2] =	ssyncadd.s32 $0xFFFFF000  }
0x52: {  	_ =	swait.ge [sflag:s2], $0x800  }
0x53: {  	[sflag:s2] =	ssyncset.done $0x0  }
0x54: {  	[sflag:s2] =	ssyncadd.s32 $0xFFFFF800  }
0x55: {  	_ =	swait.ge [sflag:s24], $0x500  }
0x56: {  	[sflag:s24] =	ssyncset.done $0x0  }
0x57: {  	[sflag:s24] =	ssyncadd.s32 $0xFFFFFB00  }
0x58: {  	_ =	swait.ge [sflag:s24], $0x500  }
0x59: {  	[sflag:s24] =	ssyncset.done $0x0  }
0x5a: {  	[sflag:s24] =	ssyncadd.s32 $0xFFFFFB00  }
0x5b: {  	[tilespmem:s25], [sflag:$0x4] =	stream.indirect.gather [hbm4b:s6+s21], $0x10, s19, s21, $0xb8;
	[tilespmem:$0x10410] =	vst v63  }
0x5c: {  	_ = 	snop  }
0x5d: {  	[tilespmem:s26], [sflag:$0x4] =	stream.indirect.gather [hbm4b:s7+s21], $0x8, s18, s21, $0xb8;
	[tilespmem:$0x10410] =	vst v63  }
0x5e: {  	s1 =	simm.s32 $0x1000;
	s10 =	simm.s32 $0x9C00  }
0x5f: {  	[tilespmem:s10], [sflag:$0x4] =	stream.indirect.gather [hbm4b:s6+s21], $0x10, s1, s21, $0xb8;
	[tilespmem:$0x10410] =	vst v63  }
0x60: {  	s11 =	simm.s32 $0xB00;
	s30 =	simm.s32 $0xE400  }
0x61: {  	[tilespmem:s30], [sflag:$0x4] =	stream.indirect.gather [hbm4b:s7+s21], $0x8, s11, s21, $0xb8;
	[tilespmem:$0x10410] =	vst v63  }
0x62: {  	s11 =	simm.s32 $0x1100;
	s30 =	simm.s32 $0xAC00  }
0x63: {  	[tilespmem:s30], [sflag:$0x4] =	stream.indirect.gather [hbm4b:s6+s21], $0x10, s11, s21, $0xb8;
	[tilespmem:$0x10410] =	vst v63  }
0x64: {  	s11 =	simm.s32 $0xC00;
	s30 =	simm.s32 $0xEC00  }
0x65: {  	[tilespmem:s30], [sflag:$0x4] =	stream.indirect.gather [hbm4b:s7+s21], $0x8, s11, s21, $0xb8;
	[tilespmem:$0x10410] =	vst v63  }
0x66: {  	s11 =	simm.s32 $0x1200;
	s30 =	simm.s32 $0xBC00  }
0x67: {  	[tilespmem:s30], [sflag:$0x4] =	stream.indirect.gather [hbm4b:s6+s21], $0x10, s11, s21, $0xb8;
	[tilespmem:$0x10410] =	vst v63  }
0x68: {  	s28 =	sshll.u32 s9, $0x1;
	s11 =	simm.s32 $0xD00;
	s30 =	simm.s32 $0xF400  }
0x69: {  	[tilespmem:s30], [sflag:$0x4] =	stream.indirect.gather [hbm4b:s7+s21], $0x8, s11, s21, $0xb8;
	[tilespmem:$0x10410] =	vst v63  }
0x6a: {  	s11 =	smin.u32 s28, $0x25  }
0x6b: {  	s10 =	simm.s32 $0x1300;
	s1 =	sadd.s32 s11, s12;
	s11 =	simm.s32 $0x0  }
0x6c: {  	[tilespmem:s0], [sflag:$0x4] =	stream.indirect.gather [hbm4b:s6+s21], $0x10, s10, s21, $0xb8;
	[tilespmem:$0x10410] =	vst v63  }
0x6d: {  	s1 =	smul.u32 $0xA0, s1;
	v4 =	vor.u32 s11, v2  }
0x6e: {  	v6 =	vshll.u32 v4, $0x4;
	[tilespmem:s8], [sflag:$0x4] =	stream.indirect.gather [hbm4b:s7+s21], $0x8, s29, s21, $0xb8;
	[tilespmem:$0x10410] =	vst v63  }
0x6f: {  	s10 =	smul.u32 $0xA00, s9;
	v7 =	vshll.u32 v4, $0x3;
	s30 =	sadd.s32 s3, s1;
	v8 =	vor.u32 $0x4, v6  }
0x70: {  	v11 =	vor.u32 $0x4, v7;
	[tilespmem:s11], [sflag:$0x1] =	stream.linear.gather [hbm4b:s30+s11], $0x500, $0x38;
	[tilespmem:$0x10410] =	vst v63  }
0x71: {  	s1 =	sadd.s32 s5, s1;
	v12 =	vor.u32 $0x5, v6;
	s30 =	sadd.s32 s4, s10  }
0x72: {  	v9 =	vor.u32 $0x1, v7;
	[tilespmem:s17], [sflag:$0x1] =	stream.linear.gather [hbm4b:s1+s11], $0x500, $0x38;
	[tilespmem:$0x10410] =	vst v63  }
0x73: {  	v10 =	vor.u32 $0x1, v6;
	v5 =	vmov s30;
	s1 =	simm.s32 $0x10  }
.LBB2_3:
0x74: {  	p0 =	sne.s32 s1, $0x4F0;
	v8 =	vld.idx.msk [tilespmem:v8+s22+$0x0], $0xffff  }
0x75: {  	v11 =	vld.idx.msk [tilespmem:v11+s23+$0x0], $0xffff  }
0x76: {  	v13 =	vor.u32 $0x2, v7;
	v12 =	vld.idx.msk [tilespmem:v12+s22+$0x0], $0xffff  }
0x77: {  	v14 =	vor.u32 $0x2, v6;
	v9 =	vld.idx.msk [tilespmem:v9+s23+$0x0], $0xffff  }
0x78: {  	v15 =	vor.u32 $0x5, v7;
	v10 =	vld.idx.msk [tilespmem:v10+s22+$0x0], $0xffff  }
0x79: {  	v16 =	vor.u32 $0x6, v6;
	v17 =	vld.idx.msk [tilespmem:v7+s23+$0x0], $0xffff  }
0x7a: {  	v19 =	vor.u32 $0x6, v7;
	v18 =	vld.idx.msk [tilespmem:v6+s22+$0x0], $0xffff  }
0x7b: {  	v20 =	vor.u32 $0x3, v6;
	v13 =	vld.idx.msk [tilespmem:v13+s23+$0x0], $0xffff  }
0x7c: {  	v14 =	vld.idx.msk [tilespmem:v14+s22+$0x0], $0xffff  }
0x7d: {  	v15 =	vld.idx.msk [tilespmem:v15+s23+$0x0], $0xffff  }
0x7e: {  	v21 =	vor.u32 $0x7, v6;
	v16 =	vld.idx.msk [tilespmem:v16+s22+$0x0], $0xffff  }
0x7f: {  	v19 =	vld.idx.msk [tilespmem:v19+s23+$0x0], $0xffff  }
0x80: {  	v9 =	vmul.f32 v9, v10;
	v17 =	vmul.f32 v17, v18;
	v20 =	vld.idx.msk [tilespmem:v20+s22+$0x0], $0xffff;
	_ =	sdelay $0x1  }
0x81: {  	v7 =	vor.u32 $0x3, v7;
	v9 =	vadd.f32 v9, v17;
	v10 =	vmul.f32 v13, v14  }
0x82: {  	v8 =	vmul.f32 v11, v8;
	v11 =	vmul.f32 v15, v12;
	v13 =	vld.idx.msk [tilespmem:v21+s22+$0x0], $0xffff  }
0x83: {  	v6 =	vor.u32 $0x8, v6;
	v9 =	vadd.f32 v10, v9  }
0x84: {  	v8 =	vadd.f32 v11, v8;
	v10 =	vmul.f32 v19, v16  }
0x85: {  	v9 =	vsub.f32 v9, v20  }
0x86: {  	v8 =	vadd.f32 v10, v8;
	v7 =	vld.idx.msk [tilespmem:v7+s23+$0x0], $0xffff  }
0x87: {  	v10 =	vand.u32 $0x80000000, v9;
	vm0 =	vlt.f32 v9, $0.0e+00;
	vm1 =	vgt.f32 v9, $0.0e+00  }
0x88: {  	v8 =	vsub.f32 v8, v13;
	v10 =	vor.u32 v10, v3;
	vm0 =	vmor vm1, vm0;
	v6 =	vld.idx.msk [tilespmem:v6+s22+$0x0], $0xffff  }
0x89: {  	v10 =	vsel vm0, v10, v9  }
0x8a: {  	v8 =	vmul.f32 v8, v10;
	_ =	sdelay $0x1  }
0x8b: {  	v8 =	vsub.f32 $1.000000010e-01, v8;
	vm0 =	veq.f32 v7, $3.000000000e+00  }
0x8c: {  	v7 =	vsel vm0, $0x41200000, v0  }
0x8d: {  	v8 =	vmax.f32 v8, $0.0e+00;
	v6 =	vmax.f32 v6, v7  }
0x8e: {  	v7 =	vmul.f32 v8, v6;
	_ =	sdelay $0x1  }
0x8f: {  	v8 =	vor.u32 s1, v2;
	v11 =	vmul.f32 v7, v7;
	v10 =	vld [tilespmem:$0x10400]  }
0x90: {  	v12 =	vadd.s32 v5, v4;
	v9 =	vand.u32 $0x7FFFFFFF, v9;
	v6 =	vshll.u32 v8, $0x4;
	v4 =	vmovc v8  }
0x91: {  	vm1 =	vlt.s32 v12, $0x186A00;
	vm0 =	vlt.f32 v9, $1.000000000e+00;
	v9 =	vmul.f32 v11, v7  }
.Ltmp0:
0x92: {  	vm0 =	vmand vm1, vm0;
	v8 =	vor.u32 $0x4, v6;
	v7 =	vshll.u32 v4, $0x3;
	(pc) =	sbr.rel @p0 .LBB2_3-.Ltmp0, $4  }
0x93: {  	v11 =	vor.u32 $0x4, v7;
	v9 =	vnsel vm0, $0x0, v9  }
0x94: {  	v12 =	vor.u32 $0x5, v6;
	v13 =	vadd.f32 v9, v10  }
0x95: {  	v9 =	vor.u32 $0x1, v7  }
0x96: {  	s1 =	sadd.s32 $0x10, s1;
	v10 =	vor.u32 $0x1, v6;
	[tilespmem:$0x10400] =	vst v13  }
0x97: {  	_ =	sdelay $0x3  }
0x98: {  	v8 =	vld.idx.msk [tilespmem:v8+s22+$0x0], $0xffff  }
0x99: {  	v11 =	vld.idx.msk [tilespmem:v11+s23+$0x0], $0xffff  }
0x9a: {  	v12 =	vld.idx.msk [tilespmem:v12+s22+$0x0], $0xffff;
	v13 =	vor.u32 $0x2, v7  }
0x9b: {  	v14 =	vor.u32 $0x2, v6;
	v9 =	vld.idx.msk [tilespmem:v9+s23+$0x0], $0xffff  }
0x9c: {  	v10 =	vld.idx.msk [tilespmem:v10+s22+$0x0], $0xffff;
	v15 =	vor.u32 $0x5, v7  }
0x9d: {  	v16 =	vor.u32 $0x6, v6;
	v17 =	vld.idx.msk [tilespmem:v7+s23+$0x0], $0xffff  }
0x9e: {  	v18 =	vld.idx.msk [tilespmem:v6+s22+$0x0], $0xffff;
	v19 =	vor.u32 $0x6, v7  }
0x9f: {  	v20 =	vor.u32 $0x3, v6;
	v13 =	vld.idx.msk [tilespmem:v13+s23+$0x0], $0xffff  }
0xa0: {  	v14 =	vld.idx.msk [tilespmem:v14+s22+$0x0], $0xffff  }
0xa1: {  	v15 =	vld.idx.msk [tilespmem:v15+s23+$0x0], $0xffff  }
0xa2: {  	v21 =	vor.u32 $0x7, v6;
	v16 =	vld.idx.msk [tilespmem:v16+s22+$0x0], $0xffff  }
0xa3: {  	v19 =	vld.idx.msk [tilespmem:v19+s23+$0x0], $0xffff;
	v17 =	vmul.f32 v17, v18;
	v9 =	vmul.f32 v9, v10  }
0xa4: {  	v10 =	vld.idx.msk [tilespmem:v20+s22+$0x0], $0xffff  }
0xa5: {  	v9 =	vadd.f32 v9, v17;
	v13 =	vmul.f32 v13, v14  }
0xa6: {  	v7 =	vor.u32 $0x3, v7;
	v8 =	vmul.f32 v11, v8;
	v11 =	vmul.f32 v15, v12  }
0xa7: {  	v12 =	vld.idx.msk [tilespmem:v21+s22+$0x0], $0xffff;
	v9 =	vadd.f32 v13, v9  }
0xa8: {  	v6 =	vor.u32 $0x8, v6;
	v8 =	vadd.f32 v11, v8;
	v11 =	vmul.f32 v19, v16  }
0xa9: {  	v9 =	vsub.f32 v9, v10  }
0xaa: {  	v8 =	vadd.f32 v11, v8  }
0xab: {  	v7 =	vld.idx.msk [tilespmem:v7+s23+$0x0], $0xffff;
	v10 =	vand.u32 $0x80000000, v9;
	vm0 =	vlt.f32 v9, $0.0e+00;
	vm1 =	vgt.f32 v9, $0.0e+00  }
0xac: {  	v8 =	vsub.f32 v8, v12;
	v10 =	vor.u32 v10, v3;
	vm0 =	vmor vm1, vm0  }
0xad: {  	v6 =	vld.idx.msk [tilespmem:v6+s22+$0x0], $0xffff;
	v10 =	vsel vm0, v10, v9  }
0xae: {  	v8 =	vmul.f32 v8, v10;
	_ =	sdelay $0x1  }
0xaf: {  	vm13 =	veq.f32 v7, $3.000000000e+00;
	v8 =	vsub.f32 $1.000000010e-01, v8  }
0xb0: {  	v7 =	vsel vm13, $0x41200000, v0  }
0xb1: {  	v6 =	vmax.f32 v6, v7;
	v8 =	vmax.f32 v8, $0.0e+00  }
0xb2: {  	v6 =	vmul.f32 v8, v6;
	_ =	sdelay $0x1  }
0xb3: {  	v7 =	vld [tilespmem:$0x10400];
	v8 =	vmul.f32 v6, v6  }
0xb4: {  	v4 =	vadd.s32 v5, v4;
	v9 =	vand.u32 $0x7FFFFFFF, v9  }
0xb5: {  	vm15 =	vlt.s32 v4, $0x186A00;
	vm14 =	vlt.f32 v9, $1.000000000e+00;
	v4 =	vmul.f32 v8, v6  }
0xb6: {  	vm0 =	vmand vm15, vm14  }
0xb7: {  	v4 =	vnsel vm0, $0x0, v4  }
0xb8: {  	v4 =	vadd.f32 v4, v7;
	_ =	sdelay $0x1  }
0xb9: {  	[tilespmem:$0x10400] =	vst v4  }
0xba: {  	_ =	swait.ge [sflag:s31], $0x1000  }
0xbb: {  	[sflag:s31] =	ssyncset.done $0x0  }
0xbc: {  	[sflag:s31] =	ssyncadd.s32 $0xFFFFF000  }
0xbd: {  	_ =	swait.ge [sflag:s31], $0x800  }
0xbe: {  	[sflag:s31] =	ssyncset.done $0x0  }
0xbf: {  	[sflag:s31] =	ssyncadd.s32 $0xFFFFF800  }
0xc0: {  	_ =	swait.ge [sflag:s31], $0x1000  }
0xc1: {  	[sflag:s31] =	ssyncset.done $0x0  }
0xc2: {  	[sflag:s31] =	ssyncadd.s32 $0xFFFFF000  }
0xc3: {  	_ =	swait.ge [sflag:s31], $0x800  }
0xc4: {  	[sflag:s31] =	ssyncset.done $0x0  }
0xc5: {  	[sflag:s31] =	ssyncadd.s32 $0xFFFFF800  }
0xc6: {  	_ =	swait.ge [sflag:s31], $0x1000  }
0xc7: {  	[sflag:s31] =	ssyncset.done $0x0  }
0xc8: {  	[sflag:s31] =	ssyncadd.s32 $0xFFFFF000  }
0xc9: {  	_ =	swait.ge [sflag:s31], $0x800  }
0xca: {  	[sflag:s31] =	ssyncset.done $0x0  }
0xcb: {  	[sflag:s31] =	ssyncadd.s32 $0xFFFFF800  }
0xcc: {  	_ =	swait.ge [sflag:s31], $0x1000  }
0xcd: {  	[sflag:s31] =	ssyncset.done $0x0  }
0xce: {  	[sflag:s31] =	ssyncadd.s32 $0xFFFFF000  }
0xcf: {  	_ =	swait.ge [sflag:s31], $0x800  }
0xd0: {  	[sflag:s31] =	ssyncset.done $0x0  }
0xd1: {  	[sflag:s31] =	ssyncadd.s32 $0xFFFFF800  }
0xd2: {  	_ =	swait.ge [sflag:s31], $0x1000  }
0xd3: {  	[sflag:s31] =	ssyncset.done $0x0  }
0xd4: {  	[sflag:s31] =	ssyncadd.s32 $0xFFFFF000  }
0xd5: {  	_ =	swait.ge [sflag:s31], $0x800  }
0xd6: {  	[sflag:s31] =	ssyncset.done $0x0  }
0xd7: {  	[sflag:s31] =	ssyncadd.s32 $0xFFFFF800  }
0xd8: {  	_ =	swait.ge [sflag:s20], $0x500  }
0xd9: {  	[sflag:s20] =	ssyncset.done $0x0  }
0xda: {  	[sflag:s20] =	ssyncadd.s32 $0xFFFFFB00  }
0xdb: {  	_ =	swait.ge [sflag:s20], $0x500  }
0xdc: {  	[sflag:s20] =	ssyncset.done $0x0  }
0xdd: {  	[sflag:s20] =	ssyncadd.s32 $0xFFFFFB00  }
0xde: {  	[tilespmem:s22], [sflag:$0x3] =	stream.indirect.gather [hbm4b:s6+s21], $0x10, s17, s21, $0xb8;
	[tilespmem:$0x10410] =	vst v63  }
0xdf: {  	s1 =	simm.s32 $0x0  }
0xe0: {  	[tilespmem:s23], [sflag:$0x3] =	stream.indirect.gather [hbm4b:s7+s21], $0x8, s1, s21, $0xb8;
	[tilespmem:$0x10410] =	vst v63  }
0xe1: {  	s11 =	simm.s32 $0x600;
	s30 =	simm.s32 $0x2400  }
0xe2: {  	[tilespmem:s30], [sflag:$0x3] =	stream.indirect.gather [hbm4b:s6+s21], $0x10, s11, s21, $0xb8;
	[tilespmem:$0x10410] =	vst v63  }
0xe3: {  	s30 =	simm.s32 $0x6C00  }
0xe4: {  	[tilespmem:s30], [sflag:$0x3] =	stream.indirect.gather [hbm4b:s7+s21], $0x8, s21, s21, $0xb8;
	[tilespmem:$0x10410] =	vst v63  }
0xe5: {  	s11 =	simm.s32 $0x700;
	s30 =	simm.s32 $0x3400  }
0xe6: {  	[tilespmem:s30], [sflag:$0x3] =	stream.indirect.gather [hbm4b:s6+s21], $0x10, s11, s21, $0xb8;
	[tilespmem:$0x10410] =	vst v63  }
0xe7: {  	s11 =	simm.s32 $0x200;
	s30 =	simm.s32 $0x7400  }
0xe8: {  	[tilespmem:s30], [sflag:$0x3] =	stream.indirect.gather [hbm4b:s7+s21], $0x8, s11, s21, $0xb8;
	[tilespmem:$0x10410] =	vst v63  }
0xe9: {  	s11 =	simm.s32 $0x800;
	s30 =	simm.s32 $0x4400  }
0xea: {  	[tilespmem:s30], [sflag:$0x3] =	stream.indirect.gather [hbm4b:s6+s21], $0x10, s11, s21, $0xb8;
	[tilespmem:$0x10410] =	vst v63  }
0xeb: {  	s11 =	simm.s32 $0x300;
	s30 =	simm.s32 $0x7C00  }
0xec: {  	[tilespmem:s30], [sflag:$0x3] =	stream.indirect.gather [hbm4b:s7+s21], $0x8, s11, s21, $0xb8;
	[tilespmem:$0x10410] =	vst v63  }
0xed: {  	s28 =	smin.u32 s28, $0x24;
	s11 =	simm.s32 $0x900;
	s30 =	simm.s32 $0x5400  }
0xee: {  	[tilespmem:s30], [sflag:$0x3] =	stream.indirect.gather [hbm4b:s6+s21], $0x10, s11, s21, $0xb8;
	[tilespmem:$0x10410] =	vst v63  }
0xef: {  	s11 =	sadd.s32 s28, s13  }
0xf0: {  	v4 =	vor.u32 s1, v2;
	s11 =	smul.u32 $0xA0, s11  }
0xf1: {  	v6 =	vshll.u32 v4, $0x4;
	[tilespmem:s16], [sflag:$0x3] =	stream.indirect.gather [hbm4b:s7+s21], $0x8, s15, s21, $0xb8;
	[tilespmem:$0x10410] =	vst v63  }
0xf2: {  	v7 =	vshll.u32 v4, $0x3;
	v8 =	vor.u32 $0x4, v6;
	s30 =	sadd.s32 s3, s11  }
0xf3: {  	v11 =	vor.u32 $0x4, v7;
	[tilespmem:s18], [sflag:$0x2] =	stream.linear.gather [hbm4b:s30+s1], $0x500, $0x38;
	[tilespmem:$0x10410] =	vst v63  }
0xf4: {  	v12 =	vor.u32 $0x5, v6;
	s11 =	sadd.s32 s5, s11;
	s30 =	sadd.s32 s10, s14  }
0xf5: {  	v9 =	vor.u32 $0x1, v7;
	[tilespmem:s19], [sflag:$0x2] =	stream.linear.gather [hbm4b:s11+s1], $0x500, $0x38;
	[tilespmem:$0x10410] =	vst v63  }
0xf6: {  	v10 =	vor.u32 $0x1, v6;
	v5 =	vmov s30;
	s1 =	simm.s32 $0x10  }
.LBB2_5:
0xf7: {  	p0 =	sne.s32 s1, $0x4F0;
	v8 =	vld.idx.msk [tilespmem:v8+s25+$0x0], $0xffff  }
0xf8: {  	v11 =	vld.idx.msk [tilespmem:v11+s26+$0x0], $0xffff  }
0xf9: {  	v13 =	vor.u32 $0x2, v7;
	v12 =	vld.idx.msk [tilespmem:v12+s25+$0x0], $0xffff  }
0xfa: {  	v14 =	vor.u32 $0x2, v6;
	v9 =	vld.idx.msk [tilespmem:v9+s26+$0x0], $0xffff  }
0xfb: {  	v15 =	vor.u32 $0x5, v7;
	v10 =	vld.idx.msk [tilespmem:v10+s25+$0x0], $0xffff  }
0xfc: {  	v16 =	vor.u32 $0x6, v6;
	v17 =	vld.idx.msk [tilespmem:v7+s26+$0x0], $0xffff  }
0xfd: {  	v19 =	vor.u32 $0x6, v7;
	v18 =	vld.idx.msk [tilespmem:v6+s25+$0x0], $0xffff  }
0xfe: {  	v20 =	vor.u32 $0x3, v6;
	v13 =	vld.idx.msk [tilespmem:v13+s26+$0x0], $0xffff  }
0xff: {  	v14 =	vld.idx.msk [tilespmem:v14+s25+$0x0], $0xffff  }
0x100: {  	v15 =	vld.idx.msk [tilespmem:v15+s26+$0x0], $0xffff  }
0x101: {  	v21 =	vor.u32 $0x7, v6;
	v16 =	vld.idx.msk [tilespmem:v16+s25+$0x0], $0xffff  }
0x102: {  	v19 =	vld.idx.msk [tilespmem:v19+s26+$0x0], $0xffff  }
0x103: {  	v9 =	vmul.f32 v9, v10;
	v17 =	vmul.f32 v17, v18;
	v20 =	vld.idx.msk [tilespmem:v20+s25+$0x0], $0xffff;
	_ =	sdelay $0x1  }
0x104: {  	v7 =	vor.u32 $0x3, v7;
	v9 =	vadd.f32 v9, v17;
	v10 =	vmul.f32 v13, v14  }
0x105: {  	v8 =	vmul.f32 v11, v8;
	v11 =	vmul.f32 v15, v12;
	v13 =	vld.idx.msk [tilespmem:v21+s25+$0x0], $0xffff  }
0x106: {  	v6 =	vor.u32 $0x8, v6;
	v9 =	vadd.f32 v10, v9  }
0x107: {  	v8 =	vadd.f32 v11, v8;
	v10 =	vmul.f32 v19, v16  }
0x108: {  	v9 =	vsub.f32 v9, v20  }
0x109: {  	v8 =	vadd.f32 v10, v8;
	v7 =	vld.idx.msk [tilespmem:v7+s26+$0x0], $0xffff  }
0x10a: {  	v10 =	vand.u32 $0x80000000, v9;
	vm0 =	vlt.f32 v9, $0.0e+00;
	vm1 =	vgt.f32 v9, $0.0e+00  }
0x10b: {  	v8 =	vsub.f32 v8, v13;
	v10 =	vor.u32 v10, v3;
	vm0 =	vmor vm1, vm0;
	v6 =	vld.idx.msk [tilespmem:v6+s25+$0x0], $0xffff  }
0x10c: {  	v10 =	vsel vm0, v10, v9  }
0x10d: {  	v8 =	vmul.f32 v8, v10;
	_ =	sdelay $0x1  }
0x10e: {  	v8 =	vsub.f32 $1.000000010e-01, v8;
	vm0 =	veq.f32 v7, $3.000000000e+00  }
0x10f: {  	v7 =	vsel vm0, $0x41200000, v0  }
0x110: {  	v8 =	vmax.f32 v8, $0.0e+00;
	v6 =	vmax.f32 v6, v7  }
0x111: {  	v7 =	vmul.f32 v8, v6;
	_ =	sdelay $0x1  }
0x112: {  	v8 =	vor.u32 s1, v2;
	v11 =	vmul.f32 v7, v7;
	v10 =	vld [tilespmem:$0x10400]  }
0x113: {  	v12 =	vadd.s32 v5, v4;
	v9 =	vand.u32 $0x7FFFFFFF, v9;
	v6 =	vshll.u32 v8, $0x4;
	v4 =	vmovc v8  }
0x114: {  	vm1 =	vlt.s32 v12, $0x186A00;
	vm0 =	vlt.f32 v9, $1.000000000e+00;
	v9 =	vmul.f32 v11, v7  }
.Ltmp1:
0x115: {  	vm0 =	vmand vm1, vm0;
	v8 =	vor.u32 $0x4, v6;
	v7 =	vshll.u32 v4, $0x3;
	(pc) =	sbr.rel @p0 .LBB2_5-.Ltmp1, $4  }
0x116: {  	v11 =	vor.u32 $0x4, v7;
	v9 =	vnsel vm0, $0x0, v9  }
0x117: {  	v12 =	vor.u32 $0x5, v6;
	v13 =	vadd.f32 v9, v10  }
0x118: {  	v9 =	vor.u32 $0x1, v7  }
0x119: {  	s1 =	sadd.s32 $0x10, s1;
	v10 =	vor.u32 $0x1, v6;
	[tilespmem:$0x10400] =	vst v13  }
0x11a: {  	_ =	sdelay $0x3  }
0x11b: {  	v8 =	vld.idx.msk [tilespmem:v8+s25+$0x0], $0xffff  }
0x11c: {  	v11 =	vld.idx.msk [tilespmem:v11+s26+$0x0], $0xffff  }
0x11d: {  	v12 =	vld.idx.msk [tilespmem:v12+s25+$0x0], $0xffff;
	v13 =	vor.u32 $0x2, v7  }
0x11e: {  	v14 =	vor.u32 $0x2, v6;
	v9 =	vld.idx.msk [tilespmem:v9+s26+$0x0], $0xffff  }
0x11f: {  	v10 =	vld.idx.msk [tilespmem:v10+s25+$0x0], $0xffff;
	v15 =	vor.u32 $0x5, v7  }
0x120: {  	v16 =	vor.u32 $0x6, v6;
	v17 =	vld.idx.msk [tilespmem:v7+s26+$0x0], $0xffff  }
0x121: {  	v18 =	vld.idx.msk [tilespmem:v6+s25+$0x0], $0xffff;
	v19 =	vor.u32 $0x6, v7  }
0x122: {  	v20 =	vor.u32 $0x3, v6;
	v13 =	vld.idx.msk [tilespmem:v13+s26+$0x0], $0xffff  }
0x123: {  	v14 =	vld.idx.msk [tilespmem:v14+s25+$0x0], $0xffff  }
0x124: {  	v15 =	vld.idx.msk [tilespmem:v15+s26+$0x0], $0xffff  }
0x125: {  	v21 =	vor.u32 $0x7, v6;
	v16 =	vld.idx.msk [tilespmem:v16+s25+$0x0], $0xffff  }
0x126: {  	v19 =	vld.idx.msk [tilespmem:v19+s26+$0x0], $0xffff;
	v17 =	vmul.f32 v17, v18;
	v9 =	vmul.f32 v9, v10  }
0x127: {  	v57 =	vld.idx.msk [tilespmem:v20+s25+$0x0], $0xffff  }
0x128: {  	v9 =	vadd.f32 v9, v17;
	v13 =	vmul.f32 v13, v14  }
0x129: {  	v58 =	vor.u32 $0x3, v7;
	v8 =	vmul.f32 v11, v8;
	v59 =	vmul.f32 v15, v12  }
0x12a: {  	v60 =	vld.idx.msk [tilespmem:v21+s25+$0x0], $0xffff;
	v9 =	vadd.f32 v13, v9  }
0x12b: {  	v61 =	vor.u32 $0x8, v6;
	v62 =	vmul.f32 v19, v16;
	v8 =	vadd.f32 v59, v8  }
0x12c: {  	v9 =	vsub.f32 v9, v57  }
0x12d: {  	v8 =	vadd.f32 v62, v8  }
0x12e: {  	v7 =	vld.idx.msk [tilespmem:v58+s26+$0x0], $0xffff;
	v10 =	vand.u32 $0x80000000, v9;
	vm0 =	vlt.f32 v9, $0.0e+00;
	vm1 =	vgt.f32 v9, $0.0e+00  }
0x12f: {  	v8 =	vsub.f32 v8, v60;
	v10 =	vor.u32 v10, v3;
	vm0 =	vmor vm1, vm0  }
0x130: {  	v6 =	vld.idx.msk [tilespmem:v61+s25+$0x0], $0xffff;
	v10 =	vsel vm0, v10, v9  }
0x131: {  	v8 =	vmul.f32 v8, v10;
	_ =	sdelay $0x1  }
0x132: {  	vm13 =	veq.f32 v7, $3.000000000e+00;
	v8 =	vsub.f32 $1.000000010e-01, v8  }
0x133: {  	v7 =	vsel vm13, $0x41200000, v0  }
0x134: {  	v6 =	vmax.f32 v6, v7;
	v8 =	vmax.f32 v8, $0.0e+00  }
0x135: {  	v6 =	vmul.f32 v8, v6;
	_ =	sdelay $0x1  }
0x136: {  	v63 =	vld [tilespmem:$0x10400];
	v8 =	vmul.f32 v6, v6  }
0x137: {  	v4 =	vadd.s32 v5, v4;
	s9 =	sadd.s32 $0x1, s9;
	v9 =	vand.u32 $0x7FFFFFFF, v9  }
0x138: {  	vm15 =	vlt.s32 v4, $0x186A00;
	p0 =	sne.s32 s9, $0x14;
	vm14 =	vlt.f32 v9, $1.000000000e+00;
	v4 =	vmul.f32 v8, v6  }
.Ltmp2:
0x139: {  	vm0 =	vmand vm15, vm14;
	(pc) =	sbr.rel @p0 .LBB2_2-.Ltmp2, $3  }
0x13a: {  	v4 =	vnsel vm0, $0x0, v4  }
0x13b: {  	v4 =	vadd.f32 v4, v63;
	_ =	sdelay $0x1  }
0x13c: {  	[tilespmem:$0x10400] =	vst v4  }
0x13d: {  	_ =	swait.ge [sflag:s2], $0x1000  }
0x13e: {  	[sflag:s2] =	ssyncset.done $0x0  }
0x13f: {  	[sflag:s2] =	ssyncadd.s32 $0xFFFFF000  }
0x140: {  	_ =	swait.ge [sflag:s2], $0x800  }
0x141: {  	[sflag:s2] =	ssyncset.done $0x0  }
0x142: {  	[sflag:s2] =	ssyncadd.s32 $0xFFFFF800  }
0x143: {  	_ =	swait.ge [sflag:s2], $0x1000  }
0x144: {  	[sflag:s2] =	ssyncset.done $0x0  }
0x145: {  	[sflag:s2] =	ssyncadd.s32 $0xFFFFF000  }
0x146: {  	_ =	swait.ge [sflag:s2], $0x800  }
0x147: {  	[sflag:s2] =	ssyncset.done $0x0  }
0x148: {  	[sflag:s2] =	ssyncadd.s32 $0xFFFFF800  }
0x149: {  	_ =	swait.ge [sflag:s2], $0x1000  }
0x14a: {  	[sflag:s2] =	ssyncset.done $0x0  }
0x14b: {  	[sflag:s2] =	ssyncadd.s32 $0xFFFFF000  }
0x14c: {  	_ =	swait.ge [sflag:s2], $0x800  }
0x14d: {  	[sflag:s2] =	ssyncset.done $0x0  }
0x14e: {  	[sflag:s2] =	ssyncadd.s32 $0xFFFFF800  }
0x14f: {  	_ =	swait.ge [sflag:s2], $0x1000  }
0x150: {  	[sflag:s2] =	ssyncset.done $0x0  }
0x151: {  	[sflag:s2] =	ssyncadd.s32 $0xFFFFF000  }
0x152: {  	_ =	swait.ge [sflag:s2], $0x800  }
0x153: {  	[sflag:s2] =	ssyncset.done $0x0  }
0x154: {  	[sflag:s2] =	ssyncadd.s32 $0xFFFFF800  }
0x155: {  	_ =	swait.ge [sflag:s2], $0x1000  }
0x156: {  	[sflag:s2] =	ssyncset.done $0x0  }
0x157: {  	[sflag:s2] =	ssyncadd.s32 $0xFFFFF000  }
0x158: {  	_ =	swait.ge [sflag:s2], $0x800  }
0x159: {  	[sflag:s2] =	ssyncset.done $0x0  }
0x15a: {  	[sflag:s2] =	ssyncadd.s32 $0xFFFFF800  }
0x15b: {  	_ =	swait.ge [sflag:s24], $0x500  }
0x15c: {  	[sflag:s24] =	ssyncset.done $0x0  }
0x15d: {  	[sflag:s24] =	ssyncadd.s32 $0xFFFFFB00  }
0x15e: {  	_ =	swait.ge [sflag:s24], $0x500  }
0x15f: {  	s28 =	simm.s32 $0x0;
	s9 =	simm.s32 $0x10400;
	[sflag:s24] =	ssyncset.done $0x0  }
0x160: {  	s11 =	simm.s32 $0x5;
	s1 =	rddreg [dreg:$0x6];
	[sflag:s24] =	ssyncadd.s32 $0xFFFFFB00  }
0x161: {  	[hbm4b:s1+s28] =	stream.linear.scatter [tilespmem:s9], [sflag:$0x5], $0x10, $0x38;
	[tilespmem:$0x10410] =	vst v63  }
0x162: {  	_ =	swait.ge [sflag:s11], $0x10  }
0x163: {  	s10 =	rddreg [dreg:$0x8]  }
0x164: {  	s30 =	rddreg [dreg:$0x7];
	s10 =	sadd.s32 $0x1, s10  }
0x165: {  	p0 =	sne.s32 s10, s30  }
.Ltmp3:
0x166: {  	_ = 	snop;
	(pc) =	sbr.rel @p0 .LBB2_1-.Ltmp3, $3  }
0x167: {  	_ =	sdelay $0x1  }
0x168: {  	[sflag:s11] =	ssyncset.done $0x0  }
0x169: {  	[sflag:s11] =	ssyncadd.s32 $0xFFFFFFF0  }
0x16a: {  	_ =	sfence.sel $0x180000  }
0x16b: {  	[bflag:$0x0] =	sbarrier.arrive $0xFFFF  }
0x16c: {  	_ =	strace $0x9000004A  }
0x16d: {  	s0 =	stileid.u32;
	[bflag:$0x2] =	sbarrier.arrive $0xFFFF  }
0x16e: {  	p0 =	sne.s32 s0, $0x0;
	s0 =	rddreg [dreg:$0x1]  }
0x16f: {  	s0 =	sadd.s32 @!p0 $0x100000, s0  }
0x170: {  	[sflag:s0] =	ssyncadd.tile.s32 @!p0 $0x1;
	_ =	shalt  }
.Lfunc_end2:
_tile_overlayer_lowered:
.L_overlay_start_2:
0x171: {  	(tag) =	ssettag $0x2  }
0x172: {  	s0 =	rddreg [dreg:$0x0];
	s2 =	stileid.u32  }
0x173: {  	s1 =	rddreg [dreg:$0x1];
	p0 =	sne.s32 s2, $0x0  }
0x174: {  	s3 =	rddreg [dreg:$0x2];
	[bflag:$0x3] =	sbarrier.arrive $0xFFFF;
	s2 =	simm.s32 @!p0 $0x1C05  }
0x175: {  	[timem:s3], [sflag:s2] =	dma.local @!p0 [hbm:s0], s1  }
0x176: {  	s0 =	simm.s32 @!p0 $0x5  }
0x177: {  	_ =	swait.ge @!p0 [sflag:s0], s1  }
0x178: {  	s1 =	ssub.s32 @!p0 $0x0, s1;
	[sflag:s0] =	ssyncset.done @!p0 $0x0  }
0x179: {  	[sflag:s0] =	ssyncadd.s32 @!p0 s1  }
0x17a: {  	[bflag:$0x3] =	sbarrier.arrive $0xFFFF  }
0x17b: {  	_ =	shalt  }

</sc_bundles>
